<compile_context>
chip_gen: v7x
topology: tpu7x:2x2x1
jax: 0.10.2.dev20260603
libtpu: 0.0.44.dev20260713+nightly
codegen_flags: <defaults>
</compile_context>

<pallas_src>
import jax
import jax.numpy as jnp
from jax import lax
from jax.experimental import pallas as pl
from jax.experimental.pallas import tpu as pltpu
from jax.experimental.pallas import tpu_sc as plsc

D = 128
N = 10000
N_PAD = 10240
TRASH = 10000
E = 160000
E_PAD = 163840
REL_PAD = 512
NC = 2
NS = 16
NW = NC * NS
CHUNK = 128
CPT = E_PAD // (NW * CHUNK)
AGG_CHUNK = 64
AGG_CPT = E_PAD // (NW * AGG_CHUNK)
NB = 512

_F32 = jnp.float32


def _lrelu(v):
    return jnp.maximum(v, 0.0) + 0.01 * jnp.minimum(v, 0.0)


def _lnorm(v, g, b, eps=1e-5):
    mu = jnp.mean(v, axis=-1, keepdims=True)
    var = jnp.mean((v - mu) ** 2, axis=-1, keepdims=True)
    return (v - mu) / jnp.sqrt(var + eps) * g + b



def _full(shape):
    return pl.BlockSpec(shape, lambda i: tuple(0 for _ in shape))


def _tc_prep(xp, w_ent, b_ent2, wf0h, wb0h):
    def body(x_ref, we_ref, be_ref, wf_ref, wb_ref, h_ref, tf_ref, tb_ref):
        h = _lrelu(jnp.dot(x_ref[...], we_ref[...],
                           preferred_element_type=_F32) + be_ref[...])
        h_ref[...] = h
        tf_ref[...] = jnp.dot(h, wf_ref[...], preferred_element_type=_F32)
        tb_ref[...] = jnp.dot(h, wb_ref[...], preferred_element_type=_F32)

    out = jax.ShapeDtypeStruct((N_PAD, D), _F32)
    return pl.pallas_call(
        body,
        grid=(N_PAD // NB,),
        in_specs=[pl.BlockSpec((NB, D), lambda i: (i, 0)),
                  _full((D, D)), _full((1, D)), _full((D, D)), _full((D, D))],
        out_specs=[pl.BlockSpec((NB, D), lambda i: (i, 0))] * 3,
        out_shape=[out, out, out],
    )(xp, w_ent, b_ent2, wf0h, wb0h)


def _tc_rel(relp, wf0e, bf02, wb0e, bb02, we0m, be02):
    def body(r_ref, wf_ref, bf_ref, wb_ref, bb_ref, we_ref, be_ref,
             rf_ref, rb_ref, re_ref):
        r = r_ref[...]
        rf_ref[...] = jnp.dot(r, wf_ref[...], preferred_element_type=_F32) + bf_ref[...]
        rb_ref[...] = jnp.dot(r, wb_ref[...], preferred_element_type=_F32) + bb_ref[...]
        re_ref[...] = jnp.dot(r, we_ref[...], preferred_element_type=_F32) + be_ref[...]

    out = jax.ShapeDtypeStruct((REL_PAD, D), _F32)
    return pl.pallas_call(
        body,
        grid=(1,),
        in_specs=[_full((REL_PAD, D)), _full((D, D)), _full((1, D)),
                  _full((D, D)), _full((1, D)), _full((D, D)), _full((1, D))],
        out_specs=[_full((REL_PAD, D))] * 3,
        out_shape=[out, out, out],
    )(relp, wf0e, bf02, wb0e, bb02, we0m, be02)


def _tc_update0(aggp, cntp, h0, g2, b2, we0h, we0t, wf1h, bf12, wb1h, bb12):
    def body(a_ref, c_ref, h_ref, g_ref, b_ref, weh_ref, wet_ref,
             wf_ref, bf_ref, wb_ref, bb_ref,
             h1_ref, teh_ref, tet_ref, tf_ref, tb_ref):
        agg = a_ref[0] + a_ref[1]
        cnt = (c_ref[0] + c_ref[1]).reshape(NB, 1)
        h1 = _lnorm(_lrelu(agg / jnp.maximum(cnt, 1.0)) + h_ref[...],
                    g_ref[...], b_ref[...])
        h1_ref[...] = h1
        teh_ref[...] = jnp.dot(h1, weh_ref[...], preferred_element_type=_F32)
        tet_ref[...] = jnp.dot(h1, wet_ref[...], preferred_element_type=_F32)
        tf_ref[...] = jnp.dot(h1, wf_ref[...], preferred_element_type=_F32) + bf_ref[...]
        tb_ref[...] = jnp.dot(h1, wb_ref[...], preferred_element_type=_F32) + bb_ref[...]

    out = jax.ShapeDtypeStruct((N_PAD, D), _F32)
    return pl.pallas_call(
        body,
        grid=(N_PAD // NB,),
        in_specs=[pl.BlockSpec((NC, NB, D), lambda i: (0, i, 0)),
                  pl.BlockSpec((NC, NB), lambda i: (0, i)),
                  pl.BlockSpec((NB, D), lambda i: (i, 0)),
                  _full((1, D)), _full((1, D)), _full((D, D)), _full((D, D)),
                  _full((D, D)), _full((1, D)), _full((D, D)), _full((1, D))],
        out_specs=[pl.BlockSpec((NB, D), lambda i: (i, 0))] * 5,
        out_shape=[out] * 5,
    )(aggp, cntp, h0, g2, b2, we0h, we0t, wf1h, bf12, wb1h, bb12)


def _tc_update1(aggp, cntp, h1, g2, b2):
    def body(a_ref, c_ref, h_ref, g_ref, b_ref, h2_ref):
        agg = a_ref[0] + a_ref[1]
        cnt = (c_ref[0] + c_ref[1]).reshape(NB, 1)
        h2_ref[...] = _lnorm(_lrelu(agg / jnp.maximum(cnt, 1.0)) + h_ref[...],
                             g_ref[...], b_ref[...])

    return pl.pallas_call(
        body,
        grid=(N_PAD // NB,),
        in_specs=[pl.BlockSpec((NC, NB, D), lambda i: (0, i, 0)),
                  pl.BlockSpec((NC, NB), lambda i: (0, i)),
                  pl.BlockSpec((NB, D), lambda i: (i, 0)),
                  _full((1, D)), _full((1, D))],
        out_specs=pl.BlockSpec((NB, D), lambda i: (i, 0)),
        out_shape=jax.ShapeDtypeStruct((N_PAD, D), _F32),
    )(aggp, cntp, h1, g2, b2)


def _tc_msg1(qe, g2, b2, wf1e, wb1e):
    def body(q_ref, g_ref, b_ref, wf_ref, wb_ref, mf_ref, mb_ref):
        e1 = _lnorm(q_ref[...], g_ref[...], b_ref[...])
        mf_ref[...] = jnp.dot(e1, wf_ref[...], preferred_element_type=_F32)
        mb_ref[...] = jnp.dot(e1, wb_ref[...], preferred_element_type=_F32)

    out = jax.ShapeDtypeStruct((E_PAD, D), _F32)
    return pl.pallas_call(
        body,
        grid=(E_PAD // NB,),
        in_specs=[pl.BlockSpec((NB, D), lambda i: (i, 0)),
                  _full((1, D)), _full((1, D)), _full((D, D)), _full((D, D))],
        out_specs=[pl.BlockSpec((NB, D), lambda i: (i, 0))] * 2,
        out_shape=[out, out],
    )(qe, g2, b2, wf1e, wb1e)


def _tc_final(d2p, qf):
    def body(d_ref, q_ref, o_ref):
        s = jnp.sum(d_ref[...], axis=1)
        o_ref[...] = -jnp.sqrt(s + 1e-12) * q_ref[...]

    return pl.pallas_call(
        body,
        grid=(E_PAD // NB,),
        in_specs=[pl.BlockSpec((NB, 16), lambda i: (i, 0)),
                  pl.BlockSpec((NB,), lambda i: (i,))],
        out_specs=pl.BlockSpec((NB,), lambda i: (i,)),
        out_shape=jax.ShapeDtypeStruct((E_PAD,), _F32),
    )(d2p, qf)



def _sc_mesh():
    return plsc.VectorSubcoreMesh(core_axis_name="c", subcore_axis_name="s")


def _sc_agg(tf, tb, sf, sb, i0, i1, ir, zrows, zcnt, orows, layer0):
    CH = 64
    CPA = E_PAD // (NW * CH)
    outs = [jax.ShapeDtypeStruct((NC * N_PAD, D), _F32)]
    one_set = ([pltpu.VMEM((CH, D), _F32)] * 2
               + [pltpu.VMEM((CH,), jnp.int32)] * 3
               + [pltpu.SemaphoreType.DMA] * 2)
    scratch = (one_set + one_set
               + [pltpu.VMEM((CH,), _F32),
                  pltpu.VMEM_SHARED((N_PAD, D), _F32),
                  pltpu.VMEM_SHARED((N_PAD,), _F32)])
    if layer0:
        outs.append(jax.ShapeDtypeStruct((NC * N_PAD,), _F32))

    def body(*refs):
        if layer0:
            (tf_h, tb_h, sf_h, sb_h, i0_h, i1_h, ir_h, z_h, zc_h, o_h,
             agg_o, cnt_o) = refs[:12]
            scr = refs[12:]
        else:
            (tf_h, tb_h, sf_h, sb_h, i0_h, i1_h, z_h, agg_o) = refs[:8]
            scr = refs[8:]
            ir_h = zc_h = o_h = cnt_o = None
        sets = (scr[0:7], scr[7:14])
        ones, agg_sh, cnt_sh = scr[14], scr[15], scr[16]
        cid = lax.axis_index("c")
        sid = lax.axis_index("s")
        wid = sid * NC + cid
        rows = N_PAD // NS

        pltpu.sync_copy(z_h.at[pl.ds(0, rows)],
                        agg_sh.at[pl.ds(sid * rows, rows)])
        if layer0:
            pltpu.sync_copy(zc_h.at[pl.ds(0, rows)],
                            cnt_sh.at[pl.ds(sid * rows, rows)])
            pltpu.sync_copy(o_h.at[pl.ds(0, CH)], ones)

        plsc.subcore_barrier()

        base0 = wid * CPA * CH

        def fire(m, st, fwd):
            bA, bB, ia0, ia1, iar, sa, sb_ = st
            base = base0 + m * CH
            pltpu.sync_copy(i0_h.at[pl.ds(base, CH)], ia0)
            pltpu.sync_copy(i1_h.at[pl.ds(base, CH)], ia1)
            node_h, edge_h = (tf_h, sf_h) if fwd else (tb_h, sb_h)
            pltpu.async_copy(node_h.at[ia0 if fwd else ia1], bA, sa)
            if layer0:
                pltpu.sync_copy(ir_h.at[pl.ds(base, CH)], iar)
                pltpu.async_copy(edge_h.at[iar], bB, sb_)
            else:
                pltpu.async_copy(edge_h.at[pl.ds(base, CH)], bB, sb_)

        def process(st, fwd):
            bA, bB, ia0, ia1, iar, sa, sb_ = st
            src = ia0 if fwd else ia1
            dst = ia1 if fwd else ia0
            node_h = tf_h if fwd else tb_h
            pltpu.make_async_copy(node_h.at[src], bA, sa).wait()
            pltpu.make_async_copy(node_h.at[src], bB, sb_).wait()
            pltpu.sync_copy(bA, agg_sh.at[dst], add=True)
            pltpu.sync_copy(bB, agg_sh.at[dst], add=True)
            if layer0:
                pltpu.sync_copy(ones, cnt_sh.at[dst], add=True)

        fire(0, sets[0], True)

        @pl.loop(0, CPA)
        def _(m):
            fire(m, sets[1], False)
            process(sets[0], True)

            @pl.when(m + 1 < CPA)
            def _():
                fire(m + 1, sets[0], True)

            process(sets[1], False)

        plsc.subcore_barrier()

        @pl.loop(0, rows // CHUNK)
        def _(j):
            lo = sid * rows + j * CHUNK
            pltpu.sync_copy(agg_sh.at[pl.ds(lo, CHUNK)],
                            agg_o.at[pl.ds(cid * N_PAD + lo, CHUNK)])
        if layer0:
            pltpu.sync_copy(cnt_sh.at[pl.ds(sid * rows, rows)],
                            cnt_o.at[pl.ds(cid * N_PAD + sid * rows, rows)])

    k = pl.kernel(body, out_type=tuple(outs) if layer0 else outs[0],
                  mesh=_sc_mesh(), scratch_types=scratch)
    if layer0:
        a, c = k(tf, tb, sf, sb, i0, i1, ir, zrows, zcnt, orows)
        return a.reshape(NC, N_PAD, D), c.reshape(NC, N_PAD)
    return k(tf, tb, sf, sb, i0, i1, zrows).reshape(NC, N_PAD, D)


def _sc_edgeq(teh, tet, re0, relp, i0, i1, ir):
    CH = 80
    CPQ = E_PAD // (NW * CH)

    def body(teh_h, tet_h, re_h, rel_h, i0_h, i1_h, ir_h, q_o, *scr):
        sets = (scr[0:11], scr[11:22])
        sid = lax.axis_index("s")
        wid = sid * NC + lax.axis_index("c")
        base0 = wid * CPQ * CH

        def fire(k, st):
            bA, bB, bC, bD, ia, ib_, ic, sa, sb, sc_, sd_ = st
            base = base0 + k * CH
            pltpu.sync_copy(i0_h.at[pl.ds(base, CH)], ia)
            pltpu.sync_copy(i1_h.at[pl.ds(base, CH)], ib_)
            pltpu.sync_copy(ir_h.at[pl.ds(base, CH)], ic)
            pltpu.async_copy(teh_h.at[ia], bA, sa)
            pltpu.async_copy(tet_h.at[ib_], bB, sb)
            pltpu.async_copy(re_h.at[ic], bC, sc_)
            pltpu.async_copy(rel_h.at[ic], bD, sd_)

        def wait(st):
            bA, bB, bC, bD, ia, ib_, ic, sa, sb, sc_, sd_ = st
            pltpu.make_async_copy(teh_h.at[ia], bA, sa).wait()
            pltpu.make_async_copy(tet_h.at[ib_], bB, sb).wait()
            pltpu.make_async_copy(re_h.at[ic], bC, sc_).wait()
            pltpu.make_async_copy(rel_h.at[ic], bD, sd_).wait()

        def process(k, st):
            bA, bB, bC, bD = st[0], st[1], st[2], st[3]

            @pl.loop(0, CH)
            def _(e):
                for c in range(D // 16):
                    sl = pl.ds(c * 16, 16)
                    g = bA[e, sl] + bB[e, sl] + bC[e, sl]
                    bA[e, sl] = (jnp.maximum(g, 0.0)
                                 + 0.01 * jnp.minimum(g, 0.0)) + bD[e, sl]

            pltpu.sync_copy(bA, q_o.at[pl.ds(base0 + k * CH, CH)])

        fire(0, sets[0])

        @pl.loop(0, CPQ // 2)
        def _(kk):
            k = kk * 2
            fire(k + 1, sets[1])
            wait(sets[0])
            process(k, sets[0])

            @pl.when(k + 2 < CPQ)
            def _():
                fire(k + 2, sets[0])

            wait(sets[1])
            process(k + 1, sets[1])

    one_set = ([pltpu.VMEM((CH, D), _F32)] * 4
               + [pltpu.VMEM((CH,), jnp.int32)] * 3
               + [pltpu.SemaphoreType.DMA] * 4)
    k = pl.kernel(body, out_type=jax.ShapeDtypeStruct((E_PAD, D), _F32),
                  mesh=_sc_mesh(), scratch_types=one_set + one_set)
    return k(teh, tet, re0, relp, i0, i1, ir)


def _sc_score(h2, rtp, i0, i1, ir):
    CH = 80
    CPQ = E_PAD // (NW * CH)

    def body(h_h, rt_h, i0_h, i1_h, ir_h, d2_o, *scr):
        sets = (scr[0:10], scr[10:20])
        sid = lax.axis_index("s")
        wid = sid * NC + lax.axis_index("c")
        base0 = wid * CPQ * CH

        def fire(k, st):
            bA, bB, bC, sb_, ia, ib_, ic, sa, sbm, sc_ = st
            base = base0 + k * CH
            pltpu.sync_copy(i0_h.at[pl.ds(base, CH)], ia)
            pltpu.sync_copy(i1_h.at[pl.ds(base, CH)], ib_)
            pltpu.sync_copy(ir_h.at[pl.ds(base, CH)], ic)
            pltpu.async_copy(h_h.at[ia], bA, sa)
            pltpu.async_copy(h_h.at[ib_], bB, sbm)
            pltpu.async_copy(rt_h.at[ic], bC, sc_)

        def wait(st):
            bA, bB, bC, sb_, ia, ib_, ic, sa, sbm, sc_ = st
            pltpu.make_async_copy(h_h.at[ia], bA, sa).wait()
            pltpu.make_async_copy(h_h.at[ib_], bB, sbm).wait()
            pltpu.make_async_copy(rt_h.at[ic], bC, sc_).wait()

        def process(k, st):
            bA, bB, bC, sb_ = st[0], st[1], st[2], st[3]

            @pl.loop(0, CH)
            def _(e):
                acc = jnp.zeros((16,), _F32)
                for c in range(D // 16):
                    sl = pl.ds(c * 16, 16)
                    dd = bA[e, sl] + bC[e, sl] - bB[e, sl]
                    acc = acc + dd * dd
                sb_[pl.ds(e * 16, 16)] = acc

            pltpu.sync_copy(sb_, d2_o.at[pl.ds((base0 + k * CH) * 16, CH * 16)])

        fire(0, sets[0])

        @pl.loop(0, CPQ // 2)
        def _(kk):
            k = kk * 2
            fire(k + 1, sets[1])
            wait(sets[0])
            process(k, sets[0])

            @pl.when(k + 2 < CPQ)
            def _():
                fire(k + 2, sets[0])

            wait(sets[1])
            process(k + 1, sets[1])

    one_set = ([pltpu.VMEM((CH, D), _F32)] * 3
               + [pltpu.VMEM((CH * 16,), _F32)]
               + [pltpu.VMEM((CH,), jnp.int32)] * 3
               + [pltpu.SemaphoreType.DMA] * 3)
    k = pl.kernel(body, out_type=jax.ShapeDtypeStruct((E_PAD * 16,), _F32),
                  mesh=_sc_mesh(), scratch_types=one_set + one_set)
    return k(h2, rtp, i0, i1, ir).reshape(E_PAD, 16)



def kernel(x, ht, r_tensor, queries, W_ent, b_ent, rel_emb, rel_transe,
           Wf0, bf0, Wb0, bb0, lnng0, lnnb0, We0, be0, lneg0, lneb0,
           Wf1, bf1, Wb1, bb1, lnng1, lnnb1, We1, be1, lneg1, lneb1):
    pad_e = E_PAD - E
    xp = jnp.pad(x, ((0, N_PAD - N), (0, 0)))
    i0 = jnp.concatenate([ht[:, 0], jnp.full((pad_e,), TRASH, jnp.int32)])
    i1 = jnp.concatenate([ht[:, 1], jnp.full((pad_e,), TRASH, jnp.int32)])
    ir = jnp.concatenate([r_tensor, jnp.zeros((pad_e,), jnp.int32)])
    relp = jnp.pad(rel_emb, ((0, REL_PAD - rel_emb.shape[0]), (0, 0)))
    rtp = jnp.pad(rel_transe, ((0, REL_PAD - rel_transe.shape[0]), (0, 0)))
    qf = jnp.pad(queries.astype(_F32), (0, pad_e))

    row = lambda v: v.reshape(1, D)

    h0, tf0, tb0 = _tc_prep(xp, W_ent, row(b_ent), Wf0[:D], Wb0[:D])
    rf0, rb0, re0 = _tc_rel(relp, Wf0[D:], row(bf0), Wb0[D:], row(bb0),
                            We0[D:2 * D], row(be0))

    zrows = jnp.zeros((N_PAD // NS, D), _F32)
    zcnt = jnp.zeros((N_PAD // NS,), _F32)
    orows = jnp.ones((64,), _F32)

    aggp, cntp = _sc_agg(tf0, tb0, rf0, rb0, i0, i1, ir,
                         zrows, zcnt, orows, layer0=True)

    h1, teh, tet, tf1, tb1 = _tc_update0(
        aggp, cntp, h0, row(lnng0), row(lnnb0),
        We0[:D], We0[2 * D:], Wf1[:D], row(bf1), Wb1[:D], row(bb1))

    qe = _sc_edgeq(teh, tet, re0, relp, i0, i1, ir)
    mf, mb = _tc_msg1(qe, row(lneg0), row(lneb0), Wf1[D:], Wb1[D:])

    aggp1 = _sc_agg(tf1, tb1, mf, mb, i0, i1, None,
                    zrows, None, None, layer0=False)

    h2 = _tc_update1(aggp1, cntp, h1, row(lnng1), row(lnnb1))

    d2p = _sc_score(h2, rtp, i0, i1, ir)
    out = _tc_final(d2p, qf)
    return out[:E]

# --- scband reference (transcript-rebuilt; emitter-appended) ---
"""Pipeline reference for scband-kgcompletion-gnn-47579647705219 (READ-ONLY COPY).

The authoritative reference and input builder live on the scoring server;
editing this copy changes nothing except your own understanding.
"""

import jax, jax.numpy as jnp
import numpy as np

N_NODES = 10000
N_EDGES = 160000
EMBED_DIM = 128
NUM_REL = 500
NUM_LAYERS = 2

def _layer_norm(x, g, b, eps=1e-5):
    mu = jnp.mean(x, axis=-1, keepdims=True)
    var = jnp.mean((x - mu) ** 2, axis=-1, keepdims=True)
    return (x - mu) / jnp.sqrt(var + eps) * g + b

def _leaky_relu(x):
    return jnp.where(x >= 0, x, 0.01 * x)

def setup_inputs(seed: int = 0):
    key = jax.random.key(seed)
    ks = jax.random.split(key, 64)
    d = EMBED_DIM
    inp = {}
    inp["x"] = jax.random.normal(ks[0], (N_NODES, d), dtype=jnp.float32)
    inp["ht"] = jax.random.randint(ks[1], (N_EDGES, 2), 0, N_NODES, dtype=jnp.int32)
    inp["r_tensor"] = jax.random.randint(ks[2], (N_EDGES,), 0, NUM_REL, dtype=jnp.int32)
    inp["queries"] = jax.random.bernoulli(ks[3], 0.5, (N_EDGES,))
    inp["W_ent"] = 0.02 * jax.random.normal(ks[4], (d, d), dtype=jnp.float32)
    inp["b_ent"] = jnp.zeros((d,), jnp.float32)
    inp["rel_emb"] = 0.02 * jax.random.normal(ks[5], (NUM_REL, d), dtype=jnp.float32)
    bound = 6.0 / np.sqrt(d)
    inp["rel_transe"] = jax.random.uniform(ks[6], (NUM_REL, d), minval=-bound, maxval=bound, dtype=jnp.float32)
    k = 7
    for l in range(NUM_LAYERS):
        inp[f"Wf{l}"] = 0.02 * jax.random.normal(ks[k], (2 * d, d), dtype=jnp.float32); k += 1
        inp[f"bf{l}"] = jnp.zeros((d,), jnp.float32)
        inp[f"Wb{l}"] = 0.02 * jax.random.normal(ks[k], (2 * d, d), dtype=jnp.float32); k += 1
        inp[f"bb{l}"] = jnp.zeros((d,), jnp.float32)
        inp[f"lnng{l}"] = jnp.ones((d,), jnp.float32)
        inp[f"lnnb{l}"] = jnp.zeros((d,), jnp.float32)
        inp[f"We{l}"] = 0.02 * jax.random.normal(ks[k], (3 * d, d), dtype=jnp.float32); k += 1
        inp[f"be{l}"] = jnp.zeros((d,), jnp.float32)
        inp[f"lneg{l}"] = jnp.ones((d,), jnp.float32)
        inp[f"lneb{l}"] = jnp.zeros((d,), jnp.float32)
    return inp

def _forward(x, ht, r_tensor, queries, W_ent, b_ent, rel_emb, rel_transe, layer_params):
    H = _leaky_relu(x @ W_ent + b_ent)
    E = rel_emb[r_tensor]
    n = H.shape[0]
    for (Wf, bf, Wb, bb, lnng, lnnb, We, be, lneg, lneb) in layer_params:
        head = H[ht[:, 0]]
        tail = H[ht[:, 1]]
        mf = jnp.concatenate([head, E], axis=1) @ Wf + bf
        mb = jnp.concatenate([tail, E], axis=1) @ Wb + bb
        msg_dst = jnp.concatenate([ht[:, 1], ht[:, 0]])
        msgs = jnp.concatenate([mf, mb], axis=0)
        agg = jnp.zeros((n, mf.shape[1]), mf.dtype).at[msg_dst].add(msgs)
        cnt = jnp.zeros((n,), jnp.float32).at[msg_dst].add(1.0)
        agg = agg / jnp.maximum(cnt, 1.0)[:, None]
        H = _layer_norm(_leaky_relu(agg) + H, lnng, lnnb)
        head = H[ht[:, 0]]
        tail = H[ht[:, 1]]
        trip = jnp.concatenate([head, E, tail], axis=1)
        E = _layer_norm(_leaky_relu(trip @ We + be) + E, lneg, lneb)
    h = H[ht[:, 0]]
    t = H[ht[:, 1]]
    r = rel_transe[r_tensor]
    dist = jnp.sqrt(jnp.sum((h + r - t) ** 2, axis=1) + 1e-12)
    return -dist * queries.astype(jnp.float32)

def reference(x, ht, r_tensor, queries, W_ent, b_ent, rel_emb, rel_transe,
              Wf0, bf0, Wb0, bb0, lnng0, lnnb0, We0, be0, lneg0, lneb0,
              Wf1, bf1, Wb1, bb1, lnng1, lnnb1, We1, be1, lneg1, lneb1):
    layers = [
        (Wf0, bf0, Wb0, bb0, lnng0, lnnb0, We0, be0, lneg0, lneb0),
        (Wf1, bf1, Wb1, bb1, lnng1, lnnb1, We1, be1, lneg1, lneb1),
    ]
    return _forward(x, ht, r_tensor, queries, W_ent, b_ent, rel_emb, rel_transe, layers)

if __name__ == "__main__":
    import jax
    _d = setup_inputs()
    print(jax.jit(kernel)(*tuple(_d.values())))

</pallas_src>

<mosaic_0001>
#map = affine_map<(d0, d1) -> (0, 0)>
#map1 = affine_map<(d0, d1) -> (0)>
module attributes {stable_mosaic.version = 14 : i64} {
  func.func @body(%arg0: i32, %arg1: i32, %arg2: memref<10240x128xf32, #tpu.memory_space<hbm>>, %arg3: memref<10240x128xf32, #tpu.memory_space<hbm>>, %arg4: memref<512x128xf32, #tpu.memory_space<hbm>>, %arg5: memref<512x128xf32, #tpu.memory_space<hbm>>, %arg6: memref<163840xi32, #tpu.memory_space<hbm>>, %arg7: memref<163840xi32, #tpu.memory_space<hbm>>, %arg8: memref<163840xi32, #tpu.memory_space<hbm>>, %arg9: memref<640x128xf32, #tpu.memory_space<hbm>>, %arg10: memref<640xf32, #tpu.memory_space<hbm>>, %arg11: memref<64xf32, #tpu.memory_space<hbm>>, %arg12: memref<20480x128xf32, #tpu.memory_space<hbm>>, %arg13: memref<20480xf32, #tpu.memory_space<hbm>>, %arg14: memref<64x128xf32, #tpu.memory_space<vmem>>, %arg15: memref<64x128xf32, #tpu.memory_space<vmem>>, %arg16: memref<64xi32, #tpu.memory_space<vmem>>, %arg17: memref<64xi32, #tpu.memory_space<vmem>>, %arg18: memref<64xi32, #tpu.memory_space<vmem>>, %arg19: memref<!tpu.dma_semaphore, #tpu.memory_space<semaphore_mem>>, %arg20: memref<!tpu.dma_semaphore, #tpu.memory_space<semaphore_mem>>, %arg21: memref<64x128xf32, #tpu.memory_space<vmem>>, %arg22: memref<64x128xf32, #tpu.memory_space<vmem>>, %arg23: memref<64xi32, #tpu.memory_space<vmem>>, %arg24: memref<64xi32, #tpu.memory_space<vmem>>, %arg25: memref<64xi32, #tpu.memory_space<vmem>>, %arg26: memref<!tpu.dma_semaphore, #tpu.memory_space<semaphore_mem>>, %arg27: memref<!tpu.dma_semaphore, #tpu.memory_space<semaphore_mem>>, %arg28: memref<64xf32, #tpu.memory_space<vmem>>, %arg29: memref<10240x128xf32, #tpu.memory_space<vmem_shared>>, %arg30: memref<10240xf32, #tpu.memory_space<vmem_shared>>) attributes {dimension_semantics = [#tpu.dimension_semantics<core_parallel>, #tpu.dimension_semantics<subcore_parallel>], iteration_bounds = array<i64: 2, 16>, scalar_prefetch = 0 : i64, scratch_operands = 17 : i64, tpu.core_type = #tpu.core_type<sc_vector_subcore>, window_params = [{transform_indices = #map}, {transform_indices = #map}, {transform_indices = #map}, {transform_indices = #map}, {transform_indices = #map1}, {transform_indices = #map1}, {transform_indices = #map1}, {transform_indices = #map}, {transform_indices = #map1}, {transform_indices = #map1}, {transform_indices = #map}, {transform_indices = #map1}]} {
    %mul3A = arith.constant 2 : i32
    %mul3A_0 = arith.muli %arg1, %mul3A : i32
    %add3A = arith.addi %mul3A_0, %arg0 : i32
    %mul3A_1 = arith.constant 640 : i32
    %mul3A_2 = arith.muli %arg1, %mul3A_1 : i32
    "tpu.region"() ({
      %run_scoped3A = tpu.sem_alloc : memref<!tpu.dma_semaphore, #tpu.memory_space<semaphore_mem>>
      %dma_start3A_33 = arith.constant 0 : i32
      %dma_start3A_34 = tpu.memref_slice %arg29[%mul3A_2, %dma_start3A_33] : memref<10240x128xf32, #tpu.memory_space<vmem_shared>> -> memref<640x128xf32, #tpu.memory_space<vmem_shared>>
      %dma_start3A_35 = arith.constant 0 : i32
      %dma_start3A_36 = arith.constant 0 : i32
      %dma_start3A_37 = tpu.memref_slice %arg9[%dma_start3A_35, %dma_start3A_36] : memref<640x128xf32, #tpu.memory_space<hbm>> -> memref<640x128xf32, #tpu.memory_space<hbm>>
      tpu.enqueue_dma source(%dma_start3A_37 : memref<640x128xf32, #tpu.memory_space<hbm>>) target(%dma_start3A_34 : memref<640x128xf32, #tpu.memory_space<vmem_shared>>) target_semaphore(%run_scoped3A : memref<!tpu.dma_semaphore, #tpu.memory_space<semaphore_mem>>)
      %dma_wait3A = arith.constant 0 : i32
      %dma_wait3A_38 = tpu.memref_slice %arg29[%mul3A_2, %dma_wait3A] : memref<10240x128xf32, #tpu.memory_space<vmem_shared>> -> memref<640x128xf32, #tpu.memory_space<vmem_shared>>
      %dma_wait3A_39 = arith.constant 0 : i32
      %dma_wait3A_40 = arith.constant 0 : i32
      %dma_wait3A_41 = tpu.memref_slice %arg9[%dma_wait3A_39, %dma_wait3A_40] : memref<640x128xf32, #tpu.memory_space<hbm>> -> memref<640x128xf32, #tpu.memory_space<hbm>>
      tpu.wait_dma2 semaphore(%run_scoped3A : memref<!tpu.dma_semaphore, #tpu.memory_space<semaphore_mem>>) src(%dma_wait3A_41 : memref<640x128xf32, #tpu.memory_space<hbm>>) dst(%dma_wait3A_38 : memref<640x128xf32, #tpu.memory_space<vmem_shared>>)
      tpu.yield
    }) : () -> ()
    %mul3A_3 = arith.constant 640 : i32
    %mul3A_4 = arith.muli %arg1, %mul3A_3 : i32
    "tpu.region"() ({
      %run_scoped3A = tpu.sem_alloc : memref<!tpu.dma_semaphore, #tpu.memory_space<semaphore_mem>>
      %dma_start3A_33 = tpu.memref_slice %arg30[%mul3A_4] : memref<10240xf32, #tpu.memory_space<vmem_shared>> -> memref<640xf32, #tpu.memory_space<vmem_shared>>
      %dma_start3A_34 = arith.constant 0 : i32
      %dma_start3A_35 = tpu.memref_slice %arg10[%dma_start3A_34] : memref<640xf32, #tpu.memory_space<hbm>> -> memref<640xf32, #tpu.memory_space<hbm>>
      tpu.enqueue_dma source(%dma_start3A_35 : memref<640xf32, #tpu.memory_space<hbm>>) target(%dma_start3A_33 : memref<640xf32, #tpu.memory_space<vmem_shared>>) target_semaphore(%run_scoped3A : memref<!tpu.dma_semaphore, #tpu.memory_space<semaphore_mem>>)
      %dma_wait3A = tpu.memref_slice %arg30[%mul3A_4] : memref<10240xf32, #tpu.memory_space<vmem_shared>> -> memref<640xf32, #tpu.memory_space<vmem_shared>>
      %dma_wait3A_36 = arith.constant 0 : i32
      %dma_wait3A_37 = tpu.memref_slice %arg10[%dma_wait3A_36] : memref<640xf32, #tpu.memory_space<hbm>> -> memref<640xf32, #tpu.memory_space<hbm>>
      tpu.wait_dma2 semaphore(%run_scoped3A : memref<!tpu.dma_semaphore, #tpu.memory_space<semaphore_mem>>) src(%dma_wait3A_37 : memref<640xf32, #tpu.memory_space<hbm>>) dst(%dma_wait3A : memref<640xf32, #tpu.memory_space<vmem_shared>>)
      tpu.yield
    }) : () -> ()
    "tpu.region"() ({
      %run_scoped3A = tpu.sem_alloc : memref<!tpu.dma_semaphore, #tpu.memory_space<semaphore_mem>>
      %dma_start3A_33 = arith.constant 0 : i32
      %dma_start3A_34 = tpu.memref_slice %arg11[%dma_start3A_33] : memref<64xf32, #tpu.memory_space<hbm>> -> memref<64xf32, #tpu.memory_space<hbm>>
      %dma_start3A_35 = arith.constant 0 : i32
      %dma_start3A_36 = tpu.memref_slice %arg11[%dma_start3A_35] : memref<64xf32, #tpu.memory_space<hbm>> -> memref<64xf32, #tpu.memory_space<hbm>>
      tpu.enqueue_dma source(%dma_start3A_36 : memref<64xf32, #tpu.memory_space<hbm>>) target(%arg28 : memref<64xf32, #tpu.memory_space<vmem>>) target_semaphore(%run_scoped3A : memref<!tpu.dma_semaphore, #tpu.memory_space<semaphore_mem>>)
      %dma_wait3A = arith.constant 0 : i32
      %dma_wait3A_37 = tpu.memref_slice %arg11[%dma_wait3A] : memref<64xf32, #tpu.memory_space<hbm>> -> memref<64xf32, #tpu.memory_space<hbm>>
      %dma_wait3A_38 = arith.constant 0 : i32
      %dma_wait3A_39 = tpu.memref_slice %arg11[%dma_wait3A_38] : memref<64xf32, #tpu.memory_space<hbm>> -> memref<64xf32, #tpu.memory_space<hbm>>
      tpu.wait_dma2 semaphore(%run_scoped3A : memref<!tpu.dma_semaphore, #tpu.memory_space<semaphore_mem>>) src(%dma_wait3A_39 : memref<64xf32, #tpu.memory_space<hbm>>) dst(%arg28 : memref<64xf32, #tpu.memory_space<vmem>>)
      tpu.yield
    }) : () -> ()
    %barrier3A = arith.constant 0 : index
    tpu.barrier barrier_id(%barrier3A)
    %mul3A_5 = arith.constant 80 : i32
    %mul3A_6 = arith.muli %add3A, %mul3A_5 : i32
    %mul3A_7 = arith.constant 64 : i32
    %mul3A_8 = arith.muli %mul3A_6, %mul3A_7 : i32
    %add3A_9 = arith.constant 0 : i32
    %add3A_10 = arith.addi %mul3A_8, %add3A_9 : i32
    "tpu.region"() ({
      %run_scoped3A = tpu.sem_alloc : memref<!tpu.dma_semaphore, #tpu.memory_space<semaphore_mem>>
      %dma_start3A_33 = tpu.memref_slice %arg6[%add3A_10] : memref<163840xi32, #tpu.memory_space<hbm>> -> memref<64xi32, #tpu.memory_space<hbm>>
      %dma_start3A_34 = tpu.memref_slice %arg6[%add3A_10] : memref<163840xi32, #tpu.memory_space<hbm>> -> memref<64xi32, #tpu.memory_space<hbm>>
      tpu.enqueue_dma source(%dma_start3A_34 : memref<64xi32, #tpu.memory_space<hbm>>) target(%arg16 : memref<64xi32, #tpu.memory_space<vmem>>) target_semaphore(%run_scoped3A : memref<!tpu.dma_semaphore, #tpu.memory_space<semaphore_mem>>)
      %dma_wait3A = tpu.memref_slice %arg6[%add3A_10] : memref<163840xi32, #tpu.memory_space<hbm>> -> memref<64xi32, #tpu.memory_space<hbm>>
      %dma_wait3A_35 = tpu.memref_slice %arg6[%add3A_10] : memref<163840xi32, #tpu.memory_space<hbm>> -> memref<64xi32, #tpu.memory_space<hbm>>
      tpu.wait_dma2 semaphore(%run_scoped3A : memref<!tpu.dma_semaphore, #tpu.memory_space<semaphore_mem>>) src(%dma_wait3A_35 : memref<64xi32, #tpu.memory_space<hbm>>) dst(%arg16 : memref<64xi32, #tpu.memory_space<vmem>>)
      tpu.yield
    }) : () -> ()
    "tpu.region"() ({
      %run_scoped3A = tpu.sem_alloc : memref<!tpu.dma_semaphore, #tpu.memory_space<semaphore_mem>>
      %dma_start3A_33 = tpu.memref_slice %arg7[%add3A_10] : memref<163840xi32, #tpu.memory_space<hbm>> -> memref<64xi32, #tpu.memory_space<hbm>>
      %dma_start3A_34 = tpu.memref_slice %arg7[%add3A_10] : memref<163840xi32, #tpu.memory_space<hbm>> -> memref<64xi32, #tpu.memory_space<hbm>>
      tpu.enqueue_dma source(%dma_start3A_34 : memref<64xi32, #tpu.memory_space<hbm>>) target(%arg17 : memref<64xi32, #tpu.memory_space<vmem>>) target_semaphore(%run_scoped3A : memref<!tpu.dma_semaphore, #tpu.memory_space<semaphore_mem>>)
      %dma_wait3A = tpu.memref_slice %arg7[%add3A_10] : memref<163840xi32, #tpu.memory_space<hbm>> -> memref<64xi32, #tpu.memory_space<hbm>>
      %dma_wait3A_35 = tpu.memref_slice %arg7[%add3A_10] : memref<163840xi32, #tpu.memory_space<hbm>> -> memref<64xi32, #tpu.memory_space<hbm>>
      tpu.wait_dma2 semaphore(%run_scoped3A : memref<!tpu.dma_semaphore, #tpu.memory_space<semaphore_mem>>) src(%dma_wait3A_35 : memref<64xi32, #tpu.memory_space<hbm>>) dst(%arg17 : memref<64xi32, #tpu.memory_space<vmem>>)
      tpu.yield
    }) : () -> ()
    %dma_start3A = arith.constant 0 : i32
    %dma_start3A_11 = arith.constant 0 : i32
    %dma_start3A_12 = tpu.memref_slice %arg2[%dma_start3A, %dma_start3A_11] : memref<10240x128xf32, #tpu.memory_space<hbm>> -> memref<10240x128xf32, #tpu.memory_space<hbm>>
    tpu.enqueue_indirect_dma source(%dma_start3A_12 : memref<10240x128xf32, #tpu.memory_space<hbm>>) target(%arg14 : memref<64x128xf32, #tpu.memory_space<vmem>>) offsets(%arg16 : memref<64xi32, #tpu.memory_space<vmem>>) semaphore(%arg19 : memref<!tpu.dma_semaphore, #tpu.memory_space<semaphore_mem>>)
    "tpu.region"() ({
      %run_scoped3A = tpu.sem_alloc : memref<!tpu.dma_semaphore, #tpu.memory_space<semaphore_mem>>
      %dma_start3A_33 = tpu.memref_slice %arg8[%add3A_10] : memref<163840xi32, #tpu.memory_space<hbm>> -> memref<64xi32, #tpu.memory_space<hbm>>
      %dma_start3A_34 = tpu.memref_slice %arg8[%add3A_10] : memref<163840xi32, #tpu.memory_space<hbm>> -> memref<64xi32, #tpu.memory_space<hbm>>
      tpu.enqueue_dma source(%dma_start3A_34 : memref<64xi32, #tpu.memory_space<hbm>>) target(%arg18 : memref<64xi32, #tpu.memory_space<vmem>>) target_semaphore(%run_scoped3A : memref<!tpu.dma_semaphore, #tpu.memory_space<semaphore_mem>>)
      %dma_wait3A = tpu.memref_slice %arg8[%add3A_10] : memref<163840xi32, #tpu.memory_space<hbm>> -> memref<64xi32, #tpu.memory_space<hbm>>
      %dma_wait3A_35 = tpu.memref_slice %arg8[%add3A_10] : memref<163840xi32, #tpu.memory_space<hbm>> -> memref<64xi32, #tpu.memory_space<hbm>>
      tpu.wait_dma2 semaphore(%run_scoped3A : memref<!tpu.dma_semaphore, #tpu.memory_space<semaphore_mem>>) src(%dma_wait3A_35 : memref<64xi32, #tpu.memory_space<hbm>>) dst(%arg18 : memref<64xi32, #tpu.memory_space<vmem>>)
      tpu.yield
    }) : () -> ()
    %dma_start3A_13 = arith.constant 0 : i32
    %dma_start3A_14 = arith.constant 0 : i32
    %dma_start3A_15 = tpu.memref_slice %arg4[%dma_start3A_13, %dma_start3A_14] : memref<512x128xf32, #tpu.memory_space<hbm>> -> memref<512x128xf32, #tpu.memory_space<hbm>>
    tpu.enqueue_indirect_dma source(%dma_start3A_15 : memref<512x128xf32, #tpu.memory_space<hbm>>) target(%arg15 : memref<64x128xf32, #tpu.memory_space<vmem>>) offsets(%arg18 : memref<64xi32, #tpu.memory_space<vmem>>) semaphore(%arg20 : memref<!tpu.dma_semaphore, #tpu.memory_space<semaphore_mem>>)
    %scan3A = arith.constant 0 : i32
    %scan3A_16 = arith.constant 80 : i32
    %scan3A_17 = arith.addi %scan3A, %scan3A_16 : i32
    %scan3A_18 = arith.constant 1 : i32
    scf.for %scan3A_33 = %scan3A to %scan3A_17 step %scan3A_18  : i32 {
      %mul3A_34 = arith.constant 1 : i32
      %mul3A_35 = arith.muli %scan3A_33, %mul3A_34 : i32
      %add3A_36 = arith.constant 0 : i32
      %add3A_37 = arith.addi %add3A_36, %mul3A_35 : i32
      %mul3A_38 = arith.constant 64 : i32
      %mul3A_39 = arith.muli %add3A_37, %mul3A_38 : i32
      %add3A_40 = arith.addi %mul3A_8, %mul3A_39 : i32
      "tpu.region"() ({
        %run_scoped3A = tpu.sem_alloc : memref<!tpu.dma_semaphore, #tpu.memory_space<semaphore_mem>>
        %dma_start3A_62 = tpu.memref_slice %arg6[%add3A_40] : memref<163840xi32, #tpu.memory_space<hbm>> -> memref<64xi32, #tpu.memory_space<hbm>>
        %dma_start3A_63 = tpu.memref_slice %arg6[%add3A_40] : memref<163840xi32, #tpu.memory_space<hbm>> -> memref<64xi32, #tpu.memory_space<hbm>>
        tpu.enqueue_dma source(%dma_start3A_63 : memref<64xi32, #tpu.memory_space<hbm>>) target(%arg23 : memref<64xi32, #tpu.memory_space<vmem>>) target_semaphore(%run_scoped3A : memref<!tpu.dma_semaphore, #tpu.memory_space<semaphore_mem>>)
        %dma_wait3A_64 = tpu.memref_slice %arg6[%add3A_40] : memref<163840xi32, #tpu.memory_space<hbm>> -> memref<64xi32, #tpu.memory_space<hbm>>
        %dma_wait3A_65 = tpu.memref_slice %arg6[%add3A_40] : memref<163840xi32, #tpu.memory_space<hbm>> -> memref<64xi32, #tpu.memory_space<hbm>>
        tpu.wait_dma2 semaphore(%run_scoped3A : memref<!tpu.dma_semaphore, #tpu.memory_space<semaphore_mem>>) src(%dma_wait3A_65 : memref<64xi32, #tpu.memory_space<hbm>>) dst(%arg23 : memref<64xi32, #tpu.memory_space<vmem>>)
        tpu.yield
      }) : () -> ()
      "tpu.region"() ({
        %run_scoped3A = tpu.sem_alloc : memref<!tpu.dma_semaphore, #tpu.memory_space<semaphore_mem>>
        %dma_start3A_62 = tpu.memref_slice %arg7[%add3A_40] : memref<163840xi32, #tpu.memory_space<hbm>> -> memref<64xi32, #tpu.memory_space<hbm>>
        %dma_start3A_63 = tpu.memref_slice %arg7[%add3A_40] : memref<163840xi32, #tpu.memory_space<hbm>> -> memref<64xi32, #tpu.memory_space<hbm>>
        tpu.enqueue_dma source(%dma_start3A_63 : memref<64xi32, #tpu.memory_space<hbm>>) target(%arg24 : memref<64xi32, #tpu.memory_space<vmem>>) target_semaphore(%run_scoped3A : memref<!tpu.dma_semaphore, #tpu.memory_space<semaphore_mem>>)
        %dma_wait3A_64 = tpu.memref_slice %arg7[%add3A_40] : memref<163840xi32, #tpu.memory_space<hbm>> -> memref<64xi32, #tpu.memory_space<hbm>>
        %dma_wait3A_65 = tpu.memref_slice %arg7[%add3A_40] : memref<163840xi32, #tpu.memory_space<hbm>> -> memref<64xi32, #tpu.memory_space<hbm>>
        tpu.wait_dma2 semaphore(%run_scoped3A : memref<!tpu.dma_semaphore, #tpu.memory_space<semaphore_mem>>) src(%dma_wait3A_65 : memref<64xi32, #tpu.memory_space<hbm>>) dst(%arg24 : memref<64xi32, #tpu.memory_space<vmem>>)
        tpu.yield
      }) : () -> ()
      %dma_start3A_41 = arith.constant 0 : i32
      %dma_start3A_42 = arith.constant 0 : i32
      %dma_start3A_43 = tpu.memref_slice %arg3[%dma_start3A_41, %dma_start3A_42] : memref<10240x128xf32, #tpu.memory_space<hbm>> -> memref<10240x128xf32, #tpu.memory_space<hbm>>
      tpu.enqueue_indirect_dma source(%dma_start3A_43 : memref<10240x128xf32, #tpu.memory_space<hbm>>) target(%arg21 : memref<64x128xf32, #tpu.memory_space<vmem>>) offsets(%arg24 : memref<64xi32, #tpu.memory_space<vmem>>) semaphore(%arg26 : memref<!tpu.dma_semaphore, #tpu.memory_space<semaphore_mem>>)
      "tpu.region"() ({
        %run_scoped3A = tpu.sem_alloc : memref<!tpu.dma_semaphore, #tpu.memory_space<semaphore_mem>>
        %dma_start3A_62 = tpu.memref_slice %arg8[%add3A_40] : memref<163840xi32, #tpu.memory_space<hbm>> -> memref<64xi32, #tpu.memory_space<hbm>>
        %dma_start3A_63 = tpu.memref_slice %arg8[%add3A_40] : memref<163840xi32, #tpu.memory_space<hbm>> -> memref<64xi32, #tpu.memory_space<hbm>>
        tpu.enqueue_dma source(%dma_start3A_63 : memref<64xi32, #tpu.memory_space<hbm>>) target(%arg25 : memref<64xi32, #tpu.memory_space<vmem>>) target_semaphore(%run_scoped3A : memref<!tpu.dma_semaphore, #tpu.memory_space<semaphore_mem>>)
        %dma_wait3A_64 = tpu.memref_slice %arg8[%add3A_40] : memref<163840xi32, #tpu.memory_space<hbm>> -> memref<64xi32, #tpu.memory_space<hbm>>
        %dma_wait3A_65 = tpu.memref_slice %arg8[%add3A_40] : memref<163840xi32, #tpu.memory_space<hbm>> -> memref<64xi32, #tpu.memory_space<hbm>>
        tpu.wait_dma2 semaphore(%run_scoped3A : memref<!tpu.dma_semaphore, #tpu.memory_space<semaphore_mem>>) src(%dma_wait3A_65 : memref<64xi32, #tpu.memory_space<hbm>>) dst(%arg25 : memref<64xi32, #tpu.memory_space<vmem>>)
        tpu.yield
      }) : () -> ()
      %dma_start3A_44 = arith.constant 0 : i32
      %dma_start3A_45 = arith.constant 0 : i32
      %dma_start3A_46 = tpu.memref_slice %arg5[%dma_start3A_44, %dma_start3A_45] : memref<512x128xf32, #tpu.memory_space<hbm>> -> memref<512x128xf32, #tpu.memory_space<hbm>>
      tpu.enqueue_indirect_dma source(%dma_start3A_46 : memref<512x128xf32, #tpu.memory_space<hbm>>) target(%arg22 : memref<64x128xf32, #tpu.memory_space<vmem>>) offsets(%arg25 : memref<64xi32, #tpu.memory_space<vmem>>) semaphore(%arg27 : memref<!tpu.dma_semaphore, #tpu.memory_space<semaphore_mem>>)
      %dma_wait3A = arith.constant 0 : i32
      %dma_wait3A_47 = arith.constant 0 : i32
      %dma_wait3A_48 = tpu.memref_slice %arg2[%dma_wait3A, %dma_wait3A_47] : memref<10240x128xf32, #tpu.memory_space<hbm>> -> memref<10240x128xf32, #tpu.memory_space<hbm>>
      tpu.wait_indirect_dma semaphore(%arg19 : memref<!tpu.dma_semaphore, #tpu.memory_space<semaphore_mem>>) src(%dma_wait3A_48 : memref<10240x128xf32, #tpu.memory_space<hbm>>) dst(%arg14 : memref<64x128xf32, #tpu.memory_space<vmem>>)
      %dma_wait3A_49 = arith.constant 0 : i32
      %dma_wait3A_50 = arith.constant 0 : i32
      %dma_wait3A_51 = tpu.memref_slice %arg2[%dma_wait3A_49, %dma_wait3A_50] : memref<10240x128xf32, #tpu.memory_space<hbm>> -> memref<10240x128xf32, #tpu.memory_space<hbm>>
      tpu.wait_indirect_dma semaphore(%arg20 : memref<!tpu.dma_semaphore, #tpu.memory_space<semaphore_mem>>) src(%dma_wait3A_51 : memref<10240x128xf32, #tpu.memory_space<hbm>>) dst(%arg15 : memref<64x128xf32, #tpu.memory_space<vmem>>)
      "tpu.region"() ({
        %run_scoped3A = tpu.sem_alloc : memref<!tpu.dma_semaphore, #tpu.memory_space<semaphore_mem>>
        %dma_start3A_62 = arith.constant 0 : i32
        %dma_start3A_63 = arith.constant 0 : i32
        %dma_start3A_64 = tpu.memref_slice %arg29[%dma_start3A_62, %dma_start3A_63] : memref<10240x128xf32, #tpu.memory_space<vmem_shared>> -> memref<10240x128xf32, #tpu.memory_space<vmem_shared>>
        tpu.enqueue_indirect_dma source(%arg14 : memref<64x128xf32, #tpu.memory_space<vmem>>) target(%dma_start3A_64 : memref<10240x128xf32, #tpu.memory_space<vmem_shared>>) offsets(%arg17 : memref<64xi32, #tpu.memory_space<vmem>>) semaphore(%run_scoped3A : memref<!tpu.dma_semaphore, #tpu.memory_space<semaphore_mem>>) {add = true}
        %dma_wait3A_65 = arith.constant 0 : i32
        %dma_wait3A_66 = arith.constant 0 : i32
        %dma_wait3A_67 = tpu.memref_slice %arg29[%dma_wait3A_65, %dma_wait3A_66] : memref<10240x128xf32, #tpu.memory_space<vmem_shared>> -> memref<10240x128xf32, #tpu.memory_space<vmem_shared>>
        tpu.wait_indirect_dma semaphore(%run_scoped3A : memref<!tpu.dma_semaphore, #tpu.memory_space<semaphore_mem>>) src(%arg14 : memref<64x128xf32, #tpu.memory_space<vmem>>) dst(%dma_wait3A_67 : memref<10240x128xf32, #tpu.memory_space<vmem_shared>>)
        tpu.yield
      }) : () -> ()
      "tpu.region"() ({
        %run_scoped3A = tpu.sem_alloc : memref<!tpu.dma_semaphore, #tpu.memory_space<semaphore_mem>>
        %dma_start3A_62 = arith.constant 0 : i32
        %dma_start3A_63 = arith.constant 0 : i32
        %dma_start3A_64 = tpu.memref_slice %arg29[%dma_start3A_62, %dma_start3A_63] : memref<10240x128xf32, #tpu.memory_space<vmem_shared>> -> memref<10240x128xf32, #tpu.memory_space<vmem_shared>>
        tpu.enqueue_indirect_dma source(%arg15 : memref<64x128xf32, #tpu.memory_space<vmem>>) target(%dma_start3A_64 : memref<10240x128xf32, #tpu.memory_space<vmem_shared>>) offsets(%arg17 : memref<64xi32, #tpu.memory_space<vmem>>) semaphore(%run_scoped3A : memref<!tpu.dma_semaphore, #tpu.memory_space<semaphore_mem>>) {add = true}
        %dma_wait3A_65 = arith.constant 0 : i32
        %dma_wait3A_66 = arith.constant 0 : i32
        %dma_wait3A_67 = tpu.memref_slice %arg29[%dma_wait3A_65, %dma_wait3A_66] : memref<10240x128xf32, #tpu.memory_space<vmem_shared>> -> memref<10240x128xf32, #tpu.memory_space<vmem_shared>>
        tpu.wait_indirect_dma semaphore(%run_scoped3A : memref<!tpu.dma_semaphore, #tpu.memory_space<semaphore_mem>>) src(%arg15 : memref<64x128xf32, #tpu.memory_space<vmem>>) dst(%dma_wait3A_67 : memref<10240x128xf32, #tpu.memory_space<vmem_shared>>)
        tpu.yield
      }) : () -> ()
      "tpu.region"() ({
        %run_scoped3A = tpu.sem_alloc : memref<!tpu.dma_semaphore, #tpu.memory_space<semaphore_mem>>
        %dma_start3A_62 = arith.constant 0 : i32
        %dma_start3A_63 = tpu.memref_slice %arg30[%dma_start3A_62] : memref<10240xf32, #tpu.memory_space<vmem_shared>> -> memref<10240xf32, #tpu.memory_space<vmem_shared>>
        tpu.enqueue_indirect_dma source(%arg28 : memref<64xf32, #tpu.memory_space<vmem>>) target(%dma_start3A_63 : memref<10240xf32, #tpu.memory_space<vmem_shared>>) offsets(%arg17 : memref<64xi32, #tpu.memory_space<vmem>>) semaphore(%run_scoped3A : memref<!tpu.dma_semaphore, #tpu.memory_space<semaphore_mem>>) {add = true}
        %dma_wait3A_64 = arith.constant 0 : i32
        %dma_wait3A_65 = tpu.memref_slice %arg30[%dma_wait3A_64] : memref<10240xf32, #tpu.memory_space<vmem_shared>> -> memref<10240xf32, #tpu.memory_space<vmem_shared>>
        tpu.wait_indirect_dma semaphore(%run_scoped3A : memref<!tpu.dma_semaphore, #tpu.memory_space<semaphore_mem>>) src(%arg28 : memref<64xf32, #tpu.memory_space<vmem>>) dst(%dma_wait3A_65 : memref<10240xf32, #tpu.memory_space<vmem_shared>>)
        tpu.yield
      }) : () -> ()
      %add3A_52 = arith.constant 1 : i32
      %add3A_53 = arith.addi %add3A_37, %add3A_52 : i32
      %lt3A = arith.constant 80 : i32
      %lt3A_54 = arith.cmpi slt, %add3A_53, %lt3A : i32
      %convert_element_type3A = arith.extui %lt3A_54 : i1 to i32
      %cond3A = arith.constant 0 : i32
      %cond3A_55 = arith.cmpi ne, %convert_element_type3A, %cond3A : i32
      scf.if %cond3A_55 {
        %add3A_62 = arith.constant 1 : i32
        %add3A_63 = arith.addi %add3A_37, %add3A_62 : i32
        %mul3A_64 = arith.constant 64 : i32
        %mul3A_65 = arith.muli %add3A_63, %mul3A_64 : i32
        %add3A_66 = arith.addi %mul3A_8, %mul3A_65 : i32
        "tpu.region"() ({
          %run_scoped3A = tpu.sem_alloc : memref<!tpu.dma_semaphore, #tpu.memory_space<semaphore_mem>>
          %dma_start3A_73 = tpu.memref_slice %arg6[%add3A_66] : memref<163840xi32, #tpu.memory_space<hbm>> -> memref<64xi32, #tpu.memory_space<hbm>>
          %dma_start3A_74 = tpu.memref_slice %arg6[%add3A_66] : memref<163840xi32, #tpu.memory_space<hbm>> -> memref<64xi32, #tpu.memory_space<hbm>>
          tpu.enqueue_dma source(%dma_start3A_74 : memref<64xi32, #tpu.memory_space<hbm>>) target(%arg16 : memref<64xi32, #tpu.memory_space<vmem>>) target_semaphore(%run_scoped3A : memref<!tpu.dma_semaphore, #tpu.memory_space<semaphore_mem>>)
          %dma_wait3A_75 = tpu.memref_slice %arg6[%add3A_66] : memref<163840xi32, #tpu.memory_space<hbm>> -> memref<64xi32, #tpu.memory_space<hbm>>
          %dma_wait3A_76 = tpu.memref_slice %arg6[%add3A_66] : memref<163840xi32, #tpu.memory_space<hbm>> -> memref<64xi32, #tpu.memory_space<hbm>>
          tpu.wait_dma2 semaphore(%run_scoped3A : memref<!tpu.dma_semaphore, #tpu.memory_space<semaphore_mem>>) src(%dma_wait3A_76 : memref<64xi32, #tpu.memory_space<hbm>>) dst(%arg16 : memref<64xi32, #tpu.memory_space<vmem>>)
          tpu.yield
        }) : () -> ()
        "tpu.region"() ({
          %run_scoped3A = tpu.sem_alloc : memref<!tpu.dma_semaphore, #tpu.memory_space<semaphore_mem>>
          %dma_start3A_73 = tpu.memref_slice %arg7[%add3A_66] : memref<163840xi32, #tpu.memory_space<hbm>> -> memref<64xi32, #tpu.memory_space<hbm>>
          %dma_start3A_74 = tpu.memref_slice %arg7[%add3A_66] : memref<163840xi32, #tpu.memory_space<hbm>> -> memref<64xi32, #tpu.memory_space<hbm>>
          tpu.enqueue_dma source(%dma_start3A_74 : memref<64xi32, #tpu.memory_space<hbm>>) target(%arg17 : memref<64xi32, #tpu.memory_space<vmem>>) target_semaphore(%run_scoped3A : memref<!tpu.dma_semaphore, #tpu.memory_space<semaphore_mem>>)
          %dma_wait3A_75 = tpu.memref_slice %arg7[%add3A_66] : memref<163840xi32, #tpu.memory_space<hbm>> -> memref<64xi32, #tpu.memory_space<hbm>>
          %dma_wait3A_76 = tpu.memref_slice %arg7[%add3A_66] : memref<163840xi32, #tpu.memory_space<hbm>> -> memref<64xi32, #tpu.memory_space<hbm>>
          tpu.wait_dma2 semaphore(%run_scoped3A : memref<!tpu.dma_semaphore, #tpu.memory_space<semaphore_mem>>) src(%dma_wait3A_76 : memref<64xi32, #tpu.memory_space<hbm>>) dst(%arg17 : memref<64xi32, #tpu.memory_space<vmem>>)
          tpu.yield
        }) : () -> ()
        %dma_start3A_67 = arith.constant 0 : i32
        %dma_start3A_68 = arith.constant 0 : i32
        %dma_start3A_69 = tpu.memref_slice %arg2[%dma_start3A_67, %dma_start3A_68] : memref<10240x128xf32, #tpu.memory_space<hbm>> -> memref<10240x128xf32, #tpu.memory_space<hbm>>
        tpu.enqueue_indirect_dma source(%dma_start3A_69 : memref<10240x128xf32, #tpu.memory_space<hbm>>) target(%arg14 : memref<64x128xf32, #tpu.memory_space<vmem>>) offsets(%arg16 : memref<64xi32, #tpu.memory_space<vmem>>) semaphore(%arg19 : memref<!tpu.dma_semaphore, #tpu.memory_space<semaphore_mem>>)
        "tpu.region"() ({
          %run_scoped3A = tpu.sem_alloc : memref<!tpu.dma_semaphore, #tpu.memory_space<semaphore_mem>>
          %dma_start3A_73 = tpu.memref_slice %arg8[%add3A_66] : memref<163840xi32, #tpu.memory_space<hbm>> -> memref<64xi32, #tpu.memory_space<hbm>>
          %dma_start3A_74 = tpu.memref_slice %arg8[%add3A_66] : memref<163840xi32, #tpu.memory_space<hbm>> -> memref<64xi32, #tpu.memory_space<hbm>>
          tpu.enqueue_dma source(%dma_start3A_74 : memref<64xi32, #tpu.memory_space<hbm>>) target(%arg18 : memref<64xi32, #tpu.memory_space<vmem>>) target_semaphore(%run_scoped3A : memref<!tpu.dma_semaphore, #tpu.memory_space<semaphore_mem>>)
          %dma_wait3A_75 = tpu.memref_slice %arg8[%add3A_66] : memref<163840xi32, #tpu.memory_space<hbm>> -> memref<64xi32, #tpu.memory_space<hbm>>
          %dma_wait3A_76 = tpu.memref_slice %arg8[%add3A_66] : memref<163840xi32, #tpu.memory_space<hbm>> -> memref<64xi32, #tpu.memory_space<hbm>>
          tpu.wait_dma2 semaphore(%run_scoped3A : memref<!tpu.dma_semaphore, #tpu.memory_space<semaphore_mem>>) src(%dma_wait3A_76 : memref<64xi32, #tpu.memory_space<hbm>>) dst(%arg18 : memref<64xi32, #tpu.memory_space<vmem>>)
          tpu.yield
        }) : () -> ()
        %dma_start3A_70 = arith.constant 0 : i32
        %dma_start3A_71 = arith.constant 0 : i32
        %dma_start3A_72 = tpu.memref_slice %arg4[%dma_start3A_70, %dma_start3A_71] : memref<512x128xf32, #tpu.memory_space<hbm>> -> memref<512x128xf32, #tpu.memory_space<hbm>>
        tpu.enqueue_indirect_dma source(%dma_start3A_72 : memref<512x128xf32, #tpu.memory_space<hbm>>) target(%arg15 : memref<64x128xf32, #tpu.memory_space<vmem>>) offsets(%arg18 : memref<64xi32, #tpu.memory_space<vmem>>) semaphore(%arg20 : memref<!tpu.dma_semaphore, #tpu.memory_space<semaphore_mem>>)
      } else {
      }
      %dma_wait3A_56 = arith.constant 0 : i32
      %dma_wait3A_57 = arith.constant 0 : i32
      %dma_wait3A_58 = tpu.memref_slice %arg3[%dma_wait3A_56, %dma_wait3A_57] : memref<10240x128xf32, #tpu.memory_space<hbm>> -> memref<10240x128xf32, #tpu.memory_space<hbm>>
      tpu.wait_indirect_dma semaphore(%arg26 : memref<!tpu.dma_semaphore, #tpu.memory_space<semaphore_mem>>) src(%dma_wait3A_58 : memref<10240x128xf32, #tpu.memory_space<hbm>>) dst(%arg21 : memref<64x128xf32, #tpu.memory_space<vmem>>)
      %dma_wait3A_59 = arith.constant 0 : i32
      %dma_wait3A_60 = arith.constant 0 : i32
      %dma_wait3A_61 = tpu.memref_slice %arg3[%dma_wait3A_59, %dma_wait3A_60] : memref<10240x128xf32, #tpu.memory_space<hbm>> -> memref<10240x128xf32, #tpu.memory_space<hbm>>
      tpu.wait_indirect_dma semaphore(%arg27 : memref<!tpu.dma_semaphore, #tpu.memory_space<semaphore_mem>>) src(%dma_wait3A_61 : memref<10240x128xf32, #tpu.memory_space<hbm>>) dst(%arg22 : memref<64x128xf32, #tpu.memory_space<vmem>>)
      "tpu.region"() ({
        %run_scoped3A = tpu.sem_alloc : memref<!tpu.dma_semaphore, #tpu.memory_space<semaphore_mem>>
        %dma_start3A_62 = arith.constant 0 : i32
        %dma_start3A_63 = arith.constant 0 : i32
        %dma_start3A_64 = tpu.memref_slice %arg29[%dma_start3A_62, %dma_start3A_63] : memref<10240x128xf32, #tpu.memory_space<vmem_shared>> -> memref<10240x128xf32, #tpu.memory_space<vmem_shared>>
        tpu.enqueue_indirect_dma source(%arg21 : memref<64x128xf32, #tpu.memory_space<vmem>>) target(%dma_start3A_64 : memref<10240x128xf32, #tpu.memory_space<vmem_shared>>) offsets(%arg23 : memref<64xi32, #tpu.memory_space<vmem>>) semaphore(%run_scoped3A : memref<!tpu.dma_semaphore, #tpu.memory_space<semaphore_mem>>) {add = true}
        %dma_wait3A_65 = arith.constant 0 : i32
        %dma_wait3A_66 = arith.constant 0 : i32
        %dma_wait3A_67 = tpu.memref_slice %arg29[%dma_wait3A_65, %dma_wait3A_66] : memref<10240x128xf32, #tpu.memory_space<vmem_shared>> -> memref<10240x128xf32, #tpu.memory_space<vmem_shared>>
        tpu.wait_indirect_dma semaphore(%run_scoped3A : memref<!tpu.dma_semaphore, #tpu.memory_space<semaphore_mem>>) src(%arg21 : memref<64x128xf32, #tpu.memory_space<vmem>>) dst(%dma_wait3A_67 : memref<10240x128xf32, #tpu.memory_space<vmem_shared>>)
        tpu.yield
      }) : () -> ()
      "tpu.region"() ({
        %run_scoped3A = tpu.sem_alloc : memref<!tpu.dma_semaphore, #tpu.memory_space<semaphore_mem>>
        %dma_start3A_62 = arith.constant 0 : i32
        %dma_start3A_63 = arith.constant 0 : i32
        %dma_start3A_64 = tpu.memref_slice %arg29[%dma_start3A_62, %dma_start3A_63] : memref<10240x128xf32, #tpu.memory_space<vmem_shared>> -> memref<10240x128xf32, #tpu.memory_space<vmem_shared>>
        tpu.enqueue_indirect_dma source(%arg22 : memref<64x128xf32, #tpu.memory_space<vmem>>) target(%dma_start3A_64 : memref<10240x128xf32, #tpu.memory_space<vmem_shared>>) offsets(%arg23 : memref<64xi32, #tpu.memory_space<vmem>>) semaphore(%run_scoped3A : memref<!tpu.dma_semaphore, #tpu.memory_space<semaphore_mem>>) {add = true}
        %dma_wait3A_65 = arith.constant 0 : i32
        %dma_wait3A_66 = arith.constant 0 : i32
        %dma_wait3A_67 = tpu.memref_slice %arg29[%dma_wait3A_65, %dma_wait3A_66] : memref<10240x128xf32, #tpu.memory_space<vmem_shared>> -> memref<10240x128xf32, #tpu.memory_space<vmem_shared>>
        tpu.wait_indirect_dma semaphore(%run_scoped3A : memref<!tpu.dma_semaphore, #tpu.memory_space<semaphore_mem>>) src(%arg22 : memref<64x128xf32, #tpu.memory_space<vmem>>) dst(%dma_wait3A_67 : memref<10240x128xf32, #tpu.memory_space<vmem_shared>>)
        tpu.yield
      }) : () -> ()
      "tpu.region"() ({
        %run_scoped3A = tpu.sem_alloc : memref<!tpu.dma_semaphore, #tpu.memory_space<semaphore_mem>>
        %dma_start3A_62 = arith.constant 0 : i32
        %dma_start3A_63 = tpu.memref_slice %arg30[%dma_start3A_62] : memref<10240xf32, #tpu.memory_space<vmem_shared>> -> memref<10240xf32, #tpu.memory_space<vmem_shared>>
        tpu.enqueue_indirect_dma source(%arg28 : memref<64xf32, #tpu.memory_space<vmem>>) target(%dma_start3A_63 : memref<10240xf32, #tpu.memory_space<vmem_shared>>) offsets(%arg23 : memref<64xi32, #tpu.memory_space<vmem>>) semaphore(%run_scoped3A : memref<!tpu.dma_semaphore, #tpu.memory_space<semaphore_mem>>) {add = true}
        %dma_wait3A_64 = arith.constant 0 : i32
        %dma_wait3A_65 = tpu.memref_slice %arg30[%dma_wait3A_64] : memref<10240xf32, #tpu.memory_space<vmem_shared>> -> memref<10240xf32, #tpu.memory_space<vmem_shared>>
        tpu.wait_indirect_dma semaphore(%run_scoped3A : memref<!tpu.dma_semaphore, #tpu.memory_space<semaphore_mem>>) src(%arg28 : memref<64xf32, #tpu.memory_space<vmem>>) dst(%dma_wait3A_65 : memref<10240xf32, #tpu.memory_space<vmem_shared>>)
        tpu.yield
      }) : () -> ()
    }
    %scan3A_19 = arith.constant 80 : i32
    %barrier3A_20 = arith.constant 0 : index
    tpu.barrier barrier_id(%barrier3A_20)
    %scan3A_21 = arith.constant 0 : i32
    %scan3A_22 = arith.constant 5 : i32
    %scan3A_23 = arith.addi %scan3A_21, %scan3A_22 : i32
    %scan3A_24 = arith.constant 1 : i32
    scf.for %scan3A_33 = %scan3A_21 to %scan3A_23 step %scan3A_24  : i32 {
      %mul3A_34 = arith.constant 1 : i32
      %mul3A_35 = arith.muli %scan3A_33, %mul3A_34 : i32
      %add3A_36 = arith.constant 0 : i32
      %add3A_37 = arith.addi %add3A_36, %mul3A_35 : i32
      %mul3A_38 = arith.constant 640 : i32
      %mul3A_39 = arith.muli %arg1, %mul3A_38 : i32
      %mul3A_40 = arith.constant 128 : i32
      %mul3A_41 = arith.muli %add3A_37, %mul3A_40 : i32
      %add3A_42 = arith.addi %mul3A_39, %mul3A_41 : i32
      %mul3A_43 = arith.constant 10240 : i32
      %mul3A_44 = arith.muli %arg0, %mul3A_43 : i32
      %add3A_45 = arith.addi %mul3A_44, %add3A_42 : i32
      "tpu.region"() ({
        %run_scoped3A = tpu.sem_alloc : memref<!tpu.dma_semaphore, #tpu.memory_space<semaphore_mem>>
        %dma_start3A_46 = arith.constant 0 : i32
        %dma_start3A_47 = tpu.memref_slice %arg12[%add3A_45, %dma_start3A_46] : memref<20480x128xf32, #tpu.memory_space<hbm>> -> memref<128x128xf32, #tpu.memory_space<hbm>>
        %dma_start3A_48 = arith.constant 0 : i32
        %dma_start3A_49 = tpu.memref_slice %arg29[%add3A_42, %dma_start3A_48] : memref<10240x128xf32, #tpu.memory_space<vmem_shared>> -> memref<128x128xf32, #tpu.memory_space<vmem_shared>>
        tpu.enqueue_dma source(%dma_start3A_49 : memref<128x128xf32, #tpu.memory_space<vmem_shared>>) target(%dma_start3A_47 : memref<128x128xf32, #tpu.memory_space<hbm>>) target_semaphore(%run_scoped3A : memref<!tpu.dma_semaphore, #tpu.memory_space<semaphore_mem>>)
        %dma_wait3A = arith.constant 0 : i32
        %dma_wait3A_50 = tpu.memref_slice %arg12[%add3A_45, %dma_wait3A] : memref<20480x128xf32, #tpu.memory_space<hbm>> -> memref<128x128xf32, #tpu.memory_space<hbm>>
        %dma_wait3A_51 = arith.constant 0 : i32
        %dma_wait3A_52 = tpu.memref_slice %arg29[%add3A_42, %dma_wait3A_51] : memref<10240x128xf32, #tpu.memory_space<vmem_shared>> -> memref<128x128xf32, #tpu.memory_space<vmem_shared>>
        tpu.wait_dma2 semaphore(%run_scoped3A : memref<!tpu.dma_semaphore, #tpu.memory_space<semaphore_mem>>) src(%dma_wait3A_52 : memref<128x128xf32, #tpu.memory_space<vmem_shared>>) dst(%dma_wait3A_50 : memref<128x128xf32, #tpu.memory_space<hbm>>)
        tpu.yield
      }) : () -> ()
    }
    %scan3A_25 = arith.constant 5 : i32
    %mul3A_26 = arith.constant 640 : i32
    %mul3A_27 = arith.muli %arg1, %mul3A_26 : i32
    %mul3A_28 = arith.constant 10240 : i32
    %mul3A_29 = arith.muli %arg0, %mul3A_28 : i32
    %mul3A_30 = arith.constant 640 : i32
    %mul3A_31 = arith.muli %arg1, %mul3A_30 : i32
    %add3A_32 = arith.addi %mul3A_29, %mul3A_31 : i32
    "tpu.region"() ({
      %run_scoped3A = tpu.sem_alloc : memref<!tpu.dma_semaphore, #tpu.memory_space<semaphore_mem>>
      %dma_start3A_33 = tpu.memref_slice %arg13[%add3A_32] : memref<20480xf32, #tpu.memory_space<hbm>> -> memref<640xf32, #tpu.memory_space<hbm>>
      %dma_start3A_34 = tpu.memref_slice %arg30[%mul3A_27] : memref<10240xf32, #tpu.memory_space<vmem_shared>> -> memref<640xf32, #tpu.memory_space<vmem_shared>>
      tpu.enqueue_dma source(%dma_start3A_34 : memref<640xf32, #tpu.memory_space<vmem_shared>>) target(%dma_start3A_33 : memref<640xf32, #tpu.memory_space<hbm>>) target_semaphore(%run_scoped3A : memref<!tpu.dma_semaphore, #tpu.memory_space<semaphore_mem>>)
      %dma_wait3A = tpu.memref_slice %arg13[%add3A_32] : memref<20480xf32, #tpu.memory_space<hbm>> -> memref<640xf32, #tpu.memory_space<hbm>>
      %dma_wait3A_35 = tpu.memref_slice %arg30[%mul3A_27] : memref<10240xf32, #tpu.memory_space<vmem_shared>> -> memref<640xf32, #tpu.memory_space<vmem_shared>>
      tpu.wait_dma2 semaphore(%run_scoped3A : memref<!tpu.dma_semaphore, #tpu.memory_space<semaphore_mem>>) src(%dma_wait3A_35 : memref<640xf32, #tpu.memory_space<vmem_shared>>) dst(%dma_wait3A : memref<640xf32, #tpu.memory_space<hbm>>)
      tpu.yield
    }) : () -> ()
    return
  }
}

#map = affine_map<(d0, d1) -> (0, 0)>
#map1 = affine_map<(d0, d1) -> (0)>
module attributes {stable_mosaic.version = 14 : i64} {
  func.func @body(%arg0: i32, %arg1: i32, %arg2: memref<10240x128xf32, #tpu.memory_space<hbm>>, %arg3: memref<10240x128xf32, #tpu.memory_space<hbm>>, %arg4: memref<163840x128xf32, #tpu.memory_space<hbm>>, %arg5: memref<163840x128xf32, #tpu.memory_space<hbm>>, %arg6: memref<163840xi32, #tpu.memory_space<hbm>>, %arg7: memref<163840xi32, #tpu.memory_space<hbm>>, %arg8: memref<640x128xf32, #tpu.memory_space<hbm>>, %arg9: memref<20480x128xf32, #tpu.memory_space<hbm>>, %arg10: memref<64x128xf32, #tpu.memory_space<vmem>>, %arg11: memref<64x128xf32, #tpu.memory_space<vmem>>, %arg12: memref<64xi32, #tpu.memory_space<vmem>>, %arg13: memref<64xi32, #tpu.memory_space<vmem>>, %arg14: memref<64xi32, #tpu.memory_space<vmem>>, %arg15: memref<!tpu.dma_semaphore, #tpu.memory_space<semaphore_mem>>, %arg16: memref<!tpu.dma_semaphore, #tpu.memory_space<semaphore_mem>>, %arg17: memref<64x128xf32, #tpu.memory_space<vmem>>, %arg18: memref<64x128xf32, #tpu.memory_space<vmem>>, %arg19: memref<64xi32, #tpu.memory_space<vmem>>, %arg20: memref<64xi32, #tpu.memory_space<vmem>>, %arg21: memref<64xi32, #tpu.memory_space<vmem>>, %arg22: memref<!tpu.dma_semaphore, #tpu.memory_space<semaphore_mem>>, %arg23: memref<!tpu.dma_semaphore, #tpu.memory_space<semaphore_mem>>, %arg24: memref<64xf32, #tpu.memory_space<vmem>>, %arg25: memref<10240x128xf32, #tpu.memory_space<vmem_shared>>, %arg26: memref<10240xf32, #tpu.memory_space<vmem_shared>>) attributes {dimension_semantics = [#tpu.dimension_semantics<core_parallel>, #tpu.dimension_semantics<subcore_parallel>], iteration_bounds = array<i64: 2, 16>, scalar_prefetch = 0 : i64, scratch_operands = 17 : i64, tpu.core_type = #tpu.core_type<sc_vector_subcore>, window_params = [{transform_indices = #map}, {transform_indices = #map}, {transform_indices = #map}, {transform_indices = #map}, {transform_indices = #map1}, {transform_indices = #map1}, {transform_indices = #map}, {transform_indices = #map}]} {
    %mul3A = arith.constant 2 : i32
    %mul3A_0 = arith.muli %arg1, %mul3A : i32
    %add3A = arith.addi %mul3A_0, %arg0 : i32
    %mul3A_1 = arith.constant 640 : i32
    %mul3A_2 = arith.muli %arg1, %mul3A_1 : i32
    "tpu.region"() ({
      %run_scoped3A = tpu.sem_alloc : memref<!tpu.dma_semaphore, #tpu.memory_space<semaphore_mem>>
      %dma_start3A_25 = arith.constant 0 : i32
      %dma_start3A_26 = tpu.memref_slice %arg25[%mul3A_2, %dma_start3A_25] : memref<10240x128xf32, #tpu.memory_space<vmem_shared>> -> memref<640x128xf32, #tpu.memory_space<vmem_shared>>
      %dma_start3A_27 = arith.constant 0 : i32
      %dma_start3A_28 = arith.constant 0 : i32
      %dma_start3A_29 = tpu.memref_slice %arg8[%dma_start3A_27, %dma_start3A_28] : memref<640x128xf32, #tpu.memory_space<hbm>> -> memref<640x128xf32, #tpu.memory_space<hbm>>
      tpu.enqueue_dma source(%dma_start3A_29 : memref<640x128xf32, #tpu.memory_space<hbm>>) target(%dma_start3A_26 : memref<640x128xf32, #tpu.memory_space<vmem_shared>>) target_semaphore(%run_scoped3A : memref<!tpu.dma_semaphore, #tpu.memory_space<semaphore_mem>>)
      %dma_wait3A = arith.constant 0 : i32
      %dma_wait3A_30 = tpu.memref_slice %arg25[%mul3A_2, %dma_wait3A] : memref<10240x128xf32, #tpu.memory_space<vmem_shared>> -> memref<640x128xf32, #tpu.memory_space<vmem_shared>>
      %dma_wait3A_31 = arith.constant 0 : i32
      %dma_wait3A_32 = arith.constant 0 : i32
      %dma_wait3A_33 = tpu.memref_slice %arg8[%dma_wait3A_31, %dma_wait3A_32] : memref<640x128xf32, #tpu.memory_space<hbm>> -> memref<640x128xf32, #tpu.memory_space<hbm>>
      tpu.wait_dma2 semaphore(%run_scoped3A : memref<!tpu.dma_semaphore, #tpu.memory_space<semaphore_mem>>) src(%dma_wait3A_33 : memref<640x128xf32, #tpu.memory_space<hbm>>) dst(%dma_wait3A_30 : memref<640x128xf32, #tpu.memory_space<vmem_shared>>)
      tpu.yield
    }) : () -> ()
    %barrier3A = arith.constant 0 : index
    tpu.barrier barrier_id(%barrier3A)
    %mul3A_3 = arith.constant 80 : i32
    %mul3A_4 = arith.muli %add3A, %mul3A_3 : i32
    %mul3A_5 = arith.constant 64 : i32
    %mul3A_6 = arith.muli %mul3A_4, %mul3A_5 : i32
    %add3A_7 = arith.constant 0 : i32
    %add3A_8 = arith.addi %mul3A_6, %add3A_7 : i32
    "tpu.region"() ({
      %run_scoped3A = tpu.sem_alloc : memref<!tpu.dma_semaphore, #tpu.memory_space<semaphore_mem>>
      %dma_start3A_25 = tpu.memref_slice %arg6[%add3A_8] : memref<163840xi32, #tpu.memory_space<hbm>> -> memref<64xi32, #tpu.memory_space<hbm>>
      %dma_start3A_26 = tpu.memref_slice %arg6[%add3A_8] : memref<163840xi32, #tpu.memory_space<hbm>> -> memref<64xi32, #tpu.memory_space<hbm>>
      tpu.enqueue_dma source(%dma_start3A_26 : memref<64xi32, #tpu.memory_space<hbm>>) target(%arg12 : memref<64xi32, #tpu.memory_space<vmem>>) target_semaphore(%run_scoped3A : memref<!tpu.dma_semaphore, #tpu.memory_space<semaphore_mem>>)
      %dma_wait3A = tpu.memref_slice %arg6[%add3A_8] : memref<163840xi32, #tpu.memory_space<hbm>> -> memref<64xi32, #tpu.memory_space<hbm>>
      %dma_wait3A_27 = tpu.memref_slice %arg6[%add3A_8] : memref<163840xi32, #tpu.memory_space<hbm>> -> memref<64xi32, #tpu.memory_space<hbm>>
      tpu.wait_dma2 semaphore(%run_scoped3A : memref<!tpu.dma_semaphore, #tpu.memory_space<semaphore_mem>>) src(%dma_wait3A_27 : memref<64xi32, #tpu.memory_space<hbm>>) dst(%arg12 : memref<64xi32, #tpu.memory_space<vmem>>)
      tpu.yield
    }) : () -> ()
    "tpu.region"() ({
      %run_scoped3A = tpu.sem_alloc : memref<!tpu.dma_semaphore, #tpu.memory_space<semaphore_mem>>
      %dma_start3A_25 = tpu.memref_slice %arg7[%add3A_8] : memref<163840xi32, #tpu.memory_space<hbm>> -> memref<64xi32, #tpu.memory_space<hbm>>
      %dma_start3A_26 = tpu.memref_slice %arg7[%add3A_8] : memref<163840xi32, #tpu.memory_space<hbm>> -> memref<64xi32, #tpu.memory_space<hbm>>
      tpu.enqueue_dma source(%dma_start3A_26 : memref<64xi32, #tpu.memory_space<hbm>>) target(%arg13 : memref<64xi32, #tpu.memory_space<vmem>>) target_semaphore(%run_scoped3A : memref<!tpu.dma_semaphore, #tpu.memory_space<semaphore_mem>>)
      %dma_wait3A = tpu.memref_slice %arg7[%add3A_8] : memref<163840xi32, #tpu.memory_space<hbm>> -> memref<64xi32, #tpu.memory_space<hbm>>
      %dma_wait3A_27 = tpu.memref_slice %arg7[%add3A_8] : memref<163840xi32, #tpu.memory_space<hbm>> -> memref<64xi32, #tpu.memory_space<hbm>>
      tpu.wait_dma2 semaphore(%run_scoped3A : memref<!tpu.dma_semaphore, #tpu.memory_space<semaphore_mem>>) src(%dma_wait3A_27 : memref<64xi32, #tpu.memory_space<hbm>>) dst(%arg13 : memref<64xi32, #tpu.memory_space<vmem>>)
      tpu.yield
    }) : () -> ()
    %dma_start3A = arith.constant 0 : i32
    %dma_start3A_9 = arith.constant 0 : i32
    %dma_start3A_10 = tpu.memref_slice %arg2[%dma_start3A, %dma_start3A_9] : memref<10240x128xf32, #tpu.memory_space<hbm>> -> memref<10240x128xf32, #tpu.memory_space<hbm>>
    tpu.enqueue_indirect_dma source(%dma_start3A_10 : memref<10240x128xf32, #tpu.memory_space<hbm>>) target(%arg10 : memref<64x128xf32, #tpu.memory_space<vmem>>) offsets(%arg12 : memref<64xi32, #tpu.memory_space<vmem>>) semaphore(%arg15 : memref<!tpu.dma_semaphore, #tpu.memory_space<semaphore_mem>>)
    %dma_start3A_11 = arith.constant 0 : i32
    %dma_start3A_12 = tpu.memref_slice %arg4[%add3A_8, %dma_start3A_11] : memref<163840x128xf32, #tpu.memory_space<hbm>> -> memref<64x128xf32, #tpu.memory_space<hbm>>
    %dma_start3A_13 = arith.constant 0 : i32
    %dma_start3A_14 = tpu.memref_slice %arg4[%add3A_8, %dma_start3A_13] : memref<163840x128xf32, #tpu.memory_space<hbm>> -> memref<64x128xf32, #tpu.memory_space<hbm>>
    tpu.enqueue_dma source(%dma_start3A_14 : memref<64x128xf32, #tpu.memory_space<hbm>>) target(%arg11 : memref<64x128xf32, #tpu.memory_space<vmem>>) target_semaphore(%arg16 : memref<!tpu.dma_semaphore, #tpu.memory_space<semaphore_mem>>)
    %scan3A = arith.constant 0 : i32
    %scan3A_15 = arith.constant 80 : i32
    %scan3A_16 = arith.addi %scan3A, %scan3A_15 : i32
    %scan3A_17 = arith.constant 1 : i32
    scf.for %scan3A_25 = %scan3A to %scan3A_16 step %scan3A_17  : i32 {
      %mul3A_26 = arith.constant 1 : i32
      %mul3A_27 = arith.muli %scan3A_25, %mul3A_26 : i32
      %add3A_28 = arith.constant 0 : i32
      %add3A_29 = arith.addi %add3A_28, %mul3A_27 : i32
      %mul3A_30 = arith.constant 64 : i32
      %mul3A_31 = arith.muli %add3A_29, %mul3A_30 : i32
      %add3A_32 = arith.addi %mul3A_6, %mul3A_31 : i32
      "tpu.region"() ({
        %run_scoped3A = tpu.sem_alloc : memref<!tpu.dma_semaphore, #tpu.memory_space<semaphore_mem>>
        %dma_start3A_55 = tpu.memref_slice %arg6[%add3A_32] : memref<163840xi32, #tpu.memory_space<hbm>> -> memref<64xi32, #tpu.memory_space<hbm>>
        %dma_start3A_56 = tpu.memref_slice %arg6[%add3A_32] : memref<163840xi32, #tpu.memory_space<hbm>> -> memref<64xi32, #tpu.memory_space<hbm>>
        tpu.enqueue_dma source(%dma_start3A_56 : memref<64xi32, #tpu.memory_space<hbm>>) target(%arg19 : memref<64xi32, #tpu.memory_space<vmem>>) target_semaphore(%run_scoped3A : memref<!tpu.dma_semaphore, #tpu.memory_space<semaphore_mem>>)
        %dma_wait3A_57 = tpu.memref_slice %arg6[%add3A_32] : memref<163840xi32, #tpu.memory_space<hbm>> -> memref<64xi32, #tpu.memory_space<hbm>>
        %dma_wait3A_58 = tpu.memref_slice %arg6[%add3A_32] : memref<163840xi32, #tpu.memory_space<hbm>> -> memref<64xi32, #tpu.memory_space<hbm>>
        tpu.wait_dma2 semaphore(%run_scoped3A : memref<!tpu.dma_semaphore, #tpu.memory_space<semaphore_mem>>) src(%dma_wait3A_58 : memref<64xi32, #tpu.memory_space<hbm>>) dst(%arg19 : memref<64xi32, #tpu.memory_space<vmem>>)
        tpu.yield
      }) : () -> ()
      "tpu.region"() ({
        %run_scoped3A = tpu.sem_alloc : memref<!tpu.dma_semaphore, #tpu.memory_space<semaphore_mem>>
        %dma_start3A_55 = tpu.memref_slice %arg7[%add3A_32] : memref<163840xi32, #tpu.memory_space<hbm>> -> memref<64xi32, #tpu.memory_space<hbm>>
        %dma_start3A_56 = tpu.memref_slice %arg7[%add3A_32] : memref<163840xi32, #tpu.memory_space<hbm>> -> memref<64xi32, #tpu.memory_space<hbm>>
        tpu.enqueue_dma source(%dma_start3A_56 : memref<64xi32, #tpu.memory_space<hbm>>) target(%arg20 : memref<64xi32, #tpu.memory_space<vmem>>) target_semaphore(%run_scoped3A : memref<!tpu.dma_semaphore, #tpu.memory_space<semaphore_mem>>)
        %dma_wait3A_57 = tpu.memref_slice %arg7[%add3A_32] : memref<163840xi32, #tpu.memory_space<hbm>> -> memref<64xi32, #tpu.memory_space<hbm>>
        %dma_wait3A_58 = tpu.memref_slice %arg7[%add3A_32] : memref<163840xi32, #tpu.memory_space<hbm>> -> memref<64xi32, #tpu.memory_space<hbm>>
        tpu.wait_dma2 semaphore(%run_scoped3A : memref<!tpu.dma_semaphore, #tpu.memory_space<semaphore_mem>>) src(%dma_wait3A_58 : memref<64xi32, #tpu.memory_space<hbm>>) dst(%arg20 : memref<64xi32, #tpu.memory_space<vmem>>)
        tpu.yield
      }) : () -> ()
      %dma_start3A_33 = arith.constant 0 : i32
      %dma_start3A_34 = arith.constant 0 : i32
      %dma_start3A_35 = tpu.memref_slice %arg3[%dma_start3A_33, %dma_start3A_34] : memref<10240x128xf32, #tpu.memory_space<hbm>> -> memref<10240x128xf32, #tpu.memory_space<hbm>>
      tpu.enqueue_indirect_dma source(%dma_start3A_35 : memref<10240x128xf32, #tpu.memory_space<hbm>>) target(%arg17 : memref<64x128xf32, #tpu.memory_space<vmem>>) offsets(%arg20 : memref<64xi32, #tpu.memory_space<vmem>>) semaphore(%arg22 : memref<!tpu.dma_semaphore, #tpu.memory_space<semaphore_mem>>)
      %dma_start3A_36 = arith.constant 0 : i32
      %dma_start3A_37 = tpu.memref_slice %arg5[%add3A_32, %dma_start3A_36] : memref<163840x128xf32, #tpu.memory_space<hbm>> -> memref<64x128xf32, #tpu.memory_space<hbm>>
      %dma_start3A_38 = arith.constant 0 : i32
      %dma_start3A_39 = tpu.memref_slice %arg5[%add3A_32, %dma_start3A_38] : memref<163840x128xf32, #tpu.memory_space<hbm>> -> memref<64x128xf32, #tpu.memory_space<hbm>>
      tpu.enqueue_dma source(%dma_start3A_39 : memref<64x128xf32, #tpu.memory_space<hbm>>) target(%arg18 : memref<64x128xf32, #tpu.memory_space<vmem>>) target_semaphore(%arg23 : memref<!tpu.dma_semaphore, #tpu.memory_space<semaphore_mem>>)
      %dma_wait3A = arith.constant 0 : i32
      %dma_wait3A_40 = arith.constant 0 : i32
      %dma_wait3A_41 = tpu.memref_slice %arg2[%dma_wait3A, %dma_wait3A_40] : memref<10240x128xf32, #tpu.memory_space<hbm>> -> memref<10240x128xf32, #tpu.memory_space<hbm>>
      tpu.wait_indirect_dma semaphore(%arg15 : memref<!tpu.dma_semaphore, #tpu.memory_space<semaphore_mem>>) src(%dma_wait3A_41 : memref<10240x128xf32, #tpu.memory_space<hbm>>) dst(%arg10 : memref<64x128xf32, #tpu.memory_space<vmem>>)
      %dma_wait3A_42 = arith.constant 0 : i32
      %dma_wait3A_43 = arith.constant 0 : i32
      %dma_wait3A_44 = tpu.memref_slice %arg2[%dma_wait3A_42, %dma_wait3A_43] : memref<10240x128xf32, #tpu.memory_space<hbm>> -> memref<10240x128xf32, #tpu.memory_space<hbm>>
      tpu.wait_indirect_dma semaphore(%arg16 : memref<!tpu.dma_semaphore, #tpu.memory_space<semaphore_mem>>) src(%dma_wait3A_44 : memref<10240x128xf32, #tpu.memory_space<hbm>>) dst(%arg11 : memref<64x128xf32, #tpu.memory_space<vmem>>)
      "tpu.region"() ({
        %run_scoped3A = tpu.sem_alloc : memref<!tpu.dma_semaphore, #tpu.memory_space<semaphore_mem>>
        %dma_start3A_55 = arith.constant 0 : i32
        %dma_start3A_56 = arith.constant 0 : i32
        %dma_start3A_57 = tpu.memref_slice %arg25[%dma_start3A_55, %dma_start3A_56] : memref<10240x128xf32, #tpu.memory_space<vmem_shared>> -> memref<10240x128xf32, #tpu.memory_space<vmem_shared>>
        tpu.enqueue_indirect_dma source(%arg10 : memref<64x128xf32, #tpu.memory_space<vmem>>) target(%dma_start3A_57 : memref<10240x128xf32, #tpu.memory_space<vmem_shared>>) offsets(%arg13 : memref<64xi32, #tpu.memory_space<vmem>>) semaphore(%run_scoped3A : memref<!tpu.dma_semaphore, #tpu.memory_space<semaphore_mem>>) {add = true}
        %dma_wait3A_58 = arith.constant 0 : i32
        %dma_wait3A_59 = arith.constant 0 : i32
        %dma_wait3A_60 = tpu.memref_slice %arg25[%dma_wait3A_58, %dma_wait3A_59] : memref<10240x128xf32, #tpu.memory_space<vmem_shared>> -> memref<10240x128xf32, #tpu.memory_space<vmem_shared>>
        tpu.wait_indirect_dma semaphore(%run_scoped3A : memref<!tpu.dma_semaphore, #tpu.memory_space<semaphore_mem>>) src(%arg10 : memref<64x128xf32, #tpu.memory_space<vmem>>) dst(%dma_wait3A_60 : memref<10240x128xf32, #tpu.memory_space<vmem_shared>>)
        tpu.yield
      }) : () -> ()
      "tpu.region"() ({
        %run_scoped3A = tpu.sem_alloc : memref<!tpu.dma_semaphore, #tpu.memory_space<semaphore_mem>>
        %dma_start3A_55 = arith.constant 0 : i32
        %dma_start3A_56 = arith.constant 0 : i32
        %dma_start3A_57 = tpu.memref_slice %arg25[%dma_start3A_55, %dma_start3A_56] : memref<10240x128xf32, #tpu.memory_space<vmem_shared>> -> memref<10240x128xf32, #tpu.memory_space<vmem_shared>>
        tpu.enqueue_indirect_dma source(%arg11 : memref<64x128xf32, #tpu.memory_space<vmem>>) target(%dma_start3A_57 : memref<10240x128xf32, #tpu.memory_space<vmem_shared>>) offsets(%arg13 : memref<64xi32, #tpu.memory_space<vmem>>) semaphore(%run_scoped3A : memref<!tpu.dma_semaphore, #tpu.memory_space<semaphore_mem>>) {add = true}
        %dma_wait3A_58 = arith.constant 0 : i32
        %dma_wait3A_59 = arith.constant 0 : i32
        %dma_wait3A_60 = tpu.memref_slice %arg25[%dma_wait3A_58, %dma_wait3A_59] : memref<10240x128xf32, #tpu.memory_space<vmem_shared>> -> memref<10240x128xf32, #tpu.memory_space<vmem_shared>>
        tpu.wait_indirect_dma semaphore(%run_scoped3A : memref<!tpu.dma_semaphore, #tpu.memory_space<semaphore_mem>>) src(%arg11 : memref<64x128xf32, #tpu.memory_space<vmem>>) dst(%dma_wait3A_60 : memref<10240x128xf32, #tpu.memory_space<vmem_shared>>)
        tpu.yield
      }) : () -> ()
      %add3A_45 = arith.constant 1 : i32
      %add3A_46 = arith.addi %add3A_29, %add3A_45 : i32
      %lt3A = arith.constant 80 : i32
      %lt3A_47 = arith.cmpi slt, %add3A_46, %lt3A : i32
      %convert_element_type3A = arith.extui %lt3A_47 : i1 to i32
      %cond3A = arith.constant 0 : i32
      %cond3A_48 = arith.cmpi ne, %convert_element_type3A, %cond3A : i32
      scf.if %cond3A_48 {
        %add3A_55 = arith.constant 1 : i32
        %add3A_56 = arith.addi %add3A_29, %add3A_55 : i32
        %mul3A_57 = arith.constant 64 : i32
        %mul3A_58 = arith.muli %add3A_56, %mul3A_57 : i32
        %add3A_59 = arith.addi %mul3A_6, %mul3A_58 : i32
        "tpu.region"() ({
          %run_scoped3A = tpu.sem_alloc : memref<!tpu.dma_semaphore, #tpu.memory_space<semaphore_mem>>
          %dma_start3A_67 = tpu.memref_slice %arg6[%add3A_59] : memref<163840xi32, #tpu.memory_space<hbm>> -> memref<64xi32, #tpu.memory_space<hbm>>
          %dma_start3A_68 = tpu.memref_slice %arg6[%add3A_59] : memref<163840xi32, #tpu.memory_space<hbm>> -> memref<64xi32, #tpu.memory_space<hbm>>
          tpu.enqueue_dma source(%dma_start3A_68 : memref<64xi32, #tpu.memory_space<hbm>>) target(%arg12 : memref<64xi32, #tpu.memory_space<vmem>>) target_semaphore(%run_scoped3A : memref<!tpu.dma_semaphore, #tpu.memory_space<semaphore_mem>>)
          %dma_wait3A_69 = tpu.memref_slice %arg6[%add3A_59] : memref<163840xi32, #tpu.memory_space<hbm>> -> memref<64xi32, #tpu.memory_space<hbm>>
          %dma_wait3A_70 = tpu.memref_slice %arg6[%add3A_59] : memref<163840xi32, #tpu.memory_space<hbm>> -> memref<64xi32, #tpu.memory_space<hbm>>
          tpu.wait_dma2 semaphore(%run_scoped3A : memref<!tpu.dma_semaphore, #tpu.memory_space<semaphore_mem>>) src(%dma_wait3A_70 : memref<64xi32, #tpu.memory_space<hbm>>) dst(%arg12 : memref<64xi32, #tpu.memory_space<vmem>>)
          tpu.yield
        }) : () -> ()
        "tpu.region"() ({
          %run_scoped3A = tpu.sem_alloc : memref<!tpu.dma_semaphore, #tpu.memory_space<semaphore_mem>>
          %dma_start3A_67 = tpu.memref_slice %arg7[%add3A_59] : memref<163840xi32, #tpu.memory_space<hbm>> -> memref<64xi32, #tpu.memory_space<hbm>>
          %dma_start3A_68 = tpu.memref_slice %arg7[%add3A_59] : memref<163840xi32, #tpu.memory_space<hbm>> -> memref<64xi32, #tpu.memory_space<hbm>>
          tpu.enqueue_dma source(%dma_start3A_68 : memref<64xi32, #tpu.memory_space<hbm>>) target(%arg13 : memref<64xi32, #tpu.memory_space<vmem>>) target_semaphore(%run_scoped3A : memref<!tpu.dma_semaphore, #tpu.memory_space<semaphore_mem>>)
          %dma_wait3A_69 = tpu.memref_slice %arg7[%add3A_59] : memref<163840xi32, #tpu.memory_space<hbm>> -> memref<64xi32, #tpu.memory_space<hbm>>
          %dma_wait3A_70 = tpu.memref_slice %arg7[%add3A_59] : memref<163840xi32, #tpu.memory_space<hbm>> -> memref<64xi32, #tpu.memory_space<hbm>>
          tpu.wait_dma2 semaphore(%run_scoped3A : memref<!tpu.dma_semaphore, #tpu.memory_space<semaphore_mem>>) src(%dma_wait3A_70 : memref<64xi32, #tpu.memory_space<hbm>>) dst(%arg13 : memref<64xi32, #tpu.memory_space<vmem>>)
          tpu.yield
        }) : () -> ()
        %dma_start3A_60 = arith.constant 0 : i32
        %dma_start3A_61 = arith.constant 0 : i32
        %dma_start3A_62 = tpu.memref_slice %arg2[%dma_start3A_60, %dma_start3A_61] : memref<10240x128xf32, #tpu.memory_space<hbm>> -> memref<10240x128xf32, #tpu.memory_space<hbm>>
        tpu.enqueue_indirect_dma source(%dma_start3A_62 : memref<10240x128xf32, #tpu.memory_space<hbm>>) target(%arg10 : memref<64x128xf32, #tpu.memory_space<vmem>>) offsets(%arg12 : memref<64xi32, #tpu.memory_space<vmem>>) semaphore(%arg15 : memref<!tpu.dma_semaphore, #tpu.memory_space<semaphore_mem>>)
        %dma_start3A_63 = arith.constant 0 : i32
        %dma_start3A_64 = tpu.memref_slice %arg4[%add3A_59, %dma_start3A_63] : memref<163840x128xf32, #tpu.memory_space<hbm>> -> memref<64x128xf32, #tpu.memory_space<hbm>>
        %dma_start3A_65 = arith.constant 0 : i32
        %dma_start3A_66 = tpu.memref_slice %arg4[%add3A_59, %dma_start3A_65] : memref<163840x128xf32, #tpu.memory_space<hbm>> -> memref<64x128xf32, #tpu.memory_space<hbm>>
        tpu.enqueue_dma source(%dma_start3A_66 : memref<64x128xf32, #tpu.memory_space<hbm>>) target(%arg11 : memref<64x128xf32, #tpu.memory_space<vmem>>) target_semaphore(%arg16 : memref<!tpu.dma_semaphore, #tpu.memory_space<semaphore_mem>>)
      } else {
      }
      %dma_wait3A_49 = arith.constant 0 : i32
      %dma_wait3A_50 = arith.constant 0 : i32
      %dma_wait3A_51 = tpu.memref_slice %arg3[%dma_wait3A_49, %dma_wait3A_50] : memref<10240x128xf32, #tpu.memory_space<hbm>> -> memref<10240x128xf32, #tpu.memory_space<hbm>>
      tpu.wait_indirect_dma semaphore(%arg22 : memref<!tpu.dma_semaphore, #tpu.memory_space<semaphore_mem>>) src(%dma_wait3A_51 : memref<10240x128xf32, #tpu.memory_space<hbm>>) dst(%arg17 : memref<64x128xf32, #tpu.memory_space<vmem>>)
      %dma_wait3A_52 = arith.constant 0 : i32
      %dma_wait3A_53 = arith.constant 0 : i32
      %dma_wait3A_54 = tpu.memref_slice %arg3[%dma_wait3A_52, %dma_wait3A_53] : memref<10240x128xf32, #tpu.memory_space<hbm>> -> memref<10240x128xf32, #tpu.memory_space<hbm>>
      tpu.wait_indirect_dma semaphore(%arg23 : memref<!tpu.dma_semaphore, #tpu.memory_space<semaphore_mem>>) src(%dma_wait3A_54 : memref<10240x128xf32, #tpu.memory_space<hbm>>) dst(%arg18 : memref<64x128xf32, #tpu.memory_space<vmem>>)
      "tpu.region"() ({
        %run_scoped3A = tpu.sem_alloc : memref<!tpu.dma_semaphore, #tpu.memory_space<semaphore_mem>>
        %dma_start3A_55 = arith.constant 0 : i32
        %dma_start3A_56 = arith.constant 0 : i32
        %dma_start3A_57 = tpu.memref_slice %arg25[%dma_start3A_55, %dma_start3A_56] : memref<10240x128xf32, #tpu.memory_space<vmem_shared>> -> memref<10240x128xf32, #tpu.memory_space<vmem_shared>>
        tpu.enqueue_indirect_dma source(%arg17 : memref<64x128xf32, #tpu.memory_space<vmem>>) target(%dma_start3A_57 : memref<10240x128xf32, #tpu.memory_space<vmem_shared>>) offsets(%arg19 : memref<64xi32, #tpu.memory_space<vmem>>) semaphore(%run_scoped3A : memref<!tpu.dma_semaphore, #tpu.memory_space<semaphore_mem>>) {add = true}
        %dma_wait3A_58 = arith.constant 0 : i32
        %dma_wait3A_59 = arith.constant 0 : i32
        %dma_wait3A_60 = tpu.memref_slice %arg25[%dma_wait3A_58, %dma_wait3A_59] : memref<10240x128xf32, #tpu.memory_space<vmem_shared>> -> memref<10240x128xf32, #tpu.memory_space<vmem_shared>>
        tpu.wait_indirect_dma semaphore(%run_scoped3A : memref<!tpu.dma_semaphore, #tpu.memory_space<semaphore_mem>>) src(%arg17 : memref<64x128xf32, #tpu.memory_space<vmem>>) dst(%dma_wait3A_60 : memref<10240x128xf32, #tpu.memory_space<vmem_shared>>)
        tpu.yield
      }) : () -> ()
      "tpu.region"() ({
        %run_scoped3A = tpu.sem_alloc : memref<!tpu.dma_semaphore, #tpu.memory_space<semaphore_mem>>
        %dma_start3A_55 = arith.constant 0 : i32
        %dma_start3A_56 = arith.constant 0 : i32
        %dma_start3A_57 = tpu.memref_slice %arg25[%dma_start3A_55, %dma_start3A_56] : memref<10240x128xf32, #tpu.memory_space<vmem_shared>> -> memref<10240x128xf32, #tpu.memory_space<vmem_shared>>
        tpu.enqueue_indirect_dma source(%arg18 : memref<64x128xf32, #tpu.memory_space<vmem>>) target(%dma_start3A_57 : memref<10240x128xf32, #tpu.memory_space<vmem_shared>>) offsets(%arg19 : memref<64xi32, #tpu.memory_space<vmem>>) semaphore(%run_scoped3A : memref<!tpu.dma_semaphore, #tpu.memory_space<semaphore_mem>>) {add = true}
        %dma_wait3A_58 = arith.constant 0 : i32
        %dma_wait3A_59 = arith.constant 0 : i32
        %dma_wait3A_60 = tpu.memref_slice %arg25[%dma_wait3A_58, %dma_wait3A_59] : memref<10240x128xf32, #tpu.memory_space<vmem_shared>> -> memref<10240x128xf32, #tpu.memory_space<vmem_shared>>
        tpu.wait_indirect_dma semaphore(%run_scoped3A : memref<!tpu.dma_semaphore, #tpu.memory_space<semaphore_mem>>) src(%arg18 : memref<64x128xf32, #tpu.memory_space<vmem>>) dst(%dma_wait3A_60 : memref<10240x128xf32, #tpu.memory_space<vmem_shared>>)
        tpu.yield
      }) : () -> ()
    }
    %scan3A_18 = arith.constant 80 : i32
    %barrier3A_19 = arith.constant 0 : index
    tpu.barrier barrier_id(%barrier3A_19)
    %scan3A_20 = arith.constant 0 : i32
    %scan3A_21 = arith.constant 5 : i32
    %scan3A_22 = arith.addi %scan3A_20, %scan3A_21 : i32
    %scan3A_23 = arith.constant 1 : i32
    scf.for %scan3A_25 = %scan3A_20 to %scan3A_22 step %scan3A_23  : i32 {
      %mul3A_26 = arith.constant 1 : i32
      %mul3A_27 = arith.muli %scan3A_25, %mul3A_26 : i32
      %add3A_28 = arith.constant 0 : i32
      %add3A_29 = arith.addi %add3A_28, %mul3A_27 : i32
      %mul3A_30 = arith.constant 640 : i32
      %mul3A_31 = arith.muli %arg1, %mul3A_30 : i32
      %mul3A_32 = arith.constant 128 : i32
      %mul3A_33 = arith.muli %add3A_29, %mul3A_32 : i32
      %add3A_34 = arith.addi %mul3A_31, %mul3A_33 : i32
      %mul3A_35 = arith.constant 10240 : i32
      %mul3A_36 = arith.muli %arg0, %mul3A_35 : i32
      %add3A_37 = arith.addi %mul3A_36, %add3A_34 : i32
      "tpu.region"() ({
        %run_scoped3A = tpu.sem_alloc : memref<!tpu.dma_semaphore, #tpu.memory_space<semaphore_mem>>
        %dma_start3A_38 = arith.constant 0 : i32
        %dma_start3A_39 = tpu.memref_slice %arg9[%add3A_37, %dma_start3A_38] : memref<20480x128xf32, #tpu.memory_space<hbm>> -> memref<128x128xf32, #tpu.memory_space<hbm>>
        %dma_start3A_40 = arith.constant 0 : i32
        %dma_start3A_41 = tpu.memref_slice %arg25[%add3A_34, %dma_start3A_40] : memref<10240x128xf32, #tpu.memory_space<vmem_shared>> -> memref<128x128xf32, #tpu.memory_space<vmem_shared>>
        tpu.enqueue_dma source(%dma_start3A_41 : memref<128x128xf32, #tpu.memory_space<vmem_shared>>) target(%dma_start3A_39 : memref<128x128xf32, #tpu.memory_space<hbm>>) target_semaphore(%run_scoped3A : memref<!tpu.dma_semaphore, #tpu.memory_space<semaphore_mem>>)
        %dma_wait3A = arith.constant 0 : i32
        %dma_wait3A_42 = tpu.memref_slice %arg9[%add3A_37, %dma_wait3A] : memref<20480x128xf32, #tpu.memory_space<hbm>> -> memref<128x128xf32, #tpu.memory_space<hbm>>
        %dma_wait3A_43 = arith.constant 0 : i32
        %dma_wait3A_44 = tpu.memref_slice %arg25[%add3A_34, %dma_wait3A_43] : memref<10240x128xf32, #tpu.memory_space<vmem_shared>> -> memref<128x128xf32, #tpu.memory_space<vmem_shared>>
        tpu.wait_dma2 semaphore(%run_scoped3A : memref<!tpu.dma_semaphore, #tpu.memory_space<semaphore_mem>>) src(%dma_wait3A_44 : memref<128x128xf32, #tpu.memory_space<vmem_shared>>) dst(%dma_wait3A_42 : memref<128x128xf32, #tpu.memory_space<hbm>>)
        tpu.yield
      }) : () -> ()
    }
    %scan3A_24 = arith.constant 5 : i32
    return
  }
}

#map = affine_map<(d0, d1) -> (0, 0)>
#map1 = affine_map<(d0, d1) -> (0)>
module attributes {stable_mosaic.version = 14 : i64} {
  func.func @body(%arg0: i32, %arg1: i32, %arg2: memref<10240x128xf32, #tpu.memory_space<hbm>>, %arg3: memref<512x128xf32, #tpu.memory_space<hbm>>, %arg4: memref<163840xi32, #tpu.memory_space<hbm>>, %arg5: memref<163840xi32, #tpu.memory_space<hbm>>, %arg6: memref<163840xi32, #tpu.memory_space<hbm>>, %arg7: memref<2621440xf32, #tpu.memory_space<hbm>>, %arg8: memref<80x128xf32, #tpu.memory_space<vmem>>, %arg9: memref<80x128xf32, #tpu.memory_space<vmem>>, %arg10: memref<80x128xf32, #tpu.memory_space<vmem>>, %arg11: memref<1280xf32, #tpu.memory_space<vmem>>, %arg12: memref<80xi32, #tpu.memory_space<vmem>>, %arg13: memref<80xi32, #tpu.memory_space<vmem>>, %arg14: memref<80xi32, #tpu.memory_space<vmem>>, %arg15: memref<!tpu.dma_semaphore, #tpu.memory_space<semaphore_mem>>, %arg16: memref<!tpu.dma_semaphore, #tpu.memory_space<semaphore_mem>>, %arg17: memref<!tpu.dma_semaphore, #tpu.memory_space<semaphore_mem>>, %arg18: memref<80x128xf32, #tpu.memory_space<vmem>>, %arg19: memref<80x128xf32, #tpu.memory_space<vmem>>, %arg20: memref<80x128xf32, #tpu.memory_space<vmem>>, %arg21: memref<1280xf32, #tpu.memory_space<vmem>>, %arg22: memref<80xi32, #tpu.memory_space<vmem>>, %arg23: memref<80xi32, #tpu.memory_space<vmem>>, %arg24: memref<80xi32, #tpu.memory_space<vmem>>, %arg25: memref<!tpu.dma_semaphore, #tpu.memory_space<semaphore_mem>>, %arg26: memref<!tpu.dma_semaphore, #tpu.memory_space<semaphore_mem>>, %arg27: memref<!tpu.dma_semaphore, #tpu.memory_space<semaphore_mem>>) attributes {dimension_semantics = [#tpu.dimension_semantics<core_parallel>, #tpu.dimension_semantics<subcore_parallel>], iteration_bounds = array<i64: 2, 16>, scalar_prefetch = 0 : i64, scratch_operands = 20 : i64, tpu.core_type = #tpu.core_type<sc_vector_subcore>, window_params = [{transform_indices = #map}, {transform_indices = #map}, {transform_indices = #map1}, {transform_indices = #map1}, {transform_indices = #map1}, {transform_indices = #map1}]} {
    %mul3A = arith.constant 2 : i32
    %mul3A_0 = arith.muli %arg1, %mul3A : i32
    %add3A = arith.addi %mul3A_0, %arg0 : i32
    %mul3A_1 = arith.constant 64 : i32
    %mul3A_2 = arith.muli %add3A, %mul3A_1 : i32
    %mul3A_3 = arith.constant 80 : i32
    %mul3A_4 = arith.muli %mul3A_2, %mul3A_3 : i32
    %add3A_5 = arith.constant 0 : i32
    %add3A_6 = arith.addi %mul3A_4, %add3A_5 : i32
    "tpu.region"() ({
      %run_scoped3A = tpu.sem_alloc : memref<!tpu.dma_semaphore, #tpu.memory_space<semaphore_mem>>
      %dma_start3A_19 = tpu.memref_slice %arg4[%add3A_6] : memref<163840xi32, #tpu.memory_space<hbm>> -> memref<80xi32, #tpu.memory_space<hbm>>
      %dma_start3A_20 = tpu.memref_slice %arg4[%add3A_6] : memref<163840xi32, #tpu.memory_space<hbm>> -> memref<80xi32, #tpu.memory_space<hbm>>
      tpu.enqueue_dma source(%dma_start3A_20 : memref<80xi32, #tpu.memory_space<hbm>>) target(%arg12 : memref<80xi32, #tpu.memory_space<vmem>>) target_semaphore(%run_scoped3A : memref<!tpu.dma_semaphore, #tpu.memory_space<semaphore_mem>>)
      %dma_wait3A = tpu.memref_slice %arg4[%add3A_6] : memref<163840xi32, #tpu.memory_space<hbm>> -> memref<80xi32, #tpu.memory_space<hbm>>
      %dma_wait3A_21 = tpu.memref_slice %arg4[%add3A_6] : memref<163840xi32, #tpu.memory_space<hbm>> -> memref<80xi32, #tpu.memory_space<hbm>>
      tpu.wait_dma2 semaphore(%run_scoped3A : memref<!tpu.dma_semaphore, #tpu.memory_space<semaphore_mem>>) src(%dma_wait3A_21 : memref<80xi32, #tpu.memory_space<hbm>>) dst(%arg12 : memref<80xi32, #tpu.memory_space<vmem>>)
      tpu.yield
    }) : () -> ()
    "tpu.region"() ({
      %run_scoped3A = tpu.sem_alloc : memref<!tpu.dma_semaphore, #tpu.memory_space<semaphore_mem>>
      %dma_start3A_19 = tpu.memref_slice %arg5[%add3A_6] : memref<163840xi32, #tpu.memory_space<hbm>> -> memref<80xi32, #tpu.memory_space<hbm>>
      %dma_start3A_20 = tpu.memref_slice %arg5[%add3A_6] : memref<163840xi32, #tpu.memory_space<hbm>> -> memref<80xi32, #tpu.memory_space<hbm>>
      tpu.enqueue_dma source(%dma_start3A_20 : memref<80xi32, #tpu.memory_space<hbm>>) target(%arg13 : memref<80xi32, #tpu.memory_space<vmem>>) target_semaphore(%run_scoped3A : memref<!tpu.dma_semaphore, #tpu.memory_space<semaphore_mem>>)
      %dma_wait3A = tpu.memref_slice %arg5[%add3A_6] : memref<163840xi32, #tpu.memory_space<hbm>> -> memref<80xi32, #tpu.memory_space<hbm>>
      %dma_wait3A_21 = tpu.memref_slice %arg5[%add3A_6] : memref<163840xi32, #tpu.memory_space<hbm>> -> memref<80xi32, #tpu.memory_space<hbm>>
      tpu.wait_dma2 semaphore(%run_scoped3A : memref<!tpu.dma_semaphore, #tpu.memory_space<semaphore_mem>>) src(%dma_wait3A_21 : memref<80xi32, #tpu.memory_space<hbm>>) dst(%arg13 : memref<80xi32, #tpu.memory_space<vmem>>)
      tpu.yield
    }) : () -> ()
    "tpu.region"() ({
      %run_scoped3A = tpu.sem_alloc : memref<!tpu.dma_semaphore, #tpu.memory_space<semaphore_mem>>
      %dma_start3A_19 = tpu.memref_slice %arg6[%add3A_6] : memref<163840xi32, #tpu.memory_space<hbm>> -> memref<80xi32, #tpu.memory_space<hbm>>
      %dma_start3A_20 = tpu.memref_slice %arg6[%add3A_6] : memref<163840xi32, #tpu.memory_space<hbm>> -> memref<80xi32, #tpu.memory_space<hbm>>
      tpu.enqueue_dma source(%dma_start3A_20 : memref<80xi32, #tpu.memory_space<hbm>>) target(%arg14 : memref<80xi32, #tpu.memory_space<vmem>>) target_semaphore(%run_scoped3A : memref<!tpu.dma_semaphore, #tpu.memory_space<semaphore_mem>>)
      %dma_wait3A = tpu.memref_slice %arg6[%add3A_6] : memref<163840xi32, #tpu.memory_space<hbm>> -> memref<80xi32, #tpu.memory_space<hbm>>
      %dma_wait3A_21 = tpu.memref_slice %arg6[%add3A_6] : memref<163840xi32, #tpu.memory_space<hbm>> -> memref<80xi32, #tpu.memory_space<hbm>>
      tpu.wait_dma2 semaphore(%run_scoped3A : memref<!tpu.dma_semaphore, #tpu.memory_space<semaphore_mem>>) src(%dma_wait3A_21 : memref<80xi32, #tpu.memory_space<hbm>>) dst(%arg14 : memref<80xi32, #tpu.memory_space<vmem>>)
      tpu.yield
    }) : () -> ()
    %dma_start3A = arith.constant 0 : i32
    %dma_start3A_7 = arith.constant 0 : i32
    %dma_start3A_8 = tpu.memref_slice %arg2[%dma_start3A, %dma_start3A_7] : memref<10240x128xf32, #tpu.memory_space<hbm>> -> memref<10240x128xf32, #tpu.memory_space<hbm>>
    tpu.enqueue_indirect_dma source(%dma_start3A_8 : memref<10240x128xf32, #tpu.memory_space<hbm>>) target(%arg8 : memref<80x128xf32, #tpu.memory_space<vmem>>) offsets(%arg12 : memref<80xi32, #tpu.memory_space<vmem>>) semaphore(%arg15 : memref<!tpu.dma_semaphore, #tpu.memory_space<semaphore_mem>>)
    %dma_start3A_9 = arith.constant 0 : i32
    %dma_start3A_10 = arith.constant 0 : i32
    %dma_start3A_11 = tpu.memref_slice %arg2[%dma_start3A_9, %dma_start3A_10] : memref<10240x128xf32, #tpu.memory_space<hbm>> -> memref<10240x128xf32, #tpu.memory_space<hbm>>
    tpu.enqueue_indirect_dma source(%dma_start3A_11 : memref<10240x128xf32, #tpu.memory_space<hbm>>) target(%arg9 : memref<80x128xf32, #tpu.memory_space<vmem>>) offsets(%arg13 : memref<80xi32, #tpu.memory_space<vmem>>) semaphore(%arg16 : memref<!tpu.dma_semaphore, #tpu.memory_space<semaphore_mem>>)
    %dma_start3A_12 = arith.constant 0 : i32
    %dma_start3A_13 = arith.constant 0 : i32
    %dma_start3A_14 = tpu.memref_slice %arg3[%dma_start3A_12, %dma_start3A_13] : memref<512x128xf32, #tpu.memory_space<hbm>> -> memref<512x128xf32, #tpu.memory_space<hbm>>
    tpu.enqueue_indirect_dma source(%dma_start3A_14 : memref<512x128xf32, #tpu.memory_space<hbm>>) target(%arg10 : memref<80x128xf32, #tpu.memory_space<vmem>>) offsets(%arg14 : memref<80xi32, #tpu.memory_space<vmem>>) semaphore(%arg17 : memref<!tpu.dma_semaphore, #tpu.memory_space<semaphore_mem>>)
    %scan3A = arith.constant 0 : i32
    %scan3A_15 = arith.constant 32 : i32
    %scan3A_16 = arith.addi %scan3A, %scan3A_15 : i32
    %scan3A_17 = arith.constant 1 : i32
    scf.for %scan3A_19 = %scan3A to %scan3A_16 step %scan3A_17  : i32 {
      %mul3A_20 = arith.constant 1 : i32
      %mul3A_21 = arith.muli %scan3A_19, %mul3A_20 : i32
      %add3A_22 = arith.constant 0 : i32
      %add3A_23 = arith.addi %add3A_22, %mul3A_21 : i32
      %mul3A_24 = arith.constant 2 : i32
      %mul3A_25 = arith.muli %add3A_23, %mul3A_24 : i32
      %add3A_26 = arith.constant 1 : i32
      %add3A_27 = arith.addi %mul3A_25, %add3A_26 : i32
      %mul3A_28 = arith.constant 80 : i32
      %mul3A_29 = arith.muli %add3A_27, %mul3A_28 : i32
      %add3A_30 = arith.addi %mul3A_4, %mul3A_29 : i32
      "tpu.region"() ({
        %run_scoped3A = tpu.sem_alloc : memref<!tpu.dma_semaphore, #tpu.memory_space<semaphore_mem>>
        %dma_start3A_83 = tpu.memref_slice %arg4[%add3A_30] : memref<163840xi32, #tpu.memory_space<hbm>> -> memref<80xi32, #tpu.memory_space<hbm>>
        %dma_start3A_84 = tpu.memref_slice %arg4[%add3A_30] : memref<163840xi32, #tpu.memory_space<hbm>> -> memref<80xi32, #tpu.memory_space<hbm>>
        tpu.enqueue_dma source(%dma_start3A_84 : memref<80xi32, #tpu.memory_space<hbm>>) target(%arg22 : memref<80xi32, #tpu.memory_space<vmem>>) target_semaphore(%run_scoped3A : memref<!tpu.dma_semaphore, #tpu.memory_space<semaphore_mem>>)
        %dma_wait3A_85 = tpu.memref_slice %arg4[%add3A_30] : memref<163840xi32, #tpu.memory_space<hbm>> -> memref<80xi32, #tpu.memory_space<hbm>>
        %dma_wait3A_86 = tpu.memref_slice %arg4[%add3A_30] : memref<163840xi32, #tpu.memory_space<hbm>> -> memref<80xi32, #tpu.memory_space<hbm>>
        tpu.wait_dma2 semaphore(%run_scoped3A : memref<!tpu.dma_semaphore, #tpu.memory_space<semaphore_mem>>) src(%dma_wait3A_86 : memref<80xi32, #tpu.memory_space<hbm>>) dst(%arg22 : memref<80xi32, #tpu.memory_space<vmem>>)
        tpu.yield
      }) : () -> ()
      "tpu.region"() ({
        %run_scoped3A = tpu.sem_alloc : memref<!tpu.dma_semaphore, #tpu.memory_space<semaphore_mem>>
        %dma_start3A_83 = tpu.memref_slice %arg5[%add3A_30] : memref<163840xi32, #tpu.memory_space<hbm>> -> memref<80xi32, #tpu.memory_space<hbm>>
        %dma_start3A_84 = tpu.memref_slice %arg5[%add3A_30] : memref<163840xi32, #tpu.memory_space<hbm>> -> memref<80xi32, #tpu.memory_space<hbm>>
        tpu.enqueue_dma source(%dma_start3A_84 : memref<80xi32, #tpu.memory_space<hbm>>) target(%arg23 : memref<80xi32, #tpu.memory_space<vmem>>) target_semaphore(%run_scoped3A : memref<!tpu.dma_semaphore, #tpu.memory_space<semaphore_mem>>)
        %dma_wait3A_85 = tpu.memref_slice %arg5[%add3A_30] : memref<163840xi32, #tpu.memory_space<hbm>> -> memref<80xi32, #tpu.memory_space<hbm>>
        %dma_wait3A_86 = tpu.memref_slice %arg5[%add3A_30] : memref<163840xi32, #tpu.memory_space<hbm>> -> memref<80xi32, #tpu.memory_space<hbm>>
        tpu.wait_dma2 semaphore(%run_scoped3A : memref<!tpu.dma_semaphore, #tpu.memory_space<semaphore_mem>>) src(%dma_wait3A_86 : memref<80xi32, #tpu.memory_space<hbm>>) dst(%arg23 : memref<80xi32, #tpu.memory_space<vmem>>)
        tpu.yield
      }) : () -> ()
      "tpu.region"() ({
        %run_scoped3A = tpu.sem_alloc : memref<!tpu.dma_semaphore, #tpu.memory_space<semaphore_mem>>
        %dma_start3A_83 = tpu.memref_slice %arg6[%add3A_30] : memref<163840xi32, #tpu.memory_space<hbm>> -> memref<80xi32, #tpu.memory_space<hbm>>
        %dma_start3A_84 = tpu.memref_slice %arg6[%add3A_30] : memref<163840xi32, #tpu.memory_space<hbm>> -> memref<80xi32, #tpu.memory_space<hbm>>
        tpu.enqueue_dma source(%dma_start3A_84 : memref<80xi32, #tpu.memory_space<hbm>>) target(%arg24 : memref<80xi32, #tpu.memory_space<vmem>>) target_semaphore(%run_scoped3A : memref<!tpu.dma_semaphore, #tpu.memory_space<semaphore_mem>>)
        %dma_wait3A_85 = tpu.memref_slice %arg6[%add3A_30] : memref<163840xi32, #tpu.memory_space<hbm>> -> memref<80xi32, #tpu.memory_space<hbm>>
        %dma_wait3A_86 = tpu.memref_slice %arg6[%add3A_30] : memref<163840xi32, #tpu.memory_space<hbm>> -> memref<80xi32, #tpu.memory_space<hbm>>
        tpu.wait_dma2 semaphore(%run_scoped3A : memref<!tpu.dma_semaphore, #tpu.memory_space<semaphore_mem>>) src(%dma_wait3A_86 : memref<80xi32, #tpu.memory_space<hbm>>) dst(%arg24 : memref<80xi32, #tpu.memory_space<vmem>>)
        tpu.yield
      }) : () -> ()
      %dma_start3A_31 = arith.constant 0 : i32
      %dma_start3A_32 = arith.constant 0 : i32
      %dma_start3A_33 = tpu.memref_slice %arg2[%dma_start3A_31, %dma_start3A_32] : memref<10240x128xf32, #tpu.memory_space<hbm>> -> memref<10240x128xf32, #tpu.memory_space<hbm>>
      tpu.enqueue_indirect_dma source(%dma_start3A_33 : memref<10240x128xf32, #tpu.memory_space<hbm>>) target(%arg18 : memref<80x128xf32, #tpu.memory_space<vmem>>) offsets(%arg22 : memref<80xi32, #tpu.memory_space<vmem>>) semaphore(%arg25 : memref<!tpu.dma_semaphore, #tpu.memory_space<semaphore_mem>>)
      %dma_start3A_34 = arith.constant 0 : i32
      %dma_start3A_35 = arith.constant 0 : i32
      %dma_start3A_36 = tpu.memref_slice %arg2[%dma_start3A_34, %dma_start3A_35] : memref<10240x128xf32, #tpu.memory_space<hbm>> -> memref<10240x128xf32, #tpu.memory_space<hbm>>
      tpu.enqueue_indirect_dma source(%dma_start3A_36 : memref<10240x128xf32, #tpu.memory_space<hbm>>) target(%arg19 : memref<80x128xf32, #tpu.memory_space<vmem>>) offsets(%arg23 : memref<80xi32, #tpu.memory_space<vmem>>) semaphore(%arg26 : memref<!tpu.dma_semaphore, #tpu.memory_space<semaphore_mem>>)
      %dma_start3A_37 = arith.constant 0 : i32
      %dma_start3A_38 = arith.constant 0 : i32
      %dma_start3A_39 = tpu.memref_slice %arg3[%dma_start3A_37, %dma_start3A_38] : memref<512x128xf32, #tpu.memory_space<hbm>> -> memref<512x128xf32, #tpu.memory_space<hbm>>
      tpu.enqueue_indirect_dma source(%dma_start3A_39 : memref<512x128xf32, #tpu.memory_space<hbm>>) target(%arg20 : memref<80x128xf32, #tpu.memory_space<vmem>>) offsets(%arg24 : memref<80xi32, #tpu.memory_space<vmem>>) semaphore(%arg27 : memref<!tpu.dma_semaphore, #tpu.memory_space<semaphore_mem>>)
      %dma_wait3A = arith.constant 0 : i32
      %dma_wait3A_40 = arith.constant 0 : i32
      %dma_wait3A_41 = tpu.memref_slice %arg2[%dma_wait3A, %dma_wait3A_40] : memref<10240x128xf32, #tpu.memory_space<hbm>> -> memref<10240x128xf32, #tpu.memory_space<hbm>>
      tpu.wait_indirect_dma semaphore(%arg15 : memref<!tpu.dma_semaphore, #tpu.memory_space<semaphore_mem>>) src(%dma_wait3A_41 : memref<10240x128xf32, #tpu.memory_space<hbm>>) dst(%arg8 : memref<80x128xf32, #tpu.memory_space<vmem>>)
      %dma_wait3A_42 = arith.constant 0 : i32
      %dma_wait3A_43 = arith.constant 0 : i32
      %dma_wait3A_44 = tpu.memref_slice %arg2[%dma_wait3A_42, %dma_wait3A_43] : memref<10240x128xf32, #tpu.memory_space<hbm>> -> memref<10240x128xf32, #tpu.memory_space<hbm>>
      tpu.wait_indirect_dma semaphore(%arg16 : memref<!tpu.dma_semaphore, #tpu.memory_space<semaphore_mem>>) src(%dma_wait3A_44 : memref<10240x128xf32, #tpu.memory_space<hbm>>) dst(%arg9 : memref<80x128xf32, #tpu.memory_space<vmem>>)
      %dma_wait3A_45 = arith.constant 0 : i32
      %dma_wait3A_46 = arith.constant 0 : i32
      %dma_wait3A_47 = tpu.memref_slice %arg3[%dma_wait3A_45, %dma_wait3A_46] : memref<512x128xf32, #tpu.memory_space<hbm>> -> memref<512x128xf32, #tpu.memory_space<hbm>>
      tpu.wait_indirect_dma semaphore(%arg17 : memref<!tpu.dma_semaphore, #tpu.memory_space<semaphore_mem>>) src(%dma_wait3A_47 : memref<512x128xf32, #tpu.memory_space<hbm>>) dst(%arg10 : memref<80x128xf32, #tpu.memory_space<vmem>>)
      %scan3A_48 = arith.constant 0 : i32
      %scan3A_49 = arith.constant 80 : i32
      %scan3A_50 = arith.addi %scan3A_48, %scan3A_49 : i32
      %scan3A_51 = arith.constant 1 : i32
      scf.for %scan3A_83 = %scan3A_48 to %scan3A_50 step %scan3A_51  : i32 {
        %mul3A_84 = arith.constant 1 : i32
        %mul3A_85 = arith.muli %scan3A_83, %mul3A_84 : i32
        %add3A_86 = arith.constant 0 : i32
        %add3A_87 = arith.addi %add3A_86, %mul3A_85 : i32
        %broadcast_in_dim3A = arith.constant 0.000000e+00 : f32
        %broadcast_in_dim3A_88 = vector.broadcast %broadcast_in_dim3A : f32 to vector<16xf32>
        %get3A = arith.index_cast %add3A_87 : i32 to index
        %get3A_89 = arith.constant 0 : index
        %get3A_90 = tpu.vector_load %arg8[%get3A, %get3A_89] {strides = array<i32>} : memref<80x128xf32, #tpu.memory_space<vmem>>, vector<1x16xf32>,
        %get3A_91 = vector.shape_cast %get3A_90 : vector<1x16xf32> to vector<16xf32>
        %get3A_92 = arith.index_cast %add3A_87 : i32 to index
        %get3A_93 = arith.constant 0 : index
        %get3A_94 = tpu.vector_load %arg10[%get3A_92, %get3A_93] {strides = array<i32>} : memref<80x128xf32, #tpu.memory_space<vmem>>, vector<1x16xf32>,
        %get3A_95 = vector.shape_cast %get3A_94 : vector<1x16xf32> to vector<16xf32>
        %add3A_96 = arith.addf %get3A_91, %get3A_95 : vector<16xf32>
        %get3A_97 = arith.index_cast %add3A_87 : i32 to index
        %get3A_98 = arith.constant 0 : index
        %get3A_99 = tpu.vector_load %arg9[%get3A_97, %get3A_98] {strides = array<i32>} : memref<80x128xf32, #tpu.memory_space<vmem>>, vector<1x16xf32>,
        %get3A_100 = vector.shape_cast %get3A_99 : vector<1x16xf32> to vector<16xf32>
        %sub3A = arith.subf %add3A_96, %get3A_100 : vector<16xf32>
        %mul3A_101 = arith.mulf %sub3A, %sub3A : vector<16xf32>
        %add3A_102 = arith.addf %broadcast_in_dim3A_88, %mul3A_101 : vector<16xf32>
        %get3A_103 = arith.index_cast %add3A_87 : i32 to index
        %get3A_104 = arith.constant 16 : index
        %get3A_105 = tpu.vector_load %arg8[%get3A_103, %get3A_104] {strides = array<i32>} : memref<80x128xf32, #tpu.memory_space<vmem>>, vector<1x16xf32>,
        %get3A_106 = vector.shape_cast %get3A_105 : vector<1x16xf32> to vector<16xf32>
        %get3A_107 = arith.index_cast %add3A_87 : i32 to index
        %get3A_108 = arith.constant 16 : index
        %get3A_109 = tpu.vector_load %arg10[%get3A_107, %get3A_108] {strides = array<i32>} : memref<80x128xf32, #tpu.memory_space<vmem>>, vector<1x16xf32>,
        %get3A_110 = vector.shape_cast %get3A_109 : vector<1x16xf32> to vector<16xf32>
        %add3A_111 = arith.addf %get3A_106, %get3A_110 : vector<16xf32>
        %get3A_112 = arith.index_cast %add3A_87 : i32 to index
        %get3A_113 = arith.constant 16 : index
        %get3A_114 = tpu.vector_load %arg9[%get3A_112, %get3A_113] {strides = array<i32>} : memref<80x128xf32, #tpu.memory_space<vmem>>, vector<1x16xf32>,
        %get3A_115 = vector.shape_cast %get3A_114 : vector<1x16xf32> to vector<16xf32>
        %sub3A_116 = arith.subf %add3A_111, %get3A_115 : vector<16xf32>
        %mul3A_117 = arith.mulf %sub3A_116, %sub3A_116 : vector<16xf32>
        %add3A_118 = arith.addf %add3A_102, %mul3A_117 : vector<16xf32>
        %get3A_119 = arith.index_cast %add3A_87 : i32 to index
        %get3A_120 = arith.constant 32 : index
        %get3A_121 = tpu.vector_load %arg8[%get3A_119, %get3A_120] {strides = array<i32>} : memref<80x128xf32, #tpu.memory_space<vmem>>, vector<1x16xf32>,
        %get3A_122 = vector.shape_cast %get3A_121 : vector<1x16xf32> to vector<16xf32>
        %get3A_123 = arith.index_cast %add3A_87 : i32 to index
        %get3A_124 = arith.constant 32 : index
        %get3A_125 = tpu.vector_load %arg10[%get3A_123, %get3A_124] {strides = array<i32>} : memref<80x128xf32, #tpu.memory_space<vmem>>, vector<1x16xf32>,
        %get3A_126 = vector.shape_cast %get3A_125 : vector<1x16xf32> to vector<16xf32>
        %add3A_127 = arith.addf %get3A_122, %get3A_126 : vector<16xf32>
        %get3A_128 = arith.index_cast %add3A_87 : i32 to index
        %get3A_129 = arith.constant 32 : index
        %get3A_130 = tpu.vector_load %arg9[%get3A_128, %get3A_129] {strides = array<i32>} : memref<80x128xf32, #tpu.memory_space<vmem>>, vector<1x16xf32>,
        %get3A_131 = vector.shape_cast %get3A_130 : vector<1x16xf32> to vector<16xf32>
        %sub3A_132 = arith.subf %add3A_127, %get3A_131 : vector<16xf32>
        %mul3A_133 = arith.mulf %sub3A_132, %sub3A_132 : vector<16xf32>
        %add3A_134 = arith.addf %add3A_118, %mul3A_133 : vector<16xf32>
        %get3A_135 = arith.index_cast %add3A_87 : i32 to index
        %get3A_136 = arith.constant 48 : index
        %get3A_137 = tpu.vector_load %arg8[%get3A_135, %get3A_136] {strides = array<i32>} : memref<80x128xf32, #tpu.memory_space<vmem>>, vector<1x16xf32>,
        %get3A_138 = vector.shape_cast %get3A_137 : vector<1x16xf32> to vector<16xf32>
        %get3A_139 = arith.index_cast %add3A_87 : i32 to index
        %get3A_140 = arith.constant 48 : index
        %get3A_141 = tpu.vector_load %arg10[%get3A_139, %get3A_140] {strides = array<i32>} : memref<80x128xf32, #tpu.memory_space<vmem>>, vector<1x16xf32>,
        %get3A_142 = vector.shape_cast %get3A_141 : vector<1x16xf32> to vector<16xf32>
        %add3A_143 = arith.addf %get3A_138, %get3A_142 : vector<16xf32>
        %get3A_144 = arith.index_cast %add3A_87 : i32 to index
        %get3A_145 = arith.constant 48 : index
        %get3A_146 = tpu.vector_load %arg9[%get3A_144, %get3A_145] {strides = array<i32>} : memref<80x128xf32, #tpu.memory_space<vmem>>, vector<1x16xf32>,
        %get3A_147 = vector.shape_cast %get3A_146 : vector<1x16xf32> to vector<16xf32>
        %sub3A_148 = arith.subf %add3A_143, %get3A_147 : vector<16xf32>
        %mul3A_149 = arith.mulf %sub3A_148, %sub3A_148 : vector<16xf32>
        %add3A_150 = arith.addf %add3A_134, %mul3A_149 : vector<16xf32>
        %get3A_151 = arith.index_cast %add3A_87 : i32 to index
        %get3A_152 = arith.constant 64 : index
        %get3A_153 = tpu.vector_load %arg8[%get3A_151, %get3A_152] {strides = array<i32>} : memref<80x128xf32, #tpu.memory_space<vmem>>, vector<1x16xf32>,
        %get3A_154 = vector.shape_cast %get3A_153 : vector<1x16xf32> to vector<16xf32>
        %get3A_155 = arith.index_cast %add3A_87 : i32 to index
        %get3A_156 = arith.constant 64 : index
        %get3A_157 = tpu.vector_load %arg10[%get3A_155, %get3A_156] {strides = array<i32>} : memref<80x128xf32, #tpu.memory_space<vmem>>, vector<1x16xf32>,
        %get3A_158 = vector.shape_cast %get3A_157 : vector<1x16xf32> to vector<16xf32>
        %add3A_159 = arith.addf %get3A_154, %get3A_158 : vector<16xf32>
        %get3A_160 = arith.index_cast %add3A_87 : i32 to index
        %get3A_161 = arith.constant 64 : index
        %get3A_162 = tpu.vector_load %arg9[%get3A_160, %get3A_161] {strides = array<i32>} : memref<80x128xf32, #tpu.memory_space<vmem>>, vector<1x16xf32>,
        %get3A_163 = vector.shape_cast %get3A_162 : vector<1x16xf32> to vector<16xf32>
        %sub3A_164 = arith.subf %add3A_159, %get3A_163 : vector<16xf32>
        %mul3A_165 = arith.mulf %sub3A_164, %sub3A_164 : vector<16xf32>
        %add3A_166 = arith.addf %add3A_150, %mul3A_165 : vector<16xf32>
        %get3A_167 = arith.index_cast %add3A_87 : i32 to index
        %get3A_168 = arith.constant 80 : index
        %get3A_169 = tpu.vector_load %arg8[%get3A_167, %get3A_168] {strides = array<i32>} : memref<80x128xf32, #tpu.memory_space<vmem>>, vector<1x16xf32>,
        %get3A_170 = vector.shape_cast %get3A_169 : vector<1x16xf32> to vector<16xf32>
        %get3A_171 = arith.index_cast %add3A_87 : i32 to index
        %get3A_172 = arith.constant 80 : index
        %get3A_173 = tpu.vector_load %arg10[%get3A_171, %get3A_172] {strides = array<i32>} : memref<80x128xf32, #tpu.memory_space<vmem>>, vector<1x16xf32>,
        %get3A_174 = vector.shape_cast %get3A_173 : vector<1x16xf32> to vector<16xf32>
        %add3A_175 = arith.addf %get3A_170, %get3A_174 : vector<16xf32>
        %get3A_176 = arith.index_cast %add3A_87 : i32 to index
        %get3A_177 = arith.constant 80 : index
        %get3A_178 = tpu.vector_load %arg9[%get3A_176, %get3A_177] {strides = array<i32>} : memref<80x128xf32, #tpu.memory_space<vmem>>, vector<1x16xf32>,
        %get3A_179 = vector.shape_cast %get3A_178 : vector<1x16xf32> to vector<16xf32>
        %sub3A_180 = arith.subf %add3A_175, %get3A_179 : vector<16xf32>
        %mul3A_181 = arith.mulf %sub3A_180, %sub3A_180 : vector<16xf32>
        %add3A_182 = arith.addf %add3A_166, %mul3A_181 : vector<16xf32>
        %get3A_183 = arith.index_cast %add3A_87 : i32 to index
        %get3A_184 = arith.constant 96 : index
        %get3A_185 = tpu.vector_load %arg8[%get3A_183, %get3A_184] {strides = array<i32>} : memref<80x128xf32, #tpu.memory_space<vmem>>, vector<1x16xf32>,
        %get3A_186 = vector.shape_cast %get3A_185 : vector<1x16xf32> to vector<16xf32>
        %get3A_187 = arith.index_cast %add3A_87 : i32 to index
        %get3A_188 = arith.constant 96 : index
        %get3A_189 = tpu.vector_load %arg10[%get3A_187, %get3A_188] {strides = array<i32>} : memref<80x128xf32, #tpu.memory_space<vmem>>, vector<1x16xf32>,
        %get3A_190 = vector.shape_cast %get3A_189 : vector<1x16xf32> to vector<16xf32>
        %add3A_191 = arith.addf %get3A_186, %get3A_190 : vector<16xf32>
        %get3A_192 = arith.index_cast %add3A_87 : i32 to index
        %get3A_193 = arith.constant 96 : index
        %get3A_194 = tpu.vector_load %arg9[%get3A_192, %get3A_193] {strides = array<i32>} : memref<80x128xf32, #tpu.memory_space<vmem>>, vector<1x16xf32>,
        %get3A_195 = vector.shape_cast %get3A_194 : vector<1x16xf32> to vector<16xf32>
        %sub3A_196 = arith.subf %add3A_191, %get3A_195 : vector<16xf32>
        %mul3A_197 = arith.mulf %sub3A_196, %sub3A_196 : vector<16xf32>
        %add3A_198 = arith.addf %add3A_182, %mul3A_197 : vector<16xf32>
        %get3A_199 = arith.index_cast %add3A_87 : i32 to index
        %get3A_200 = arith.constant 112 : index
        %get3A_201 = tpu.vector_load %arg8[%get3A_199, %get3A_200] {strides = array<i32>} : memref<80x128xf32, #tpu.memory_space<vmem>>, vector<1x16xf32>,
        %get3A_202 = vector.shape_cast %get3A_201 : vector<1x16xf32> to vector<16xf32>
        %get3A_203 = arith.index_cast %add3A_87 : i32 to index
        %get3A_204 = arith.constant 112 : index
        %get3A_205 = tpu.vector_load %arg10[%get3A_203, %get3A_204] {strides = array<i32>} : memref<80x128xf32, #tpu.memory_space<vmem>>, vector<1x16xf32>,
        %get3A_206 = vector.shape_cast %get3A_205 : vector<1x16xf32> to vector<16xf32>
        %add3A_207 = arith.addf %get3A_202, %get3A_206 : vector<16xf32>
        %get3A_208 = arith.index_cast %add3A_87 : i32 to index
        %get3A_209 = arith.constant 112 : index
        %get3A_210 = tpu.vector_load %arg9[%get3A_208, %get3A_209] {strides = array<i32>} : memref<80x128xf32, #tpu.memory_space<vmem>>, vector<1x16xf32>,
        %get3A_211 = vector.shape_cast %get3A_210 : vector<1x16xf32> to vector<16xf32>
        %sub3A_212 = arith.subf %add3A_207, %get3A_211 : vector<16xf32>
        %mul3A_213 = arith.mulf %sub3A_212, %sub3A_212 : vector<16xf32>
        %add3A_214 = arith.addf %add3A_198, %mul3A_213 : vector<16xf32>
        %mul3A_215 = arith.constant 16 : i32
        %mul3A_216 = arith.muli %add3A_87, %mul3A_215 : i32
        %swap3A = arith.index_cast %mul3A_216 : i32 to index
        %swap3A_217 = tpu.vector_load %arg11[%swap3A] {strides = array<i32>} : memref<1280xf32, #tpu.memory_space<vmem>>, vector<16xf32>,
        %swap3A_218 = vector.shape_cast %swap3A_217 : vector<16xf32> to vector<16xf32>
        %swap3A_219 = vector.shape_cast %add3A_214 : vector<16xf32> to vector<16xf32>
        tpu.vector_store %arg11[%swap3A], %swap3A_219 {strides = array<i32>} : memref<1280xf32, #tpu.memory_space<vmem>>, vector<16xf32>,
      }
      %scan3A_52 = arith.constant 80 : i32
      %mul3A_53 = arith.constant 80 : i32
      %mul3A_54 = arith.muli %mul3A_25, %mul3A_53 : i32
      %add3A_55 = arith.addi %mul3A_4, %mul3A_54 : i32
      %mul3A_56 = arith.constant 16 : i32
      %mul3A_57 = arith.muli %add3A_55, %mul3A_56 : i32
      "tpu.region"() ({
        %run_scoped3A = tpu.sem_alloc : memref<!tpu.dma_semaphore, #tpu.memory_space<semaphore_mem>>
        %dma_start3A_83 = tpu.memref_slice %arg7[%mul3A_57] : memref<2621440xf32, #tpu.memory_space<hbm>> -> memref<1280xf32, #tpu.memory_space<hbm>>
        %dma_start3A_84 = tpu.memref_slice %arg7[%mul3A_57] : memref<2621440xf32, #tpu.memory_space<hbm>> -> memref<1280xf32, #tpu.memory_space<hbm>>
        tpu.enqueue_dma source(%arg11 : memref<1280xf32, #tpu.memory_space<vmem>>) target(%dma_start3A_84 : memref<1280xf32, #tpu.memory_space<hbm>>) target_semaphore(%run_scoped3A : memref<!tpu.dma_semaphore, #tpu.memory_space<semaphore_mem>>)
        %dma_wait3A_85 = tpu.memref_slice %arg7[%mul3A_57] : memref<2621440xf32, #tpu.memory_space<hbm>> -> memref<1280xf32, #tpu.memory_space<hbm>>
        %dma_wait3A_86 = tpu.memref_slice %arg7[%mul3A_57] : memref<2621440xf32, #tpu.memory_space<hbm>> -> memref<1280xf32, #tpu.memory_space<hbm>>
        tpu.wait_dma2 semaphore(%run_scoped3A : memref<!tpu.dma_semaphore, #tpu.memory_space<semaphore_mem>>) src(%arg11 : memref<1280xf32, #tpu.memory_space<vmem>>) dst(%dma_wait3A_86 : memref<1280xf32, #tpu.memory_space<hbm>>)
        tpu.yield
      }) : () -> ()
      %add3A_58 = arith.constant 2 : i32
      %add3A_59 = arith.addi %mul3A_25, %add3A_58 : i32
      %lt3A = arith.constant 64 : i32
      %lt3A_60 = arith.cmpi slt, %add3A_59, %lt3A : i32
      %convert_element_type3A = arith.extui %lt3A_60 : i1 to i32
      %cond3A = arith.constant 0 : i32
      %cond3A_61 = arith.cmpi ne, %convert_element_type3A, %cond3A : i32
      scf.if %cond3A_61 {
        %add3A_83 = arith.constant 2 : i32
        %add3A_84 = arith.addi %mul3A_25, %add3A_83 : i32
        %mul3A_85 = arith.constant 80 : i32
        %mul3A_86 = arith.muli %add3A_84, %mul3A_85 : i32
        %add3A_87 = arith.addi %mul3A_4, %mul3A_86 : i32
        "tpu.region"() ({
          %run_scoped3A = tpu.sem_alloc : memref<!tpu.dma_semaphore, #tpu.memory_space<semaphore_mem>>
          %dma_start3A_97 = tpu.memref_slice %arg4[%add3A_87] : memref<163840xi32, #tpu.memory_space<hbm>> -> memref<80xi32, #tpu.memory_space<hbm>>
          %dma_start3A_98 = tpu.memref_slice %arg4[%add3A_87] : memref<163840xi32, #tpu.memory_space<hbm>> -> memref<80xi32, #tpu.memory_space<hbm>>
          tpu.enqueue_dma source(%dma_start3A_98 : memref<80xi32, #tpu.memory_space<hbm>>) target(%arg12 : memref<80xi32, #tpu.memory_space<vmem>>) target_semaphore(%run_scoped3A : memref<!tpu.dma_semaphore, #tpu.memory_space<semaphore_mem>>)
          %dma_wait3A_99 = tpu.memref_slice %arg4[%add3A_87] : memref<163840xi32, #tpu.memory_space<hbm>> -> memref<80xi32, #tpu.memory_space<hbm>>
          %dma_wait3A_100 = tpu.memref_slice %arg4[%add3A_87] : memref<163840xi32, #tpu.memory_space<hbm>> -> memref<80xi32, #tpu.memory_space<hbm>>
          tpu.wait_dma2 semaphore(%run_scoped3A : memref<!tpu.dma_semaphore, #tpu.memory_space<semaphore_mem>>) src(%dma_wait3A_100 : memref<80xi32, #tpu.memory_space<hbm>>) dst(%arg12 : memref<80xi32, #tpu.memory_space<vmem>>)
          tpu.yield
        }) : () -> ()
        "tpu.region"() ({
          %run_scoped3A = tpu.sem_alloc : memref<!tpu.dma_semaphore, #tpu.memory_space<semaphore_mem>>
          %dma_start3A_97 = tpu.memref_slice %arg5[%add3A_87] : memref<163840xi32, #tpu.memory_space<hbm>> -> memref<80xi32, #tpu.memory_space<hbm>>
          %dma_start3A_98 = tpu.memref_slice %arg5[%add3A_87] : memref<163840xi32, #tpu.memory_space<hbm>> -> memref<80xi32, #tpu.memory_space<hbm>>
          tpu.enqueue_dma source(%dma_start3A_98 : memref<80xi32, #tpu.memory_space<hbm>>) target(%arg13 : memref<80xi32, #tpu.memory_space<vmem>>) target_semaphore(%run_scoped3A : memref<!tpu.dma_semaphore, #tpu.memory_space<semaphore_mem>>)
          %dma_wait3A_99 = tpu.memref_slice %arg5[%add3A_87] : memref<163840xi32, #tpu.memory_space<hbm>> -> memref<80xi32, #tpu.memory_space<hbm>>
          %dma_wait3A_100 = tpu.memref_slice %arg5[%add3A_87] : memref<163840xi32, #tpu.memory_space<hbm>> -> memref<80xi32, #tpu.memory_space<hbm>>
          tpu.wait_dma2 semaphore(%run_scoped3A : memref<!tpu.dma_semaphore, #tpu.memory_space<semaphore_mem>>) src(%dma_wait3A_100 : memref<80xi32, #tpu.memory_space<hbm>>) dst(%arg13 : memref<80xi32, #tpu.memory_space<vmem>>)
          tpu.yield
        }) : () -> ()
        "tpu.region"() ({
          %run_scoped3A = tpu.sem_alloc : memref<!tpu.dma_semaphore, #tpu.memory_space<semaphore_mem>>
          %dma_start3A_97 = tpu.memref_slice %arg6[%add3A_87] : memref<163840xi32, #tpu.memory_space<hbm>> -> memref<80xi32, #tpu.memory_space<hbm>>
          %dma_start3A_98 = tpu.memref_slice %arg6[%add3A_87] : memref<163840xi32, #tpu.memory_space<hbm>> -> memref<80xi32, #tpu.memory_space<hbm>>
          tpu.enqueue_dma source(%dma_start3A_98 : memref<80xi32, #tpu.memory_space<hbm>>) target(%arg14 : memref<80xi32, #tpu.memory_space<vmem>>) target_semaphore(%run_scoped3A : memref<!tpu.dma_semaphore, #tpu.memory_space<semaphore_mem>>)
          %dma_wait3A_99 = tpu.memref_slice %arg6[%add3A_87] : memref<163840xi32, #tpu.memory_space<hbm>> -> memref<80xi32, #tpu.memory_space<hbm>>
          %dma_wait3A_100 = tpu.memref_slice %arg6[%add3A_87] : memref<163840xi32, #tpu.memory_space<hbm>> -> memref<80xi32, #tpu.memory_space<hbm>>
          tpu.wait_dma2 semaphore(%run_scoped3A : memref<!tpu.dma_semaphore, #tpu.memory_space<semaphore_mem>>) src(%dma_wait3A_100 : memref<80xi32, #tpu.memory_space<hbm>>) dst(%arg14 : memref<80xi32, #tpu.memory_space<vmem>>)
          tpu.yield
        }) : () -> ()
        %dma_start3A_88 = arith.constant 0 : i32
        %dma_start3A_89 = arith.constant 0 : i32
        %dma_start3A_90 = tpu.memref_slice %arg2[%dma_start3A_88, %dma_start3A_89] : memref<10240x128xf32, #tpu.memory_space<hbm>> -> memref<10240x128xf32, #tpu.memory_space<hbm>>
        tpu.enqueue_indirect_dma source(%dma_start3A_90 : memref<10240x128xf32, #tpu.memory_space<hbm>>) target(%arg8 : memref<80x128xf32, #tpu.memory_space<vmem>>) offsets(%arg12 : memref<80xi32, #tpu.memory_space<vmem>>) semaphore(%arg15 : memref<!tpu.dma_semaphore, #tpu.memory_space<semaphore_mem>>)
        %dma_start3A_91 = arith.constant 0 : i32
        %dma_start3A_92 = arith.constant 0 : i32
        %dma_start3A_93 = tpu.memref_slice %arg2[%dma_start3A_91, %dma_start3A_92] : memref<10240x128xf32, #tpu.memory_space<hbm>> -> memref<10240x128xf32, #tpu.memory_space<hbm>>
        tpu.enqueue_indirect_dma source(%dma_start3A_93 : memref<10240x128xf32, #tpu.memory_space<hbm>>) target(%arg9 : memref<80x128xf32, #tpu.memory_space<vmem>>) offsets(%arg13 : memref<80xi32, #tpu.memory_space<vmem>>) semaphore(%arg16 : memref<!tpu.dma_semaphore, #tpu.memory_space<semaphore_mem>>)
        %dma_start3A_94 = arith.constant 0 : i32
        %dma_start3A_95 = arith.constant 0 : i32
        %dma_start3A_96 = tpu.memref_slice %arg3[%dma_start3A_94, %dma_start3A_95] : memref<512x128xf32, #tpu.memory_space<hbm>> -> memref<512x128xf32, #tpu.memory_space<hbm>>
        tpu.enqueue_indirect_dma source(%dma_start3A_96 : memref<512x128xf32, #tpu.memory_space<hbm>>) target(%arg10 : memref<80x128xf32, #tpu.memory_space<vmem>>) offsets(%arg14 : memref<80xi32, #tpu.memory_space<vmem>>) semaphore(%arg17 : memref<!tpu.dma_semaphore, #tpu.memory_space<semaphore_mem>>)
      } else {
      }
      %dma_wait3A_62 = arith.constant 0 : i32
      %dma_wait3A_63 = arith.constant 0 : i32
      %dma_wait3A_64 = tpu.memref_slice %arg2[%dma_wait3A_62, %dma_wait3A_63] : memref<10240x128xf32, #tpu.memory_space<hbm>> -> memref<10240x128xf32, #tpu.memory_space<hbm>>
      tpu.wait_indirect_dma semaphore(%arg25 : memref<!tpu.dma_semaphore, #tpu.memory_space<semaphore_mem>>) src(%dma_wait3A_64 : memref<10240x128xf32, #tpu.memory_space<hbm>>) dst(%arg18 : memref<80x128xf32, #tpu.memory_space<vmem>>)
      %dma_wait3A_65 = arith.constant 0 : i32
      %dma_wait3A_66 = arith.constant 0 : i32
      %dma_wait3A_67 = tpu.memref_slice %arg2[%dma_wait3A_65, %dma_wait3A_66] : memref<10240x128xf32, #tpu.memory_space<hbm>> -> memref<10240x128xf32, #tpu.memory_space<hbm>>
      tpu.wait_indirect_dma semaphore(%arg26 : memref<!tpu.dma_semaphore, #tpu.memory_space<semaphore_mem>>) src(%dma_wait3A_67 : memref<10240x128xf32, #tpu.memory_space<hbm>>) dst(%arg19 : memref<80x128xf32, #tpu.memory_space<vmem>>)
      %dma_wait3A_68 = arith.constant 0 : i32
      %dma_wait3A_69 = arith.constant 0 : i32
      %dma_wait3A_70 = tpu.memref_slice %arg3[%dma_wait3A_68, %dma_wait3A_69] : memref<512x128xf32, #tpu.memory_space<hbm>> -> memref<512x128xf32, #tpu.memory_space<hbm>>
      tpu.wait_indirect_dma semaphore(%arg27 : memref<!tpu.dma_semaphore, #tpu.memory_space<semaphore_mem>>) src(%dma_wait3A_70 : memref<512x128xf32, #tpu.memory_space<hbm>>) dst(%arg20 : memref<80x128xf32, #tpu.memory_space<vmem>>)
      %add3A_71 = arith.constant 1 : i32
      %add3A_72 = arith.addi %mul3A_25, %add3A_71 : i32
      %scan3A_73 = arith.constant 0 : i32
      %scan3A_74 = arith.constant 80 : i32
      %scan3A_75 = arith.addi %scan3A_73, %scan3A_74 : i32
      %scan3A_76 = arith.constant 1 : i32
      scf.for %scan3A_83 = %scan3A_73 to %scan3A_75 step %scan3A_76  : i32 {
        %mul3A_84 = arith.constant 1 : i32
        %mul3A_85 = arith.muli %scan3A_83, %mul3A_84 : i32
        %add3A_86 = arith.constant 0 : i32
        %add3A_87 = arith.addi %add3A_86, %mul3A_85 : i32
        %broadcast_in_dim3A = arith.constant 0.000000e+00 : f32
        %broadcast_in_dim3A_88 = vector.broadcast %broadcast_in_dim3A : f32 to vector<16xf32>
        %get3A = arith.index_cast %add3A_87 : i32 to index
        %get3A_89 = arith.constant 0 : index
        %get3A_90 = tpu.vector_load %arg18[%get3A, %get3A_89] {strides = array<i32>} : memref<80x128xf32, #tpu.memory_space<vmem>>, vector<1x16xf32>,
        %get3A_91 = vector.shape_cast %get3A_90 : vector<1x16xf32> to vector<16xf32>
        %get3A_92 = arith.index_cast %add3A_87 : i32 to index
        %get3A_93 = arith.constant 0 : index
        %get3A_94 = tpu.vector_load %arg20[%get3A_92, %get3A_93] {strides = array<i32>} : memref<80x128xf32, #tpu.memory_space<vmem>>, vector<1x16xf32>,
        %get3A_95 = vector.shape_cast %get3A_94 : vector<1x16xf32> to vector<16xf32>
        %add3A_96 = arith.addf %get3A_91, %get3A_95 : vector<16xf32>
        %get3A_97 = arith.index_cast %add3A_87 : i32 to index
        %get3A_98 = arith.constant 0 : index
        %get3A_99 = tpu.vector_load %arg19[%get3A_97, %get3A_98] {strides = array<i32>} : memref<80x128xf32, #tpu.memory_space<vmem>>, vector<1x16xf32>,
        %get3A_100 = vector.shape_cast %get3A_99 : vector<1x16xf32> to vector<16xf32>
        %sub3A = arith.subf %add3A_96, %get3A_100 : vector<16xf32>
        %mul3A_101 = arith.mulf %sub3A, %sub3A : vector<16xf32>
        %add3A_102 = arith.addf %broadcast_in_dim3A_88, %mul3A_101 : vector<16xf32>
        %get3A_103 = arith.index_cast %add3A_87 : i32 to index
        %get3A_104 = arith.constant 16 : index
        %get3A_105 = tpu.vector_load %arg18[%get3A_103, %get3A_104] {strides = array<i32>} : memref<80x128xf32, #tpu.memory_space<vmem>>, vector<1x16xf32>,
        %get3A_106 = vector.shape_cast %get3A_105 : vector<1x16xf32> to vector<16xf32>
        %get3A_107 = arith.index_cast %add3A_87 : i32 to index
        %get3A_108 = arith.constant 16 : index
        %get3A_109 = tpu.vector_load %arg20[%get3A_107, %get3A_108] {strides = array<i32>} : memref<80x128xf32, #tpu.memory_space<vmem>>, vector<1x16xf32>,
        %get3A_110 = vector.shape_cast %get3A_109 : vector<1x16xf32> to vector<16xf32>
        %add3A_111 = arith.addf %get3A_106, %get3A_110 : vector<16xf32>
        %get3A_112 = arith.index_cast %add3A_87 : i32 to index
        %get3A_113 = arith.constant 16 : index
        %get3A_114 = tpu.vector_load %arg19[%get3A_112, %get3A_113] {strides = array<i32>} : memref<80x128xf32, #tpu.memory_space<vmem>>, vector<1x16xf32>,
        %get3A_115 = vector.shape_cast %get3A_114 : vector<1x16xf32> to vector<16xf32>
        %sub3A_116 = arith.subf %add3A_111, %get3A_115 : vector<16xf32>
        %mul3A_117 = arith.mulf %sub3A_116, %sub3A_116 : vector<16xf32>
        %add3A_118 = arith.addf %add3A_102, %mul3A_117 : vector<16xf32>
        %get3A_119 = arith.index_cast %add3A_87 : i32 to index
        %get3A_120 = arith.constant 32 : index
        %get3A_121 = tpu.vector_load %arg18[%get3A_119, %get3A_120] {strides = array<i32>} : memref<80x128xf32, #tpu.memory_space<vmem>>, vector<1x16xf32>,
        %get3A_122 = vector.shape_cast %get3A_121 : vector<1x16xf32> to vector<16xf32>
        %get3A_123 = arith.index_cast %add3A_87 : i32 to index
        %get3A_124 = arith.constant 32 : index
        %get3A_125 = tpu.vector_load %arg20[%get3A_123, %get3A_124] {strides = array<i32>} : memref<80x128xf32, #tpu.memory_space<vmem>>, vector<1x16xf32>,
        %get3A_126 = vector.shape_cast %get3A_125 : vector<1x16xf32> to vector<16xf32>
        %add3A_127 = arith.addf %get3A_122, %get3A_126 : vector<16xf32>
        %get3A_128 = arith.index_cast %add3A_87 : i32 to index
        %get3A_129 = arith.constant 32 : index
        %get3A_130 = tpu.vector_load %arg19[%get3A_128, %get3A_129] {strides = array<i32>} : memref<80x128xf32, #tpu.memory_space<vmem>>, vector<1x16xf32>,
        %get3A_131 = vector.shape_cast %get3A_130 : vector<1x16xf32> to vector<16xf32>
        %sub3A_132 = arith.subf %add3A_127, %get3A_131 : vector<16xf32>
        %mul3A_133 = arith.mulf %sub3A_132, %sub3A_132 : vector<16xf32>
        %add3A_134 = arith.addf %add3A_118, %mul3A_133 : vector<16xf32>
        %get3A_135 = arith.index_cast %add3A_87 : i32 to index
        %get3A_136 = arith.constant 48 : index
        %get3A_137 = tpu.vector_load %arg18[%get3A_135, %get3A_136] {strides = array<i32>} : memref<80x128xf32, #tpu.memory_space<vmem>>, vector<1x16xf32>,
        %get3A_138 = vector.shape_cast %get3A_137 : vector<1x16xf32> to vector<16xf32>
        %get3A_139 = arith.index_cast %add3A_87 : i32 to index
        %get3A_140 = arith.constant 48 : index
        %get3A_141 = tpu.vector_load %arg20[%get3A_139, %get3A_140] {strides = array<i32>} : memref<80x128xf32, #tpu.memory_space<vmem>>, vector<1x16xf32>,
        %get3A_142 = vector.shape_cast %get3A_141 : vector<1x16xf32> to vector<16xf32>
        %add3A_143 = arith.addf %get3A_138, %get3A_142 : vector<16xf32>
        %get3A_144 = arith.index_cast %add3A_87 : i32 to index
        %get3A_145 = arith.constant 48 : index
        %get3A_146 = tpu.vector_load %arg19[%get3A_144, %get3A_145] {strides = array<i32>} : memref<80x128xf32, #tpu.memory_space<vmem>>, vector<1x16xf32>,
        %get3A_147 = vector.shape_cast %get3A_146 : vector<1x16xf32> to vector<16xf32>
        %sub3A_148 = arith.subf %add3A_143, %get3A_147 : vector<16xf32>
        %mul3A_149 = arith.mulf %sub3A_148, %sub3A_148 : vector<16xf32>
        %add3A_150 = arith.addf %add3A_134, %mul3A_149 : vector<16xf32>
        %get3A_151 = arith.index_cast %add3A_87 : i32 to index
        %get3A_152 = arith.constant 64 : index
        %get3A_153 = tpu.vector_load %arg18[%get3A_151, %get3A_152] {strides = array<i32>} : memref<80x128xf32, #tpu.memory_space<vmem>>, vector<1x16xf32>,
        %get3A_154 = vector.shape_cast %get3A_153 : vector<1x16xf32> to vector<16xf32>
        %get3A_155 = arith.index_cast %add3A_87 : i32 to index
        %get3A_156 = arith.constant 64 : index
        %get3A_157 = tpu.vector_load %arg20[%get3A_155, %get3A_156] {strides = array<i32>} : memref<80x128xf32, #tpu.memory_space<vmem>>, vector<1x16xf32>,
        %get3A_158 = vector.shape_cast %get3A_157 : vector<1x16xf32> to vector<16xf32>
        %add3A_159 = arith.addf %get3A_154, %get3A_158 : vector<16xf32>
        %get3A_160 = arith.index_cast %add3A_87 : i32 to index
        %get3A_161 = arith.constant 64 : index
        %get3A_162 = tpu.vector_load %arg19[%get3A_160, %get3A_161] {strides = array<i32>} : memref<80x128xf32, #tpu.memory_space<vmem>>, vector<1x16xf32>,
        %get3A_163 = vector.shape_cast %get3A_162 : vector<1x16xf32> to vector<16xf32>
        %sub3A_164 = arith.subf %add3A_159, %get3A_163 : vector<16xf32>
        %mul3A_165 = arith.mulf %sub3A_164, %sub3A_164 : vector<16xf32>
        %add3A_166 = arith.addf %add3A_150, %mul3A_165 : vector<16xf32>
        %get3A_167 = arith.index_cast %add3A_87 : i32 to index
        %get3A_168 = arith.constant 80 : index
        %get3A_169 = tpu.vector_load %arg18[%get3A_167, %get3A_168] {strides = array<i32>} : memref<80x128xf32, #tpu.memory_space<vmem>>, vector<1x16xf32>,
        %get3A_170 = vector.shape_cast %get3A_169 : vector<1x16xf32> to vector<16xf32>
        %get3A_171 = arith.index_cast %add3A_87 : i32 to index
        %get3A_172 = arith.constant 80 : index
        %get3A_173 = tpu.vector_load %arg20[%get3A_171, %get3A_172] {strides = array<i32>} : memref<80x128xf32, #tpu.memory_space<vmem>>, vector<1x16xf32>,
        %get3A_174 = vector.shape_cast %get3A_173 : vector<1x16xf32> to vector<16xf32>
        %add3A_175 = arith.addf %get3A_170, %get3A_174 : vector<16xf32>
        %get3A_176 = arith.index_cast %add3A_87 : i32 to index
        %get3A_177 = arith.constant 80 : index
        %get3A_178 = tpu.vector_load %arg19[%get3A_176, %get3A_177] {strides = array<i32>} : memref<80x128xf32, #tpu.memory_space<vmem>>, vector<1x16xf32>,
        %get3A_179 = vector.shape_cast %get3A_178 : vector<1x16xf32> to vector<16xf32>
        %sub3A_180 = arith.subf %add3A_175, %get3A_179 : vector<16xf32>
        %mul3A_181 = arith.mulf %sub3A_180, %sub3A_180 : vector<16xf32>
        %add3A_182 = arith.addf %add3A_166, %mul3A_181 : vector<16xf32>
        %get3A_183 = arith.index_cast %add3A_87 : i32 to index
        %get3A_184 = arith.constant 96 : index
        %get3A_185 = tpu.vector_load %arg18[%get3A_183, %get3A_184] {strides = array<i32>} : memref<80x128xf32, #tpu.memory_space<vmem>>, vector<1x16xf32>,
        %get3A_186 = vector.shape_cast %get3A_185 : vector<1x16xf32> to vector<16xf32>
        %get3A_187 = arith.index_cast %add3A_87 : i32 to index
        %get3A_188 = arith.constant 96 : index
        %get3A_189 = tpu.vector_load %arg20[%get3A_187, %get3A_188] {strides = array<i32>} : memref<80x128xf32, #tpu.memory_space<vmem>>, vector<1x16xf32>,
        %get3A_190 = vector.shape_cast %get3A_189 : vector<1x16xf32> to vector<16xf32>
        %add3A_191 = arith.addf %get3A_186, %get3A_190 : vector<16xf32>
        %get3A_192 = arith.index_cast %add3A_87 : i32 to index
        %get3A_193 = arith.constant 96 : index
        %get3A_194 = tpu.vector_load %arg19[%get3A_192, %get3A_193] {strides = array<i32>} : memref<80x128xf32, #tpu.memory_space<vmem>>, vector<1x16xf32>,
        %get3A_195 = vector.shape_cast %get3A_194 : vector<1x16xf32> to vector<16xf32>
        %sub3A_196 = arith.subf %add3A_191, %get3A_195 : vector<16xf32>
        %mul3A_197 = arith.mulf %sub3A_196, %sub3A_196 : vector<16xf32>
        %add3A_198 = arith.addf %add3A_182, %mul3A_197 : vector<16xf32>
        %get3A_199 = arith.index_cast %add3A_87 : i32 to index
        %get3A_200 = arith.constant 112 : index
        %get3A_201 = tpu.vector_load %arg18[%get3A_199, %get3A_200] {strides = array<i32>} : memref<80x128xf32, #tpu.memory_space<vmem>>, vector<1x16xf32>,
        %get3A_202 = vector.shape_cast %get3A_201 : vector<1x16xf32> to vector<16xf32>
        %get3A_203 = arith.index_cast %add3A_87 : i32 to index
        %get3A_204 = arith.constant 112 : index
        %get3A_205 = tpu.vector_load %arg20[%get3A_203, %get3A_204] {strides = array<i32>} : memref<80x128xf32, #tpu.memory_space<vmem>>, vector<1x16xf32>,
        %get3A_206 = vector.shape_cast %get3A_205 : vector<1x16xf32> to vector<16xf32>
        %add3A_207 = arith.addf %get3A_202, %get3A_206 : vector<16xf32>
        %get3A_208 = arith.index_cast %add3A_87 : i32 to index
        %get3A_209 = arith.constant 112 : index
        %get3A_210 = tpu.vector_load %arg19[%get3A_208, %get3A_209] {strides = array<i32>} : memref<80x128xf32, #tpu.memory_space<vmem>>, vector<1x16xf32>,
        %get3A_211 = vector.shape_cast %get3A_210 : vector<1x16xf32> to vector<16xf32>
        %sub3A_212 = arith.subf %add3A_207, %get3A_211 : vector<16xf32>
        %mul3A_213 = arith.mulf %sub3A_212, %sub3A_212 : vector<16xf32>
        %add3A_214 = arith.addf %add3A_198, %mul3A_213 : vector<16xf32>
        %mul3A_215 = arith.constant 16 : i32
        %mul3A_216 = arith.muli %add3A_87, %mul3A_215 : i32
        %swap3A = arith.index_cast %mul3A_216 : i32 to index
        %swap3A_217 = tpu.vector_load %arg21[%swap3A] {strides = array<i32>} : memref<1280xf32, #tpu.memory_space<vmem>>, vector<16xf32>,
        %swap3A_218 = vector.shape_cast %swap3A_217 : vector<16xf32> to vector<16xf32>
        %swap3A_219 = vector.shape_cast %add3A_214 : vector<16xf32> to vector<16xf32>
        tpu.vector_store %arg21[%swap3A], %swap3A_219 {strides = array<i32>} : memref<1280xf32, #tpu.memory_space<vmem>>, vector<16xf32>,
      }
      %scan3A_77 = arith.constant 80 : i32
      %mul3A_78 = arith.constant 80 : i32
      %mul3A_79 = arith.muli %add3A_72, %mul3A_78 : i32
      %add3A_80 = arith.addi %mul3A_4, %mul3A_79 : i32
      %mul3A_81 = arith.constant 16 : i32
      %mul3A_82 = arith.muli %add3A_80, %mul3A_81 : i32
      "tpu.region"() ({
        %run_scoped3A = tpu.sem_alloc : memref<!tpu.dma_semaphore, #tpu.memory_space<semaphore_mem>>
        %dma_start3A_83 = tpu.memref_slice %arg7[%mul3A_82] : memref<2621440xf32, #tpu.memory_space<hbm>> -> memref<1280xf32, #tpu.memory_space<hbm>>
        %dma_start3A_84 = tpu.memref_slice %arg7[%mul3A_82] : memref<2621440xf32, #tpu.memory_space<hbm>> -> memref<1280xf32, #tpu.memory_space<hbm>>
        tpu.enqueue_dma source(%arg21 : memref<1280xf32, #tpu.memory_space<vmem>>) target(%dma_start3A_84 : memref<1280xf32, #tpu.memory_space<hbm>>) target_semaphore(%run_scoped3A : memref<!tpu.dma_semaphore, #tpu.memory_space<semaphore_mem>>)
        %dma_wait3A_85 = tpu.memref_slice %arg7[%mul3A_82] : memref<2621440xf32, #tpu.memory_space<hbm>> -> memref<1280xf32, #tpu.memory_space<hbm>>
        %dma_wait3A_86 = tpu.memref_slice %arg7[%mul3A_82] : memref<2621440xf32, #tpu.memory_space<hbm>> -> memref<1280xf32, #tpu.memory_space<hbm>>
        tpu.wait_dma2 semaphore(%run_scoped3A : memref<!tpu.dma_semaphore, #tpu.memory_space<semaphore_mem>>) src(%arg21 : memref<1280xf32, #tpu.memory_space<vmem>>) dst(%dma_wait3A_86 : memref<1280xf32, #tpu.memory_space<hbm>>)
        tpu.yield
      }) : () -> ()
    }
    %scan3A_18 = arith.constant 32 : i32
    return
  }
}

#map = affine_map<(d0, d1) -> (0, 0)>
#map1 = affine_map<(d0, d1) -> (0)>
module attributes {stable_mosaic.version = 14 : i64} {
  func.func @body(%arg0: i32, %arg1: i32, %arg2: memref<10240x128xf32, #tpu.memory_space<hbm>>, %arg3: memref<10240x128xf32, #tpu.memory_space<hbm>>, %arg4: memref<512x128xf32, #tpu.memory_space<hbm>>, %arg5: memref<512x128xf32, #tpu.memory_space<hbm>>, %arg6: memref<163840xi32, #tpu.memory_space<hbm>>, %arg7: memref<163840xi32, #tpu.memory_space<hbm>>, %arg8: memref<163840xi32, #tpu.memory_space<hbm>>, %arg9: memref<163840x128xf32, #tpu.memory_space<hbm>>, %arg10: memref<80x128xf32, #tpu.memory_space<vmem>>, %arg11: memref<80x128xf32, #tpu.memory_space<vmem>>, %arg12: memref<80x128xf32, #tpu.memory_space<vmem>>, %arg13: memref<80x128xf32, #tpu.memory_space<vmem>>, %arg14: memref<80xi32, #tpu.memory_space<vmem>>, %arg15: memref<80xi32, #tpu.memory_space<vmem>>, %arg16: memref<80xi32, #tpu.memory_space<vmem>>, %arg17: memref<!tpu.dma_semaphore, #tpu.memory_space<semaphore_mem>>, %arg18: memref<!tpu.dma_semaphore, #tpu.memory_space<semaphore_mem>>, %arg19: memref<!tpu.dma_semaphore, #tpu.memory_space<semaphore_mem>>, %arg20: memref<!tpu.dma_semaphore, #tpu.memory_space<semaphore_mem>>, %arg21: memref<80x128xf32, #tpu.memory_space<vmem>>, %arg22: memref<80x128xf32, #tpu.memory_space<vmem>>, %arg23: memref<80x128xf32, #tpu.memory_space<vmem>>, %arg24: memref<80x128xf32, #tpu.memory_space<vmem>>, %arg25: memref<80xi32, #tpu.memory_space<vmem>>, %arg26: memref<80xi32, #tpu.memory_space<vmem>>, %arg27: memref<80xi32, #tpu.memory_space<vmem>>, %arg28: memref<!tpu.dma_semaphore, #tpu.memory_space<semaphore_mem>>, %arg29: memref<!tpu.dma_semaphore, #tpu.memory_space<semaphore_mem>>, %arg30: memref<!tpu.dma_semaphore, #tpu.memory_space<semaphore_mem>>, %arg31: memref<!tpu.dma_semaphore, #tpu.memory_space<semaphore_mem>>) attributes {dimension_semantics = [#tpu.dimension_semantics<core_parallel>, #tpu.dimension_semantics<subcore_parallel>], iteration_bounds = array<i64: 2, 16>, scalar_prefetch = 0 : i64, scratch_operands = 22 : i64, tpu.core_type = #tpu.core_type<sc_vector_subcore>, window_params = [{transform_indices = #map}, {transform_indices = #map}, {transform_indices = #map}, {transform_indices = #map}, {transform_indices = #map1}, {transform_indices = #map1}, {transform_indices = #map1}, {transform_indices = #map}]} {
    %mul3A = arith.constant 2 : i32
    %mul3A_0 = arith.muli %arg1, %mul3A : i32
    %add3A = arith.addi %mul3A_0, %arg0 : i32
    %mul3A_1 = arith.constant 64 : i32
    %mul3A_2 = arith.muli %add3A, %mul3A_1 : i32
    %mul3A_3 = arith.constant 80 : i32
    %mul3A_4 = arith.muli %mul3A_2, %mul3A_3 : i32
    %add3A_5 = arith.constant 0 : i32
    %add3A_6 = arith.addi %mul3A_4, %add3A_5 : i32
    "tpu.region"() ({
      %run_scoped3A = tpu.sem_alloc : memref<!tpu.dma_semaphore, #tpu.memory_space<semaphore_mem>>
      %dma_start3A_22 = tpu.memref_slice %arg6[%add3A_6] : memref<163840xi32, #tpu.memory_space<hbm>> -> memref<80xi32, #tpu.memory_space<hbm>>
      %dma_start3A_23 = tpu.memref_slice %arg6[%add3A_6] : memref<163840xi32, #tpu.memory_space<hbm>> -> memref<80xi32, #tpu.memory_space<hbm>>
      tpu.enqueue_dma source(%dma_start3A_23 : memref<80xi32, #tpu.memory_space<hbm>>) target(%arg14 : memref<80xi32, #tpu.memory_space<vmem>>) target_semaphore(%run_scoped3A : memref<!tpu.dma_semaphore, #tpu.memory_space<semaphore_mem>>)
      %dma_wait3A = tpu.memref_slice %arg6[%add3A_6] : memref<163840xi32, #tpu.memory_space<hbm>> -> memref<80xi32, #tpu.memory_space<hbm>>
      %dma_wait3A_24 = tpu.memref_slice %arg6[%add3A_6] : memref<163840xi32, #tpu.memory_space<hbm>> -> memref<80xi32, #tpu.memory_space<hbm>>
      tpu.wait_dma2 semaphore(%run_scoped3A : memref<!tpu.dma_semaphore, #tpu.memory_space<semaphore_mem>>) src(%dma_wait3A_24 : memref<80xi32, #tpu.memory_space<hbm>>) dst(%arg14 : memref<80xi32, #tpu.memory_space<vmem>>)
      tpu.yield
    }) : () -> ()
    "tpu.region"() ({
      %run_scoped3A = tpu.sem_alloc : memref<!tpu.dma_semaphore, #tpu.memory_space<semaphore_mem>>
      %dma_start3A_22 = tpu.memref_slice %arg7[%add3A_6] : memref<163840xi32, #tpu.memory_space<hbm>> -> memref<80xi32, #tpu.memory_space<hbm>>
      %dma_start3A_23 = tpu.memref_slice %arg7[%add3A_6] : memref<163840xi32, #tpu.memory_space<hbm>> -> memref<80xi32, #tpu.memory_space<hbm>>
      tpu.enqueue_dma source(%dma_start3A_23 : memref<80xi32, #tpu.memory_space<hbm>>) target(%arg15 : memref<80xi32, #tpu.memory_space<vmem>>) target_semaphore(%run_scoped3A : memref<!tpu.dma_semaphore, #tpu.memory_space<semaphore_mem>>)
      %dma_wait3A = tpu.memref_slice %arg7[%add3A_6] : memref<163840xi32, #tpu.memory_space<hbm>> -> memref<80xi32, #tpu.memory_space<hbm>>
      %dma_wait3A_24 = tpu.memref_slice %arg7[%add3A_6] : memref<163840xi32, #tpu.memory_space<hbm>> -> memref<80xi32, #tpu.memory_space<hbm>>
      tpu.wait_dma2 semaphore(%run_scoped3A : memref<!tpu.dma_semaphore, #tpu.memory_space<semaphore_mem>>) src(%dma_wait3A_24 : memref<80xi32, #tpu.memory_space<hbm>>) dst(%arg15 : memref<80xi32, #tpu.memory_space<vmem>>)
      tpu.yield
    }) : () -> ()
    "tpu.region"() ({
      %run_scoped3A = tpu.sem_alloc : memref<!tpu.dma_semaphore, #tpu.memory_space<semaphore_mem>>
      %dma_start3A_22 = tpu.memref_slice %arg8[%add3A_6] : memref<163840xi32, #tpu.memory_space<hbm>> -> memref<80xi32, #tpu.memory_space<hbm>>
      %dma_start3A_23 = tpu.memref_slice %arg8[%add3A_6] : memref<163840xi32, #tpu.memory_space<hbm>> -> memref<80xi32, #tpu.memory_space<hbm>>
      tpu.enqueue_dma source(%dma_start3A_23 : memref<80xi32, #tpu.memory_space<hbm>>) target(%arg16 : memref<80xi32, #tpu.memory_space<vmem>>) target_semaphore(%run_scoped3A : memref<!tpu.dma_semaphore, #tpu.memory_space<semaphore_mem>>)
      %dma_wait3A = tpu.memref_slice %arg8[%add3A_6] : memref<163840xi32, #tpu.memory_space<hbm>> -> memref<80xi32, #tpu.memory_space<hbm>>
      %dma_wait3A_24 = tpu.memref_slice %arg8[%add3A_6] : memref<163840xi32, #tpu.memory_space<hbm>> -> memref<80xi32, #tpu.memory_space<hbm>>
      tpu.wait_dma2 semaphore(%run_scoped3A : memref<!tpu.dma_semaphore, #tpu.memory_space<semaphore_mem>>) src(%dma_wait3A_24 : memref<80xi32, #tpu.memory_space<hbm>>) dst(%arg16 : memref<80xi32, #tpu.memory_space<vmem>>)
      tpu.yield
    }) : () -> ()
    %dma_start3A = arith.constant 0 : i32
    %dma_start3A_7 = arith.constant 0 : i32
    %dma_start3A_8 = tpu.memref_slice %arg2[%dma_start3A, %dma_start3A_7] : memref<10240x128xf32, #tpu.memory_space<hbm>> -> memref<10240x128xf32, #tpu.memory_space<hbm>>
    tpu.enqueue_indirect_dma source(%dma_start3A_8 : memref<10240x128xf32, #tpu.memory_space<hbm>>) target(%arg10 : memref<80x128xf32, #tpu.memory_space<vmem>>) offsets(%arg14 : memref<80xi32, #tpu.memory_space<vmem>>) semaphore(%arg17 : memref<!tpu.dma_semaphore, #tpu.memory_space<semaphore_mem>>)
    %dma_start3A_9 = arith.constant 0 : i32
    %dma_start3A_10 = arith.constant 0 : i32
    %dma_start3A_11 = tpu.memref_slice %arg3[%dma_start3A_9, %dma_start3A_10] : memref<10240x128xf32, #tpu.memory_space<hbm>> -> memref<10240x128xf32, #tpu.memory_space<hbm>>
    tpu.enqueue_indirect_dma source(%dma_start3A_11 : memref<10240x128xf32, #tpu.memory_space<hbm>>) target(%arg11 : memref<80x128xf32, #tpu.memory_space<vmem>>) offsets(%arg15 : memref<80xi32, #tpu.memory_space<vmem>>) semaphore(%arg18 : memref<!tpu.dma_semaphore, #tpu.memory_space<semaphore_mem>>)
    %dma_start3A_12 = arith.constant 0 : i32
    %dma_start3A_13 = arith.constant 0 : i32
    %dma_start3A_14 = tpu.memref_slice %arg4[%dma_start3A_12, %dma_start3A_13] : memref<512x128xf32, #tpu.memory_space<hbm>> -> memref<512x128xf32, #tpu.memory_space<hbm>>
    tpu.enqueue_indirect_dma source(%dma_start3A_14 : memref<512x128xf32, #tpu.memory_space<hbm>>) target(%arg12 : memref<80x128xf32, #tpu.memory_space<vmem>>) offsets(%arg16 : memref<80xi32, #tpu.memory_space<vmem>>) semaphore(%arg19 : memref<!tpu.dma_semaphore, #tpu.memory_space<semaphore_mem>>)
    %dma_start3A_15 = arith.constant 0 : i32
    %dma_start3A_16 = arith.constant 0 : i32
    %dma_start3A_17 = tpu.memref_slice %arg5[%dma_start3A_15, %dma_start3A_16] : memref<512x128xf32, #tpu.memory_space<hbm>> -> memref<512x128xf32, #tpu.memory_space<hbm>>
    tpu.enqueue_indirect_dma source(%dma_start3A_17 : memref<512x128xf32, #tpu.memory_space<hbm>>) target(%arg13 : memref<80x128xf32, #tpu.memory_space<vmem>>) offsets(%arg16 : memref<80xi32, #tpu.memory_space<vmem>>) semaphore(%arg20 : memref<!tpu.dma_semaphore, #tpu.memory_space<semaphore_mem>>)
    %scan3A = arith.constant 0 : i32
    %scan3A_18 = arith.constant 32 : i32
    %scan3A_19 = arith.addi %scan3A, %scan3A_18 : i32
    %scan3A_20 = arith.constant 1 : i32
    scf.for %scan3A_22 = %scan3A to %scan3A_19 step %scan3A_20  : i32 {
      %mul3A_23 = arith.constant 1 : i32
      %mul3A_24 = arith.muli %scan3A_22, %mul3A_23 : i32
      %add3A_25 = arith.constant 0 : i32
      %add3A_26 = arith.addi %add3A_25, %mul3A_24 : i32
      %mul3A_27 = arith.constant 2 : i32
      %mul3A_28 = arith.muli %add3A_26, %mul3A_27 : i32
      %add3A_29 = arith.constant 1 : i32
      %add3A_30 = arith.addi %mul3A_28, %add3A_29 : i32
      %mul3A_31 = arith.constant 80 : i32
      %mul3A_32 = arith.muli %add3A_30, %mul3A_31 : i32
      %add3A_33 = arith.addi %mul3A_4, %mul3A_32 : i32
      "tpu.region"() ({
        %run_scoped3A = tpu.sem_alloc : memref<!tpu.dma_semaphore, #tpu.memory_space<semaphore_mem>>
        %dma_start3A_91 = tpu.memref_slice %arg6[%add3A_33] : memref<163840xi32, #tpu.memory_space<hbm>> -> memref<80xi32, #tpu.memory_space<hbm>>
        %dma_start3A_92 = tpu.memref_slice %arg6[%add3A_33] : memref<163840xi32, #tpu.memory_space<hbm>> -> memref<80xi32, #tpu.memory_space<hbm>>
        tpu.enqueue_dma source(%dma_start3A_92 : memref<80xi32, #tpu.memory_space<hbm>>) target(%arg25 : memref<80xi32, #tpu.memory_space<vmem>>) target_semaphore(%run_scoped3A : memref<!tpu.dma_semaphore, #tpu.memory_space<semaphore_mem>>)
        %dma_wait3A_93 = tpu.memref_slice %arg6[%add3A_33] : memref<163840xi32, #tpu.memory_space<hbm>> -> memref<80xi32, #tpu.memory_space<hbm>>
        %dma_wait3A_94 = tpu.memref_slice %arg6[%add3A_33] : memref<163840xi32, #tpu.memory_space<hbm>> -> memref<80xi32, #tpu.memory_space<hbm>>
        tpu.wait_dma2 semaphore(%run_scoped3A : memref<!tpu.dma_semaphore, #tpu.memory_space<semaphore_mem>>) src(%dma_wait3A_94 : memref<80xi32, #tpu.memory_space<hbm>>) dst(%arg25 : memref<80xi32, #tpu.memory_space<vmem>>)
        tpu.yield
      }) : () -> ()
      "tpu.region"() ({
        %run_scoped3A = tpu.sem_alloc : memref<!tpu.dma_semaphore, #tpu.memory_space<semaphore_mem>>
        %dma_start3A_91 = tpu.memref_slice %arg7[%add3A_33] : memref<163840xi32, #tpu.memory_space<hbm>> -> memref<80xi32, #tpu.memory_space<hbm>>
        %dma_start3A_92 = tpu.memref_slice %arg7[%add3A_33] : memref<163840xi32, #tpu.memory_space<hbm>> -> memref<80xi32, #tpu.memory_space<hbm>>
        tpu.enqueue_dma source(%dma_start3A_92 : memref<80xi32, #tpu.memory_space<hbm>>) target(%arg26 : memref<80xi32, #tpu.memory_space<vmem>>) target_semaphore(%run_scoped3A : memref<!tpu.dma_semaphore, #tpu.memory_space<semaphore_mem>>)
        %dma_wait3A_93 = tpu.memref_slice %arg7[%add3A_33] : memref<163840xi32, #tpu.memory_space<hbm>> -> memref<80xi32, #tpu.memory_space<hbm>>
        %dma_wait3A_94 = tpu.memref_slice %arg7[%add3A_33] : memref<163840xi32, #tpu.memory_space<hbm>> -> memref<80xi32, #tpu.memory_space<hbm>>
        tpu.wait_dma2 semaphore(%run_scoped3A : memref<!tpu.dma_semaphore, #tpu.memory_space<semaphore_mem>>) src(%dma_wait3A_94 : memref<80xi32, #tpu.memory_space<hbm>>) dst(%arg26 : memref<80xi32, #tpu.memory_space<vmem>>)
        tpu.yield
      }) : () -> ()
      "tpu.region"() ({
        %run_scoped3A = tpu.sem_alloc : memref<!tpu.dma_semaphore, #tpu.memory_space<semaphore_mem>>
        %dma_start3A_91 = tpu.memref_slice %arg8[%add3A_33] : memref<163840xi32, #tpu.memory_space<hbm>> -> memref<80xi32, #tpu.memory_space<hbm>>
        %dma_start3A_92 = tpu.memref_slice %arg8[%add3A_33] : memref<163840xi32, #tpu.memory_space<hbm>> -> memref<80xi32, #tpu.memory_space<hbm>>
        tpu.enqueue_dma source(%dma_start3A_92 : memref<80xi32, #tpu.memory_space<hbm>>) target(%arg27 : memref<80xi32, #tpu.memory_space<vmem>>) target_semaphore(%run_scoped3A : memref<!tpu.dma_semaphore, #tpu.memory_space<semaphore_mem>>)
        %dma_wait3A_93 = tpu.memref_slice %arg8[%add3A_33] : memref<163840xi32, #tpu.memory_space<hbm>> -> memref<80xi32, #tpu.memory_space<hbm>>
        %dma_wait3A_94 = tpu.memref_slice %arg8[%add3A_33] : memref<163840xi32, #tpu.memory_space<hbm>> -> memref<80xi32, #tpu.memory_space<hbm>>
        tpu.wait_dma2 semaphore(%run_scoped3A : memref<!tpu.dma_semaphore, #tpu.memory_space<semaphore_mem>>) src(%dma_wait3A_94 : memref<80xi32, #tpu.memory_space<hbm>>) dst(%arg27 : memref<80xi32, #tpu.memory_space<vmem>>)
        tpu.yield
      }) : () -> ()
      %dma_start3A_34 = arith.constant 0 : i32
      %dma_start3A_35 = arith.constant 0 : i32
      %dma_start3A_36 = tpu.memref_slice %arg2[%dma_start3A_34, %dma_start3A_35] : memref<10240x128xf32, #tpu.memory_space<hbm>> -> memref<10240x128xf32, #tpu.memory_space<hbm>>
      tpu.enqueue_indirect_dma source(%dma_start3A_36 : memref<10240x128xf32, #tpu.memory_space<hbm>>) target(%arg21 : memref<80x128xf32, #tpu.memory_space<vmem>>) offsets(%arg25 : memref<80xi32, #tpu.memory_space<vmem>>) semaphore(%arg28 : memref<!tpu.dma_semaphore, #tpu.memory_space<semaphore_mem>>)
      %dma_start3A_37 = arith.constant 0 : i32
      %dma_start3A_38 = arith.constant 0 : i32
      %dma_start3A_39 = tpu.memref_slice %arg3[%dma_start3A_37, %dma_start3A_38] : memref<10240x128xf32, #tpu.memory_space<hbm>> -> memref<10240x128xf32, #tpu.memory_space<hbm>>
      tpu.enqueue_indirect_dma source(%dma_start3A_39 : memref<10240x128xf32, #tpu.memory_space<hbm>>) target(%arg22 : memref<80x128xf32, #tpu.memory_space<vmem>>) offsets(%arg26 : memref<80xi32, #tpu.memory_space<vmem>>) semaphore(%arg29 : memref<!tpu.dma_semaphore, #tpu.memory_space<semaphore_mem>>)
      %dma_start3A_40 = arith.constant 0 : i32
      %dma_start3A_41 = arith.constant 0 : i32
      %dma_start3A_42 = tpu.memref_slice %arg4[%dma_start3A_40, %dma_start3A_41] : memref<512x128xf32, #tpu.memory_space<hbm>> -> memref<512x128xf32, #tpu.memory_space<hbm>>
      tpu.enqueue_indirect_dma source(%dma_start3A_42 : memref<512x128xf32, #tpu.memory_space<hbm>>) target(%arg23 : memref<80x128xf32, #tpu.memory_space<vmem>>) offsets(%arg27 : memref<80xi32, #tpu.memory_space<vmem>>) semaphore(%arg30 : memref<!tpu.dma_semaphore, #tpu.memory_space<semaphore_mem>>)
      %dma_start3A_43 = arith.constant 0 : i32
      %dma_start3A_44 = arith.constant 0 : i32
      %dma_start3A_45 = tpu.memref_slice %arg5[%dma_start3A_43, %dma_start3A_44] : memref<512x128xf32, #tpu.memory_space<hbm>> -> memref<512x128xf32, #tpu.memory_space<hbm>>
      tpu.enqueue_indirect_dma source(%dma_start3A_45 : memref<512x128xf32, #tpu.memory_space<hbm>>) target(%arg24 : memref<80x128xf32, #tpu.memory_space<vmem>>) offsets(%arg27 : memref<80xi32, #tpu.memory_space<vmem>>) semaphore(%arg31 : memref<!tpu.dma_semaphore, #tpu.memory_space<semaphore_mem>>)
      %dma_wait3A = arith.constant 0 : i32
      %dma_wait3A_46 = arith.constant 0 : i32
      %dma_wait3A_47 = tpu.memref_slice %arg2[%dma_wait3A, %dma_wait3A_46] : memref<10240x128xf32, #tpu.memory_space<hbm>> -> memref<10240x128xf32, #tpu.memory_space<hbm>>
      tpu.wait_indirect_dma semaphore(%arg17 : memref<!tpu.dma_semaphore, #tpu.memory_space<semaphore_mem>>) src(%dma_wait3A_47 : memref<10240x128xf32, #tpu.memory_space<hbm>>) dst(%arg10 : memref<80x128xf32, #tpu.memory_space<vmem>>)
      %dma_wait3A_48 = arith.constant 0 : i32
      %dma_wait3A_49 = arith.constant 0 : i32
      %dma_wait3A_50 = tpu.memref_slice %arg3[%dma_wait3A_48, %dma_wait3A_49] : memref<10240x128xf32, #tpu.memory_space<hbm>> -> memref<10240x128xf32, #tpu.memory_space<hbm>>
      tpu.wait_indirect_dma semaphore(%arg18 : memref<!tpu.dma_semaphore, #tpu.memory_space<semaphore_mem>>) src(%dma_wait3A_50 : memref<10240x128xf32, #tpu.memory_space<hbm>>) dst(%arg11 : memref<80x128xf32, #tpu.memory_space<vmem>>)
      %dma_wait3A_51 = arith.constant 0 : i32
      %dma_wait3A_52 = arith.constant 0 : i32
      %dma_wait3A_53 = tpu.memref_slice %arg4[%dma_wait3A_51, %dma_wait3A_52] : memref<512x128xf32, #tpu.memory_space<hbm>> -> memref<512x128xf32, #tpu.memory_space<hbm>>
      tpu.wait_indirect_dma semaphore(%arg19 : memref<!tpu.dma_semaphore, #tpu.memory_space<semaphore_mem>>) src(%dma_wait3A_53 : memref<512x128xf32, #tpu.memory_space<hbm>>) dst(%arg12 : memref<80x128xf32, #tpu.memory_space<vmem>>)
      %dma_wait3A_54 = arith.constant 0 : i32
      %dma_wait3A_55 = arith.constant 0 : i32
      %dma_wait3A_56 = tpu.memref_slice %arg5[%dma_wait3A_54, %dma_wait3A_55] : memref<512x128xf32, #tpu.memory_space<hbm>> -> memref<512x128xf32, #tpu.memory_space<hbm>>
      tpu.wait_indirect_dma semaphore(%arg20 : memref<!tpu.dma_semaphore, #tpu.memory_space<semaphore_mem>>) src(%dma_wait3A_56 : memref<512x128xf32, #tpu.memory_space<hbm>>) dst(%arg13 : memref<80x128xf32, #tpu.memory_space<vmem>>)
      %scan3A_57 = arith.constant 0 : i32
      %scan3A_58 = arith.constant 80 : i32
      %scan3A_59 = arith.addi %scan3A_57, %scan3A_58 : i32
      %scan3A_60 = arith.constant 1 : i32
      scf.for %scan3A_91 = %scan3A_57 to %scan3A_59 step %scan3A_60  : i32 {
        %mul3A_92 = arith.constant 1 : i32
        %mul3A_93 = arith.muli %scan3A_91, %mul3A_92 : i32
        %add3A_94 = arith.constant 0 : i32
        %add3A_95 = arith.addi %add3A_94, %mul3A_93 : i32
        %get3A = arith.index_cast %add3A_95 : i32 to index
        %get3A_96 = arith.constant 0 : index
        %get3A_97 = tpu.vector_load %arg10[%get3A, %get3A_96] {strides = array<i32>} : memref<80x128xf32, #tpu.memory_space<vmem>>, vector<1x16xf32>,
        %get3A_98 = vector.shape_cast %get3A_97 : vector<1x16xf32> to vector<16xf32>
        %get3A_99 = arith.index_cast %add3A_95 : i32 to index
        %get3A_100 = arith.constant 0 : index
        %get3A_101 = tpu.vector_load %arg11[%get3A_99, %get3A_100] {strides = array<i32>} : memref<80x128xf32, #tpu.memory_space<vmem>>, vector<1x16xf32>,
        %get3A_102 = vector.shape_cast %get3A_101 : vector<1x16xf32> to vector<16xf32>
        %add3A_103 = arith.addf %get3A_98, %get3A_102 : vector<16xf32>
        %get3A_104 = arith.index_cast %add3A_95 : i32 to index
        %get3A_105 = arith.constant 0 : index
        %get3A_106 = tpu.vector_load %arg12[%get3A_104, %get3A_105] {strides = array<i32>} : memref<80x128xf32, #tpu.memory_space<vmem>>, vector<1x16xf32>,
        %get3A_107 = vector.shape_cast %get3A_106 : vector<1x16xf32> to vector<16xf32>
        %add3A_108 = arith.addf %add3A_103, %get3A_107 : vector<16xf32>
        %max3A = arith.constant 0.000000e+00 : f32
        %max3A_109 = vector.broadcast %max3A : f32 to vector<16xf32>
        %max3A_110 = arith.maximumf %add3A_108, %max3A_109 : vector<16xf32>
        %min3A = arith.constant 0.000000e+00 : f32
        %min3A_111 = vector.broadcast %min3A : f32 to vector<16xf32>
        %min3A_112 = arith.minimumf %add3A_108, %min3A_111 : vector<16xf32>
        %mul3A_113 = arith.constant 0.00999999977 : f32
        %mul3A_114 = vector.broadcast %mul3A_113 : f32 to vector<16xf32>
        %mul3A_115 = arith.mulf %mul3A_114, %min3A_112 : vector<16xf32>
        %add3A_116 = arith.addf %max3A_110, %mul3A_115 : vector<16xf32>
        %get3A_117 = arith.index_cast %add3A_95 : i32 to index
        %get3A_118 = arith.constant 0 : index
        %get3A_119 = tpu.vector_load %arg13[%get3A_117, %get3A_118] {strides = array<i32>} : memref<80x128xf32, #tpu.memory_space<vmem>>, vector<1x16xf32>,
        %get3A_120 = vector.shape_cast %get3A_119 : vector<1x16xf32> to vector<16xf32>
        %add3A_121 = arith.addf %add3A_116, %get3A_120 : vector<16xf32>
        %swap3A = arith.index_cast %add3A_95 : i32 to index
        %swap3A_122 = arith.constant 0 : index
        %swap3A_123 = tpu.vector_load %arg10[%swap3A, %swap3A_122] {strides = array<i32>} : memref<80x128xf32, #tpu.memory_space<vmem>>, vector<1x16xf32>,
        %swap3A_124 = vector.shape_cast %swap3A_123 : vector<1x16xf32> to vector<16xf32>
        %swap3A_125 = vector.shape_cast %add3A_121 : vector<16xf32> to vector<1x16xf32>
        tpu.vector_store %arg10[%swap3A, %swap3A_122], %swap3A_125 {strides = array<i32>} : memref<80x128xf32, #tpu.memory_space<vmem>>, vector<1x16xf32>,
        %get3A_126 = arith.index_cast %add3A_95 : i32 to index
        %get3A_127 = arith.constant 16 : index
        %get3A_128 = tpu.vector_load %arg10[%get3A_126, %get3A_127] {strides = array<i32>} : memref<80x128xf32, #tpu.memory_space<vmem>>, vector<1x16xf32>,
        %get3A_129 = vector.shape_cast %get3A_128 : vector<1x16xf32> to vector<16xf32>
        %get3A_130 = arith.index_cast %add3A_95 : i32 to index
        %get3A_131 = arith.constant 16 : index
        %get3A_132 = tpu.vector_load %arg11[%get3A_130, %get3A_131] {strides = array<i32>} : memref<80x128xf32, #tpu.memory_space<vmem>>, vector<1x16xf32>,
        %get3A_133 = vector.shape_cast %get3A_132 : vector<1x16xf32> to vector<16xf32>
        %add3A_134 = arith.addf %get3A_129, %get3A_133 : vector<16xf32>
        %get3A_135 = arith.index_cast %add3A_95 : i32 to index
        %get3A_136 = arith.constant 16 : index
        %get3A_137 = tpu.vector_load %arg12[%get3A_135, %get3A_136] {strides = array<i32>} : memref<80x128xf32, #tpu.memory_space<vmem>>, vector<1x16xf32>,
        %get3A_138 = vector.shape_cast %get3A_137 : vector<1x16xf32> to vector<16xf32>
        %add3A_139 = arith.addf %add3A_134, %get3A_138 : vector<16xf32>
        %max3A_140 = arith.constant 0.000000e+00 : f32
        %max3A_141 = vector.broadcast %max3A_140 : f32 to vector<16xf32>
        %max3A_142 = arith.maximumf %add3A_139, %max3A_141 : vector<16xf32>
        %min3A_143 = arith.constant 0.000000e+00 : f32
        %min3A_144 = vector.broadcast %min3A_143 : f32 to vector<16xf32>
        %min3A_145 = arith.minimumf %add3A_139, %min3A_144 : vector<16xf32>
        %mul3A_146 = arith.constant 0.00999999977 : f32
        %mul3A_147 = vector.broadcast %mul3A_146 : f32 to vector<16xf32>
        %mul3A_148 = arith.mulf %mul3A_147, %min3A_145 : vector<16xf32>
        %add3A_149 = arith.addf %max3A_142, %mul3A_148 : vector<16xf32>
        %get3A_150 = arith.index_cast %add3A_95 : i32 to index
        %get3A_151 = arith.constant 16 : index
        %get3A_152 = tpu.vector_load %arg13[%get3A_150, %get3A_151] {strides = array<i32>} : memref<80x128xf32, #tpu.memory_space<vmem>>, vector<1x16xf32>,
        %get3A_153 = vector.shape_cast %get3A_152 : vector<1x16xf32> to vector<16xf32>
        %add3A_154 = arith.addf %add3A_149, %get3A_153 : vector<16xf32>
        %swap3A_155 = arith.index_cast %add3A_95 : i32 to index
        %swap3A_156 = arith.constant 16 : index
        %swap3A_157 = tpu.vector_load %arg10[%swap3A_155, %swap3A_156] {strides = array<i32>} : memref<80x128xf32, #tpu.memory_space<vmem>>, vector<1x16xf32>,
        %swap3A_158 = vector.shape_cast %swap3A_157 : vector<1x16xf32> to vector<16xf32>
        %swap3A_159 = vector.shape_cast %add3A_154 : vector<16xf32> to vector<1x16xf32>
        tpu.vector_store %arg10[%swap3A_155, %swap3A_156], %swap3A_159 {strides = array<i32>} : memref<80x128xf32, #tpu.memory_space<vmem>>, vector<1x16xf32>,
        %get3A_160 = arith.index_cast %add3A_95 : i32 to index
        %get3A_161 = arith.constant 32 : index
        %get3A_162 = tpu.vector_load %arg10[%get3A_160, %get3A_161] {strides = array<i32>} : memref<80x128xf32, #tpu.memory_space<vmem>>, vector<1x16xf32>,
        %get3A_163 = vector.shape_cast %get3A_162 : vector<1x16xf32> to vector<16xf32>
        %get3A_164 = arith.index_cast %add3A_95 : i32 to index
        %get3A_165 = arith.constant 32 : index
        %get3A_166 = tpu.vector_load %arg11[%get3A_164, %get3A_165] {strides = array<i32>} : memref<80x128xf32, #tpu.memory_space<vmem>>, vector<1x16xf32>,
        %get3A_167 = vector.shape_cast %get3A_166 : vector<1x16xf32> to vector<16xf32>
        %add3A_168 = arith.addf %get3A_163, %get3A_167 : vector<16xf32>
        %get3A_169 = arith.index_cast %add3A_95 : i32 to index
        %get3A_170 = arith.constant 32 : index
        %get3A_171 = tpu.vector_load %arg12[%get3A_169, %get3A_170] {strides = array<i32>} : memref<80x128xf32, #tpu.memory_space<vmem>>, vector<1x16xf32>,
        %get3A_172 = vector.shape_cast %get3A_171 : vector<1x16xf32> to vector<16xf32>
        %add3A_173 = arith.addf %add3A_168, %get3A_172 : vector<16xf32>
        %max3A_174 = arith.constant 0.000000e+00 : f32
        %max3A_175 = vector.broadcast %max3A_174 : f32 to vector<16xf32>
        %max3A_176 = arith.maximumf %add3A_173, %max3A_175 : vector<16xf32>
        %min3A_177 = arith.constant 0.000000e+00 : f32
        %min3A_178 = vector.broadcast %min3A_177 : f32 to vector<16xf32>
        %min3A_179 = arith.minimumf %add3A_173, %min3A_178 : vector<16xf32>
        %mul3A_180 = arith.constant 0.00999999977 : f32
        %mul3A_181 = vector.broadcast %mul3A_180 : f32 to vector<16xf32>
        %mul3A_182 = arith.mulf %mul3A_181, %min3A_179 : vector<16xf32>
        %add3A_183 = arith.addf %max3A_176, %mul3A_182 : vector<16xf32>
        %get3A_184 = arith.index_cast %add3A_95 : i32 to index
        %get3A_185 = arith.constant 32 : index
        %get3A_186 = tpu.vector_load %arg13[%get3A_184, %get3A_185] {strides = array<i32>} : memref<80x128xf32, #tpu.memory_space<vmem>>, vector<1x16xf32>,
        %get3A_187 = vector.shape_cast %get3A_186 : vector<1x16xf32> to vector<16xf32>
        %add3A_188 = arith.addf %add3A_183, %get3A_187 : vector<16xf32>
        %swap3A_189 = arith.index_cast %add3A_95 : i32 to index
        %swap3A_190 = arith.constant 32 : index
        %swap3A_191 = tpu.vector_load %arg10[%swap3A_189, %swap3A_190] {strides = array<i32>} : memref<80x128xf32, #tpu.memory_space<vmem>>, vector<1x16xf32>,
        %swap3A_192 = vector.shape_cast %swap3A_191 : vector<1x16xf32> to vector<16xf32>
        %swap3A_193 = vector.shape_cast %add3A_188 : vector<16xf32> to vector<1x16xf32>
        tpu.vector_store %arg10[%swap3A_189, %swap3A_190], %swap3A_193 {strides = array<i32>} : memref<80x128xf32, #tpu.memory_space<vmem>>, vector<1x16xf32>,
        %get3A_194 = arith.index_cast %add3A_95 : i32 to index
        %get3A_195 = arith.constant 48 : index
        %get3A_196 = tpu.vector_load %arg10[%get3A_194, %get3A_195] {strides = array<i32>} : memref<80x128xf32, #tpu.memory_space<vmem>>, vector<1x16xf32>,
        %get3A_197 = vector.shape_cast %get3A_196 : vector<1x16xf32> to vector<16xf32>
        %get3A_198 = arith.index_cast %add3A_95 : i32 to index
        %get3A_199 = arith.constant 48 : index
        %get3A_200 = tpu.vector_load %arg11[%get3A_198, %get3A_199] {strides = array<i32>} : memref<80x128xf32, #tpu.memory_space<vmem>>, vector<1x16xf32>,
        %get3A_201 = vector.shape_cast %get3A_200 : vector<1x16xf32> to vector<16xf32>
        %add3A_202 = arith.addf %get3A_197, %get3A_201 : vector<16xf32>
        %get3A_203 = arith.index_cast %add3A_95 : i32 to index
        %get3A_204 = arith.constant 48 : index
        %get3A_205 = tpu.vector_load %arg12[%get3A_203, %get3A_204] {strides = array<i32>} : memref<80x128xf32, #tpu.memory_space<vmem>>, vector<1x16xf32>,
        %get3A_206 = vector.shape_cast %get3A_205 : vector<1x16xf32> to vector<16xf32>
        %add3A_207 = arith.addf %add3A_202, %get3A_206 : vector<16xf32>
        %max3A_208 = arith.constant 0.000000e+00 : f32
        %max3A_209 = vector.broadcast %max3A_208 : f32 to vector<16xf32>
        %max3A_210 = arith.maximumf %add3A_207, %max3A_209 : vector<16xf32>
        %min3A_211 = arith.constant 0.000000e+00 : f32
        %min3A_212 = vector.broadcast %min3A_211 : f32 to vector<16xf32>
        %min3A_213 = arith.minimumf %add3A_207, %min3A_212 : vector<16xf32>
        %mul3A_214 = arith.constant 0.00999999977 : f32
        %mul3A_215 = vector.broadcast %mul3A_214 : f32 to vector<16xf32>
        %mul3A_216 = arith.mulf %mul3A_215, %min3A_213 : vector<16xf32>
        %add3A_217 = arith.addf %max3A_210, %mul3A_216 : vector<16xf32>
        %get3A_218 = arith.index_cast %add3A_95 : i32 to index
        %get3A_219 = arith.constant 48 : index
        %get3A_220 = tpu.vector_load %arg13[%get3A_218, %get3A_219] {strides = array<i32>} : memref<80x128xf32, #tpu.memory_space<vmem>>, vector<1x16xf32>,
        %get3A_221 = vector.shape_cast %get3A_220 : vector<1x16xf32> to vector<16xf32>
        %add3A_222 = arith.addf %add3A_217, %get3A_221 : vector<16xf32>
        %swap3A_223 = arith.index_cast %add3A_95 : i32 to index
        %swap3A_224 = arith.constant 48 : index
        %swap3A_225 = tpu.vector_load %arg10[%swap3A_223, %swap3A_224] {strides = array<i32>} : memref<80x128xf32, #tpu.memory_space<vmem>>, vector<1x16xf32>,
        %swap3A_226 = vector.shape_cast %swap3A_225 : vector<1x16xf32> to vector<16xf32>
        %swap3A_227 = vector.shape_cast %add3A_222 : vector<16xf32> to vector<1x16xf32>
        tpu.vector_store %arg10[%swap3A_223, %swap3A_224], %swap3A_227 {strides = array<i32>} : memref<80x128xf32, #tpu.memory_space<vmem>>, vector<1x16xf32>,
        %get3A_228 = arith.index_cast %add3A_95 : i32 to index
        %get3A_229 = arith.constant 64 : index
        %get3A_230 = tpu.vector_load %arg10[%get3A_228, %get3A_229] {strides = array<i32>} : memref<80x128xf32, #tpu.memory_space<vmem>>, vector<1x16xf32>,
        %get3A_231 = vector.shape_cast %get3A_230 : vector<1x16xf32> to vector<16xf32>
        %get3A_232 = arith.index_cast %add3A_95 : i32 to index
        %get3A_233 = arith.constant 64 : index
        %get3A_234 = tpu.vector_load %arg11[%get3A_232, %get3A_233] {strides = array<i32>} : memref<80x128xf32, #tpu.memory_space<vmem>>, vector<1x16xf32>,
        %get3A_235 = vector.shape_cast %get3A_234 : vector<1x16xf32> to vector<16xf32>
        %add3A_236 = arith.addf %get3A_231, %get3A_235 : vector<16xf32>
        %get3A_237 = arith.index_cast %add3A_95 : i32 to index
        %get3A_238 = arith.constant 64 : index
        %get3A_239 = tpu.vector_load %arg12[%get3A_237, %get3A_238] {strides = array<i32>} : memref<80x128xf32, #tpu.memory_space<vmem>>, vector<1x16xf32>,
        %get3A_240 = vector.shape_cast %get3A_239 : vector<1x16xf32> to vector<16xf32>
        %add3A_241 = arith.addf %add3A_236, %get3A_240 : vector<16xf32>
        %max3A_242 = arith.constant 0.000000e+00 : f32
        %max3A_243 = vector.broadcast %max3A_242 : f32 to vector<16xf32>
        %max3A_244 = arith.maximumf %add3A_241, %max3A_243 : vector<16xf32>
        %min3A_245 = arith.constant 0.000000e+00 : f32
        %min3A_246 = vector.broadcast %min3A_245 : f32 to vector<16xf32>
        %min3A_247 = arith.minimumf %add3A_241, %min3A_246 : vector<16xf32>
        %mul3A_248 = arith.constant 0.00999999977 : f32
        %mul3A_249 = vector.broadcast %mul3A_248 : f32 to vector<16xf32>
        %mul3A_250 = arith.mulf %mul3A_249, %min3A_247 : vector<16xf32>
        %add3A_251 = arith.addf %max3A_244, %mul3A_250 : vector<16xf32>
        %get3A_252 = arith.index_cast %add3A_95 : i32 to index
        %get3A_253 = arith.constant 64 : index
        %get3A_254 = tpu.vector_load %arg13[%get3A_252, %get3A_253] {strides = array<i32>} : memref<80x128xf32, #tpu.memory_space<vmem>>, vector<1x16xf32>,
        %get3A_255 = vector.shape_cast %get3A_254 : vector<1x16xf32> to vector<16xf32>
        %add3A_256 = arith.addf %add3A_251, %get3A_255 : vector<16xf32>
        %swap3A_257 = arith.index_cast %add3A_95 : i32 to index
        %swap3A_258 = arith.constant 64 : index
        %swap3A_259 = tpu.vector_load %arg10[%swap3A_257, %swap3A_258] {strides = array<i32>} : memref<80x128xf32, #tpu.memory_space<vmem>>, vector<1x16xf32>,
        %swap3A_260 = vector.shape_cast %swap3A_259 : vector<1x16xf32> to vector<16xf32>
        %swap3A_261 = vector.shape_cast %add3A_256 : vector<16xf32> to vector<1x16xf32>
        tpu.vector_store %arg10[%swap3A_257, %swap3A_258], %swap3A_261 {strides = array<i32>} : memref<80x128xf32, #tpu.memory_space<vmem>>, vector<1x16xf32>,
        %get3A_262 = arith.index_cast %add3A_95 : i32 to index
        %get3A_263 = arith.constant 80 : index
        %get3A_264 = tpu.vector_load %arg10[%get3A_262, %get3A_263] {strides = array<i32>} : memref<80x128xf32, #tpu.memory_space<vmem>>, vector<1x16xf32>,
        %get3A_265 = vector.shape_cast %get3A_264 : vector<1x16xf32> to vector<16xf32>
        %get3A_266 = arith.index_cast %add3A_95 : i32 to index
        %get3A_267 = arith.constant 80 : index
        %get3A_268 = tpu.vector_load %arg11[%get3A_266, %get3A_267] {strides = array<i32>} : memref<80x128xf32, #tpu.memory_space<vmem>>, vector<1x16xf32>,
        %get3A_269 = vector.shape_cast %get3A_268 : vector<1x16xf32> to vector<16xf32>
        %add3A_270 = arith.addf %get3A_265, %get3A_269 : vector<16xf32>
        %get3A_271 = arith.index_cast %add3A_95 : i32 to index
        %get3A_272 = arith.constant 80 : index
        %get3A_273 = tpu.vector_load %arg12[%get3A_271, %get3A_272] {strides = array<i32>} : memref<80x128xf32, #tpu.memory_space<vmem>>, vector<1x16xf32>,
        %get3A_274 = vector.shape_cast %get3A_273 : vector<1x16xf32> to vector<16xf32>
        %add3A_275 = arith.addf %add3A_270, %get3A_274 : vector<16xf32>
        %max3A_276 = arith.constant 0.000000e+00 : f32
        %max3A_277 = vector.broadcast %max3A_276 : f32 to vector<16xf32>
        %max3A_278 = arith.maximumf %add3A_275, %max3A_277 : vector<16xf32>
        %min3A_279 = arith.constant 0.000000e+00 : f32
        %min3A_280 = vector.broadcast %min3A_279 : f32 to vector<16xf32>
        %min3A_281 = arith.minimumf %add3A_275, %min3A_280 : vector<16xf32>
        %mul3A_282 = arith.constant 0.00999999977 : f32
        %mul3A_283 = vector.broadcast %mul3A_282 : f32 to vector<16xf32>
        %mul3A_284 = arith.mulf %mul3A_283, %min3A_281 : vector<16xf32>
        %add3A_285 = arith.addf %max3A_278, %mul3A_284 : vector<16xf32>
        %get3A_286 = arith.index_cast %add3A_95 : i32 to index
        %get3A_287 = arith.constant 80 : index
        %get3A_288 = tpu.vector_load %arg13[%get3A_286, %get3A_287] {strides = array<i32>} : memref<80x128xf32, #tpu.memory_space<vmem>>, vector<1x16xf32>,
        %get3A_289 = vector.shape_cast %get3A_288 : vector<1x16xf32> to vector<16xf32>
        %add3A_290 = arith.addf %add3A_285, %get3A_289 : vector<16xf32>
        %swap3A_291 = arith.index_cast %add3A_95 : i32 to index
        %swap3A_292 = arith.constant 80 : index
        %swap3A_293 = tpu.vector_load %arg10[%swap3A_291, %swap3A_292] {strides = array<i32>} : memref<80x128xf32, #tpu.memory_space<vmem>>, vector<1x16xf32>,
        %swap3A_294 = vector.shape_cast %swap3A_293 : vector<1x16xf32> to vector<16xf32>
        %swap3A_295 = vector.shape_cast %add3A_290 : vector<16xf32> to vector<1x16xf32>
        tpu.vector_store %arg10[%swap3A_291, %swap3A_292], %swap3A_295 {strides = array<i32>} : memref<80x128xf32, #tpu.memory_space<vmem>>, vector<1x16xf32>,
        %get3A_296 = arith.index_cast %add3A_95 : i32 to index
        %get3A_297 = arith.constant 96 : index
        %get3A_298 = tpu.vector_load %arg10[%get3A_296, %get3A_297] {strides = array<i32>} : memref<80x128xf32, #tpu.memory_space<vmem>>, vector<1x16xf32>,
        %get3A_299 = vector.shape_cast %get3A_298 : vector<1x16xf32> to vector<16xf32>
        %get3A_300 = arith.index_cast %add3A_95 : i32 to index
        %get3A_301 = arith.constant 96 : index
        %get3A_302 = tpu.vector_load %arg11[%get3A_300, %get3A_301] {strides = array<i32>} : memref<80x128xf32, #tpu.memory_space<vmem>>, vector<1x16xf32>,
        %get3A_303 = vector.shape_cast %get3A_302 : vector<1x16xf32> to vector<16xf32>
        %add3A_304 = arith.addf %get3A_299, %get3A_303 : vector<16xf32>
        %get3A_305 = arith.index_cast %add3A_95 : i32 to index
        %get3A_306 = arith.constant 96 : index
        %get3A_307 = tpu.vector_load %arg12[%get3A_305, %get3A_306] {strides = array<i32>} : memref<80x128xf32, #tpu.memory_space<vmem>>, vector<1x16xf32>,
        %get3A_308 = vector.shape_cast %get3A_307 : vector<1x16xf32> to vector<16xf32>
        %add3A_309 = arith.addf %add3A_304, %get3A_308 : vector<16xf32>
        %max3A_310 = arith.constant 0.000000e+00 : f32
        %max3A_311 = vector.broadcast %max3A_310 : f32 to vector<16xf32>
        %max3A_312 = arith.maximumf %add3A_309, %max3A_311 : vector<16xf32>
        %min3A_313 = arith.constant 0.000000e+00 : f32
        %min3A_314 = vector.broadcast %min3A_313 : f32 to vector<16xf32>
        %min3A_315 = arith.minimumf %add3A_309, %min3A_314 : vector<16xf32>
        %mul3A_316 = arith.constant 0.00999999977 : f32
        %mul3A_317 = vector.broadcast %mul3A_316 : f32 to vector<16xf32>
        %mul3A_318 = arith.mulf %mul3A_317, %min3A_315 : vector<16xf32>
        %add3A_319 = arith.addf %max3A_312, %mul3A_318 : vector<16xf32>
        %get3A_320 = arith.index_cast %add3A_95 : i32 to index
        %get3A_321 = arith.constant 96 : index
        %get3A_322 = tpu.vector_load %arg13[%get3A_320, %get3A_321] {strides = array<i32>} : memref<80x128xf32, #tpu.memory_space<vmem>>, vector<1x16xf32>,
        %get3A_323 = vector.shape_cast %get3A_322 : vector<1x16xf32> to vector<16xf32>
        %add3A_324 = arith.addf %add3A_319, %get3A_323 : vector<16xf32>
        %swap3A_325 = arith.index_cast %add3A_95 : i32 to index
        %swap3A_326 = arith.constant 96 : index
        %swap3A_327 = tpu.vector_load %arg10[%swap3A_325, %swap3A_326] {strides = array<i32>} : memref<80x128xf32, #tpu.memory_space<vmem>>, vector<1x16xf32>,
        %swap3A_328 = vector.shape_cast %swap3A_327 : vector<1x16xf32> to vector<16xf32>
        %swap3A_329 = vector.shape_cast %add3A_324 : vector<16xf32> to vector<1x16xf32>
        tpu.vector_store %arg10[%swap3A_325, %swap3A_326], %swap3A_329 {strides = array<i32>} : memref<80x128xf32, #tpu.memory_space<vmem>>, vector<1x16xf32>,
        %get3A_330 = arith.index_cast %add3A_95 : i32 to index
        %get3A_331 = arith.constant 112 : index
        %get3A_332 = tpu.vector_load %arg10[%get3A_330, %get3A_331] {strides = array<i32>} : memref<80x128xf32, #tpu.memory_space<vmem>>, vector<1x16xf32>,
        %get3A_333 = vector.shape_cast %get3A_332 : vector<1x16xf32> to vector<16xf32>
        %get3A_334 = arith.index_cast %add3A_95 : i32 to index
        %get3A_335 = arith.constant 112 : index
        %get3A_336 = tpu.vector_load %arg11[%get3A_334, %get3A_335] {strides = array<i32>} : memref<80x128xf32, #tpu.memory_space<vmem>>, vector<1x16xf32>,
        %get3A_337 = vector.shape_cast %get3A_336 : vector<1x16xf32> to vector<16xf32>
        %add3A_338 = arith.addf %get3A_333, %get3A_337 : vector<16xf32>
        %get3A_339 = arith.index_cast %add3A_95 : i32 to index
        %get3A_340 = arith.constant 112 : index
        %get3A_341 = tpu.vector_load %arg12[%get3A_339, %get3A_340] {strides = array<i32>} : memref<80x128xf32, #tpu.memory_space<vmem>>, vector<1x16xf32>,
        %get3A_342 = vector.shape_cast %get3A_341 : vector<1x16xf32> to vector<16xf32>
        %add3A_343 = arith.addf %add3A_338, %get3A_342 : vector<16xf32>
        %max3A_344 = arith.constant 0.000000e+00 : f32
        %max3A_345 = vector.broadcast %max3A_344 : f32 to vector<16xf32>
        %max3A_346 = arith.maximumf %add3A_343, %max3A_345 : vector<16xf32>
        %min3A_347 = arith.constant 0.000000e+00 : f32
        %min3A_348 = vector.broadcast %min3A_347 : f32 to vector<16xf32>
        %min3A_349 = arith.minimumf %add3A_343, %min3A_348 : vector<16xf32>
        %mul3A_350 = arith.constant 0.00999999977 : f32
        %mul3A_351 = vector.broadcast %mul3A_350 : f32 to vector<16xf32>
        %mul3A_352 = arith.mulf %mul3A_351, %min3A_349 : vector<16xf32>
        %add3A_353 = arith.addf %max3A_346, %mul3A_352 : vector<16xf32>
        %get3A_354 = arith.index_cast %add3A_95 : i32 to index
        %get3A_355 = arith.constant 112 : index
        %get3A_356 = tpu.vector_load %arg13[%get3A_354, %get3A_355] {strides = array<i32>} : memref<80x128xf32, #tpu.memory_space<vmem>>, vector<1x16xf32>,
        %get3A_357 = vector.shape_cast %get3A_356 : vector<1x16xf32> to vector<16xf32>
        %add3A_358 = arith.addf %add3A_353, %get3A_357 : vector<16xf32>
        %swap3A_359 = arith.index_cast %add3A_95 : i32 to index
        %swap3A_360 = arith.constant 112 : index
        %swap3A_361 = tpu.vector_load %arg10[%swap3A_359, %swap3A_360] {strides = array<i32>} : memref<80x128xf32, #tpu.memory_space<vmem>>, vector<1x16xf32>,
        %swap3A_362 = vector.shape_cast %swap3A_361 : vector<1x16xf32> to vector<16xf32>
        %swap3A_363 = vector.shape_cast %add3A_358 : vector<16xf32> to vector<1x16xf32>
        tpu.vector_store %arg10[%swap3A_359, %swap3A_360], %swap3A_363 {strides = array<i32>} : memref<80x128xf32, #tpu.memory_space<vmem>>, vector<1x16xf32>,
      }
      %scan3A_61 = arith.constant 80 : i32
      %mul3A_62 = arith.constant 80 : i32
      %mul3A_63 = arith.muli %mul3A_28, %mul3A_62 : i32
      %add3A_64 = arith.addi %mul3A_4, %mul3A_63 : i32
      "tpu.region"() ({
        %run_scoped3A = tpu.sem_alloc : memref<!tpu.dma_semaphore, #tpu.memory_space<semaphore_mem>>
        %dma_start3A_91 = arith.constant 0 : i32
        %dma_start3A_92 = tpu.memref_slice %arg9[%add3A_64, %dma_start3A_91] : memref<163840x128xf32, #tpu.memory_space<hbm>> -> memref<80x128xf32, #tpu.memory_space<hbm>>
        %dma_start3A_93 = arith.constant 0 : i32
        %dma_start3A_94 = tpu.memref_slice %arg9[%add3A_64, %dma_start3A_93] : memref<163840x128xf32, #tpu.memory_space<hbm>> -> memref<80x128xf32, #tpu.memory_space<hbm>>
        tpu.enqueue_dma source(%arg10 : memref<80x128xf32, #tpu.memory_space<vmem>>) target(%dma_start3A_94 : memref<80x128xf32, #tpu.memory_space<hbm>>) target_semaphore(%run_scoped3A : memref<!tpu.dma_semaphore, #tpu.memory_space<semaphore_mem>>)
        %dma_wait3A_95 = arith.constant 0 : i32
        %dma_wait3A_96 = tpu.memref_slice %arg9[%add3A_64, %dma_wait3A_95] : memref<163840x128xf32, #tpu.memory_space<hbm>> -> memref<80x128xf32, #tpu.memory_space<hbm>>
        %dma_wait3A_97 = arith.constant 0 : i32
        %dma_wait3A_98 = tpu.memref_slice %arg9[%add3A_64, %dma_wait3A_97] : memref<163840x128xf32, #tpu.memory_space<hbm>> -> memref<80x128xf32, #tpu.memory_space<hbm>>
        tpu.wait_dma2 semaphore(%run_scoped3A : memref<!tpu.dma_semaphore, #tpu.memory_space<semaphore_mem>>) src(%arg10 : memref<80x128xf32, #tpu.memory_space<vmem>>) dst(%dma_wait3A_98 : memref<80x128xf32, #tpu.memory_space<hbm>>)
        tpu.yield
      }) : () -> ()
      %add3A_65 = arith.constant 2 : i32
      %add3A_66 = arith.addi %mul3A_28, %add3A_65 : i32
      %lt3A = arith.constant 64 : i32
      %lt3A_67 = arith.cmpi slt, %add3A_66, %lt3A : i32
      %convert_element_type3A = arith.extui %lt3A_67 : i1 to i32
      %cond3A = arith.constant 0 : i32
      %cond3A_68 = arith.cmpi ne, %convert_element_type3A, %cond3A : i32
      scf.if %cond3A_68 {
        %add3A_91 = arith.constant 2 : i32
        %add3A_92 = arith.addi %mul3A_28, %add3A_91 : i32
        %mul3A_93 = arith.constant 80 : i32
        %mul3A_94 = arith.muli %add3A_92, %mul3A_93 : i32
        %add3A_95 = arith.addi %mul3A_4, %mul3A_94 : i32
        "tpu.region"() ({
          %run_scoped3A = tpu.sem_alloc : memref<!tpu.dma_semaphore, #tpu.memory_space<semaphore_mem>>
          %dma_start3A_108 = tpu.memref_slice %arg6[%add3A_95] : memref<163840xi32, #tpu.memory_space<hbm>> -> memref<80xi32, #tpu.memory_space<hbm>>
          %dma_start3A_109 = tpu.memref_slice %arg6[%add3A_95] : memref<163840xi32, #tpu.memory_space<hbm>> -> memref<80xi32, #tpu.memory_space<hbm>>
          tpu.enqueue_dma source(%dma_start3A_109 : memref<80xi32, #tpu.memory_space<hbm>>) target(%arg14 : memref<80xi32, #tpu.memory_space<vmem>>) target_semaphore(%run_scoped3A : memref<!tpu.dma_semaphore, #tpu.memory_space<semaphore_mem>>)
          %dma_wait3A_110 = tpu.memref_slice %arg6[%add3A_95] : memref<163840xi32, #tpu.memory_space<hbm>> -> memref<80xi32, #tpu.memory_space<hbm>>
          %dma_wait3A_111 = tpu.memref_slice %arg6[%add3A_95] : memref<163840xi32, #tpu.memory_space<hbm>> -> memref<80xi32, #tpu.memory_space<hbm>>
          tpu.wait_dma2 semaphore(%run_scoped3A : memref<!tpu.dma_semaphore, #tpu.memory_space<semaphore_mem>>) src(%dma_wait3A_111 : memref<80xi32, #tpu.memory_space<hbm>>) dst(%arg14 : memref<80xi32, #tpu.memory_space<vmem>>)
          tpu.yield
        }) : () -> ()
        "tpu.region"() ({
          %run_scoped3A = tpu.sem_alloc : memref<!tpu.dma_semaphore, #tpu.memory_space<semaphore_mem>>
          %dma_start3A_108 = tpu.memref_slice %arg7[%add3A_95] : memref<163840xi32, #tpu.memory_space<hbm>> -> memref<80xi32, #tpu.memory_space<hbm>>
          %dma_start3A_109 = tpu.memref_slice %arg7[%add3A_95] : memref<163840xi32, #tpu.memory_space<hbm>> -> memref<80xi32, #tpu.memory_space<hbm>>
          tpu.enqueue_dma source(%dma_start3A_109 : memref<80xi32, #tpu.memory_space<hbm>>) target(%arg15 : memref<80xi32, #tpu.memory_space<vmem>>) target_semaphore(%run_scoped3A : memref<!tpu.dma_semaphore, #tpu.memory_space<semaphore_mem>>)
          %dma_wait3A_110 = tpu.memref_slice %arg7[%add3A_95] : memref<163840xi32, #tpu.memory_space<hbm>> -> memref<80xi32, #tpu.memory_space<hbm>>
          %dma_wait3A_111 = tpu.memref_slice %arg7[%add3A_95] : memref<163840xi32, #tpu.memory_space<hbm>> -> memref<80xi32, #tpu.memory_space<hbm>>
          tpu.wait_dma2 semaphore(%run_scoped3A : memref<!tpu.dma_semaphore, #tpu.memory_space<semaphore_mem>>) src(%dma_wait3A_111 : memref<80xi32, #tpu.memory_space<hbm>>) dst(%arg15 : memref<80xi32, #tpu.memory_space<vmem>>)
          tpu.yield
        }) : () -> ()
        "tpu.region"() ({
          %run_scoped3A = tpu.sem_alloc : memref<!tpu.dma_semaphore, #tpu.memory_space<semaphore_mem>>
          %dma_start3A_108 = tpu.memref_slice %arg8[%add3A_95] : memref<163840xi32, #tpu.memory_space<hbm>> -> memref<80xi32, #tpu.memory_space<hbm>>
          %dma_start3A_109 = tpu.memref_slice %arg8[%add3A_95] : memref<163840xi32, #tpu.memory_space<hbm>> -> memref<80xi32, #tpu.memory_space<hbm>>
          tpu.enqueue_dma source(%dma_start3A_109 : memref<80xi32, #tpu.memory_space<hbm>>) target(%arg16 : memref<80xi32, #tpu.memory_space<vmem>>) target_semaphore(%run_scoped3A : memref<!tpu.dma_semaphore, #tpu.memory_space<semaphore_mem>>)
          %dma_wait3A_110 = tpu.memref_slice %arg8[%add3A_95] : memref<163840xi32, #tpu.memory_space<hbm>> -> memref<80xi32, #tpu.memory_space<hbm>>
          %dma_wait3A_111 = tpu.memref_slice %arg8[%add3A_95] : memref<163840xi32, #tpu.memory_space<hbm>> -> memref<80xi32, #tpu.memory_space<hbm>>
          tpu.wait_dma2 semaphore(%run_scoped3A : memref<!tpu.dma_semaphore, #tpu.memory_space<semaphore_mem>>) src(%dma_wait3A_111 : memref<80xi32, #tpu.memory_space<hbm>>) dst(%arg16 : memref<80xi32, #tpu.memory_space<vmem>>)
          tpu.yield
        }) : () -> ()
        %dma_start3A_96 = arith.constant 0 : i32
        %dma_start3A_97 = arith.constant 0 : i32
        %dma_start3A_98 = tpu.memref_slice %arg2[%dma_start3A_96, %dma_start3A_97] : memref<10240x128xf32, #tpu.memory_space<hbm>> -> memref<10240x128xf32, #tpu.memory_space<hbm>>
        tpu.enqueue_indirect_dma source(%dma_start3A_98 : memref<10240x128xf32, #tpu.memory_space<hbm>>) target(%arg10 : memref<80x128xf32, #tpu.memory_space<vmem>>) offsets(%arg14 : memref<80xi32, #tpu.memory_space<vmem>>) semaphore(%arg17 : memref<!tpu.dma_semaphore, #tpu.memory_space<semaphore_mem>>)
        %dma_start3A_99 = arith.constant 0 : i32
        %dma_start3A_100 = arith.constant 0 : i32
        %dma_start3A_101 = tpu.memref_slice %arg3[%dma_start3A_99, %dma_start3A_100] : memref<10240x128xf32, #tpu.memory_space<hbm>> -> memref<10240x128xf32, #tpu.memory_space<hbm>>
        tpu.enqueue_indirect_dma source(%dma_start3A_101 : memref<10240x128xf32, #tpu.memory_space<hbm>>) target(%arg11 : memref<80x128xf32, #tpu.memory_space<vmem>>) offsets(%arg15 : memref<80xi32, #tpu.memory_space<vmem>>) semaphore(%arg18 : memref<!tpu.dma_semaphore, #tpu.memory_space<semaphore_mem>>)
        %dma_start3A_102 = arith.constant 0 : i32
        %dma_start3A_103 = arith.constant 0 : i32
        %dma_start3A_104 = tpu.memref_slice %arg4[%dma_start3A_102, %dma_start3A_103] : memref<512x128xf32, #tpu.memory_space<hbm>> -> memref<512x128xf32, #tpu.memory_space<hbm>>
        tpu.enqueue_indirect_dma source(%dma_start3A_104 : memref<512x128xf32, #tpu.memory_space<hbm>>) target(%arg12 : memref<80x128xf32, #tpu.memory_space<vmem>>) offsets(%arg16 : memref<80xi32, #tpu.memory_space<vmem>>) semaphore(%arg19 : memref<!tpu.dma_semaphore, #tpu.memory_space<semaphore_mem>>)
        %dma_start3A_105 = arith.constant 0 : i32
        %dma_start3A_106 = arith.constant 0 : i32
        %dma_start3A_107 = tpu.memref_slice %arg5[%dma_start3A_105, %dma_start3A_106] : memref<512x128xf32, #tpu.memory_space<hbm>> -> memref<512x128xf32, #tpu.memory_space<hbm>>
        tpu.enqueue_indirect_dma source(%dma_start3A_107 : memref<512x128xf32, #tpu.memory_space<hbm>>) target(%arg13 : memref<80x128xf32, #tpu.memory_space<vmem>>) offsets(%arg16 : memref<80xi32, #tpu.memory_space<vmem>>) semaphore(%arg20 : memref<!tpu.dma_semaphore, #tpu.memory_space<semaphore_mem>>)
      } else {
      }
      %dma_wait3A_69 = arith.constant 0 : i32
      %dma_wait3A_70 = arith.constant 0 : i32
      %dma_wait3A_71 = tpu.memref_slice %arg2[%dma_wait3A_69, %dma_wait3A_70] : memref<10240x128xf32, #tpu.memory_space<hbm>> -> memref<10240x128xf32, #tpu.memory_space<hbm>>
      tpu.wait_indirect_dma semaphore(%arg28 : memref<!tpu.dma_semaphore, #tpu.memory_space<semaphore_mem>>) src(%dma_wait3A_71 : memref<10240x128xf32, #tpu.memory_space<hbm>>) dst(%arg21 : memref<80x128xf32, #tpu.memory_space<vmem>>)
      %dma_wait3A_72 = arith.constant 0 : i32
      %dma_wait3A_73 = arith.constant 0 : i32
      %dma_wait3A_74 = tpu.memref_slice %arg3[%dma_wait3A_72, %dma_wait3A_73] : memref<10240x128xf32, #tpu.memory_space<hbm>> -> memref<10240x128xf32, #tpu.memory_space<hbm>>
      tpu.wait_indirect_dma semaphore(%arg29 : memref<!tpu.dma_semaphore, #tpu.memory_space<semaphore_mem>>) src(%dma_wait3A_74 : memref<10240x128xf32, #tpu.memory_space<hbm>>) dst(%arg22 : memref<80x128xf32, #tpu.memory_space<vmem>>)
      %dma_wait3A_75 = arith.constant 0 : i32
      %dma_wait3A_76 = arith.constant 0 : i32
      %dma_wait3A_77 = tpu.memref_slice %arg4[%dma_wait3A_75, %dma_wait3A_76] : memref<512x128xf32, #tpu.memory_space<hbm>> -> memref<512x128xf32, #tpu.memory_space<hbm>>
      tpu.wait_indirect_dma semaphore(%arg30 : memref<!tpu.dma_semaphore, #tpu.memory_space<semaphore_mem>>) src(%dma_wait3A_77 : memref<512x128xf32, #tpu.memory_space<hbm>>) dst(%arg23 : memref<80x128xf32, #tpu.memory_space<vmem>>)
      %dma_wait3A_78 = arith.constant 0 : i32
      %dma_wait3A_79 = arith.constant 0 : i32
      %dma_wait3A_80 = tpu.memref_slice %arg5[%dma_wait3A_78, %dma_wait3A_79] : memref<512x128xf32, #tpu.memory_space<hbm>> -> memref<512x128xf32, #tpu.memory_space<hbm>>
      tpu.wait_indirect_dma semaphore(%arg31 : memref<!tpu.dma_semaphore, #tpu.memory_space<semaphore_mem>>) src(%dma_wait3A_80 : memref<512x128xf32, #tpu.memory_space<hbm>>) dst(%arg24 : memref<80x128xf32, #tpu.memory_space<vmem>>)
      %add3A_81 = arith.constant 1 : i32
      %add3A_82 = arith.addi %mul3A_28, %add3A_81 : i32
      %scan3A_83 = arith.constant 0 : i32
      %scan3A_84 = arith.constant 80 : i32
      %scan3A_85 = arith.addi %scan3A_83, %scan3A_84 : i32
      %scan3A_86 = arith.constant 1 : i32
      scf.for %scan3A_91 = %scan3A_83 to %scan3A_85 step %scan3A_86  : i32 {
        %mul3A_92 = arith.constant 1 : i32
        %mul3A_93 = arith.muli %scan3A_91, %mul3A_92 : i32
        %add3A_94 = arith.constant 0 : i32
        %add3A_95 = arith.addi %add3A_94, %mul3A_93 : i32
        %get3A = arith.index_cast %add3A_95 : i32 to index
        %get3A_96 = arith.constant 0 : index
        %get3A_97 = tpu.vector_load %arg21[%get3A, %get3A_96] {strides = array<i32>} : memref<80x128xf32, #tpu.memory_space<vmem>>, vector<1x16xf32>,
        %get3A_98 = vector.shape_cast %get3A_97 : vector<1x16xf32> to vector<16xf32>
        %get3A_99 = arith.index_cast %add3A_95 : i32 to index
        %get3A_100 = arith.constant 0 : index
        %get3A_101 = tpu.vector_load %arg22[%get3A_99, %get3A_100] {strides = array<i32>} : memref<80x128xf32, #tpu.memory_space<vmem>>, vector<1x16xf32>,
        %get3A_102 = vector.shape_cast %get3A_101 : vector<1x16xf32> to vector<16xf32>
        %add3A_103 = arith.addf %get3A_98, %get3A_102 : vector<16xf32>
        %get3A_104 = arith.index_cast %add3A_95 : i32 to index
        %get3A_105 = arith.constant 0 : index
        %get3A_106 = tpu.vector_load %arg23[%get3A_104, %get3A_105] {strides = array<i32>} : memref<80x128xf32, #tpu.memory_space<vmem>>, vector<1x16xf32>,
        %get3A_107 = vector.shape_cast %get3A_106 : vector<1x16xf32> to vector<16xf32>
        %add3A_108 = arith.addf %add3A_103, %get3A_107 : vector<16xf32>
        %max3A = arith.constant 0.000000e+00 : f32
        %max3A_109 = vector.broadcast %max3A : f32 to vector<16xf32>
        %max3A_110 = arith.maximumf %add3A_108, %max3A_109 : vector<16xf32>
        %min3A = arith.constant 0.000000e+00 : f32
        %min3A_111 = vector.broadcast %min3A : f32 to vector<16xf32>
        %min3A_112 = arith.minimumf %add3A_108, %min3A_111 : vector<16xf32>
        %mul3A_113 = arith.constant 0.00999999977 : f32
        %mul3A_114 = vector.broadcast %mul3A_113 : f32 to vector<16xf32>
        %mul3A_115 = arith.mulf %mul3A_114, %min3A_112 : vector<16xf32>
        %add3A_116 = arith.addf %max3A_110, %mul3A_115 : vector<16xf32>
        %get3A_117 = arith.index_cast %add3A_95 : i32 to index
        %get3A_118 = arith.constant 0 : index
        %get3A_119 = tpu.vector_load %arg24[%get3A_117, %get3A_118] {strides = array<i32>} : memref<80x128xf32, #tpu.memory_space<vmem>>, vector<1x16xf32>,
        %get3A_120 = vector.shape_cast %get3A_119 : vector<1x16xf32> to vector<16xf32>
        %add3A_121 = arith.addf %add3A_116, %get3A_120 : vector<16xf32>
        %swap3A = arith.index_cast %add3A_95 : i32 to index
        %swap3A_122 = arith.constant 0 : index
        %swap3A_123 = tpu.vector_load %arg21[%swap3A, %swap3A_122] {strides = array<i32>} : memref<80x128xf32, #tpu.memory_space<vmem>>, vector<1x16xf32>,
        %swap3A_124 = vector.shape_cast %swap3A_123 : vector<1x16xf32> to vector<16xf32>
        %swap3A_125 = vector.shape_cast %add3A_121 : vector<16xf32> to vector<1x16xf32>
        tpu.vector_store %arg21[%swap3A, %swap3A_122], %swap3A_125 {strides = array<i32>} : memref<80x128xf32, #tpu.memory_space<vmem>>, vector<1x16xf32>,
        %get3A_126 = arith.index_cast %add3A_95 : i32 to index
        %get3A_127 = arith.constant 16 : index
        %get3A_128 = tpu.vector_load %arg21[%get3A_126, %get3A_127] {strides = array<i32>} : memref<80x128xf32, #tpu.memory_space<vmem>>, vector<1x16xf32>,
        %get3A_129 = vector.shape_cast %get3A_128 : vector<1x16xf32> to vector<16xf32>
        %get3A_130 = arith.index_cast %add3A_95 : i32 to index
        %get3A_131 = arith.constant 16 : index
        %get3A_132 = tpu.vector_load %arg22[%get3A_130, %get3A_131] {strides = array<i32>} : memref<80x128xf32, #tpu.memory_space<vmem>>, vector<1x16xf32>,
        %get3A_133 = vector.shape_cast %get3A_132 : vector<1x16xf32> to vector<16xf32>
        %add3A_134 = arith.addf %get3A_129, %get3A_133 : vector<16xf32>
        %get3A_135 = arith.index_cast %add3A_95 : i32 to index
        %get3A_136 = arith.constant 16 : index
        %get3A_137 = tpu.vector_load %arg23[%get3A_135, %get3A_136] {strides = array<i32>} : memref<80x128xf32, #tpu.memory_space<vmem>>, vector<1x16xf32>,
        %get3A_138 = vector.shape_cast %get3A_137 : vector<1x16xf32> to vector<16xf32>
        %add3A_139 = arith.addf %add3A_134, %get3A_138 : vector<16xf32>
        %max3A_140 = arith.constant 0.000000e+00 : f32
        %max3A_141 = vector.broadcast %max3A_140 : f32 to vector<16xf32>
        %max3A_142 = arith.maximumf %add3A_139, %max3A_141 : vector<16xf32>
        %min3A_143 = arith.constant 0.000000e+00 : f32
        %min3A_144 = vector.broadcast %min3A_143 : f32 to vector<16xf32>
        %min3A_145 = arith.minimumf %add3A_139, %min3A_144 : vector<16xf32>
        %mul3A_146 = arith.constant 0.00999999977 : f32
        %mul3A_147 = vector.broadcast %mul3A_146 : f32 to vector<16xf32>
        %mul3A_148 = arith.mulf %mul3A_147, %min3A_145 : vector<16xf32>
        %add3A_149 = arith.addf %max3A_142, %mul3A_148 : vector<16xf32>
        %get3A_150 = arith.index_cast %add3A_95 : i32 to index
        %get3A_151 = arith.constant 16 : index
        %get3A_152 = tpu.vector_load %arg24[%get3A_150, %get3A_151] {strides = array<i32>} : memref<80x128xf32, #tpu.memory_space<vmem>>, vector<1x16xf32>,
        %get3A_153 = vector.shape_cast %get3A_152 : vector<1x16xf32> to vector<16xf32>
        %add3A_154 = arith.addf %add3A_149, %get3A_153 : vector<16xf32>
        %swap3A_155 = arith.index_cast %add3A_95 : i32 to index
        %swap3A_156 = arith.constant 16 : index
        %swap3A_157 = tpu.vector_load %arg21[%swap3A_155, %swap3A_156] {strides = array<i32>} : memref<80x128xf32, #tpu.memory_space<vmem>>, vector<1x16xf32>,
        %swap3A_158 = vector.shape_cast %swap3A_157 : vector<1x16xf32> to vector<16xf32>
        %swap3A_159 = vector.shape_cast %add3A_154 : vector<16xf32> to vector<1x16xf32>
        tpu.vector_store %arg21[%swap3A_155, %swap3A_156], %swap3A_159 {strides = array<i32>} : memref<80x128xf32, #tpu.memory_space<vmem>>, vector<1x16xf32>,
        %get3A_160 = arith.index_cast %add3A_95 : i32 to index
        %get3A_161 = arith.constant 32 : index
        %get3A_162 = tpu.vector_load %arg21[%get3A_160, %get3A_161] {strides = array<i32>} : memref<80x128xf32, #tpu.memory_space<vmem>>, vector<1x16xf32>,
        %get3A_163 = vector.shape_cast %get3A_162 : vector<1x16xf32> to vector<16xf32>
        %get3A_164 = arith.index_cast %add3A_95 : i32 to index
        %get3A_165 = arith.constant 32 : index
        %get3A_166 = tpu.vector_load %arg22[%get3A_164, %get3A_165] {strides = array<i32>} : memref<80x128xf32, #tpu.memory_space<vmem>>, vector<1x16xf32>,
        %get3A_167 = vector.shape_cast %get3A_166 : vector<1x16xf32> to vector<16xf32>
        %add3A_168 = arith.addf %get3A_163, %get3A_167 : vector<16xf32>
        %get3A_169 = arith.index_cast %add3A_95 : i32 to index
        %get3A_170 = arith.constant 32 : index
        %get3A_171 = tpu.vector_load %arg23[%get3A_169, %get3A_170] {strides = array<i32>} : memref<80x128xf32, #tpu.memory_space<vmem>>, vector<1x16xf32>,
        %get3A_172 = vector.shape_cast %get3A_171 : vector<1x16xf32> to vector<16xf32>
        %add3A_173 = arith.addf %add3A_168, %get3A_172 : vector<16xf32>
        %max3A_174 = arith.constant 0.000000e+00 : f32
        %max3A_175 = vector.broadcast %max3A_174 : f32 to vector<16xf32>
        %max3A_176 = arith.maximumf %add3A_173, %max3A_175 : vector<16xf32>
        %min3A_177 = arith.constant 0.000000e+00 : f32
        %min3A_178 = vector.broadcast %min3A_177 : f32 to vector<16xf32>
        %min3A_179 = arith.minimumf %add3A_173, %min3A_178 : vector<16xf32>
        %mul3A_180 = arith.constant 0.00999999977 : f32
        %mul3A_181 = vector.broadcast %mul3A_180 : f32 to vector<16xf32>
        %mul3A_182 = arith.mulf %mul3A_181, %min3A_179 : vector<16xf32>
        %add3A_183 = arith.addf %max3A_176, %mul3A_182 : vector<16xf32>
        %get3A_184 = arith.index_cast %add3A_95 : i32 to index
        %get3A_185 = arith.constant 32 : index
        %get3A_186 = tpu.vector_load %arg24[%get3A_184, %get3A_185] {strides = array<i32>} : memref<80x128xf32, #tpu.memory_space<vmem>>, vector<1x16xf32>,
        %get3A_187 = vector.shape_cast %get3A_186 : vector<1x16xf32> to vector<16xf32>
        %add3A_188 = arith.addf %add3A_183, %get3A_187 : vector<16xf32>
        %swap3A_189 = arith.index_cast %add3A_95 : i32 to index
        %swap3A_190 = arith.constant 32 : index
        %swap3A_191 = tpu.vector_load %arg21[%swap3A_189, %swap3A_190] {strides = array<i32>} : memref<80x128xf32, #tpu.memory_space<vmem>>, vector<1x16xf32>,
        %swap3A_192 = vector.shape_cast %swap3A_191 : vector<1x16xf32> to vector<16xf32>
        %swap3A_193 = vector.shape_cast %add3A_188 : vector<16xf32> to vector<1x16xf32>
        tpu.vector_store %arg21[%swap3A_189, %swap3A_190], %swap3A_193 {strides = array<i32>} : memref<80x128xf32, #tpu.memory_space<vmem>>, vector<1x16xf32>,
        %get3A_194 = arith.index_cast %add3A_95 : i32 to index
        %get3A_195 = arith.constant 48 : index
        %get3A_196 = tpu.vector_load %arg21[%get3A_194, %get3A_195] {strides = array<i32>} : memref<80x128xf32, #tpu.memory_space<vmem>>, vector<1x16xf32>,
        %get3A_197 = vector.shape_cast %get3A_196 : vector<1x16xf32> to vector<16xf32>
        %get3A_198 = arith.index_cast %add3A_95 : i32 to index
        %get3A_199 = arith.constant 48 : index
        %get3A_200 = tpu.vector_load %arg22[%get3A_198, %get3A_199] {strides = array<i32>} : memref<80x128xf32, #tpu.memory_space<vmem>>, vector<1x16xf32>,
        %get3A_201 = vector.shape_cast %get3A_200 : vector<1x16xf32> to vector<16xf32>
        %add3A_202 = arith.addf %get3A_197, %get3A_201 : vector<16xf32>
        %get3A_203 = arith.index_cast %add3A_95 : i32 to index
        %get3A_204 = arith.constant 48 : index
        %get3A_205 = tpu.vector_load %arg23[%get3A_203, %get3A_204] {strides = array<i32>} : memref<80x128xf32, #tpu.memory_space<vmem>>, vector<1x16xf32>,
        %get3A_206 = vector.shape_cast %get3A_205 : vector<1x16xf32> to vector<16xf32>
        %add3A_207 = arith.addf %add3A_202, %get3A_206 : vector<16xf32>
        %max3A_208 = arith.constant 0.000000e+00 : f32
        %max3A_209 = vector.broadcast %max3A_208 : f32 to vector<16xf32>
        %max3A_210 = arith.maximumf %add3A_207, %max3A_209 : vector<16xf32>
        %min3A_211 = arith.constant 0.000000e+00 : f32
        %min3A_212 = vector.broadcast %min3A_211 : f32 to vector<16xf32>
        %min3A_213 = arith.minimumf %add3A_207, %min3A_212 : vector<16xf32>
        %mul3A_214 = arith.constant 0.00999999977 : f32
        %mul3A_215 = vector.broadcast %mul3A_214 : f32 to vector<16xf32>
        %mul3A_216 = arith.mulf %mul3A_215, %min3A_213 : vector<16xf32>
        %add3A_217 = arith.addf %max3A_210, %mul3A_216 : vector<16xf32>
        %get3A_218 = arith.index_cast %add3A_95 : i32 to index
        %get3A_219 = arith.constant 48 : index
        %get3A_220 = tpu.vector_load %arg24[%get3A_218, %get3A_219] {strides = array<i32>} : memref<80x128xf32, #tpu.memory_space<vmem>>, vector<1x16xf32>,
        %get3A_221 = vector.shape_cast %get3A_220 : vector<1x16xf32> to vector<16xf32>
        %add3A_222 = arith.addf %add3A_217, %get3A_221 : vector<16xf32>
        %swap3A_223 = arith.index_cast %add3A_95 : i32 to index
        %swap3A_224 = arith.constant 48 : index
        %swap3A_225 = tpu.vector_load %arg21[%swap3A_223, %swap3A_224] {strides = array<i32>} : memref<80x128xf32, #tpu.memory_space<vmem>>, vector<1x16xf32>,
        %swap3A_226 = vector.shape_cast %swap3A_225 : vector<1x16xf32> to vector<16xf32>
        %swap3A_227 = vector.shape_cast %add3A_222 : vector<16xf32> to vector<1x16xf32>
        tpu.vector_store %arg21[%swap3A_223, %swap3A_224], %swap3A_227 {strides = array<i32>} : memref<80x128xf32, #tpu.memory_space<vmem>>, vector<1x16xf32>,
        %get3A_228 = arith.index_cast %add3A_95 : i32 to index
        %get3A_229 = arith.constant 64 : index
        %get3A_230 = tpu.vector_load %arg21[%get3A_228, %get3A_229] {strides = array<i32>} : memref<80x128xf32, #tpu.memory_space<vmem>>, vector<1x16xf32>,
        %get3A_231 = vector.shape_cast %get3A_230 : vector<1x16xf32> to vector<16xf32>
        %get3A_232 = arith.index_cast %add3A_95 : i32 to index
        %get3A_233 = arith.constant 64 : index
        %get3A_234 = tpu.vector_load %arg22[%get3A_232, %get3A_233] {strides = array<i32>} : memref<80x128xf32, #tpu.memory_space<vmem>>, vector<1x16xf32>,
        %get3A_235 = vector.shape_cast %get3A_234 : vector<1x16xf32> to vector<16xf32>
        %add3A_236 = arith.addf %get3A_231, %get3A_235 : vector<16xf32>
        %get3A_237 = arith.index_cast %add3A_95 : i32 to index
        %get3A_238 = arith.constant 64 : index
        %get3A_239 = tpu.vector_load %arg23[%get3A_237, %get3A_238] {strides = array<i32>} : memref<80x128xf32, #tpu.memory_space<vmem>>, vector<1x16xf32>,
        %get3A_240 = vector.shape_cast %get3A_239 : vector<1x16xf32> to vector<16xf32>
        %add3A_241 = arith.addf %add3A_236, %get3A_240 : vector<16xf32>
        %max3A_242 = arith.constant 0.000000e+00 : f32
        %max3A_243 = vector.broadcast %max3A_242 : f32 to vector<16xf32>
        %max3A_244 = arith.maximumf %add3A_241, %max3A_243 : vector<16xf32>
        %min3A_245 = arith.constant 0.000000e+00 : f32
        %min3A_246 = vector.broadcast %min3A_245 : f32 to vector<16xf32>
        %min3A_247 = arith.minimumf %add3A_241, %min3A_246 : vector<16xf32>
        %mul3A_248 = arith.constant 0.00999999977 : f32
        %mul3A_249 = vector.broadcast %mul3A_248 : f32 to vector<16xf32>
        %mul3A_250 = arith.mulf %mul3A_249, %min3A_247 : vector<16xf32>
        %add3A_251 = arith.addf %max3A_244, %mul3A_250 : vector<16xf32>
        %get3A_252 = arith.index_cast %add3A_95 : i32 to index
        %get3A_253 = arith.constant 64 : index
        %get3A_254 = tpu.vector_load %arg24[%get3A_252, %get3A_253] {strides = array<i32>} : memref<80x128xf32, #tpu.memory_space<vmem>>, vector<1x16xf32>,
        %get3A_255 = vector.shape_cast %get3A_254 : vector<1x16xf32> to vector<16xf32>
        %add3A_256 = arith.addf %add3A_251, %get3A_255 : vector<16xf32>
        %swap3A_257 = arith.index_cast %add3A_95 : i32 to index
        %swap3A_258 = arith.constant 64 : index
        %swap3A_259 = tpu.vector_load %arg21[%swap3A_257, %swap3A_258] {strides = array<i32>} : memref<80x128xf32, #tpu.memory_space<vmem>>, vector<1x16xf32>,
        %swap3A_260 = vector.shape_cast %swap3A_259 : vector<1x16xf32> to vector<16xf32>
        %swap3A_261 = vector.shape_cast %add3A_256 : vector<16xf32> to vector<1x16xf32>
        tpu.vector_store %arg21[%swap3A_257, %swap3A_258], %swap3A_261 {strides = array<i32>} : memref<80x128xf32, #tpu.memory_space<vmem>>, vector<1x16xf32>,
        %get3A_262 = arith.index_cast %add3A_95 : i32 to index
        %get3A_263 = arith.constant 80 : index
        %get3A_264 = tpu.vector_load %arg21[%get3A_262, %get3A_263] {strides = array<i32>} : memref<80x128xf32, #tpu.memory_space<vmem>>, vector<1x16xf32>,
        %get3A_265 = vector.shape_cast %get3A_264 : vector<1x16xf32> to vector<16xf32>
        %get3A_266 = arith.index_cast %add3A_95 : i32 to index
        %get3A_267 = arith.constant 80 : index
        %get3A_268 = tpu.vector_load %arg22[%get3A_266, %get3A_267] {strides = array<i32>} : memref<80x128xf32, #tpu.memory_space<vmem>>, vector<1x16xf32>,
        %get3A_269 = vector.shape_cast %get3A_268 : vector<1x16xf32> to vector<16xf32>
        %add3A_270 = arith.addf %get3A_265, %get3A_269 : vector<16xf32>
        %get3A_271 = arith.index_cast %add3A_95 : i32 to index
        %get3A_272 = arith.constant 80 : index
        %get3A_273 = tpu.vector_load %arg23[%get3A_271, %get3A_272] {strides = array<i32>} : memref<80x128xf32, #tpu.memory_space<vmem>>, vector<1x16xf32>,
        %get3A_274 = vector.shape_cast %get3A_273 : vector<1x16xf32> to vector<16xf32>
        %add3A_275 = arith.addf %add3A_270, %get3A_274 : vector<16xf32>
        %max3A_276 = arith.constant 0.000000e+00 : f32
        %max3A_277 = vector.broadcast %max3A_276 : f32 to vector<16xf32>
        %max3A_278 = arith.maximumf %add3A_275, %max3A_277 : vector<16xf32>
        %min3A_279 = arith.constant 0.000000e+00 : f32
        %min3A_280 = vector.broadcast %min3A_279 : f32 to vector<16xf32>
        %min3A_281 = arith.minimumf %add3A_275, %min3A_280 : vector<16xf32>
        %mul3A_282 = arith.constant 0.00999999977 : f32
        %mul3A_283 = vector.broadcast %mul3A_282 : f32 to vector<16xf32>
        %mul3A_284 = arith.mulf %mul3A_283, %min3A_281 : vector<16xf32>
        %add3A_285 = arith.addf %max3A_278, %mul3A_284 : vector<16xf32>
        %get3A_286 = arith.index_cast %add3A_95 : i32 to index
        %get3A_287 = arith.constant 80 : index
        %get3A_288 = tpu.vector_load %arg24[%get3A_286, %get3A_287] {strides = array<i32>} : memref<80x128xf32, #tpu.memory_space<vmem>>, vector<1x16xf32>,
        %get3A_289 = vector.shape_cast %get3A_288 : vector<1x16xf32> to vector<16xf32>
        %add3A_290 = arith.addf %add3A_285, %get3A_289 : vector<16xf32>
        %swap3A_291 = arith.index_cast %add3A_95 : i32 to index
        %swap3A_292 = arith.constant 80 : index
        %swap3A_293 = tpu.vector_load %arg21[%swap3A_291, %swap3A_292] {strides = array<i32>} : memref<80x128xf32, #tpu.memory_space<vmem>>, vector<1x16xf32>,
        %swap3A_294 = vector.shape_cast %swap3A_293 : vector<1x16xf32> to vector<16xf32>
        %swap3A_295 = vector.shape_cast %add3A_290 : vector<16xf32> to vector<1x16xf32>
        tpu.vector_store %arg21[%swap3A_291, %swap3A_292], %swap3A_295 {strides = array<i32>} : memref<80x128xf32, #tpu.memory_space<vmem>>, vector<1x16xf32>,
        %get3A_296 = arith.index_cast %add3A_95 : i32 to index
        %get3A_297 = arith.constant 96 : index
        %get3A_298 = tpu.vector_load %arg21[%get3A_296, %get3A_297] {strides = array<i32>} : memref<80x128xf32, #tpu.memory_space<vmem>>, vector<1x16xf32>,
        %get3A_299 = vector.shape_cast %get3A_298 : vector<1x16xf32> to vector<16xf32>
        %get3A_300 = arith.index_cast %add3A_95 : i32 to index
        %get3A_301 = arith.constant 96 : index
        %get3A_302 = tpu.vector_load %arg22[%get3A_300, %get3A_301] {strides = array<i32>} : memref<80x128xf32, #tpu.memory_space<vmem>>, vector<1x16xf32>,
        %get3A_303 = vector.shape_cast %get3A_302 : vector<1x16xf32> to vector<16xf32>
        %add3A_304 = arith.addf %get3A_299, %get3A_303 : vector<16xf32>
        %get3A_305 = arith.index_cast %add3A_95 : i32 to index
        %get3A_306 = arith.constant 96 : index
        %get3A_307 = tpu.vector_load %arg23[%get3A_305, %get3A_306] {strides = array<i32>} : memref<80x128xf32, #tpu.memory_space<vmem>>, vector<1x16xf32>,
        %get3A_308 = vector.shape_cast %get3A_307 : vector<1x16xf32> to vector<16xf32>
        %add3A_309 = arith.addf %add3A_304, %get3A_308 : vector<16xf32>
        %max3A_310 = arith.constant 0.000000e+00 : f32
        %max3A_311 = vector.broadcast %max3A_310 : f32 to vector<16xf32>
        %max3A_312 = arith.maximumf %add3A_309, %max3A_311 : vector<16xf32>
        %min3A_313 = arith.constant 0.000000e+00 : f32
        %min3A_314 = vector.broadcast %min3A_313 : f32 to vector<16xf32>
        %min3A_315 = arith.minimumf %add3A_309, %min3A_314 : vector<16xf32>
        %mul3A_316 = arith.constant 0.00999999977 : f32
        %mul3A_317 = vector.broadcast %mul3A_316 : f32 to vector<16xf32>
        %mul3A_318 = arith.mulf %mul3A_317, %min3A_315 : vector<16xf32>
        %add3A_319 = arith.addf %max3A_312, %mul3A_318 : vector<16xf32>
        %get3A_320 = arith.index_cast %add3A_95 : i32 to index
        %get3A_321 = arith.constant 96 : index
        %get3A_322 = tpu.vector_load %arg24[%get3A_320, %get3A_321] {strides = array<i32>} : memref<80x128xf32, #tpu.memory_space<vmem>>, vector<1x16xf32>,
        %get3A_323 = vector.shape_cast %get3A_322 : vector<1x16xf32> to vector<16xf32>
        %add3A_324 = arith.addf %add3A_319, %get3A_323 : vector<16xf32>
        %swap3A_325 = arith.index_cast %add3A_95 : i32 to index
        %swap3A_326 = arith.constant 96 : index
        %swap3A_327 = tpu.vector_load %arg21[%swap3A_325, %swap3A_326] {strides = array<i32>} : memref<80x128xf32, #tpu.memory_space<vmem>>, vector<1x16xf32>,
        %swap3A_328 = vector.shape_cast %swap3A_327 : vector<1x16xf32> to vector<16xf32>
        %swap3A_329 = vector.shape_cast %add3A_324 : vector<16xf32> to vector<1x16xf32>
        tpu.vector_store %arg21[%swap3A_325, %swap3A_326], %swap3A_329 {strides = array<i32>} : memref<80x128xf32, #tpu.memory_space<vmem>>, vector<1x16xf32>,
        %get3A_330 = arith.index_cast %add3A_95 : i32 to index
        %get3A_331 = arith.constant 112 : index
        %get3A_332 = tpu.vector_load %arg21[%get3A_330, %get3A_331] {strides = array<i32>} : memref<80x128xf32, #tpu.memory_space<vmem>>, vector<1x16xf32>,
        %get3A_333 = vector.shape_cast %get3A_332 : vector<1x16xf32> to vector<16xf32>
        %get3A_334 = arith.index_cast %add3A_95 : i32 to index
        %get3A_335 = arith.constant 112 : index
        %get3A_336 = tpu.vector_load %arg22[%get3A_334, %get3A_335] {strides = array<i32>} : memref<80x128xf32, #tpu.memory_space<vmem>>, vector<1x16xf32>,
        %get3A_337 = vector.shape_cast %get3A_336 : vector<1x16xf32> to vector<16xf32>
        %add3A_338 = arith.addf %get3A_333, %get3A_337 : vector<16xf32>
        %get3A_339 = arith.index_cast %add3A_95 : i32 to index
        %get3A_340 = arith.constant 112 : index
        %get3A_341 = tpu.vector_load %arg23[%get3A_339, %get3A_340] {strides = array<i32>} : memref<80x128xf32, #tpu.memory_space<vmem>>, vector<1x16xf32>,
        %get3A_342 = vector.shape_cast %get3A_341 : vector<1x16xf32> to vector<16xf32>
        %add3A_343 = arith.addf %add3A_338, %get3A_342 : vector<16xf32>
        %max3A_344 = arith.constant 0.000000e+00 : f32
        %max3A_345 = vector.broadcast %max3A_344 : f32 to vector<16xf32>
        %max3A_346 = arith.maximumf %add3A_343, %max3A_345 : vector<16xf32>
        %min3A_347 = arith.constant 0.000000e+00 : f32
        %min3A_348 = vector.broadcast %min3A_347 : f32 to vector<16xf32>
        %min3A_349 = arith.minimumf %add3A_343, %min3A_348 : vector<16xf32>
        %mul3A_350 = arith.constant 0.00999999977 : f32
        %mul3A_351 = vector.broadcast %mul3A_350 : f32 to vector<16xf32>
        %mul3A_352 = arith.mulf %mul3A_351, %min3A_349 : vector<16xf32>
        %add3A_353 = arith.addf %max3A_346, %mul3A_352 : vector<16xf32>
        %get3A_354 = arith.index_cast %add3A_95 : i32 to index
        %get3A_355 = arith.constant 112 : index
        %get3A_356 = tpu.vector_load %arg24[%get3A_354, %get3A_355] {strides = array<i32>} : memref<80x128xf32, #tpu.memory_space<vmem>>, vector<1x16xf32>,
        %get3A_357 = vector.shape_cast %get3A_356 : vector<1x16xf32> to vector<16xf32>
        %add3A_358 = arith.addf %add3A_353, %get3A_357 : vector<16xf32>
        %swap3A_359 = arith.index_cast %add3A_95 : i32 to index
        %swap3A_360 = arith.constant 112 : index
        %swap3A_361 = tpu.vector_load %arg21[%swap3A_359, %swap3A_360] {strides = array<i32>} : memref<80x128xf32, #tpu.memory_space<vmem>>, vector<1x16xf32>,
        %swap3A_362 = vector.shape_cast %swap3A_361 : vector<1x16xf32> to vector<16xf32>
        %swap3A_363 = vector.shape_cast %add3A_358 : vector<16xf32> to vector<1x16xf32>
        tpu.vector_store %arg21[%swap3A_359, %swap3A_360], %swap3A_363 {strides = array<i32>} : memref<80x128xf32, #tpu.memory_space<vmem>>, vector<1x16xf32>,
      }
      %scan3A_87 = arith.constant 80 : i32
      %mul3A_88 = arith.constant 80 : i32
      %mul3A_89 = arith.muli %add3A_82, %mul3A_88 : i32
      %add3A_90 = arith.addi %mul3A_4, %mul3A_89 : i32
      "tpu.region"() ({
        %run_scoped3A = tpu.sem_alloc : memref<!tpu.dma_semaphore, #tpu.memory_space<semaphore_mem>>
        %dma_start3A_91 = arith.constant 0 : i32
        %dma_start3A_92 = tpu.memref_slice %arg9[%add3A_90, %dma_start3A_91] : memref<163840x128xf32, #tpu.memory_space<hbm>> -> memref<80x128xf32, #tpu.memory_space<hbm>>
        %dma_start3A_93 = arith.constant 0 : i32
        %dma_start3A_94 = tpu.memref_slice %arg9[%add3A_90, %dma_start3A_93] : memref<163840x128xf32, #tpu.memory_space<hbm>> -> memref<80x128xf32, #tpu.memory_space<hbm>>
        tpu.enqueue_dma source(%arg21 : memref<80x128xf32, #tpu.memory_space<vmem>>) target(%dma_start3A_94 : memref<80x128xf32, #tpu.memory_space<hbm>>) target_semaphore(%run_scoped3A : memref<!tpu.dma_semaphore, #tpu.memory_space<semaphore_mem>>)
        %dma_wait3A_95 = arith.constant 0 : i32
        %dma_wait3A_96 = tpu.memref_slice %arg9[%add3A_90, %dma_wait3A_95] : memref<163840x128xf32, #tpu.memory_space<hbm>> -> memref<80x128xf32, #tpu.memory_space<hbm>>
        %dma_wait3A_97 = arith.constant 0 : i32
        %dma_wait3A_98 = tpu.memref_slice %arg9[%add3A_90, %dma_wait3A_97] : memref<163840x128xf32, #tpu.memory_space<hbm>> -> memref<80x128xf32, #tpu.memory_space<hbm>>
        tpu.wait_dma2 semaphore(%run_scoped3A : memref<!tpu.dma_semaphore, #tpu.memory_space<semaphore_mem>>) src(%arg21 : memref<80x128xf32, #tpu.memory_space<vmem>>) dst(%dma_wait3A_98 : memref<80x128xf32, #tpu.memory_space<hbm>>)
        tpu.yield
      }) : () -> ()
    }
    %scan3A_21 = arith.constant 32 : i32
    return
  }
}

module attributes {stable_mosaic.version = 14 : i64} {
  func.func @body(%arg0: i32, %arg1: memref<512x128xf32, #tpu.memory_space<vmem>>, %arg2: memref<128x128xf32, #tpu.memory_space<vmem>>, %arg3: memref<1x128xf32, #tpu.memory_space<vmem>>, %arg4: memref<128x128xf32, #tpu.memory_space<vmem>>, %arg5: memref<128x128xf32, #tpu.memory_space<vmem>>, %arg6: memref<512x128xf32, #tpu.memory_space<vmem>>, %arg7: memref<512x128xf32, #tpu.memory_space<vmem>>, %arg8: memref<512x128xf32, #tpu.memory_space<vmem>>) attributes {dimension_semantics = [#tpu.dimension_semantics<arbitrary>], iteration_bounds = array<i64: 20>, scalar_prefetch = 0 : i64, scratch_operands = 0 : i64, tpu.core_type = #tpu.core_type<tc>, window_params = [{transform_indices = @transform_0, window_bounds = array<i64: 512, 128>}, {pipeline_mode = #tpu.pipeline_mode<synchronous>, transform_indices = @transform_1, window_bounds = array<i64: 128, 128>}, {pipeline_mode = #tpu.pipeline_mode<synchronous>, transform_indices = @transform_2, window_bounds = array<i64: 1, 128>}, {pipeline_mode = #tpu.pipeline_mode<synchronous>, transform_indices = @transform_3, window_bounds = array<i64: 128, 128>}, {pipeline_mode = #tpu.pipeline_mode<synchronous>, transform_indices = @transform_4, window_bounds = array<i64: 128, 128>}, {transform_indices = @transform_5, window_bounds = array<i64: 512, 128>}, {transform_indices = @transform_6, window_bounds = array<i64: 512, 128>}, {transform_indices = @transform_7, window_bounds = array<i64: 512, 128>}]} {
    %get3A = arith.constant 0 : index
    %get3A_0 = arith.constant 0 : index
    %get3A_1 = vector.load %arg1[%get3A, %get3A_0] : memref<512x128xf32, #tpu.memory_space<vmem>>, vector<512x128xf32>
    %get3A_2 = arith.constant 0 : index
    %get3A_3 = arith.constant 0 : index
    %get3A_4 = vector.load %arg2[%get3A_2, %get3A_3] : memref<128x128xf32, #tpu.memory_space<vmem>>, vector<128x128xf32>
    %dot_general3A = arith.constant dense<0.000000e+00> : vector<512x128xf32>
    %dot_general3A_5 = tpu.matmul %get3A_1, %get3A_4, %dot_general3A {dimension_numbers = #tpu.dot_dimension_numbers<[1], [0], [0], [1], [0, 0, 1, 1], [], []>, transpose_lhs_hint = false} : vector<512x128xf32>, vector<128x128xf32>, vector<512x128xf32> -> vector<512x128xf32>
    %get3A_6 = arith.constant 0 : index
    %get3A_7 = arith.constant 0 : index
    %get3A_8 = vector.load %arg3[%get3A_6, %get3A_7] : memref<1x128xf32, #tpu.memory_space<vmem>>, vector<1x128xf32>
    %add3A = vector.broadcast %get3A_8 : vector<1x128xf32> to vector<512x128xf32>
    %add3A_9 = arith.addf %dot_general3A_5, %add3A : vector<512x128xf32>
    %max3A = arith.constant 0.000000e+00 : f32
    %max3A_10 = vector.broadcast %max3A : f32 to vector<512x128xf32>
    %max3A_11 = arith.maximumf %add3A_9, %max3A_10 : vector<512x128xf32>
    %min3A = arith.constant 0.000000e+00 : f32
    %min3A_12 = vector.broadcast %min3A : f32 to vector<512x128xf32>
    %min3A_13 = arith.minimumf %add3A_9, %min3A_12 : vector<512x128xf32>
    %mul3A = arith.constant 0.00999999977 : f32
    %mul3A_14 = vector.broadcast %mul3A : f32 to vector<512x128xf32>
    %mul3A_15 = arith.mulf %mul3A_14, %min3A_13 : vector<512x128xf32>
    %add3A_16 = arith.addf %max3A_11, %mul3A_15 : vector<512x128xf32>
    %swap3A = arith.constant 0 : index
    %swap3A_17 = arith.constant 0 : index
    %swap3A_18 = vector.load %arg6[%swap3A, %swap3A_17] : memref<512x128xf32, #tpu.memory_space<vmem>>, vector<512x128xf32>
    tpu.vector_store %arg6[%swap3A, %swap3A_17], %add3A_16 {strides = array<i32>} : memref<512x128xf32, #tpu.memory_space<vmem>>, vector<512x128xf32>,
    %get3A_19 = arith.constant 0 : index
    %get3A_20 = arith.constant 0 : index
    %get3A_21 = vector.load %arg4[%get3A_19, %get3A_20] : memref<128x128xf32, #tpu.memory_space<vmem>>, vector<128x128xf32>
    %dot_general3A_22 = arith.constant dense<0.000000e+00> : vector<512x128xf32>
    %dot_general3A_23 = tpu.matmul %add3A_16, %get3A_21, %dot_general3A_22 {dimension_numbers = #tpu.dot_dimension_numbers<[1], [0], [0], [1], [0, 0, 1, 1], [], []>, transpose_lhs_hint = false} : vector<512x128xf32>, vector<128x128xf32>, vector<512x128xf32> -> vector<512x128xf32>
    %swap3A_24 = arith.constant 0 : index
    %swap3A_25 = arith.constant 0 : index
    %swap3A_26 = vector.load %arg7[%swap3A_24, %swap3A_25] : memref<512x128xf32, #tpu.memory_space<vmem>>, vector<512x128xf32>
    tpu.vector_store %arg7[%swap3A_24, %swap3A_25], %dot_general3A_23 {strides = array<i32>} : memref<512x128xf32, #tpu.memory_space<vmem>>, vector<512x128xf32>,
    %get3A_27 = arith.constant 0 : index
    %get3A_28 = arith.constant 0 : index
    %get3A_29 = vector.load %arg5[%get3A_27, %get3A_28] : memref<128x128xf32, #tpu.memory_space<vmem>>, vector<128x128xf32>
    %dot_general3A_30 = arith.constant dense<0.000000e+00> : vector<512x128xf32>
    %dot_general3A_31 = tpu.matmul %add3A_16, %get3A_29, %dot_general3A_30 {dimension_numbers = #tpu.dot_dimension_numbers<[1], [0], [0], [1], [0, 0, 1, 1], [], []>, transpose_lhs_hint = false} : vector<512x128xf32>, vector<128x128xf32>, vector<512x128xf32> -> vector<512x128xf32>
    %swap3A_32 = arith.constant 0 : index
    %swap3A_33 = arith.constant 0 : index
    %swap3A_34 = vector.load %arg8[%swap3A_32, %swap3A_33] : memref<512x128xf32, #tpu.memory_space<vmem>>, vector<512x128xf32>
    tpu.vector_store %arg8[%swap3A_32, %swap3A_33], %dot_general3A_31 {strides = array<i32>} : memref<512x128xf32, #tpu.memory_space<vmem>>, vector<512x128xf32>,
    return
  }
  func.func @transform_0(%arg0: i32) -> (i32, i32) {
    %c0_i32 = arith.constant 0 : i32
    %c0_i32_0 = arith.constant 0 : i32
    return %arg0, %c0_i32 : i32, i32
  }
  func.func @transform_1(%arg0: i32) -> (i32, i32) {
    %c0_i32 = arith.constant 0 : i32
    %c0_i32_0 = arith.constant 0 : i32
    %c0_i32_1 = arith.constant 0 : i32
    return %c0_i32, %c0_i32_0 : i32, i32
  }
  func.func @transform_2(%arg0: i32) -> (i32, i32) {
    %c0_i32 = arith.constant 0 : i32
    %c0_i32_0 = arith.constant 0 : i32
    %c0_i32_1 = arith.constant 0 : i32
    return %c0_i32, %c0_i32_0 : i32, i32
  }
  func.func @transform_3(%arg0: i32) -> (i32, i32) {
    %c0_i32 = arith.constant 0 : i32
    %c0_i32_0 = arith.constant 0 : i32
    %c0_i32_1 = arith.constant 0 : i32
    return %c0_i32, %c0_i32_0 : i32, i32
  }
  func.func @transform_4(%arg0: i32) -> (i32, i32) {
    %c0_i32 = arith.constant 0 : i32
    %c0_i32_0 = arith.constant 0 : i32
    %c0_i32_1 = arith.constant 0 : i32
    return %c0_i32, %c0_i32_0 : i32, i32
  }
  func.func @transform_5(%arg0: i32) -> (i32, i32) {
    %c0_i32 = arith.constant 0 : i32
    %c0_i32_0 = arith.constant 0 : i32
    return %arg0, %c0_i32 : i32, i32
  }
  func.func @transform_6(%arg0: i32) -> (i32, i32) {
    %c0_i32 = arith.constant 0 : i32
    %c0_i32_0 = arith.constant 0 : i32
    return %arg0, %c0_i32 : i32, i32
  }
  func.func @transform_7(%arg0: i32) -> (i32, i32) {
    %c0_i32 = arith.constant 0 : i32
    %c0_i32_0 = arith.constant 0 : i32
    return %arg0, %c0_i32 : i32, i32
  }
}

module attributes {stable_mosaic.version = 14 : i64} {
  func.func @body(%arg0: i32, %arg1: memref<512x128xf32, #tpu.memory_space<vmem>>, %arg2: memref<128x128xf32, #tpu.memory_space<vmem>>, %arg3: memref<1x128xf32, #tpu.memory_space<vmem>>, %arg4: memref<128x128xf32, #tpu.memory_space<vmem>>, %arg5: memref<1x128xf32, #tpu.memory_space<vmem>>, %arg6: memref<128x128xf32, #tpu.memory_space<vmem>>, %arg7: memref<1x128xf32, #tpu.memory_space<vmem>>, %arg8: memref<512x128xf32, #tpu.memory_space<vmem>>, %arg9: memref<512x128xf32, #tpu.memory_space<vmem>>, %arg10: memref<512x128xf32, #tpu.memory_space<vmem>>) attributes {dimension_semantics = [#tpu.dimension_semantics<arbitrary>], iteration_bounds = array<i64: 1>, scalar_prefetch = 0 : i64, scratch_operands = 0 : i64, tpu.core_type = #tpu.core_type<tc>, window_params = [{pipeline_mode = #tpu.pipeline_mode<synchronous>, transform_indices = @transform_0, window_bounds = array<i64: 512, 128>}, {pipeline_mode = #tpu.pipeline_mode<synchronous>, transform_indices = @transform_1, window_bounds = array<i64: 128, 128>}, {pipeline_mode = #tpu.pipeline_mode<synchronous>, transform_indices = @transform_2, window_bounds = array<i64: 1, 128>}, {pipeline_mode = #tpu.pipeline_mode<synchronous>, transform_indices = @transform_3, window_bounds = array<i64: 128, 128>}, {pipeline_mode = #tpu.pipeline_mode<synchronous>, transform_indices = @transform_4, window_bounds = array<i64: 1, 128>}, {pipeline_mode = #tpu.pipeline_mode<synchronous>, transform_indices = @transform_5, window_bounds = array<i64: 128, 128>}, {pipeline_mode = #tpu.pipeline_mode<synchronous>, transform_indices = @transform_6, window_bounds = array<i64: 1, 128>}, {pipeline_mode = #tpu.pipeline_mode<synchronous>, transform_indices = @transform_7, window_bounds = array<i64: 512, 128>}, {pipeline_mode = #tpu.pipeline_mode<synchronous>, transform_indices = @transform_8, window_bounds = array<i64: 512, 128>}, {pipeline_mode = #tpu.pipeline_mode<synchronous>, transform_indices = @transform_9, window_bounds = array<i64: 512, 128>}]} {
    %get3A = arith.constant 0 : index
    %get3A_0 = arith.constant 0 : index
    %get3A_1 = vector.load %arg1[%get3A, %get3A_0] : memref<512x128xf32, #tpu.memory_space<vmem>>, vector<512x128xf32>
    %get3A_2 = arith.constant 0 : index
    %get3A_3 = arith.constant 0 : index
    %get3A_4 = vector.load %arg2[%get3A_2, %get3A_3] : memref<128x128xf32, #tpu.memory_space<vmem>>, vector<128x128xf32>
    %dot_general3A = arith.constant dense<0.000000e+00> : vector<512x128xf32>
    %dot_general3A_5 = tpu.matmul %get3A_1, %get3A_4, %dot_general3A {dimension_numbers = #tpu.dot_dimension_numbers<[1], [0], [0], [1], [0, 0, 1, 1], [], []>, transpose_lhs_hint = false} : vector<512x128xf32>, vector<128x128xf32>, vector<512x128xf32> -> vector<512x128xf32>
    %get3A_6 = arith.constant 0 : index
    %get3A_7 = arith.constant 0 : index
    %get3A_8 = vector.load %arg3[%get3A_6, %get3A_7] : memref<1x128xf32, #tpu.memory_space<vmem>>, vector<1x128xf32>
    %add3A = vector.broadcast %get3A_8 : vector<1x128xf32> to vector<512x128xf32>
    %add3A_9 = arith.addf %dot_general3A_5, %add3A : vector<512x128xf32>
    %swap3A = arith.constant 0 : index
    %swap3A_10 = arith.constant 0 : index
    %swap3A_11 = vector.load %arg8[%swap3A, %swap3A_10] : memref<512x128xf32, #tpu.memory_space<vmem>>, vector<512x128xf32>
    tpu.vector_store %arg8[%swap3A, %swap3A_10], %add3A_9 {strides = array<i32>} : memref<512x128xf32, #tpu.memory_space<vmem>>, vector<512x128xf32>,
    %get3A_12 = arith.constant 0 : index
    %get3A_13 = arith.constant 0 : index
    %get3A_14 = vector.load %arg4[%get3A_12, %get3A_13] : memref<128x128xf32, #tpu.memory_space<vmem>>, vector<128x128xf32>
    %dot_general3A_15 = arith.constant dense<0.000000e+00> : vector<512x128xf32>
    %dot_general3A_16 = tpu.matmul %get3A_1, %get3A_14, %dot_general3A_15 {dimension_numbers = #tpu.dot_dimension_numbers<[1], [0], [0], [1], [0, 0, 1, 1], [], []>, transpose_lhs_hint = false} : vector<512x128xf32>, vector<128x128xf32>, vector<512x128xf32> -> vector<512x128xf32>
    %get3A_17 = arith.constant 0 : index
    %get3A_18 = arith.constant 0 : index
    %get3A_19 = vector.load %arg5[%get3A_17, %get3A_18] : memref<1x128xf32, #tpu.memory_space<vmem>>, vector<1x128xf32>
    %add3A_20 = vector.broadcast %get3A_19 : vector<1x128xf32> to vector<512x128xf32>
    %add3A_21 = arith.addf %dot_general3A_16, %add3A_20 : vector<512x128xf32>
    %swap3A_22 = arith.constant 0 : index
    %swap3A_23 = arith.constant 0 : index
    %swap3A_24 = vector.load %arg9[%swap3A_22, %swap3A_23] : memref<512x128xf32, #tpu.memory_space<vmem>>, vector<512x128xf32>
    tpu.vector_store %arg9[%swap3A_22, %swap3A_23], %add3A_21 {strides = array<i32>} : memref<512x128xf32, #tpu.memory_space<vmem>>, vector<512x128xf32>,
    %get3A_25 = arith.constant 0 : index
    %get3A_26 = arith.constant 0 : index
    %get3A_27 = vector.load %arg6[%get3A_25, %get3A_26] : memref<128x128xf32, #tpu.memory_space<vmem>>, vector<128x128xf32>
    %dot_general3A_28 = arith.constant dense<0.000000e+00> : vector<512x128xf32>
    %dot_general3A_29 = tpu.matmul %get3A_1, %get3A_27, %dot_general3A_28 {dimension_numbers = #tpu.dot_dimension_numbers<[1], [0], [0], [1], [0, 0, 1, 1], [], []>, transpose_lhs_hint = false} : vector<512x128xf32>, vector<128x128xf32>, vector<512x128xf32> -> vector<512x128xf32>
    %get3A_30 = arith.constant 0 : index
    %get3A_31 = arith.constant 0 : index
    %get3A_32 = vector.load %arg7[%get3A_30, %get3A_31] : memref<1x128xf32, #tpu.memory_space<vmem>>, vector<1x128xf32>
    %add3A_33 = vector.broadcast %get3A_32 : vector<1x128xf32> to vector<512x128xf32>
    %add3A_34 = arith.addf %dot_general3A_29, %add3A_33 : vector<512x128xf32>
    %swap3A_35 = arith.constant 0 : index
    %swap3A_36 = arith.constant 0 : index
    %swap3A_37 = vector.load %arg10[%swap3A_35, %swap3A_36] : memref<512x128xf32, #tpu.memory_space<vmem>>, vector<512x128xf32>
    tpu.vector_store %arg10[%swap3A_35, %swap3A_36], %add3A_34 {strides = array<i32>} : memref<512x128xf32, #tpu.memory_space<vmem>>, vector<512x128xf32>,
    return
  }
  func.func @transform_0(%arg0: i32) -> (i32, i32) {
    %c0_i32 = arith.constant 0 : i32
    %c0_i32_0 = arith.constant 0 : i32
    %c0_i32_1 = arith.constant 0 : i32
    return %c0_i32, %c0_i32_0 : i32, i32
  }
  func.func @transform_1(%arg0: i32) -> (i32, i32) {
    %c0_i32 = arith.constant 0 : i32
    %c0_i32_0 = arith.constant 0 : i32
    %c0_i32_1 = arith.constant 0 : i32
    return %c0_i32, %c0_i32_0 : i32, i32
  }
  func.func @transform_2(%arg0: i32) -> (i32, i32) {
    %c0_i32 = arith.constant 0 : i32
    %c0_i32_0 = arith.constant 0 : i32
    %c0_i32_1 = arith.constant 0 : i32
    return %c0_i32, %c0_i32_0 : i32, i32
  }
  func.func @transform_3(%arg0: i32) -> (i32, i32) {
    %c0_i32 = arith.constant 0 : i32
    %c0_i32_0 = arith.constant 0 : i32
    %c0_i32_1 = arith.constant 0 : i32
    return %c0_i32, %c0_i32_0 : i32, i32
  }
  func.func @transform_4(%arg0: i32) -> (i32, i32) {
    %c0_i32 = arith.constant 0 : i32
    %c0_i32_0 = arith.constant 0 : i32
    %c0_i32_1 = arith.constant 0 : i32
    return %c0_i32, %c0_i32_0 : i32, i32
  }
  func.func @transform_5(%arg0: i32) -> (i32, i32) {
    %c0_i32 = arith.constant 0 : i32
    %c0_i32_0 = arith.constant 0 : i32
    %c0_i32_1 = arith.constant 0 : i32
    return %c0_i32, %c0_i32_0 : i32, i32
  }
  func.func @transform_6(%arg0: i32) -> (i32, i32) {
    %c0_i32 = arith.constant 0 : i32
    %c0_i32_0 = arith.constant 0 : i32
    %c0_i32_1 = arith.constant 0 : i32
    return %c0_i32, %c0_i32_0 : i32, i32
  }
  func.func @transform_7(%arg0: i32) -> (i32, i32) {
    %c0_i32 = arith.constant 0 : i32
    %c0_i32_0 = arith.constant 0 : i32
    %c0_i32_1 = arith.constant 0 : i32
    return %c0_i32, %c0_i32_0 : i32, i32
  }
  func.func @transform_8(%arg0: i32) -> (i32, i32) {
    %c0_i32 = arith.constant 0 : i32
    %c0_i32_0 = arith.constant 0 : i32
    %c0_i32_1 = arith.constant 0 : i32
    return %c0_i32, %c0_i32_0 : i32, i32
  }
  func.func @transform_9(%arg0: i32) -> (i32, i32) {
    %c0_i32 = arith.constant 0 : i32
    %c0_i32_0 = arith.constant 0 : i32
    %c0_i32_1 = arith.constant 0 : i32
    return %c0_i32, %c0_i32_0 : i32, i32
  }
}

module attributes {stable_mosaic.version = 14 : i64} {
  func.func @body(%arg0: i32, %arg1: memref<2x512x128xf32, #tpu.memory_space<vmem>>, %arg2: memref<2x512xf32, #tpu.memory_space<vmem>>, %arg3: memref<512x128xf32, #tpu.memory_space<vmem>>, %arg4: memref<1x128xf32, #tpu.memory_space<vmem>>, %arg5: memref<1x128xf32, #tpu.memory_space<vmem>>, %arg6: memref<128x128xf32, #tpu.memory_space<vmem>>, %arg7: memref<128x128xf32, #tpu.memory_space<vmem>>, %arg8: memref<128x128xf32, #tpu.memory_space<vmem>>, %arg9: memref<1x128xf32, #tpu.memory_space<vmem>>, %arg10: memref<128x128xf32, #tpu.memory_space<vmem>>, %arg11: memref<1x128xf32, #tpu.memory_space<vmem>>, %arg12: memref<512x128xf32, #tpu.memory_space<vmem>>, %arg13: memref<512x128xf32, #tpu.memory_space<vmem>>, %arg14: memref<512x128xf32, #tpu.memory_space<vmem>>, %arg15: memref<512x128xf32, #tpu.memory_space<vmem>>, %arg16: memref<512x128xf32, #tpu.memory_space<vmem>>) attributes {dimension_semantics = [#tpu.dimension_semantics<arbitrary>], iteration_bounds = array<i64: 20>, scalar_prefetch = 0 : i64, scratch_operands = 0 : i64, tpu.core_type = #tpu.core_type<tc>, window_params = [{transform_indices = @transform_0, window_bounds = array<i64: 2, 512, 128>}, {transform_indices = @transform_1, window_bounds = array<i64: 2, 512>}, {transform_indices = @transform_2, window_bounds = array<i64: 512, 128>}, {pipeline_mode = #tpu.pipeline_mode<synchronous>, transform_indices = @transform_3, window_bounds = array<i64: 1, 128>}, {pipeline_mode = #tpu.pipeline_mode<synchronous>, transform_indices = @transform_4, window_bounds = array<i64: 1, 128>}, {pipeline_mode = #tpu.pipeline_mode<synchronous>, transform_indices = @transform_5, window_bounds = array<i64: 128, 128>}, {pipeline_mode = #tpu.pipeline_mode<synchronous>, transform_indices = @transform_6, window_bounds = array<i64: 128, 128>}, {pipeline_mode = #tpu.pipeline_mode<synchronous>, transform_indices = @transform_7, window_bounds = array<i64: 128, 128>}, {pipeline_mode = #tpu.pipeline_mode<synchronous>, transform_indices = @transform_8, window_bounds = array<i64: 1, 128>}, {pipeline_mode = #tpu.pipeline_mode<synchronous>, transform_indices = @transform_9, window_bounds = array<i64: 128, 128>}, {pipeline_mode = #tpu.pipeline_mode<synchronous>, transform_indices = @transform_10, window_bounds = array<i64: 1, 128>}, {transform_indices = @transform_11, window_bounds = array<i64: 512, 128>}, {transform_indices = @transform_12, window_bounds = array<i64: 512, 128>}, {transform_indices = @transform_13, window_bounds = array<i64: 512, 128>}, {transform_indices = @transform_14, window_bounds = array<i64: 512, 128>}, {transform_indices = @transform_15, window_bounds = array<i64: 512, 128>}]} {
    %get3A = arith.constant 0 : index
    %get3A_0 = arith.constant 0 : index
    %get3A_1 = arith.constant 0 : index
    %get3A_2 = vector.load %arg1[%get3A, %get3A_0, %get3A_1] : memref<2x512x128xf32, #tpu.memory_space<vmem>>, vector<1x512x128xf32>
    %get3A_3 = vector.shape_cast %get3A_2 : vector<1x512x128xf32> to vector<512x128xf32>
    %get3A_4 = arith.constant 1 : index
    %get3A_5 = arith.constant 0 : index
    %get3A_6 = arith.constant 0 : index
    %get3A_7 = vector.load %arg1[%get3A_4, %get3A_5, %get3A_6] : memref<2x512x128xf32, #tpu.memory_space<vmem>>, vector<1x512x128xf32>
    %get3A_8 = vector.shape_cast %get3A_7 : vector<1x512x128xf32> to vector<512x128xf32>
    %add3A = arith.addf %get3A_3, %get3A_8 : vector<512x128xf32>
    %get3A_9 = arith.constant 0 : index
    %get3A_10 = arith.constant 0 : index
    %get3A_11 = vector.load %arg2[%get3A_9, %get3A_10] : memref<2x512xf32, #tpu.memory_space<vmem>>, vector<1x512xf32>
    %get3A_12 = vector.shape_cast %get3A_11 : vector<1x512xf32> to vector<512xf32>
    %get3A_13 = arith.constant 1 : index
    %get3A_14 = arith.constant 0 : index
    %get3A_15 = vector.load %arg2[%get3A_13, %get3A_14] : memref<2x512xf32, #tpu.memory_space<vmem>>, vector<1x512xf32>
    %get3A_16 = vector.shape_cast %get3A_15 : vector<1x512xf32> to vector<512xf32>
    %add3A_17 = arith.addf %get3A_12, %get3A_16 : vector<512xf32>
    %reshape3A = vector.shape_cast %add3A_17 : vector<512xf32> to vector<512x1xf32>
    %max3A = arith.constant 1.000000e+00 : f32
    %max3A_18 = vector.broadcast %max3A : f32 to vector<512x1xf32>
    %max3A_19 = arith.maximumf %reshape3A, %max3A_18 : vector<512x1xf32>
    %div3A = vector.broadcast %max3A_19 : vector<512x1xf32> to vector<512x128xf32>
    %div3A_20 = arith.divf %add3A, %div3A : vector<512x128xf32>
    %max3A_21 = arith.constant 0.000000e+00 : f32
    %max3A_22 = vector.broadcast %max3A_21 : f32 to vector<512x128xf32>
    %max3A_23 = arith.maximumf %div3A_20, %max3A_22 : vector<512x128xf32>
    %min3A = arith.constant 0.000000e+00 : f32
    %min3A_24 = vector.broadcast %min3A : f32 to vector<512x128xf32>
    %min3A_25 = arith.minimumf %div3A_20, %min3A_24 : vector<512x128xf32>
    %mul3A = arith.constant 0.00999999977 : f32
    %mul3A_26 = vector.broadcast %mul3A : f32 to vector<512x128xf32>
    %mul3A_27 = arith.mulf %mul3A_26, %min3A_25 : vector<512x128xf32>
    %add3A_28 = arith.addf %max3A_23, %mul3A_27 : vector<512x128xf32>
    %get3A_29 = arith.constant 0 : index
    %get3A_30 = arith.constant 0 : index
    %get3A_31 = vector.load %arg3[%get3A_29, %get3A_30] : memref<512x128xf32, #tpu.memory_space<vmem>>, vector<512x128xf32>
    %add3A_32 = arith.addf %add3A_28, %get3A_31 : vector<512x128xf32>
    %get3A_33 = arith.constant 0 : index
    %get3A_34 = arith.constant 0 : index
    %get3A_35 = vector.load %arg4[%get3A_33, %get3A_34] : memref<1x128xf32, #tpu.memory_space<vmem>>, vector<1x128xf32>
    %get3A_36 = arith.constant 0 : index
    %get3A_37 = arith.constant 0 : index
    %get3A_38 = vector.load %arg5[%get3A_36, %get3A_37] : memref<1x128xf32, #tpu.memory_space<vmem>>, vector<1x128xf32>
    %reduce_sum3A = arith.constant dense<0.000000e+00> : vector<512xf32>
    %reduce_sum3A_39 = vector.multi_reduction <add>, %add3A_32, %reduce_sum3A [1] : vector<512x128xf32> to vector<512xf32>
    %broadcast_in_dim3A = vector.shape_cast %reduce_sum3A_39 : vector<512xf32> to vector<512x1xf32>
    %div3A_40 = arith.constant 1.280000e+02 : f32
    %div3A_41 = vector.broadcast %div3A_40 : f32 to vector<512x1xf32>
    %div3A_42 = arith.divf %broadcast_in_dim3A, %div3A_41 : vector<512x1xf32>
    %sub3A = vector.broadcast %div3A_42 : vector<512x1xf32> to vector<512x128xf32>
    %sub3A_43 = arith.subf %add3A_32, %sub3A : vector<512x128xf32>
    %integer_pow3A = arith.mulf %sub3A_43, %sub3A_43 : vector<512x128xf32>
    %reduce_sum3A_44 = arith.constant dense<0.000000e+00> : vector<512xf32>
    %reduce_sum3A_45 = vector.multi_reduction <add>, %integer_pow3A, %reduce_sum3A_44 [1] : vector<512x128xf32> to vector<512xf32>
    %broadcast_in_dim3A_46 = vector.shape_cast %reduce_sum3A_45 : vector<512xf32> to vector<512x1xf32>
    %div3A_47 = arith.constant 1.280000e+02 : f32
    %div3A_48 = vector.broadcast %div3A_47 : f32 to vector<512x1xf32>
    %div3A_49 = arith.divf %broadcast_in_dim3A_46, %div3A_48 : vector<512x1xf32>
    %sub3A_50 = vector.broadcast %div3A_42 : vector<512x1xf32> to vector<512x128xf32>
    %sub3A_51 = arith.subf %add3A_32, %sub3A_50 : vector<512x128xf32>
    %add3A_52 = arith.constant 9.99999974E-6 : f32
    %add3A_53 = vector.broadcast %add3A_52 : f32 to vector<512x1xf32>
    %add3A_54 = arith.addf %div3A_49, %add3A_53 : vector<512x1xf32>
    %sqrt3A = math.sqrt %add3A_54 : vector<512x1xf32>
    %div3A_55 = vector.broadcast %sqrt3A : vector<512x1xf32> to vector<512x128xf32>
    %div3A_56 = arith.divf %sub3A_51, %div3A_55 : vector<512x128xf32>
    %mul3A_57 = vector.broadcast %get3A_35 : vector<1x128xf32> to vector<512x128xf32>
    %mul3A_58 = arith.mulf %div3A_56, %mul3A_57 : vector<512x128xf32>
    %add3A_59 = vector.broadcast %get3A_38 : vector<1x128xf32> to vector<512x128xf32>
    %add3A_60 = arith.addf %mul3A_58, %add3A_59 : vector<512x128xf32>
    %swap3A = arith.constant 0 : index
    %swap3A_61 = arith.constant 0 : index
    %swap3A_62 = vector.load %arg12[%swap3A, %swap3A_61] : memref<512x128xf32, #tpu.memory_space<vmem>>, vector<512x128xf32>
    tpu.vector_store %arg12[%swap3A, %swap3A_61], %add3A_60 {strides = array<i32>} : memref<512x128xf32, #tpu.memory_space<vmem>>, vector<512x128xf32>,
    %get3A_63 = arith.constant 0 : index
    %get3A_64 = arith.constant 0 : index
    %get3A_65 = vector.load %arg6[%get3A_63, %get3A_64] : memref<128x128xf32, #tpu.memory_space<vmem>>, vector<128x128xf32>
    %dot_general3A = arith.constant dense<0.000000e+00> : vector<512x128xf32>
    %dot_general3A_66 = tpu.matmul %add3A_60, %get3A_65, %dot_general3A {dimension_numbers = #tpu.dot_dimension_numbers<[1], [0], [0], [1], [0, 0, 1, 1], [], []>, transpose_lhs_hint = false} : vector<512x128xf32>, vector<128x128xf32>, vector<512x128xf32> -> vector<512x128xf32>
    %swap3A_67 = arith.constant 0 : index
    %swap3A_68 = arith.constant 0 : index
    %swap3A_69 = vector.load %arg13[%swap3A_67, %swap3A_68] : memref<512x128xf32, #tpu.memory_space<vmem>>, vector<512x128xf32>
    tpu.vector_store %arg13[%swap3A_67, %swap3A_68], %dot_general3A_66 {strides = array<i32>} : memref<512x128xf32, #tpu.memory_space<vmem>>, vector<512x128xf32>,
    %get3A_70 = arith.constant 0 : index
    %get3A_71 = arith.constant 0 : index
    %get3A_72 = vector.load %arg7[%get3A_70, %get3A_71] : memref<128x128xf32, #tpu.memory_space<vmem>>, vector<128x128xf32>
    %dot_general3A_73 = arith.constant dense<0.000000e+00> : vector<512x128xf32>
    %dot_general3A_74 = tpu.matmul %add3A_60, %get3A_72, %dot_general3A_73 {dimension_numbers = #tpu.dot_dimension_numbers<[1], [0], [0], [1], [0, 0, 1, 1], [], []>, transpose_lhs_hint = false} : vector<512x128xf32>, vector<128x128xf32>, vector<512x128xf32> -> vector<512x128xf32>
    %swap3A_75 = arith.constant 0 : index
    %swap3A_76 = arith.constant 0 : index
    %swap3A_77 = vector.load %arg14[%swap3A_75, %swap3A_76] : memref<512x128xf32, #tpu.memory_space<vmem>>, vector<512x128xf32>
    tpu.vector_store %arg14[%swap3A_75, %swap3A_76], %dot_general3A_74 {strides = array<i32>} : memref<512x128xf32, #tpu.memory_space<vmem>>, vector<512x128xf32>,
    %get3A_78 = arith.constant 0 : index
    %get3A_79 = arith.constant 0 : index
    %get3A_80 = vector.load %arg8[%get3A_78, %get3A_79] : memref<128x128xf32, #tpu.memory_space<vmem>>, vector<128x128xf32>
    %dot_general3A_81 = arith.constant dense<0.000000e+00> : vector<512x128xf32>
    %dot_general3A_82 = tpu.matmul %add3A_60, %get3A_80, %dot_general3A_81 {dimension_numbers = #tpu.dot_dimension_numbers<[1], [0], [0], [1], [0, 0, 1, 1], [], []>, transpose_lhs_hint = false} : vector<512x128xf32>, vector<128x128xf32>, vector<512x128xf32> -> vector<512x128xf32>
    %get3A_83 = arith.constant 0 : index
    %get3A_84 = arith.constant 0 : index
    %get3A_85 = vector.load %arg9[%get3A_83, %get3A_84] : memref<1x128xf32, #tpu.memory_space<vmem>>, vector<1x128xf32>
    %add3A_86 = vector.broadcast %get3A_85 : vector<1x128xf32> to vector<512x128xf32>
    %add3A_87 = arith.addf %dot_general3A_82, %add3A_86 : vector<512x128xf32>
    %swap3A_88 = arith.constant 0 : index
    %swap3A_89 = arith.constant 0 : index
    %swap3A_90 = vector.load %arg15[%swap3A_88, %swap3A_89] : memref<512x128xf32, #tpu.memory_space<vmem>>, vector<512x128xf32>
    tpu.vector_store %arg15[%swap3A_88, %swap3A_89], %add3A_87 {strides = array<i32>} : memref<512x128xf32, #tpu.memory_space<vmem>>, vector<512x128xf32>,
    %get3A_91 = arith.constant 0 : index
    %get3A_92 = arith.constant 0 : index
    %get3A_93 = vector.load %arg10[%get3A_91, %get3A_92] : memref<128x128xf32, #tpu.memory_space<vmem>>, vector<128x128xf32>
    %dot_general3A_94 = arith.constant dense<0.000000e+00> : vector<512x128xf32>
    %dot_general3A_95 = tpu.matmul %add3A_60, %get3A_93, %dot_general3A_94 {dimension_numbers = #tpu.dot_dimension_numbers<[1], [0], [0], [1], [0, 0, 1, 1], [], []>, transpose_lhs_hint = false} : vector<512x128xf32>, vector<128x128xf32>, vector<512x128xf32> -> vector<512x128xf32>
    %get3A_96 = arith.constant 0 : index
    %get3A_97 = arith.constant 0 : index
    %get3A_98 = vector.load %arg11[%get3A_96, %get3A_97] : memref<1x128xf32, #tpu.memory_space<vmem>>, vector<1x128xf32>
    %add3A_99 = vector.broadcast %get3A_98 : vector<1x128xf32> to vector<512x128xf32>
    %add3A_100 = arith.addf %dot_general3A_95, %add3A_99 : vector<512x128xf32>
    %swap3A_101 = arith.constant 0 : index
    %swap3A_102 = arith.constant 0 : index
    %swap3A_103 = vector.load %arg16[%swap3A_101, %swap3A_102] : memref<512x128xf32, #tpu.memory_space<vmem>>, vector<512x128xf32>
    tpu.vector_store %arg16[%swap3A_101, %swap3A_102], %add3A_100 {strides = array<i32>} : memref<512x128xf32, #tpu.memory_space<vmem>>, vector<512x128xf32>,
    return
  }
  func.func @transform_0(%arg0: i32) -> (i32, i32, i32) {
    %c0_i32 = arith.constant 0 : i32
    %c0_i32_0 = arith.constant 0 : i32
    %c0_i32_1 = arith.constant 0 : i32
    return %c0_i32, %arg0, %c0_i32_0 : i32, i32, i32
  }
  func.func @transform_1(%arg0: i32) -> (i32, i32) {
    %c0_i32 = arith.constant 0 : i32
    %c0_i32_0 = arith.constant 0 : i32
    return %c0_i32, %arg0 : i32, i32
  }
  func.func @transform_2(%arg0: i32) -> (i32, i32) {
    %c0_i32 = arith.constant 0 : i32
    %c0_i32_0 = arith.constant 0 : i32
    return %arg0, %c0_i32 : i32, i32
  }
  func.func @transform_3(%arg0: i32) -> (i32, i32) {
    %c0_i32 = arith.constant 0 : i32
    %c0_i32_0 = arith.constant 0 : i32
    %c0_i32_1 = arith.constant 0 : i32
    return %c0_i32, %c0_i32_0 : i32, i32
  }
  func.func @transform_4(%arg0: i32) -> (i32, i32) {
    %c0_i32 = arith.constant 0 : i32
    %c0_i32_0 = arith.constant 0 : i32
    %c0_i32_1 = arith.constant 0 : i32
    return %c0_i32, %c0_i32_0 : i32, i32
  }
  func.func @transform_5(%arg0: i32) -> (i32, i32) {
    %c0_i32 = arith.constant 0 : i32
    %c0_i32_0 = arith.constant 0 : i32
    %c0_i32_1 = arith.constant 0 : i32
    return %c0_i32, %c0_i32_0 : i32, i32
  }
  func.func @transform_6(%arg0: i32) -> (i32, i32) {
    %c0_i32 = arith.constant 0 : i32
    %c0_i32_0 = arith.constant 0 : i32
    %c0_i32_1 = arith.constant 0 : i32
    return %c0_i32, %c0_i32_0 : i32, i32
  }
  func.func @transform_7(%arg0: i32) -> (i32, i32) {
    %c0_i32 = arith.constant 0 : i32
    %c0_i32_0 = arith.constant 0 : i32
    %c0_i32_1 = arith.constant 0 : i32
    return %c0_i32, %c0_i32_0 : i32, i32
  }
  func.func @transform_8(%arg0: i32) -> (i32, i32) {
    %c0_i32 = arith.constant 0 : i32
    %c0_i32_0 = arith.constant 0 : i32
    %c0_i32_1 = arith.constant 0 : i32
    return %c0_i32, %c0_i32_0 : i32, i32
  }
  func.func @transform_9(%arg0: i32) -> (i32, i32) {
    %c0_i32 = arith.constant 0 : i32
    %c0_i32_0 = arith.constant 0 : i32
    %c0_i32_1 = arith.constant 0 : i32
    return %c0_i32, %c0_i32_0 : i32, i32
  }
  func.func @transform_10(%arg0: i32) -> (i32, i32) {
    %c0_i32 = arith.constant 0 : i32
    %c0_i32_0 = arith.constant 0 : i32
    %c0_i32_1 = arith.constant 0 : i32
    return %c0_i32, %c0_i32_0 : i32, i32
  }
  func.func @transform_11(%arg0: i32) -> (i32, i32) {
    %c0_i32 = arith.constant 0 : i32
    %c0_i32_0 = arith.constant 0 : i32
    return %arg0, %c0_i32 : i32, i32
  }
  func.func @transform_12(%arg0: i32) -> (i32, i32) {
    %c0_i32 = arith.constant 0 : i32
    %c0_i32_0 = arith.constant 0 : i32
    return %arg0, %c0_i32 : i32, i32
  }
  func.func @transform_13(%arg0: i32) -> (i32, i32) {
    %c0_i32 = arith.constant 0 : i32
    %c0_i32_0 = arith.constant 0 : i32
    return %arg0, %c0_i32 : i32, i32
  }
  func.func @transform_14(%arg0: i32) -> (i32, i32) {
    %c0_i32 = arith.constant 0 : i32
    %c0_i32_0 = arith.constant 0 : i32
    return %arg0, %c0_i32 : i32, i32
  }
  func.func @transform_15(%arg0: i32) -> (i32, i32) {
    %c0_i32 = arith.constant 0 : i32
    %c0_i32_0 = arith.constant 0 : i32
    return %arg0, %c0_i32 : i32, i32
  }
}

module attributes {stable_mosaic.version = 14 : i64} {
  func.func @body(%arg0: i32, %arg1: memref<512x128xf32, #tpu.memory_space<vmem>>, %arg2: memref<1x128xf32, #tpu.memory_space<vmem>>, %arg3: memref<1x128xf32, #tpu.memory_space<vmem>>, %arg4: memref<128x128xf32, #tpu.memory_space<vmem>>, %arg5: memref<128x128xf32, #tpu.memory_space<vmem>>, %arg6: memref<512x128xf32, #tpu.memory_space<vmem>>, %arg7: memref<512x128xf32, #tpu.memory_space<vmem>>) attributes {dimension_semantics = [#tpu.dimension_semantics<arbitrary>], iteration_bounds = array<i64: 320>, scalar_prefetch = 0 : i64, scratch_operands = 0 : i64, tpu.core_type = #tpu.core_type<tc>, window_params = [{transform_indices = @transform_0, window_bounds = array<i64: 512, 128>}, {pipeline_mode = #tpu.pipeline_mode<synchronous>, transform_indices = @transform_1, window_bounds = array<i64: 1, 128>}, {pipeline_mode = #tpu.pipeline_mode<synchronous>, transform_indices = @transform_2, window_bounds = array<i64: 1, 128>}, {pipeline_mode = #tpu.pipeline_mode<synchronous>, transform_indices = @transform_3, window_bounds = array<i64: 128, 128>}, {pipeline_mode = #tpu.pipeline_mode<synchronous>, transform_indices = @transform_4, window_bounds = array<i64: 128, 128>}, {transform_indices = @transform_5, window_bounds = array<i64: 512, 128>}, {transform_indices = @transform_6, window_bounds = array<i64: 512, 128>}]} {
    %get3A = arith.constant 0 : index
    %get3A_0 = arith.constant 0 : index
    %get3A_1 = vector.load %arg1[%get3A, %get3A_0] : memref<512x128xf32, #tpu.memory_space<vmem>>, vector<512x128xf32>
    %get3A_2 = arith.constant 0 : index
    %get3A_3 = arith.constant 0 : index
    %get3A_4 = vector.load %arg2[%get3A_2, %get3A_3] : memref<1x128xf32, #tpu.memory_space<vmem>>, vector<1x128xf32>
    %get3A_5 = arith.constant 0 : index
    %get3A_6 = arith.constant 0 : index
    %get3A_7 = vector.load %arg3[%get3A_5, %get3A_6] : memref<1x128xf32, #tpu.memory_space<vmem>>, vector<1x128xf32>
    %reduce_sum3A = arith.constant dense<0.000000e+00> : vector<512xf32>
    %reduce_sum3A_8 = vector.multi_reduction <add>, %get3A_1, %reduce_sum3A [1] : vector<512x128xf32> to vector<512xf32>
    %broadcast_in_dim3A = vector.shape_cast %reduce_sum3A_8 : vector<512xf32> to vector<512x1xf32>
    %div3A = arith.constant 1.280000e+02 : f32
    %div3A_9 = vector.broadcast %div3A : f32 to vector<512x1xf32>
    %div3A_10 = arith.divf %broadcast_in_dim3A, %div3A_9 : vector<512x1xf32>
    %sub3A = vector.broadcast %div3A_10 : vector<512x1xf32> to vector<512x128xf32>
    %sub3A_11 = arith.subf %get3A_1, %sub3A : vector<512x128xf32>
    %integer_pow3A = arith.mulf %sub3A_11, %sub3A_11 : vector<512x128xf32>
    %reduce_sum3A_12 = arith.constant dense<0.000000e+00> : vector<512xf32>
    %reduce_sum3A_13 = vector.multi_reduction <add>, %integer_pow3A, %reduce_sum3A_12 [1] : vector<512x128xf32> to vector<512xf32>
    %broadcast_in_dim3A_14 = vector.shape_cast %reduce_sum3A_13 : vector<512xf32> to vector<512x1xf32>
    %div3A_15 = arith.constant 1.280000e+02 : f32
    %div3A_16 = vector.broadcast %div3A_15 : f32 to vector<512x1xf32>
    %div3A_17 = arith.divf %broadcast_in_dim3A_14, %div3A_16 : vector<512x1xf32>
    %sub3A_18 = vector.broadcast %div3A_10 : vector<512x1xf32> to vector<512x128xf32>
    %sub3A_19 = arith.subf %get3A_1, %sub3A_18 : vector<512x128xf32>
    %add3A = arith.constant 9.99999974E-6 : f32
    %add3A_20 = vector.broadcast %add3A : f32 to vector<512x1xf32>
    %add3A_21 = arith.addf %div3A_17, %add3A_20 : vector<512x1xf32>
    %sqrt3A = math.sqrt %add3A_21 : vector<512x1xf32>
    %div3A_22 = vector.broadcast %sqrt3A : vector<512x1xf32> to vector<512x128xf32>
    %div3A_23 = arith.divf %sub3A_19, %div3A_22 : vector<512x128xf32>
    %mul3A = vector.broadcast %get3A_4 : vector<1x128xf32> to vector<512x128xf32>
    %mul3A_24 = arith.mulf %div3A_23, %mul3A : vector<512x128xf32>
    %add3A_25 = vector.broadcast %get3A_7 : vector<1x128xf32> to vector<512x128xf32>
    %add3A_26 = arith.addf %mul3A_24, %add3A_25 : vector<512x128xf32>
    %get3A_27 = arith.constant 0 : index
    %get3A_28 = arith.constant 0 : index
    %get3A_29 = vector.load %arg4[%get3A_27, %get3A_28] : memref<128x128xf32, #tpu.memory_space<vmem>>, vector<128x128xf32>
    %dot_general3A = arith.constant dense<0.000000e+00> : vector<512x128xf32>
    %dot_general3A_30 = tpu.matmul %add3A_26, %get3A_29, %dot_general3A {dimension_numbers = #tpu.dot_dimension_numbers<[1], [0], [0], [1], [0, 0, 1, 1], [], []>, transpose_lhs_hint = false} : vector<512x128xf32>, vector<128x128xf32>, vector<512x128xf32> -> vector<512x128xf32>
    %swap3A = arith.constant 0 : index
    %swap3A_31 = arith.constant 0 : index
    %swap3A_32 = vector.load %arg6[%swap3A, %swap3A_31] : memref<512x128xf32, #tpu.memory_space<vmem>>, vector<512x128xf32>
    tpu.vector_store %arg6[%swap3A, %swap3A_31], %dot_general3A_30 {strides = array<i32>} : memref<512x128xf32, #tpu.memory_space<vmem>>, vector<512x128xf32>,
    %get3A_33 = arith.constant 0 : index
    %get3A_34 = arith.constant 0 : index
    %get3A_35 = vector.load %arg5[%get3A_33, %get3A_34] : memref<128x128xf32, #tpu.memory_space<vmem>>, vector<128x128xf32>
    %dot_general3A_36 = arith.constant dense<0.000000e+00> : vector<512x128xf32>
    %dot_general3A_37 = tpu.matmul %add3A_26, %get3A_35, %dot_general3A_36 {dimension_numbers = #tpu.dot_dimension_numbers<[1], [0], [0], [1], [0, 0, 1, 1], [], []>, transpose_lhs_hint = false} : vector<512x128xf32>, vector<128x128xf32>, vector<512x128xf32> -> vector<512x128xf32>
    %swap3A_38 = arith.constant 0 : index
    %swap3A_39 = arith.constant 0 : index
    %swap3A_40 = vector.load %arg7[%swap3A_38, %swap3A_39] : memref<512x128xf32, #tpu.memory_space<vmem>>, vector<512x128xf32>
    tpu.vector_store %arg7[%swap3A_38, %swap3A_39], %dot_general3A_37 {strides = array<i32>} : memref<512x128xf32, #tpu.memory_space<vmem>>, vector<512x128xf32>,
    return
  }
  func.func @transform_0(%arg0: i32) -> (i32, i32) {
    %c0_i32 = arith.constant 0 : i32
    %c0_i32_0 = arith.constant 0 : i32
    return %arg0, %c0_i32 : i32, i32
  }
  func.func @transform_1(%arg0: i32) -> (i32, i32) {
    %c0_i32 = arith.constant 0 : i32
    %c0_i32_0 = arith.constant 0 : i32
    %c0_i32_1 = arith.constant 0 : i32
    return %c0_i32, %c0_i32_0 : i32, i32
  }
  func.func @transform_2(%arg0: i32) -> (i32, i32) {
    %c0_i32 = arith.constant 0 : i32
    %c0_i32_0 = arith.constant 0 : i32
    %c0_i32_1 = arith.constant 0 : i32
    return %c0_i32, %c0_i32_0 : i32, i32
  }
  func.func @transform_3(%arg0: i32) -> (i32, i32) {
    %c0_i32 = arith.constant 0 : i32
    %c0_i32_0 = arith.constant 0 : i32
    %c0_i32_1 = arith.constant 0 : i32
    return %c0_i32, %c0_i32_0 : i32, i32
  }
  func.func @transform_4(%arg0: i32) -> (i32, i32) {
    %c0_i32 = arith.constant 0 : i32
    %c0_i32_0 = arith.constant 0 : i32
    %c0_i32_1 = arith.constant 0 : i32
    return %c0_i32, %c0_i32_0 : i32, i32
  }
  func.func @transform_5(%arg0: i32) -> (i32, i32) {
    %c0_i32 = arith.constant 0 : i32
    %c0_i32_0 = arith.constant 0 : i32
    return %arg0, %c0_i32 : i32, i32
  }
  func.func @transform_6(%arg0: i32) -> (i32, i32) {
    %c0_i32 = arith.constant 0 : i32
    %c0_i32_0 = arith.constant 0 : i32
    return %arg0, %c0_i32 : i32, i32
  }
}

module attributes {stable_mosaic.version = 14 : i64} {
  func.func @body(%arg0: i32, %arg1: memref<2x512x128xf32, #tpu.memory_space<vmem>>, %arg2: memref<2x512xf32, #tpu.memory_space<vmem>>, %arg3: memref<512x128xf32, #tpu.memory_space<vmem>>, %arg4: memref<1x128xf32, #tpu.memory_space<vmem>>, %arg5: memref<1x128xf32, #tpu.memory_space<vmem>>, %arg6: memref<512x128xf32, #tpu.memory_space<vmem>>) attributes {dimension_semantics = [#tpu.dimension_semantics<arbitrary>], iteration_bounds = array<i64: 20>, scalar_prefetch = 0 : i64, scratch_operands = 0 : i64, tpu.core_type = #tpu.core_type<tc>, window_params = [{transform_indices = @transform_0, window_bounds = array<i64: 2, 512, 128>}, {transform_indices = @transform_1, window_bounds = array<i64: 2, 512>}, {transform_indices = @transform_2, window_bounds = array<i64: 512, 128>}, {pipeline_mode = #tpu.pipeline_mode<synchronous>, transform_indices = @transform_3, window_bounds = array<i64: 1, 128>}, {pipeline_mode = #tpu.pipeline_mode<synchronous>, transform_indices = @transform_4, window_bounds = array<i64: 1, 128>}, {transform_indices = @transform_5, window_bounds = array<i64: 512, 128>}]} {
    %get3A = arith.constant 0 : index
    %get3A_0 = arith.constant 0 : index
    %get3A_1 = arith.constant 0 : index
    %get3A_2 = vector.load %arg1[%get3A, %get3A_0, %get3A_1] : memref<2x512x128xf32, #tpu.memory_space<vmem>>, vector<1x512x128xf32>
    %get3A_3 = vector.shape_cast %get3A_2 : vector<1x512x128xf32> to vector<512x128xf32>
    %get3A_4 = arith.constant 1 : index
    %get3A_5 = arith.constant 0 : index
    %get3A_6 = arith.constant 0 : index
    %get3A_7 = vector.load %arg1[%get3A_4, %get3A_5, %get3A_6] : memref<2x512x128xf32, #tpu.memory_space<vmem>>, vector<1x512x128xf32>
    %get3A_8 = vector.shape_cast %get3A_7 : vector<1x512x128xf32> to vector<512x128xf32>
    %add3A = arith.addf %get3A_3, %get3A_8 : vector<512x128xf32>
    %get3A_9 = arith.constant 0 : index
    %get3A_10 = arith.constant 0 : index
    %get3A_11 = vector.load %arg2[%get3A_9, %get3A_10] : memref<2x512xf32, #tpu.memory_space<vmem>>, vector<1x512xf32>
    %get3A_12 = vector.shape_cast %get3A_11 : vector<1x512xf32> to vector<512xf32>
    %get3A_13 = arith.constant 1 : index
    %get3A_14 = arith.constant 0 : index
    %get3A_15 = vector.load %arg2[%get3A_13, %get3A_14] : memref<2x512xf32, #tpu.memory_space<vmem>>, vector<1x512xf32>
    %get3A_16 = vector.shape_cast %get3A_15 : vector<1x512xf32> to vector<512xf32>
    %add3A_17 = arith.addf %get3A_12, %get3A_16 : vector<512xf32>
    %reshape3A = vector.shape_cast %add3A_17 : vector<512xf32> to vector<512x1xf32>
    %max3A = arith.constant 1.000000e+00 : f32
    %max3A_18 = vector.broadcast %max3A : f32 to vector<512x1xf32>
    %max3A_19 = arith.maximumf %reshape3A, %max3A_18 : vector<512x1xf32>
    %div3A = vector.broadcast %max3A_19 : vector<512x1xf32> to vector<512x128xf32>
    %div3A_20 = arith.divf %add3A, %div3A : vector<512x128xf32>
    %max3A_21 = arith.constant 0.000000e+00 : f32
    %max3A_22 = vector.broadcast %max3A_21 : f32 to vector<512x128xf32>
    %max3A_23 = arith.maximumf %div3A_20, %max3A_22 : vector<512x128xf32>
    %min3A = arith.constant 0.000000e+00 : f32
    %min3A_24 = vector.broadcast %min3A : f32 to vector<512x128xf32>
    %min3A_25 = arith.minimumf %div3A_20, %min3A_24 : vector<512x128xf32>
    %mul3A = arith.constant 0.00999999977 : f32
    %mul3A_26 = vector.broadcast %mul3A : f32 to vector<512x128xf32>
    %mul3A_27 = arith.mulf %mul3A_26, %min3A_25 : vector<512x128xf32>
    %add3A_28 = arith.addf %max3A_23, %mul3A_27 : vector<512x128xf32>
    %get3A_29 = arith.constant 0 : index
    %get3A_30 = arith.constant 0 : index
    %get3A_31 = vector.load %arg3[%get3A_29, %get3A_30] : memref<512x128xf32, #tpu.memory_space<vmem>>, vector<512x128xf32>
    %add3A_32 = arith.addf %add3A_28, %get3A_31 : vector<512x128xf32>
    %get3A_33 = arith.constant 0 : index
    %get3A_34 = arith.constant 0 : index
    %get3A_35 = vector.load %arg4[%get3A_33, %get3A_34] : memref<1x128xf32, #tpu.memory_space<vmem>>, vector<1x128xf32>
    %get3A_36 = arith.constant 0 : index
    %get3A_37 = arith.constant 0 : index
    %get3A_38 = vector.load %arg5[%get3A_36, %get3A_37] : memref<1x128xf32, #tpu.memory_space<vmem>>, vector<1x128xf32>
    %reduce_sum3A = arith.constant dense<0.000000e+00> : vector<512xf32>
    %reduce_sum3A_39 = vector.multi_reduction <add>, %add3A_32, %reduce_sum3A [1] : vector<512x128xf32> to vector<512xf32>
    %broadcast_in_dim3A = vector.shape_cast %reduce_sum3A_39 : vector<512xf32> to vector<512x1xf32>
    %div3A_40 = arith.constant 1.280000e+02 : f32
    %div3A_41 = vector.broadcast %div3A_40 : f32 to vector<512x1xf32>
    %div3A_42 = arith.divf %broadcast_in_dim3A, %div3A_41 : vector<512x1xf32>
    %sub3A = vector.broadcast %div3A_42 : vector<512x1xf32> to vector<512x128xf32>
    %sub3A_43 = arith.subf %add3A_32, %sub3A : vector<512x128xf32>
    %integer_pow3A = arith.mulf %sub3A_43, %sub3A_43 : vector<512x128xf32>
    %reduce_sum3A_44 = arith.constant dense<0.000000e+00> : vector<512xf32>
    %reduce_sum3A_45 = vector.multi_reduction <add>, %integer_pow3A, %reduce_sum3A_44 [1] : vector<512x128xf32> to vector<512xf32>
    %broadcast_in_dim3A_46 = vector.shape_cast %reduce_sum3A_45 : vector<512xf32> to vector<512x1xf32>
    %div3A_47 = arith.constant 1.280000e+02 : f32
    %div3A_48 = vector.broadcast %div3A_47 : f32 to vector<512x1xf32>
    %div3A_49 = arith.divf %broadcast_in_dim3A_46, %div3A_48 : vector<512x1xf32>
    %sub3A_50 = vector.broadcast %div3A_42 : vector<512x1xf32> to vector<512x128xf32>
    %sub3A_51 = arith.subf %add3A_32, %sub3A_50 : vector<512x128xf32>
    %add3A_52 = arith.constant 9.99999974E-6 : f32
    %add3A_53 = vector.broadcast %add3A_52 : f32 to vector<512x1xf32>
    %add3A_54 = arith.addf %div3A_49, %add3A_53 : vector<512x1xf32>
    %sqrt3A = math.sqrt %add3A_54 : vector<512x1xf32>
    %div3A_55 = vector.broadcast %sqrt3A : vector<512x1xf32> to vector<512x128xf32>
    %div3A_56 = arith.divf %sub3A_51, %div3A_55 : vector<512x128xf32>
    %mul3A_57 = vector.broadcast %get3A_35 : vector<1x128xf32> to vector<512x128xf32>
    %mul3A_58 = arith.mulf %div3A_56, %mul3A_57 : vector<512x128xf32>
    %add3A_59 = vector.broadcast %get3A_38 : vector<1x128xf32> to vector<512x128xf32>
    %add3A_60 = arith.addf %mul3A_58, %add3A_59 : vector<512x128xf32>
    %swap3A = arith.constant 0 : index
    %swap3A_61 = arith.constant 0 : index
    %swap3A_62 = vector.load %arg6[%swap3A, %swap3A_61] : memref<512x128xf32, #tpu.memory_space<vmem>>, vector<512x128xf32>
    tpu.vector_store %arg6[%swap3A, %swap3A_61], %add3A_60 {strides = array<i32>} : memref<512x128xf32, #tpu.memory_space<vmem>>, vector<512x128xf32>,
    return
  }
  func.func @transform_0(%arg0: i32) -> (i32, i32, i32) {
    %c0_i32 = arith.constant 0 : i32
    %c0_i32_0 = arith.constant 0 : i32
    %c0_i32_1 = arith.constant 0 : i32
    return %c0_i32, %arg0, %c0_i32_0 : i32, i32, i32
  }
  func.func @transform_1(%arg0: i32) -> (i32, i32) {
    %c0_i32 = arith.constant 0 : i32
    %c0_i32_0 = arith.constant 0 : i32
    return %c0_i32, %arg0 : i32, i32
  }
  func.func @transform_2(%arg0: i32) -> (i32, i32) {
    %c0_i32 = arith.constant 0 : i32
    %c0_i32_0 = arith.constant 0 : i32
    return %arg0, %c0_i32 : i32, i32
  }
  func.func @transform_3(%arg0: i32) -> (i32, i32) {
    %c0_i32 = arith.constant 0 : i32
    %c0_i32_0 = arith.constant 0 : i32
    %c0_i32_1 = arith.constant 0 : i32
    return %c0_i32, %c0_i32_0 : i32, i32
  }
  func.func @transform_4(%arg0: i32) -> (i32, i32) {
    %c0_i32 = arith.constant 0 : i32
    %c0_i32_0 = arith.constant 0 : i32
    %c0_i32_1 = arith.constant 0 : i32
    return %c0_i32, %c0_i32_0 : i32, i32
  }
  func.func @transform_5(%arg0: i32) -> (i32, i32) {
    %c0_i32 = arith.constant 0 : i32
    %c0_i32_0 = arith.constant 0 : i32
    return %arg0, %c0_i32 : i32, i32
  }
}

module attributes {stable_mosaic.version = 14 : i64} {
  func.func @body(%arg0: i32, %arg1: memref<512x16xf32, #tpu.memory_space<vmem>>, %arg2: memref<512xf32, #tpu.memory_space<vmem>>, %arg3: memref<512xf32, #tpu.memory_space<vmem>>) attributes {dimension_semantics = [#tpu.dimension_semantics<arbitrary>], iteration_bounds = array<i64: 320>, scalar_prefetch = 0 : i64, scratch_operands = 0 : i64, tpu.core_type = #tpu.core_type<tc>, window_params = [{transform_indices = @transform_0, window_bounds = array<i64: 512, 16>}, {transform_indices = @transform_1, window_bounds = array<i64: 512>}, {transform_indices = @transform_2, window_bounds = array<i64: 512>}]} {
    %get3A = arith.constant 0 : index
    %get3A_0 = arith.constant 0 : index
    %get3A_1 = vector.load %arg1[%get3A, %get3A_0] : memref<512x16xf32, #tpu.memory_space<vmem>>, vector<512x16xf32>
    %reduce_sum3A = arith.constant dense<0.000000e+00> : vector<512xf32>
    %reduce_sum3A_2 = vector.multi_reduction <add>, %get3A_1, %reduce_sum3A [1] : vector<512x16xf32> to vector<512xf32>
    %add3A = arith.constant 9.99999996E-13 : f32
    %add3A_3 = vector.broadcast %add3A : f32 to vector<512xf32>
    %add3A_4 = arith.addf %reduce_sum3A_2, %add3A_3 : vector<512xf32>
    %sqrt3A = math.sqrt %add3A_4 : vector<512xf32>
    %neg3A = arith.constant 0.000000e+00 : f32
    %neg3A_5 = vector.broadcast %neg3A : f32 to vector<512xf32>
    %neg3A_6 = arith.subf %neg3A_5, %sqrt3A : vector<512xf32>
    %get3A_7 = arith.constant 0 : index
    %get3A_8 = vector.load %arg2[%get3A_7] : memref<512xf32, #tpu.memory_space<vmem>>, vector<512xf32>
    %mul3A = arith.mulf %neg3A_6, %get3A_8 : vector<512xf32>
    %swap3A = arith.constant 0 : index
    %swap3A_9 = vector.load %arg3[%swap3A] : memref<512xf32, #tpu.memory_space<vmem>>, vector<512xf32>
    tpu.vector_store %arg3[%swap3A], %mul3A {strides = array<i32>} : memref<512xf32, #tpu.memory_space<vmem>>, vector<512xf32>,
    return
  }
  func.func @transform_0(%arg0: i32) -> (i32, i32) {
    %c0_i32 = arith.constant 0 : i32
    %c0_i32_0 = arith.constant 0 : i32
    return %arg0, %c0_i32 : i32, i32
  }
  func.func @transform_1(%arg0: i32) -> i32 {
    %c0_i32 = arith.constant 0 : i32
    return %arg0 : i32
  }
  func.func @transform_2(%arg0: i32) -> i32 {
    %c0_i32 = arith.constant 0 : i32
    return %arg0 : i32
  }
}

</mosaic_0001>

<sc_bundles>
// kernel: kernel.12.cloned.1.call-start
scs
__scs_entry_jumppad:
0x0: {  	(pc) =	sbr.rel $0x88, $3  }
0x1: {  	(tag) =	ssettag $0x0;
	lr =	simm.s32 $0x1  }
0x2: {  	[smem:$0x3F89] =	sst lr;
	_ =	strace $0xD0000000  }
0x3: {  	_ = 	snop  }
0x4: {  	_ = 	snop  }
0x5: {  	_ = 	snop  }
0x6: {  	_ = 	snop  }
0x7: {  	_ = 	snop  }
__scs_overlays_trampoline_lowered:
0x8: {  	[smem:$0x3F98] =	sst s0  }
0x9: {  	[smem:$0x3F99] =	sst s1  }
0xa: {  	[smem:$0x3F9A] =	sst s2  }
0xb: {  	[smem:$0x3F9B] =	sst s3  }
0xc: {  	[smem:$0x3F9C] =	sst s4  }
0xd: {  	[smem:$0x3F9D] =	sst s5  }
0xe: {  	[smem:$0x3F9E] =	sst s6  }
0xf: {  	[smem:$0x3F9F] =	sst s7  }
0x10: {  	[smem:$0x3FA0] =	sst s8  }
0x11: {  	[smem:$0x3FA1] =	sst s9;
	s0 =	simm.s32 @!p0 $0x0  }
0x12: {  	s1 =	sld [smem:$0x3F87];
	s0 =	simm.s32 @p0 $0x1  }
0x13: {  	[smem:$0x3FA2] =	sst s0;
	s0 =	simm.s32 @!p1 $0x0  }
0x14: {  	s2 =	sld [smem:$0x3F86];
	s0 =	simm.s32 @p1 $0x1  }
0x15: {  	[smem:$0x3FA3] =	sst s0;
	s0 =	simm.s32 @!p2 $0x0  }
0x16: {  	s3 =	sld [smem:$0x3FDB];
	s0 =	simm.s32 @p2 $0x1  }
0x17: {  	s4 =	simm.s32 $0x1BF5;
	[smem:$0x3FA5] =	sst s0  }
0x18: {  	s0 =	sld [smem:$0x3F88];
	_ =	swait.ge [sflag:s4], $0x0  }
0x19: {  	s7 =	sld [smem:$0x3F89]  }
0x1a: {  	s8 =	sadd.s32 $0xFFFFE003, lr  }
0x1b: {  	s9 =	sadd.s32 $0xFFFFFEF7, lr;
	s5 =	simm.s32 $0xFFFFFFFF;
	p2 =	slt.u32 s8, $0xFFFFF086  }
0x1c: {  	p1 =	slt.u32 s9, $0xF7A;
	s5 =	simm.s32 @!p2 $0x0  }
0x1d: {  	s5 =	simm.s32 @p1 $0x1;
	p0 =	seq.s32 s7, s2  }
0x1e: {  	s7 =	smul.u32 @!p0 $0xF7A, s2;
	p2 =	seq.s32 @!p0 s5, $0x0  }
0x1f: {  	s9 =	smul.u32 $0xF7A, s1;
	s8 =	simm.s32 @!p0 $0x1BF5;
	p2 =	por !p2, p0  }
0x20: {  	[sflag:s8] =	ssyncset.s32 @!p0 $0xFFFFF086;
	s6 =	sadd.s32 @!p0 s3, s7;
	s7 =	simm.s32 @!p0 $0x108  }
0x21: {  	s3 =	sadd.s32 s3, s9;
	s6 =	sadd.s32 @!p0 $0x88, s6;
	s7 =	simm.s32 @p2 $0x1082  }
0x22: {  	[simem:s7], [sflag:s8] =	dma.local @!p0 [hbm:s6], $0xF7A  }
0x23: {  	s9 =	sor.u32 $0xD0000000, s2;
	s6 =	simm.s32 $0x108;
	_ =	swait.ge @!p0 [sflag:s8], $0x0  }
0x24: {  	s3 =	sadd.s32 $0x88, s3;
	s6 =	simm.s32 @!p1 $0x1082;
	[sflag:s4] =	ssyncset.s32 $0xFFFFF086  }
0x25: {  	[simem:s6], [sflag:s4] =	dma.local [hbm:s3], $0xF7A  }
0x26: {  	[smem:$0x3F89] =	sst s1;
	(tag) =	ssettag s2;
	_ =	strace s9  }
0x27: {  	s1 =	sld [smem:$0x3F99]  }
0x28: {  	s2 =	sld [smem:$0x3F9A]  }
0x29: {  	s4 =	sld [smem:$0x3F9C]  }
0x2a: {  	p0 =	seq.s32 s5, $0x0;
	s5 =	sld [smem:$0x3F9D]  }
0x2b: {  	s6 =	sld [smem:$0x3F9E]  }
0x2c: {  	s7 =	sld [smem:$0x3F9F]  }
0x2d: {  	s3 =	simm.s32 $0x108;
	s8 =	sld [smem:$0x3FA0]  }
0x2e: {  	s3 =	simm.s32 @!p0 $0x1082;
	s9 =	sld [smem:$0x3FA1]  }
0x2f: {  	lr =	sadd.s32 s0, s3;
	s0 =	sld [smem:$0x3F98]  }
0x30: {  	s3 =	sld [smem:$0x3F9B]  }
0x31: {  	[smem:$0x3FA4] =	sst s10  }
0x32: {  	s10 =	sld [smem:$0x3FA2];
	_ =	sdelay $0x3  }
0x33: {  	p0 =	seq.s32 s10, $0x1;
	s10 =	sld [smem:$0x3FA4];
	_ =	sdelay $0x3  }
0x34: {  	[smem:$0x3FA4] =	sst s10  }
0x35: {  	s10 =	sld [smem:$0x3FA3];
	_ =	sdelay $0x3  }
0x36: {  	p1 =	seq.s32 s10, $0x1;
	s10 =	sld [smem:$0x3FA4];
	_ =	sdelay $0x3  }
0x37: {  	[smem:$0x3FA4] =	sst s10  }
0x38: {  	s10 =	sld [smem:$0x3FA5]  }
0x39: {  	_ = 	snop;
	(pc) =	sbr.ind lr, $3  }
0x3a: {  	_ = 	snop  }
0x3b: {  	_ = 	snop  }
0x3c: {  	p2 =	seq.s32 s10, $0x1;
	s10 =	sld [smem:$0x3FA4]  }
0x3d: {  	_ =	shalt  }
0x3e: {  	_ =	shalt  }
0x3f: {  	_ =	shalt  }
0x40: {  	_ =	shalt  }
0x41: {  	_ =	shalt  }
0x42: {  	_ =	shalt  }
0x43: {  	_ =	shalt  }
0x44: {  	_ =	shalt  }
0x45: {  	_ =	shalt  }
0x46: {  	_ =	shalt  }
0x47: {  	_ =	shalt  }
0x48: {  	_ =	shalt  }
0x49: {  	_ =	shalt  }
0x4a: {  	_ =	shalt  }
0x4b: {  	_ =	shalt  }
0x4c: {  	_ =	shalt  }
0x4d: {  	_ =	shalt  }
0x4e: {  	_ =	shalt  }
0x4f: {  	_ =	shalt  }
0x50: {  	_ =	shalt  }
0x51: {  	_ =	shalt  }
0x52: {  	_ =	shalt  }
0x53: {  	_ =	shalt  }
0x54: {  	_ =	shalt  }
0x55: {  	_ =	shalt  }
0x56: {  	_ =	shalt  }
0x57: {  	_ =	shalt  }
0x58: {  	_ =	shalt  }
0x59: {  	_ =	shalt  }
0x5a: {  	_ =	shalt  }
0x5b: {  	_ =	shalt  }
0x5c: {  	_ =	shalt  }
0x5d: {  	_ =	shalt  }
0x5e: {  	_ =	shalt  }
0x5f: {  	_ =	shalt  }
0x60: {  	_ =	shalt  }
0x61: {  	_ =	shalt  }
0x62: {  	_ =	shalt  }
0x63: {  	_ =	shalt  }
0x64: {  	_ =	shalt  }
0x65: {  	_ =	shalt  }
0x66: {  	_ =	shalt  }
0x67: {  	_ =	shalt  }
0x68: {  	_ =	shalt  }
0x69: {  	_ =	shalt  }
0x6a: {  	_ =	shalt  }
0x6b: {  	_ =	shalt  }
0x6c: {  	_ =	shalt  }
0x6d: {  	_ =	shalt  }
0x6e: {  	_ =	shalt  }
0x6f: {  	_ =	shalt  }
0x70: {  	_ =	shalt  }
0x71: {  	_ =	shalt  }
0x72: {  	_ =	shalt  }
0x73: {  	_ =	shalt  }
0x74: {  	_ =	shalt  }
0x75: {  	_ =	shalt  }
0x76: {  	_ =	shalt  }
0x77: {  	_ =	shalt  }
0x78: {  	_ =	shalt  }
0x79: {  	_ =	shalt  }
0x7a: {  	_ =	shalt  }
0x7b: {  	_ =	shalt  }
0x7c: {  	_ =	shalt  }
0x7d: {  	_ =	shalt  }
0x7e: {  	_ =	shalt  }
0x7f: {  	_ =	shalt  }
0x80: {  	_ =	shalt  }
0x81: {  	_ =	shalt  }
0x82: {  	_ =	shalt  }
0x83: {  	_ =	shalt  }
0x84: {  	_ =	shalt  }
0x85: {  	_ =	shalt  }
0x86: {  	_ =	shalt  }
0x87: {  	_ =	shalt  }
.Lfunc_end0:
.L_simem_size_0:
called_computation_lowered:
.L_overlay_start_0:
0x88: {  	s2 =	sld [smem:$0x3FD9]  }
0x89: {  	s3 =	sld [smem:$0x3FFE];
	_ =	sdelay $0x1  }
0x8a: {  	s1 =	srdreg.scid  }
0x8b: {  	s0 =	sand.u32 $0x1, s1  }
0x8c: {  	s17 =	sshll.u32 s0, $0xA;
	s2 =	sadd.s32 s3, s2  }
0x8d: {  	s2 =	sadd.s32 s2, s17  }
0x8e: {  	[smem:$0x3FB0] =	sst s2  }
0x8f: {  	_ = 	snop  }
0x90: {  	s2 =	sld [smem:$0x3FD0];
	(tm) =	ssettm $0x1  }
0x91: {  	s18 =	sld [smem:$0x3FFB];
	_ =	sdelay $0x3  }
0x92: {  	_ =	strace s18  }
0x93: {  	s3 =	sld [smem:$0x3FFC];
	_ =	sdelay $0x3  }
0x94: {  	_ =	strace s3  }
0x95: {  	s3 =	sld [smem:$0x3FFD];
	_ =	sdelay $0x3  }
0x96: {  	_ =	strace s3  }
0x97: {  	_ =	strace $0x8FFFFFFF  }
0x98: {  	s19 =	sld [smem:$0x3FDB];
	_ =	sdelay $0x1  }
0x99: {  	s4 =	simm.s32 $_scs_section_size  }
0x9a: {  	s5 =	simm.s32 $_size__tile_overlayer_lowered;
	s6 =	simm.s32 $_tile_overlayer_lowered  }
0x9b: {  	s22 =	simm.s32 $0x1BFF;
	s21 =	sshll.u32 s6, $0x1;
	s3 =	sadd.s32 s4, s19  }
0x9c: {  	s7 =	simm.s32 $0x0;
	s20 =	sshll.u32 s5, $0x1;
	s5 =	sadd.s32 s21, s3  }
0x9d: {  	[timem:s7], [sflag:s22] =	dma.local [hbm:s5], s20  }
0x9e: {  	_ =	swait.ge [sflag:s22], s20  }
0x9f: {  	s4 =	ssub.s32 $0x0, s20;
	[sflag:s22] =	ssyncset.done $0x0  }
0xa0: {  	[sflag:s22] =	ssyncadd.s32 s4;
	_ =	sdelay $0x1  }
0xa1: {  	s23 =	simm.s32 $0x1B8B  }
0xa2: {  	_ =	swait.ge [sflag:s23], $0x1  }
0xa3: {  	[sflag:s23] =	ssyncset.done $0x0  }
0xa4: {  	s25 =	simm.s32 $0x1B8E;
	s24 =	sld [smem:$0x3FFE];
	[sflag:s23] =	ssyncadd.s32 $0xFFFFFFFF  }
0xa5: {  	s26 =	simm.s32 $execute0_lowered;
	[smem:$0x3FD2] =	sst s25  }
0xa6: {  	s5 =	sshll.u32 s26, $0x1;
	_ =	strace $0x80000046;
	[dreg:$0x1] =	wrdreg $0xFFFFFFFF  }
0xa7: {  	s28 =	simm.s32 $_size_execute0_lowered;
	s3 =	sadd.s32 s3, s5;
	[dreg:$0x0] =	wrdreg $0x0  }
0xa8: {  	s5 =	sshll.u32 s28, $0x1;
	[dreg:$0x2] =	wrdreg s3  }
0xa9: {  	[dreg:$0x3] =	wrdreg s5  }
0xaa: {  	[dreg:$0x4] =	wrdreg $0xC0  }
0xab: {  	_ =	task [dreg:s7], $0x5FFFF  }
0xac: {  	[dreg:$0x1] =	wrdreg $0xFFFFFFFF  }
0xad: {  	[dreg:$0x0] =	wrdreg $0x60  }
0xae: {  	[dreg:$0x2] =	wrdreg s24  }
0xaf: {  	[dreg:$0x3] =	wrdreg s2  }
0xb0: {  	[dreg:$0x4] =	wrdreg $0x83800  }
0xb1: {  	[dreg:$0x5] =	wrdreg $0x1C3800  }
0xb2: {  	[dreg:$0x6] =	wrdreg $0x9  }
0xb3: {  	_ =	task.clear_ibuf [dreg:s7], $0x7FFFF;
	_ =	strace $0x90000046  }
0xb4: {  	s29 =	simm.s32 $0x9;
	_ =	strace $0x80000048  }
0xb5: {  	_ =	swait.ge [sflag:s29], $0x1  }
0xb6: {  	[sflag:s29] =	ssyncadd.s32 $0xFFFFFFFF  }
0xb7: {  	_ =	strace $0x90000048  }
0xb8: {  	_ =	sfence  }
0xb9: {  	s30 =	sld [smem:$0x0];
	_ =	sdelay $0x2  }
0xba: {  	s31 =	sshll.u32 s1, $0xD;
	s1 =	sshrl.u32 s1, $0x2  }
0xbb: {  	s3 =	sand.u32 $0x4000, s31;
	s1 =	sadd.s32 s1, s30  }
0xbc: {  	s0 =	sor.u32 s3, s0;
	s1 =	sshll.u32 s1, $0x11  }
0xbd: {  	s0 =	sor.u32 s1, s0  }
0xbe: {  	s0 =	sadd.s32 $0x8F2B, s0  }
0xbf: {  	[sflag:s0] =	ssyncadd.remote.s32 $0x1  }
0xc0: {  	_ =	sfence.sel $0xFFFF  }
0xc1: {  	[dreg:$0x0] =	wrdreg $0xFFFFFFFF;
	(pc) =	sbr.abs _section_cstart, $3  }
0xc2: {  	[dreg:$0x1] =	wrdreg $0xFFFFFFFF  }
0xc3: {  	_ =	task.clear_ibuf [dreg:s7], $0x2FFFF;
	_ =	strace $0x9FFFFFFF  }
0xc4: {  	(tm) =	ssettm $0x7FFFFFFF  }
0xc5: {  	_ =	shalt  }
tec
execute0_lowered:
.L_overlay_start_1:
0x0: {  	(tag) =	ssettag $0x1  }
0x1: {  	s0 =	rddreg [dreg:$0x0]  }
0x2: {  	s2 =	rddreg [dreg:$0x2]  }
0x3: {  	s3 =	rddreg [dreg:$0x3];
	s4 =	simm.s32 $0x0;
	s5 =	srdreg.scid  }
0x4: {  	s19 =	stileid.u32;
	s28 =	simm.s32 $0x5;
	s29 =	simm.s32 $0x8300  }
0x5: {  	s31 =	simm.s32 $0x4080;
	[smem:$0x7FF] =	sst s4;
	s1 =	sadd.s32 $0x3F600, s0  }
0x6: {  	s22 =	sadd.s32 $0x91600, s0;
	s6 =	sadd.s32 $0xD600, s0;
	s5 =	sand.u32 $0x1, s5  }
0x7: {  	s7 =	smul.u32 $0x280, s19;
	s8 =	sadd.s32 $0x12600, s0;
	s11 =	sadd.s32 $0x96400, s0  }
0x8: {  	s13 =	sshll.u32 s19, $0x1;
	_ =	strace $0x80000047;
	[dreg:$0x5] =	wrdreg s1  }
0x9: {  	s18 =	smul.u32 $0x2800, s19;
	[dreg:$0x6] =	wrdreg s22;
	s1 =	sadd.s32 $0x8600, s0  }
0xa: {  	s9 =	smul.u32 $0x2800, s5;
	s10 =	ssub.s32 $0x2, s5;
	s23 =	sor.u32 s5, s13  }
0xb: {  	s5 =	smul.u32 $0x1400, s5;
	s12 =	sshrl.u32 s10, $0x1;
	s16 =	sadd.s32 $0x80, s7  }
0xc: {  	s17 =	sadd.s32 $0x100, s7;
	s20 =	sadd.s32 $0x200, s7;
	s14 =	sadd.s32 s7, s9  }
0xd: {  	s10 =	ssub.s32 s10, s12;
	s12 =	smul.u32 $0x1400, s23;
	s5 =	sadd.s32 s5, s18  }
0xe: {  	s24 =	sshll.u32 s14, $0x4;
	s18 =	sshrl.u32 s5, $0x3;
	s5 =	sor.u32 $0x40, s5  }
0xf: {  	s25 =	sadd.s32 s9, s16;
	s13 =	sadd.s32 s11, s24;
	s5 =	sshrl.u32 s5, $0x3  }
0x10: {  	s15 =	sadd.s32 s9, s17;
	[dreg:$0xd] =	wrdreg s13;
	s21 =	sadd.s32 s5, s8  }
0x11: {  	s12 =	sshrl.u32 s12, $0x3;
	s22 =	sadd.s32 s5, s6;
	[dreg:$0xa] =	wrdreg s21  }
0x12: {  	s23 =	smul.u32 $0x50000, s19;
	s24 =	sadd.s32 s8, s12;
	[dreg:$0xb] =	wrdreg s22  }
0x13: {  	s13 =	sshll.u32 s25, $0x4;
	s25 =	sadd.s32 s1, s12;
	[dreg:$0x13] =	wrdreg s24  }
0x14: {  	s26 =	sshll.u32 s15, $0x4;
	s13 =	sadd.s32 s11, s13;
	[dreg:$0x14] =	wrdreg s25  }
0x15: {  	s21 =	smax.u32 s10, $0x1;
	s22 =	sshll.u32 s17, $0x7;
	s24 =	sshll.u32 s20, $0x7  }
0x16: {  	s10 =	simm.s32 $0x6180;
	s17 =	simm.s32 $0x0;
	[dreg:$0xe] =	wrdreg s13  }
0x17: {  	s13 =	sadd.s32 s11, s26;
	s26 =	sshrl.u32 s14, $0x3;
	[dreg:$0x1a] =	wrdreg s21  }
0x18: {  	s14 =	sadd.s32 s7, s3;
	[dreg:$0xf] =	wrdreg s13;
	s13 =	sadd.s32 $0x180, s7  }
0x19: {  	[dreg:$0x18] =	wrdreg s14;
	s7 =	simm.s32 $0x8200;
	s30 =	sadd.s32 s9, s13  }
0x1a: {  	s9 =	sadd.s32 s9, s20;
	s15 =	sshll.u32 s30, $0x4;
	s30 =	sadd.s32 $0x95600, s0  }
0x1b: {  	s9 =	sshll.u32 s9, $0x4;
	s15 =	sadd.s32 s11, s15;
	[dreg:$0x15] =	wrdreg s30  }
0x1c: {  	s14 =	simm.s32 $0x3;
	s9 =	sadd.s32 s11, s9;
	[dreg:$0x10] =	wrdreg s15  }
0x1d: {  	s11 =	sadd.s32 s18, s8;
	s8 =	sshrl.u32 s23, $0x2;
	[dreg:$0x11] =	wrdreg s9  }
0x1e: {  	s23 =	sshll.u32 s13, $0x7;
	s13 =	simm.s32 $0x2;
	[dreg:$0x7] =	wrdreg s11  }
0x1f: {  	s15 =	sadd.s32 s18, s6;
	s18 =	sadd.s32 s18, s1;
	s11 =	sadd.s32 $0x17600, s0  }
0x20: {  	s6 =	sadd.s32 s6, s12;
	s1 =	sadd.s32 s5, s1;
	[dreg:$0x8] =	wrdreg s15  }
0x21: {  	s9 =	sadd.s32 s8, s2;
	s12 =	sshll.u32 s19, $0x6;
	[dreg:$0x9] =	wrdreg s18  }
0x22: {  	s5 =	sadd.s32 s23, s2;
	s8 =	simm.s32 $0x4180;
	[dreg:$0x12] =	wrdreg s6  }
0x23: {  	s15 =	sadd.s32 $0x8F600, s0;
	[dreg:$0xc] =	wrdreg s1;
	s6 =	sadd.s32 s26, s0  }
0x24: {  	s0 =	sadd.s32 $0x95800, s0;
	[dreg:$0x17] =	wrdreg s9;
	s19 =	sor.u32 $0x1C05, s12  }
0x25: {  	s18 =	sshll.u32 s16, $0x7;
	s26 =	sshrl.u32 s5, $0x3;
	s9 =	simm.s32 $0x8280  }
0x26: {  	s12 =	simm.s32 $0x1;
	s16 =	simm.s32 $0x4;
	[dreg:$0x16] =	wrdreg s0  }
0x27: {  	s1 =	sadd.s32 $0x95A00, s6;
	s0 =	sadd.s32 s18, s2;
	[dreg:$0x1d] =	wrdreg s26  }
0x28: {  	s6 =	sadd.s32 s24, s2;
	[dreg:$0x19] =	wrdreg s1;
	s0 =	sshrl.u32 s0, $0x3  }
0x29: {  	s1 =	sadd.s32 s22, s2;
	s30 =	sshrl.u32 s6, $0x3;
	[dreg:$0x1b] =	wrdreg s0  }
0x2a: {  	s6 =	simm.s32 $0x8180;
	s25 =	sshrl.u32 s1, $0x3;
	[dreg:$0x1e] =	wrdreg s30  }
0x2b: {  	s0 =	simm.s32 $0x40;
	s1 =	simm.s32 $0x2000;
	[dreg:$0x1c] =	wrdreg s25  }
.LBB2_1:
0x2c: {  	s5 =	rddreg [dreg:$0x17]  }
0x2d: {  	s22 =	rddreg [dreg:$0x1];
	s20 =	sshrl.u32 s5, $0x3  }
0x2e: {  	[spmem:s20], [sflag:s19] =	dma.local [hbm:s22], $0x2800  }
0x2f: {  	_ =	swait.ge [sflag:s28], $0x2800  }
0x30: {  	s23 =	rddreg [dreg:$0x18]  }
0x31: {  	[sflag:s28] =	ssyncset.done $0x0;
	s24 =	rddreg [dreg:$0x15];
	s18 =	sshrl.u32 s23, $0x3  }
0x32: {  	[sflag:s28] =	ssyncadd.s32 $0xFFFFD800;
	[dreg:$0x1f] =	wrdreg s18  }
0x33: {  	[spmem:s18], [sflag:s19] =	dma.local [hbm:s24], $0x50  }
0x34: {  	_ =	swait.ge [sflag:s28], $0x50  }
0x35: {  	[sflag:s28] =	ssyncset.done $0x0  }
0x36: {  	s25 =	rddreg [dreg:$0x16];
	[sflag:s28] =	ssyncadd.s32 $0xFFFFFFB0  }
0x37: {  	[tilespmem:s29], [sflag:$0x5] =	stream.linear.gather [hbm4b:s25+s4], $0x80, $0x38;
	[tilespmem:$0x1C600] =	vst v63  }
0x38: {  	_ =	swait.ge [sflag:s28], $0x80  }
0x39: {  	[sflag:s28] =	ssyncset.done $0x0  }
0x3a: {  	[sflag:s28] =	ssyncadd.s32 $0xFFFFFF80  }
0x3b: {  	[bflag:$0x0] =	sbarrier.arrive $0xFFFF  }
0x3c: {  	s30 =	simm.s32 $0x4000;
	s26 =	rddreg [dreg:$0x14]  }
0x3d: {  	[tilespmem:s30], [sflag:$0x5] =	stream.linear.gather [hbm4b:s26+s4], $0x40, $0x38;
	[tilespmem:$0x1C600] =	vst v63  }
0x3e: {  	_ =	swait.ge [sflag:s28], $0x40  }
0x3f: {  	[sflag:s28] =	ssyncset.done $0x0  }
0x40: {  	s21 =	rddreg [dreg:$0x12];
	[sflag:s28] =	ssyncadd.s32 $0xFFFFFFC0  }
0x41: {  	[tilespmem:s31], [sflag:$0x5] =	stream.linear.gather [hbm4b:s21+s4], $0x40, $0x38;
	[tilespmem:$0x1C600] =	vst v63  }
0x42: {  	_ =	swait.ge [sflag:s28], $0x40  }
0x43: {  	[sflag:s28] =	ssyncset.done $0x0  }
0x44: {  	[sflag:s28] =	ssyncadd.s32 $0xFFFFFFC0  }
0x45: {  	[tilespmem:s4], [sflag:$0x1] =	stream.indirect.gather [hbm4b:s11+s0], $0x80, s30, s0, $0xb8;
	[tilespmem:$0x1C600] =	vst v63  }
0x46: {  	s23 =	simm.s32 $0x4100;
	s22 =	rddreg [dreg:$0x13]  }
0x47: {  	[tilespmem:s23], [sflag:$0x5] =	stream.linear.gather [hbm4b:s22+s4], $0x40, $0x38;
	[tilespmem:$0x1C600] =	vst v63  }
0x48: {  	_ =	swait.ge [sflag:s28], $0x40  }
0x49: {  	[sflag:s28] =	ssyncset.done $0x0  }
0x4a: {  	s21 =	rddreg [dreg:$0x9];
	[sflag:s28] =	ssyncadd.s32 $0xFFFFFFC0  }
0x4b: {  	[tilespmem:s1], [sflag:$0x2] =	stream.indirect.gather [hbm4b:s15+s0], $0x80, s23, s0, $0xb8;
	[tilespmem:$0x1C600] =	vst v63  }
0x4c: {  	s21 =	sadd.s32 $0x0, s21  }
0x4d: {  	[tilespmem:s6], [sflag:$0x5] =	stream.linear.gather [hbm4b:s21+s4], $0x40, $0x38;
	[tilespmem:$0x1C600] =	vst v63  }
0x4e: {  	_ =	swait.ge [sflag:s28], $0x40  }
0x4f: {  	s24 =	rddreg [dreg:$0x8];
	[sflag:s28] =	ssyncset.done $0x0  }
0x50: {  	[sflag:s28] =	ssyncadd.s32 $0xFFFFFFC0;
	s21 =	sadd.s32 $0x0, s24  }
0x51: {  	[tilespmem:s7], [sflag:$0x5] =	stream.linear.gather [hbm4b:s21+s4], $0x40, $0x38;
	[tilespmem:$0x1C600] =	vst v63  }
0x52: {  	_ =	swait.ge [sflag:s28], $0x40  }
0x53: {  	s25 =	rddreg [dreg:$0x5];
	[sflag:s28] =	ssyncset.done $0x0  }
0x54: {  	s22 =	rddreg [dreg:$0x7];
	[sflag:s28] =	ssyncadd.s32 $0xFFFFFFC0  }
0x55: {  	[tilespmem:s8], [sflag:$0x3] =	stream.indirect.gather [hbm4b:s25+s0], $0x80, s7, s0, $0xb8;
	[tilespmem:$0x1C600] =	vst v63  }
0x56: {  	s26 =	sadd.s32 $0x0, s22  }
0x57: {  	[tilespmem:s9], [sflag:$0x5] =	stream.linear.gather [hbm4b:s26+s4], $0x40, $0x38;
	[tilespmem:$0x1C600] =	vst v63  }
0x58: {  	_ =	swait.ge [sflag:s28], $0x40  }
0x59: {  	[sflag:s28] =	ssyncset.done $0x0  }
0x5a: {  	s30 =	rddreg [dreg:$0x6];
	[sflag:s28] =	ssyncadd.s32 $0xFFFFFFC0  }
0x5b: {  	[tilespmem:s10], [sflag:$0x4] =	stream.indirect.gather [hbm4b:s30+s0], $0x80, s9, s0, $0xb8;
	[tilespmem:$0x1C600] =	vst v63  }
0x5c: {  	_ =	swait.ge [sflag:s12], $0x2000  }
0x5d: {  	[sflag:s12] =	ssyncset.done $0x0  }
0x5e: {  	[sflag:s12] =	ssyncadd.s32 $0xFFFFE000  }
0x5f: {  	_ =	swait.ge [sflag:s13], $0x2000  }
0x60: {  	[sflag:s13] =	ssyncset.done $0x0  }
0x61: {  	[sflag:s13] =	ssyncadd.s32 $0xFFFFE000  }
0x62: {  	[spmem:s2] =	stream.indirect.scatter.add.f32 [tilespmem:s4], [sflag:$0x5], $0x80, s31, s0, $0xb8;
	[tilespmem:$0x1C600] =	vst v63  }
0x63: {  	_ =	swait.ge [sflag:s28], $0x2000  }
0x64: {  	[sflag:s28] =	ssyncset.done $0x0  }
0x65: {  	[sflag:s28] =	ssyncadd.s32 $0xFFFFE000  }
0x66: {  	[spmem:s2] =	stream.indirect.scatter.add.f32 [tilespmem:s1], [sflag:$0x5], $0x80, s31, s0, $0xb8;
	[tilespmem:$0x1C600] =	vst v63  }
0x67: {  	_ =	swait.ge [sflag:s28], $0x2000  }
0x68: {  	[sflag:s28] =	ssyncset.done $0x0  }
0x69: {  	p0 =	por $0x0, $0x0;
	[sflag:s28] =	ssyncadd.s32 $0xFFFFE000  }
0x6a: {  	[spmem:s3] =	stream.indirect.scatter.add.f32 [tilespmem:s29], [sflag:$0x5], $0x1, s31, s0, $0xb8;
	[tilespmem:$0x1C600] =	vst v63  }
0x6b: {  	s23 =	simm.s32 @!p0 $0x5;
	_ =	swait.ge [sflag:s28], $0x40  }
0x6c: {  	s22 =	simm.s32 @!p0 $0x0;
	s21 =	rddreg [dreg:$0xc];
	[sflag:s28] =	ssyncset.done $0x0  }
0x6d: {  	s30 =	simm.s32 @!p0 $0x4000;
	[sflag:s28] =	ssyncadd.s32 $0xFFFFFFC0;
	s21 =	sadd.s32 @!p0 $0x0, s21  }
0x6e: {  	[tilespmem:s30], [sflag:$0x5] =	stream.linear.gather @!p0 [hbm4b:s21+s22], $0x40, $0x38;
	[tilespmem:$0x1C600] =	vst v63  }
0x6f: {  	_ =	swait.ge @!p0 [sflag:s23], $0x40  }
0x70: {  	s21 =	rddreg [dreg:$0xb];
	[sflag:s23] =	ssyncset.done @!p0 $0x0  }
0x71: {  	s24 =	simm.s32 @!p0 $0x4080;
	[sflag:s23] =	ssyncadd.s32 @!p0 $0xFFFFFFC0;
	s21 =	sadd.s32 @!p0 $0x0, s21  }
0x72: {  	[tilespmem:s24], [sflag:$0x5] =	stream.linear.gather @!p0 [hbm4b:s21+s22], $0x40, $0x38;
	[tilespmem:$0x1C600] =	vst v63  }
0x73: {  	_ =	swait.ge @!p0 [sflag:s23], $0x40  }
0x74: {  	[sflag:s23] =	ssyncset.done @!p0 $0x0  }
0x75: {  	s24 =	simm.s32 @!p0 $0x40;
	s21 =	rddreg [dreg:$0xa];
	[sflag:s23] =	ssyncadd.s32 @!p0 $0xFFFFFFC0  }
0x76: {  	[tilespmem:s22], [sflag:$0x1] =	stream.indirect.gather @!p0 [hbm4b:s11+s24], $0x80, s30, s24, $0xb8;
	[tilespmem:$0x1C600] =	vst v63  }
0x77: {  	s21 =	sadd.s32 @!p0 $0x0, s21;
	s30 =	simm.s32 @!p0 $0x4100  }
0x78: {  	[tilespmem:s30], [sflag:$0x5] =	stream.linear.gather @!p0 [hbm4b:s21+s22], $0x40, $0x38;
	[tilespmem:$0x1C600] =	vst v63  }
0x79: {  	_ =	swait.ge @!p0 [sflag:s23], $0x40  }
0x7a: {  	[sflag:s23] =	ssyncset.done @!p0 $0x0  }
0x7b: {  	s21 =	simm.s32 @!p0 $0x2000;
	[sflag:s23] =	ssyncadd.s32 @!p0 $0xFFFFFFC0  }
0x7c: {  	[tilespmem:s21], [sflag:$0x2] =	stream.indirect.gather @!p0 [hbm4b:s15+s24], $0x80, s30, s24, $0xb8;
	[tilespmem:$0x1C600] =	vst v63  }
0x7d: {  	_ =	swait.ge [sflag:s14], $0x2000  }
0x7e: {  	[sflag:s14] =	ssyncset.done $0x0  }
0x7f: {  	[sflag:s14] =	ssyncadd.s32 $0xFFFFE000  }
0x80: {  	_ =	swait.ge [sflag:s16], $0x2000  }
0x81: {  	[sflag:s16] =	ssyncset.done $0x0  }
0x82: {  	[sflag:s16] =	ssyncadd.s32 $0xFFFFE000  }
0x83: {  	[spmem:s2] =	stream.indirect.scatter.add.f32 [tilespmem:s8], [sflag:$0x5], $0x80, s6, s0, $0xb8;
	[tilespmem:$0x1C600] =	vst v63  }
0x84: {  	_ =	swait.ge [sflag:s28], $0x2000  }
0x85: {  	[sflag:s28] =	ssyncset.done $0x0  }
0x86: {  	[sflag:s28] =	ssyncadd.s32 $0xFFFFE000  }
0x87: {  	[spmem:s2] =	stream.indirect.scatter.add.f32 [tilespmem:s10], [sflag:$0x5], $0x80, s6, s0, $0xb8;
	[tilespmem:$0x1C600] =	vst v63  }
0x88: {  	_ =	swait.ge [sflag:s28], $0x2000  }
0x89: {  	[sflag:s28] =	ssyncset.done $0x0  }
0x8a: {  	[sflag:s28] =	ssyncadd.s32 $0xFFFFE000  }
0x8b: {  	[spmem:s3] =	stream.indirect.scatter.add.f32 [tilespmem:s29], [sflag:$0x5], $0x1, s6, s0, $0xb8;
	[tilespmem:$0x1C600] =	vst v63  }
0x8c: {  	s22 =	simm.s32 $0x10;
	s21 =	simm.s32 $0x8;
	_ =	swait.ge [sflag:s28], $0x40  }
.LBB2_2:
0x8d: {  	s23 =	rddreg [dreg:$0x9];
	[sflag:s28] =	ssyncset.done $0x0  }
0x8e: {  	[sflag:s28] =	ssyncadd.s32 $0xFFFFFFC0;
	s23 =	sadd.s32 s21, s23  }
0x8f: {  	[tilespmem:s6], [sflag:$0x5] =	stream.linear.gather [hbm4b:s23+s4], $0x40, $0x38;
	[tilespmem:$0x1C600] =	vst v63  }
0x90: {  	_ =	swait.ge [sflag:s28], $0x40  }
0x91: {  	s5 =	rddreg [dreg:$0x8];
	[sflag:s28] =	ssyncset.done $0x0  }
0x92: {  	[sflag:s28] =	ssyncadd.s32 $0xFFFFFFC0;
	s23 =	sadd.s32 s21, s5  }
0x93: {  	[tilespmem:s7], [sflag:$0x5] =	stream.linear.gather [hbm4b:s23+s4], $0x40, $0x38;
	[tilespmem:$0x1C600] =	vst v63  }
0x94: {  	_ =	swait.ge [sflag:s28], $0x40  }
0x95: {  	s18 =	rddreg [dreg:$0x5];
	[sflag:s28] =	ssyncset.done $0x0  }
0x96: {  	s24 =	rddreg [dreg:$0x7];
	[sflag:s28] =	ssyncadd.s32 $0xFFFFFFC0  }
0x97: {  	[tilespmem:s8], [sflag:$0x3] =	stream.indirect.gather [hbm4b:s18+s0], $0x80, s7, s0, $0xb8;
	[tilespmem:$0x1C600] =	vst v63  }
0x98: {  	s25 =	sadd.s32 s21, s24  }
0x99: {  	[tilespmem:s9], [sflag:$0x5] =	stream.linear.gather [hbm4b:s25+s4], $0x40, $0x38;
	[tilespmem:$0x1C600] =	vst v63  }
0x9a: {  	_ =	swait.ge [sflag:s28], $0x40  }
0x9b: {  	[sflag:s28] =	ssyncset.done $0x0  }
0x9c: {  	s26 =	rddreg [dreg:$0x6];
	[sflag:s28] =	ssyncadd.s32 $0xFFFFFFC0  }
0x9d: {  	[tilespmem:s10], [sflag:$0x4] =	stream.indirect.gather [hbm4b:s26+s0], $0x80, s9, s0, $0xb8;
	[tilespmem:$0x1C600] =	vst v63  }
0x9e: {  	_ =	swait.ge [sflag:s12], $0x2000  }
0x9f: {  	[sflag:s12] =	ssyncset.done $0x0  }
0xa0: {  	[sflag:s12] =	ssyncadd.s32 $0xFFFFE000  }
0xa1: {  	_ =	swait.ge [sflag:s13], $0x2000  }
0xa2: {  	[sflag:s13] =	ssyncset.done $0x0  }
0xa3: {  	[sflag:s13] =	ssyncadd.s32 $0xFFFFE000  }
0xa4: {  	[spmem:s2] =	stream.indirect.scatter.add.f32 [tilespmem:s4], [sflag:$0x5], $0x80, s31, s0, $0xb8;
	[tilespmem:$0x1C600] =	vst v63  }
0xa5: {  	_ =	swait.ge [sflag:s28], $0x2000  }
0xa6: {  	[sflag:s28] =	ssyncset.done $0x0  }
0xa7: {  	[sflag:s28] =	ssyncadd.s32 $0xFFFFE000  }
0xa8: {  	[spmem:s2] =	stream.indirect.scatter.add.f32 [tilespmem:s1], [sflag:$0x5], $0x80, s31, s0, $0xb8;
	[tilespmem:$0x1C600] =	vst v63  }
0xa9: {  	_ =	swait.ge [sflag:s28], $0x2000  }
0xaa: {  	[sflag:s28] =	ssyncset.done $0x0  }
0xab: {  	p1 =	seq.s32 s21, $0x278;
	[sflag:s28] =	ssyncadd.s32 $0xFFFFE000  }
0xac: {  	[spmem:s3] =	stream.indirect.scatter.add.f32 [tilespmem:s29], [sflag:$0x5], $0x1, s31, s0, $0xb8;
	[tilespmem:$0x1C600] =	vst v63  }
0xad: {  	s5 =	simm.s32 @!p1 $0x5;
	_ =	swait.ge [sflag:s28], $0x40  }
0xae: {  	s24 =	simm.s32 @!p1 $0x0;
	s23 =	rddreg [dreg:$0xc];
	[sflag:s28] =	ssyncset.done $0x0  }
0xaf: {  	s25 =	simm.s32 @!p1 $0x4000;
	[sflag:s28] =	ssyncadd.s32 $0xFFFFFFC0;
	s23 =	sadd.s32 @!p1 s21, s23  }
0xb0: {  	[tilespmem:s25], [sflag:$0x5] =	stream.linear.gather @!p1 [hbm4b:s23+s24], $0x40, $0x38;
	[tilespmem:$0x1C600] =	vst v63  }
0xb1: {  	_ =	swait.ge @!p1 [sflag:s5], $0x40  }
0xb2: {  	[sflag:s5] =	ssyncset.done @!p1 $0x0;
	s23 =	rddreg [dreg:$0xb]  }
0xb3: {  	s26 =	simm.s32 @!p1 $0x4080;
	[sflag:s5] =	ssyncadd.s32 @!p1 $0xFFFFFFC0;
	s23 =	sadd.s32 @!p1 s21, s23  }
0xb4: {  	[tilespmem:s26], [sflag:$0x5] =	stream.linear.gather @!p1 [hbm4b:s23+s24], $0x40, $0x38;
	[tilespmem:$0x1C600] =	vst v63  }
0xb5: {  	_ =	swait.ge @!p1 [sflag:s5], $0x40  }
0xb6: {  	[sflag:s5] =	ssyncset.done @!p1 $0x0  }
0xb7: {  	s23 =	simm.s32 @!p1 $0x40;
	s26 =	rddreg [dreg:$0xa];
	[sflag:s5] =	ssyncadd.s32 @!p1 $0xFFFFFFC0  }
0xb8: {  	[tilespmem:s24], [sflag:$0x1] =	stream.indirect.gather @!p1 [hbm4b:s11+s23], $0x80, s25, s23, $0xb8;
	[tilespmem:$0x1C600] =	vst v63  }
0xb9: {  	s18 =	simm.s32 @!p1 $0x4100;
	s25 =	sadd.s32 @!p1 s21, s26  }
0xba: {  	[tilespmem:s18], [sflag:$0x5] =	stream.linear.gather @!p1 [hbm4b:s25+s24], $0x40, $0x38;
	[tilespmem:$0x1C600] =	vst v63  }
0xbb: {  	_ =	swait.ge @!p1 [sflag:s5], $0x40  }
0xbc: {  	[sflag:s5] =	ssyncset.done @!p1 $0x0  }
0xbd: {  	s24 =	simm.s32 @!p1 $0x2000;
	[sflag:s5] =	ssyncadd.s32 @!p1 $0xFFFFFFC0  }
0xbe: {  	[tilespmem:s24], [sflag:$0x2] =	stream.indirect.gather @!p1 [hbm4b:s15+s23], $0x80, s18, s23, $0xb8;
	[tilespmem:$0x1C600] =	vst v63  }
0xbf: {  	_ =	swait.ge [sflag:s14], $0x2000  }
0xc0: {  	[sflag:s14] =	ssyncset.done $0x0  }
0xc1: {  	[sflag:s14] =	ssyncadd.s32 $0xFFFFE000  }
0xc2: {  	_ =	swait.ge [sflag:s16], $0x2000  }
0xc3: {  	[sflag:s16] =	ssyncset.done $0x0  }
0xc4: {  	[sflag:s16] =	ssyncadd.s32 $0xFFFFE000  }
0xc5: {  	[spmem:s2] =	stream.indirect.scatter.add.f32 [tilespmem:s8], [sflag:$0x5], $0x80, s6, s0, $0xb8;
	[tilespmem:$0x1C600] =	vst v63  }
0xc6: {  	_ =	swait.ge [sflag:s28], $0x2000  }
0xc7: {  	s30 =	smov.u32 s22;
	s22 =	sadd.s32 $0x8, s22;
	[sflag:s28] =	ssyncset.done $0x0  }
0xc8: {  	p0 =	sne.s32 s22, $0x280;
	[sflag:s28] =	ssyncadd.s32 $0xFFFFE000  }
0xc9: {  	[spmem:s2] =	stream.indirect.scatter.add.f32 [tilespmem:s10], [sflag:$0x5], $0x80, s6, s0, $0xb8;
	[tilespmem:$0x1C600] =	vst v63  }
.Ltmp0:
0xca: {  	_ =	swait.ge [sflag:s28], $0x2000;
	(pc) =	sbr.rel @p0 .LBB2_2-.Ltmp0, $4  }
0xcb: {  	[sflag:s28] =	ssyncset.done $0x0  }
0xcc: {  	[sflag:s28] =	ssyncadd.s32 $0xFFFFE000  }
0xcd: {  	[spmem:s3] =	stream.indirect.scatter.add.f32 [tilespmem:s29], [sflag:$0x5], $0x1, s6, s0, $0xb8;
	[tilespmem:$0x1C600] =	vst v63  }
0xce: {  	s21 =	smov.u32 s30;
	_ =	swait.ge [sflag:s28], $0x40  }
0xcf: {  	s5 =	rddreg [dreg:$0x9];
	[sflag:s28] =	ssyncset.done $0x0  }
0xd0: {  	[sflag:s28] =	ssyncadd.s32 $0xFFFFFFC0;
	s5 =	sadd.s32 s21, s5  }
0xd1: {  	[tilespmem:s6], [sflag:$0x5] =	stream.linear.gather [hbm4b:s5+s4], $0x40, $0x38;
	[tilespmem:$0x1C600] =	vst v63  }
0xd2: {  	_ =	swait.ge [sflag:s28], $0x40  }
0xd3: {  	s18 =	rddreg [dreg:$0x8];
	[sflag:s28] =	ssyncset.done $0x0  }
0xd4: {  	[sflag:s28] =	ssyncadd.s32 $0xFFFFFFC0;
	s5 =	sadd.s32 s21, s18  }
0xd5: {  	[tilespmem:s7], [sflag:$0x5] =	stream.linear.gather [hbm4b:s5+s4], $0x40, $0x38;
	[tilespmem:$0x1C600] =	vst v63  }
0xd6: {  	_ =	swait.ge [sflag:s28], $0x40  }
0xd7: {  	s22 =	rddreg [dreg:$0x5];
	[sflag:s28] =	ssyncset.done $0x0  }
0xd8: {  	s18 =	rddreg [dreg:$0x7];
	[sflag:s28] =	ssyncadd.s32 $0xFFFFFFC0  }
0xd9: {  	[tilespmem:s8], [sflag:$0x3] =	stream.indirect.gather [hbm4b:s22+s0], $0x80, s7, s0, $0xb8;
	[tilespmem:$0x1C600] =	vst v63  }
0xda: {  	s23 =	sadd.s32 s21, s18  }
0xdb: {  	[tilespmem:s9], [sflag:$0x5] =	stream.linear.gather [hbm4b:s23+s4], $0x40, $0x38;
	[tilespmem:$0x1C600] =	vst v63  }
0xdc: {  	_ =	swait.ge [sflag:s28], $0x40  }
0xdd: {  	[sflag:s28] =	ssyncset.done $0x0  }
0xde: {  	s24 =	rddreg [dreg:$0x6];
	[sflag:s28] =	ssyncadd.s32 $0xFFFFFFC0  }
0xdf: {  	[tilespmem:s10], [sflag:$0x4] =	stream.indirect.gather [hbm4b:s24+s0], $0x80, s9, s0, $0xb8;
	[tilespmem:$0x1C600] =	vst v63  }
0xe0: {  	_ =	swait.ge [sflag:s12], $0x2000  }
0xe1: {  	[sflag:s12] =	ssyncset.done $0x0  }
0xe2: {  	[sflag:s12] =	ssyncadd.s32 $0xFFFFE000  }
0xe3: {  	_ =	swait.ge [sflag:s13], $0x2000  }
0xe4: {  	[sflag:s13] =	ssyncset.done $0x0  }
0xe5: {  	[sflag:s13] =	ssyncadd.s32 $0xFFFFE000  }
0xe6: {  	[spmem:s2] =	stream.indirect.scatter.add.f32 [tilespmem:s4], [sflag:$0x5], $0x80, s31, s0, $0xb8;
	[tilespmem:$0x1C600] =	vst v63  }
0xe7: {  	_ =	swait.ge [sflag:s28], $0x2000  }
0xe8: {  	[sflag:s28] =	ssyncset.done $0x0  }
0xe9: {  	[sflag:s28] =	ssyncadd.s32 $0xFFFFE000  }
0xea: {  	[spmem:s2] =	stream.indirect.scatter.add.f32 [tilespmem:s1], [sflag:$0x5], $0x80, s31, s0, $0xb8;
	[tilespmem:$0x1C600] =	vst v63  }
0xeb: {  	_ =	swait.ge [sflag:s28], $0x2000  }
0xec: {  	[sflag:s28] =	ssyncset.done $0x0  }
0xed: {  	p0 =	seq.s32 s21, $0x278;
	[sflag:s28] =	ssyncadd.s32 $0xFFFFE000  }
0xee: {  	[spmem:s3] =	stream.indirect.scatter.add.f32 [tilespmem:s29], [sflag:$0x5], $0x1, s31, s0, $0xb8;
	[tilespmem:$0x1C600] =	vst v63  }
0xef: {  	s18 =	simm.s32 @!p0 $0x0;
	_ =	swait.ge [sflag:s28], $0x40  }
0xf0: {  	s22 =	simm.s32 @!p0 $0x4000;
	s5 =	rddreg [dreg:$0xc];
	[sflag:s28] =	ssyncset.done $0x0  }
0xf1: {  	s23 =	simm.s32 @!p0 $0x5;
	[sflag:s28] =	ssyncadd.s32 $0xFFFFFFC0;
	s5 =	sadd.s32 @!p0 s21, s5  }
0xf2: {  	[tilespmem:s22], [sflag:$0x5] =	stream.linear.gather @!p0 [hbm4b:s5+s18], $0x40, $0x38;
	[tilespmem:$0x1C600] =	vst v63  }
0xf3: {  	_ =	swait.ge @!p0 [sflag:s23], $0x40  }
0xf4: {  	s5 =	rddreg [dreg:$0xb];
	[sflag:s23] =	ssyncset.done @!p0 $0x0  }
0xf5: {  	s24 =	simm.s32 @!p0 $0x4080;
	[sflag:s23] =	ssyncadd.s32 @!p0 $0xFFFFFFC0;
	s5 =	sadd.s32 @!p0 s21, s5  }
0xf6: {  	[tilespmem:s24], [sflag:$0x5] =	stream.linear.gather @!p0 [hbm4b:s5+s18], $0x40, $0x38;
	[tilespmem:$0x1C600] =	vst v63  }
0xf7: {  	_ =	swait.ge @!p0 [sflag:s23], $0x40  }
0xf8: {  	[sflag:s23] =	ssyncset.done @!p0 $0x0  }
0xf9: {  	s24 =	simm.s32 @!p0 $0x40;
	s5 =	rddreg [dreg:$0xa];
	[sflag:s23] =	ssyncadd.s32 @!p0 $0xFFFFFFC0  }
0xfa: {  	[tilespmem:s18], [sflag:$0x1] =	stream.indirect.gather @!p0 [hbm4b:s11+s24], $0x80, s22, s24, $0xb8;
	[tilespmem:$0x1C600] =	vst v63  }
0xfb: {  	s5 =	sadd.s32 @!p0 s21, s5;
	s21 =	simm.s32 @!p0 $0x4100  }
0xfc: {  	[tilespmem:s21], [sflag:$0x5] =	stream.linear.gather @!p0 [hbm4b:s5+s18], $0x40, $0x38;
	[tilespmem:$0x1C600] =	vst v63  }
0xfd: {  	_ =	swait.ge @!p0 [sflag:s23], $0x40  }
0xfe: {  	[sflag:s23] =	ssyncset.done @!p0 $0x0  }
0xff: {  	s5 =	simm.s32 @!p0 $0x2000;
	[sflag:s23] =	ssyncadd.s32 @!p0 $0xFFFFFFC0  }
0x100: {  	[tilespmem:s5], [sflag:$0x2] =	stream.indirect.gather @!p0 [hbm4b:s15+s24], $0x80, s21, s24, $0xb8;
	[tilespmem:$0x1C600] =	vst v63  }
0x101: {  	_ =	swait.ge [sflag:s14], $0x2000  }
0x102: {  	[sflag:s14] =	ssyncset.done $0x0  }
0x103: {  	[sflag:s14] =	ssyncadd.s32 $0xFFFFE000  }
0x104: {  	_ =	swait.ge [sflag:s16], $0x2000  }
0x105: {  	[sflag:s16] =	ssyncset.done $0x0  }
0x106: {  	[sflag:s16] =	ssyncadd.s32 $0xFFFFE000  }
0x107: {  	[spmem:s2] =	stream.indirect.scatter.add.f32 [tilespmem:s8], [sflag:$0x5], $0x80, s6, s0, $0xb8;
	[tilespmem:$0x1C600] =	vst v63  }
0x108: {  	_ =	swait.ge [sflag:s28], $0x2000  }
0x109: {  	[sflag:s28] =	ssyncset.done $0x0  }
0x10a: {  	[sflag:s28] =	ssyncadd.s32 $0xFFFFE000  }
0x10b: {  	[spmem:s2] =	stream.indirect.scatter.add.f32 [tilespmem:s10], [sflag:$0x5], $0x80, s6, s0, $0xb8;
	[tilespmem:$0x1C600] =	vst v63  }
0x10c: {  	_ =	swait.ge [sflag:s28], $0x2000  }
0x10d: {  	[sflag:s28] =	ssyncset.done $0x0  }
0x10e: {  	[sflag:s28] =	ssyncadd.s32 $0xFFFFE000  }
0x10f: {  	[spmem:s3] =	stream.indirect.scatter.add.f32 [tilespmem:s29], [sflag:$0x5], $0x1, s6, s0, $0xb8;
	[tilespmem:$0x1C600] =	vst v63  }
0x110: {  	_ =	swait.ge [sflag:s28], $0x40  }
0x111: {  	[sflag:s28] =	ssyncset.done $0x0  }
0x112: {  	[sflag:s28] =	ssyncadd.s32 $0xFFFFFFC0  }
0x113: {  	[bflag:$0x0] =	sbarrier.arrive $0xFFFF  }
0x114: {  	s25 =	rddreg [dreg:$0xd]  }
0x115: {  	[hbm:s25], [sflag:s19] =	dma.local [spmem:s20], $0x800  }
0x116: {  	_ =	swait.ge [sflag:s28], $0x800  }
0x117: {  	[sflag:s28] =	ssyncset.done $0x0;
	s26 =	rddreg [dreg:$0xe]  }
0x118: {  	s30 =	rddreg [dreg:$0x1b];
	[sflag:s28] =	ssyncadd.s32 $0xFFFFF800  }
0x119: {  	[hbm:s26], [sflag:s19] =	dma.local [spmem:s30], $0x800  }
0x11a: {  	_ =	swait.ge [sflag:s28], $0x800  }
0x11b: {  	[sflag:s28] =	ssyncset.done $0x0;
	s18 =	rddreg [dreg:$0xf]  }
0x11c: {  	s20 =	rddreg [dreg:$0x1c];
	[sflag:s28] =	ssyncadd.s32 $0xFFFFF800  }
0x11d: {  	[hbm:s18], [sflag:s19] =	dma.local [spmem:s20], $0x800  }
0x11e: {  	_ =	swait.ge [sflag:s28], $0x800  }
0x11f: {  	[sflag:s28] =	ssyncset.done $0x0;
	s21 =	rddreg [dreg:$0x10]  }
0x120: {  	s22 =	rddreg [dreg:$0x1d];
	[sflag:s28] =	ssyncadd.s32 $0xFFFFF800  }
0x121: {  	[hbm:s21], [sflag:s19] =	dma.local [spmem:s22], $0x800  }
0x122: {  	_ =	swait.ge [sflag:s28], $0x800  }
0x123: {  	[sflag:s28] =	ssyncset.done $0x0;
	s23 =	rddreg [dreg:$0x11]  }
0x124: {  	s24 =	rddreg [dreg:$0x1e];
	[sflag:s28] =	ssyncadd.s32 $0xFFFFF800  }
0x125: {  	[hbm:s23], [sflag:s19] =	dma.local [spmem:s24], $0x800  }
0x126: {  	_ =	swait.ge [sflag:s28], $0x800  }
0x127: {  	[sflag:s28] =	ssyncset.done $0x0;
	s25 =	rddreg [dreg:$0x19]  }
0x128: {  	s26 =	rddreg [dreg:$0x1f];
	[sflag:s28] =	ssyncadd.s32 $0xFFFFF800  }
0x129: {  	[hbm:s25], [sflag:s19] =	dma.local [spmem:s26], $0x50  }
0x12a: {  	_ =	swait.ge [sflag:s28], $0x50  }
0x12b: {  	s17 =	sadd.s32 $0x1, s17;
	s30 =	rddreg [dreg:$0x1a]  }
0x12c: {  	p0 =	sne.s32 s17, s30  }
.Ltmp1:
0x12d: {  	_ = 	snop;
	(pc) =	sbr.rel @p0 .LBB2_1-.Ltmp1, $3  }
0x12e: {  	_ =	sdelay $0x1  }
0x12f: {  	[sflag:s28] =	ssyncset.done $0x0  }
0x130: {  	[sflag:s28] =	ssyncadd.s32 $0xFFFFFFB0  }
0x131: {  	_ =	sfence.sel $0x180000  }
0x132: {  	[bflag:$0x0] =	sbarrier.arrive $0xFFFF  }
0x133: {  	_ =	strace $0x90000047  }
0x134: {  	s0 =	stileid.u32;
	[bflag:$0x2] =	sbarrier.arrive $0xFFFF  }
0x135: {  	p0 =	sne.s32 s0, $0x0;
	s0 =	rddreg [dreg:$0x4]  }
0x136: {  	s0 =	sadd.s32 @!p0 $0x100000, s0  }
0x137: {  	[sflag:s0] =	ssyncadd.tile.s32 @!p0 $0x1;
	_ =	shalt  }
.Lfunc_end2:
_tile_overlayer_lowered:
.L_overlay_start_2:
0x138: {  	(tag) =	ssettag $0x2  }
0x139: {  	s0 =	rddreg [dreg:$0x0];
	s2 =	stileid.u32  }
0x13a: {  	s1 =	rddreg [dreg:$0x1];
	p0 =	sne.s32 s2, $0x0  }
0x13b: {  	s3 =	rddreg [dreg:$0x2];
	[bflag:$0x3] =	sbarrier.arrive $0xFFFF;
	s2 =	simm.s32 @!p0 $0x1C05  }
0x13c: {  	[timem:s3], [sflag:s2] =	dma.local @!p0 [hbm:s0], s1  }
0x13d: {  	s0 =	simm.s32 @!p0 $0x5  }
0x13e: {  	_ =	swait.ge @!p0 [sflag:s0], s1  }
0x13f: {  	s1 =	ssub.s32 @!p0 $0x0, s1;
	[sflag:s0] =	ssyncset.done @!p0 $0x0  }
0x140: {  	[sflag:s0] =	ssyncadd.s32 @!p0 s1  }
0x141: {  	[bflag:$0x3] =	sbarrier.arrive $0xFFFF  }
0x142: {  	_ =	shalt  }

// kernel: kernel.15.cloned.1.call-start
scs
__scs_entry_jumppad:
0x0: {  	(pc) =	sbr.rel $0x88, $3  }
0x1: {  	(tag) =	ssettag $0x0;
	lr =	simm.s32 $0x1  }
0x2: {  	[smem:$0x3F89] =	sst lr;
	_ =	strace $0xD0000000  }
0x3: {  	_ = 	snop  }
0x4: {  	_ = 	snop  }
0x5: {  	_ = 	snop  }
0x6: {  	_ = 	snop  }
0x7: {  	_ = 	snop  }
__scs_overlays_trampoline_lowered:
0x8: {  	[smem:$0x3F98] =	sst s0  }
0x9: {  	[smem:$0x3F99] =	sst s1  }
0xa: {  	[smem:$0x3F9A] =	sst s2  }
0xb: {  	[smem:$0x3F9B] =	sst s3  }
0xc: {  	[smem:$0x3F9C] =	sst s4  }
0xd: {  	[smem:$0x3F9D] =	sst s5  }
0xe: {  	[smem:$0x3F9E] =	sst s6  }
0xf: {  	[smem:$0x3F9F] =	sst s7  }
0x10: {  	[smem:$0x3FA0] =	sst s8  }
0x11: {  	[smem:$0x3FA1] =	sst s9;
	s0 =	simm.s32 @!p0 $0x0  }
0x12: {  	s1 =	sld [smem:$0x3F87];
	s0 =	simm.s32 @p0 $0x1  }
0x13: {  	[smem:$0x3FA2] =	sst s0;
	s0 =	simm.s32 @!p1 $0x0  }
0x14: {  	s2 =	sld [smem:$0x3F86];
	s0 =	simm.s32 @p1 $0x1  }
0x15: {  	[smem:$0x3FA3] =	sst s0;
	s0 =	simm.s32 @!p2 $0x0  }
0x16: {  	s3 =	sld [smem:$0x3FDB];
	s0 =	simm.s32 @p2 $0x1  }
0x17: {  	s4 =	simm.s32 $0x1BF5;
	[smem:$0x3FA5] =	sst s0  }
0x18: {  	s0 =	sld [smem:$0x3F88];
	_ =	swait.ge [sflag:s4], $0x0  }
0x19: {  	s7 =	sld [smem:$0x3F89]  }
0x1a: {  	s8 =	sadd.s32 $0xFFFFE003, lr  }
0x1b: {  	s9 =	sadd.s32 $0xFFFFFEF7, lr;
	s5 =	simm.s32 $0xFFFFFFFF;
	p2 =	slt.u32 s8, $0xFFFFF086  }
0x1c: {  	p1 =	slt.u32 s9, $0xF7A;
	s5 =	simm.s32 @!p2 $0x0  }
0x1d: {  	s5 =	simm.s32 @p1 $0x1;
	p0 =	seq.s32 s7, s2  }
0x1e: {  	s7 =	smul.u32 @!p0 $0xF7A, s2;
	p2 =	seq.s32 @!p0 s5, $0x0  }
0x1f: {  	s9 =	smul.u32 $0xF7A, s1;
	s8 =	simm.s32 @!p0 $0x1BF5;
	p2 =	por !p2, p0  }
0x20: {  	[sflag:s8] =	ssyncset.s32 @!p0 $0xFFFFF086;
	s6 =	sadd.s32 @!p0 s3, s7;
	s7 =	simm.s32 @!p0 $0x108  }
0x21: {  	s3 =	sadd.s32 s3, s9;
	s6 =	sadd.s32 @!p0 $0x88, s6;
	s7 =	simm.s32 @p2 $0x1082  }
0x22: {  	[simem:s7], [sflag:s8] =	dma.local @!p0 [hbm:s6], $0xF7A  }
0x23: {  	s9 =	sor.u32 $0xD0000000, s2;
	s6 =	simm.s32 $0x108;
	_ =	swait.ge @!p0 [sflag:s8], $0x0  }
0x24: {  	s3 =	sadd.s32 $0x88, s3;
	s6 =	simm.s32 @!p1 $0x1082;
	[sflag:s4] =	ssyncset.s32 $0xFFFFF086  }
0x25: {  	[simem:s6], [sflag:s4] =	dma.local [hbm:s3], $0xF7A  }
0x26: {  	[smem:$0x3F89] =	sst s1;
	(tag) =	ssettag s2;
	_ =	strace s9  }
0x27: {  	s1 =	sld [smem:$0x3F99]  }
0x28: {  	s2 =	sld [smem:$0x3F9A]  }
0x29: {  	s4 =	sld [smem:$0x3F9C]  }
0x2a: {  	p0 =	seq.s32 s5, $0x0;
	s5 =	sld [smem:$0x3F9D]  }
0x2b: {  	s6 =	sld [smem:$0x3F9E]  }
0x2c: {  	s7 =	sld [smem:$0x3F9F]  }
0x2d: {  	s3 =	simm.s32 $0x108;
	s8 =	sld [smem:$0x3FA0]  }
0x2e: {  	s3 =	simm.s32 @!p0 $0x1082;
	s9 =	sld [smem:$0x3FA1]  }
0x2f: {  	lr =	sadd.s32 s0, s3;
	s0 =	sld [smem:$0x3F98]  }
0x30: {  	s3 =	sld [smem:$0x3F9B]  }
0x31: {  	[smem:$0x3FA4] =	sst s10  }
0x32: {  	s10 =	sld [smem:$0x3FA2];
	_ =	sdelay $0x3  }
0x33: {  	p0 =	seq.s32 s10, $0x1;
	s10 =	sld [smem:$0x3FA4];
	_ =	sdelay $0x3  }
0x34: {  	[smem:$0x3FA4] =	sst s10  }
0x35: {  	s10 =	sld [smem:$0x3FA3];
	_ =	sdelay $0x3  }
0x36: {  	p1 =	seq.s32 s10, $0x1;
	s10 =	sld [smem:$0x3FA4];
	_ =	sdelay $0x3  }
0x37: {  	[smem:$0x3FA4] =	sst s10  }
0x38: {  	s10 =	sld [smem:$0x3FA5]  }
0x39: {  	_ = 	snop;
	(pc) =	sbr.ind lr, $3  }
0x3a: {  	_ = 	snop  }
0x3b: {  	_ = 	snop  }
0x3c: {  	p2 =	seq.s32 s10, $0x1;
	s10 =	sld [smem:$0x3FA4]  }
0x3d: {  	_ =	shalt  }
0x3e: {  	_ =	shalt  }
0x3f: {  	_ =	shalt  }
0x40: {  	_ =	shalt  }
0x41: {  	_ =	shalt  }
0x42: {  	_ =	shalt  }
0x43: {  	_ =	shalt  }
0x44: {  	_ =	shalt  }
0x45: {  	_ =	shalt  }
0x46: {  	_ =	shalt  }
0x47: {  	_ =	shalt  }
0x48: {  	_ =	shalt  }
0x49: {  	_ =	shalt  }
0x4a: {  	_ =	shalt  }
0x4b: {  	_ =	shalt  }
0x4c: {  	_ =	shalt  }
0x4d: {  	_ =	shalt  }
0x4e: {  	_ =	shalt  }
0x4f: {  	_ =	shalt  }
0x50: {  	_ =	shalt  }
0x51: {  	_ =	shalt  }
0x52: {  	_ =	shalt  }
0x53: {  	_ =	shalt  }
0x54: {  	_ =	shalt  }
0x55: {  	_ =	shalt  }
0x56: {  	_ =	shalt  }
0x57: {  	_ =	shalt  }
0x58: {  	_ =	shalt  }
0x59: {  	_ =	shalt  }
0x5a: {  	_ =	shalt  }
0x5b: {  	_ =	shalt  }
0x5c: {  	_ =	shalt  }
0x5d: {  	_ =	shalt  }
0x5e: {  	_ =	shalt  }
0x5f: {  	_ =	shalt  }
0x60: {  	_ =	shalt  }
0x61: {  	_ =	shalt  }
0x62: {  	_ =	shalt  }
0x63: {  	_ =	shalt  }
0x64: {  	_ =	shalt  }
0x65: {  	_ =	shalt  }
0x66: {  	_ =	shalt  }
0x67: {  	_ =	shalt  }
0x68: {  	_ =	shalt  }
0x69: {  	_ =	shalt  }
0x6a: {  	_ =	shalt  }
0x6b: {  	_ =	shalt  }
0x6c: {  	_ =	shalt  }
0x6d: {  	_ =	shalt  }
0x6e: {  	_ =	shalt  }
0x6f: {  	_ =	shalt  }
0x70: {  	_ =	shalt  }
0x71: {  	_ =	shalt  }
0x72: {  	_ =	shalt  }
0x73: {  	_ =	shalt  }
0x74: {  	_ =	shalt  }
0x75: {  	_ =	shalt  }
0x76: {  	_ =	shalt  }
0x77: {  	_ =	shalt  }
0x78: {  	_ =	shalt  }
0x79: {  	_ =	shalt  }
0x7a: {  	_ =	shalt  }
0x7b: {  	_ =	shalt  }
0x7c: {  	_ =	shalt  }
0x7d: {  	_ =	shalt  }
0x7e: {  	_ =	shalt  }
0x7f: {  	_ =	shalt  }
0x80: {  	_ =	shalt  }
0x81: {  	_ =	shalt  }
0x82: {  	_ =	shalt  }
0x83: {  	_ =	shalt  }
0x84: {  	_ =	shalt  }
0x85: {  	_ =	shalt  }
0x86: {  	_ =	shalt  }
0x87: {  	_ =	shalt  }
.Lfunc_end0:
.L_simem_size_0:
called_computation.1_lowered:
.L_overlay_start_0:
0x88: {  	s2 =	sld [smem:$0x3FD9]  }
0x89: {  	s3 =	sld [smem:$0x3FFE];
	_ =	sdelay $0x1  }
0x8a: {  	s1 =	srdreg.scid  }
0x8b: {  	s0 =	sand.u32 $0x1, s1  }
0x8c: {  	s16 =	sshll.u32 s0, $0xA;
	s2 =	sadd.s32 s3, s2  }
0x8d: {  	s2 =	sadd.s32 s2, s16  }
0x8e: {  	[smem:$0x3FB0] =	sst s2  }
0x8f: {  	_ = 	snop  }
0x90: {  	(tm) =	ssettm $0x1  }
0x91: {  	s17 =	sld [smem:$0x3FFB];
	_ =	sdelay $0x3  }
0x92: {  	_ =	strace s17  }
0x93: {  	s2 =	sld [smem:$0x3FFC];
	_ =	sdelay $0x3  }
0x94: {  	_ =	strace s2  }
0x95: {  	s2 =	sld [smem:$0x3FFD];
	_ =	sdelay $0x3  }
0x96: {  	_ =	strace s2  }
0x97: {  	_ =	strace $0x8FFFFFFF  }
0x98: {  	s18 =	sld [smem:$0x3FDB];
	_ =	sdelay $0x1  }
0x99: {  	s19 =	simm.s32 $_scs_section_size  }
0x9a: {  	s4 =	simm.s32 $_size__tile_overlayer_lowered;
	s5 =	simm.s32 $_tile_overlayer_lowered  }
0x9b: {  	s22 =	simm.s32 $0x1BFF;
	s21 =	sshll.u32 s5, $0x1;
	s2 =	sadd.s32 s19, s18  }
0x9c: {  	s6 =	simm.s32 $0x0;
	s20 =	sshll.u32 s4, $0x1;
	s4 =	sadd.s32 s21, s2  }
0x9d: {  	[timem:s6], [sflag:s22] =	dma.local [hbm:s4], s20  }
0x9e: {  	_ =	swait.ge [sflag:s22], s20  }
0x9f: {  	s3 =	ssub.s32 $0x0, s20;
	[sflag:s22] =	ssyncset.done $0x0  }
0xa0: {  	[sflag:s22] =	ssyncadd.s32 s3;
	_ =	sdelay $0x1  }
0xa1: {  	s23 =	simm.s32 $0x1B8B  }
0xa2: {  	_ =	swait.ge [sflag:s23], $0x1  }
0xa3: {  	[sflag:s23] =	ssyncset.done $0x0  }
0xa4: {  	s25 =	simm.s32 $0x1B8E;
	s24 =	sld [smem:$0x3FFE];
	[sflag:s23] =	ssyncadd.s32 $0xFFFFFFFF  }
0xa5: {  	s26 =	simm.s32 $execute0_lowered;
	[smem:$0x3FD2] =	sst s25  }
0xa6: {  	s4 =	sshll.u32 s26, $0x1;
	_ =	strace $0x80000049;
	[dreg:$0x1] =	wrdreg $0xFFFFFFFF  }
0xa7: {  	s28 =	simm.s32 $_size_execute0_lowered;
	s2 =	sadd.s32 s2, s4;
	[dreg:$0x0] =	wrdreg $0x0  }
0xa8: {  	s4 =	sshll.u32 s28, $0x1;
	[dreg:$0x2] =	wrdreg s2  }
0xa9: {  	[dreg:$0x3] =	wrdreg s4  }
0xaa: {  	[dreg:$0x4] =	wrdreg $0xC0  }
0xab: {  	_ =	task [dreg:s6], $0x5FFFF  }
0xac: {  	[dreg:$0x1] =	wrdreg $0xFFFFFFFF  }
0xad: {  	[dreg:$0x0] =	wrdreg $0x60  }
0xae: {  	[dreg:$0x2] =	wrdreg s24  }
0xaf: {  	[dreg:$0x3] =	wrdreg $0x9  }
0xb0: {  	_ =	task.clear_ibuf [dreg:s6], $0x4FFFF;
	_ =	strace $0x90000049  }
0xb1: {  	s29 =	simm.s32 $0x9;
	_ =	strace $0x8000004B  }
0xb2: {  	_ =	swait.ge [sflag:s29], $0x1  }
0xb3: {  	[sflag:s29] =	ssyncadd.s32 $0xFFFFFFFF  }
0xb4: {  	_ =	strace $0x9000004B  }
0xb5: {  	_ =	sfence  }
0xb6: {  	s30 =	sld [smem:$0x0];
	_ =	sdelay $0x2  }
0xb7: {  	s31 =	sshll.u32 s1, $0xD;
	s1 =	sshrl.u32 s1, $0x2  }
0xb8: {  	s3 =	sand.u32 $0x4000, s31;
	s1 =	sadd.s32 s1, s30  }
0xb9: {  	s0 =	sor.u32 s3, s0;
	s1 =	sshll.u32 s1, $0x11  }
0xba: {  	s0 =	sor.u32 s1, s0  }
0xbb: {  	s0 =	sadd.s32 $0x8F2B, s0  }
0xbc: {  	[sflag:s0] =	ssyncadd.remote.s32 $0x1  }
0xbd: {  	_ =	sfence.sel $0xFFFF  }
0xbe: {  	[dreg:$0x0] =	wrdreg $0xFFFFFFFF;
	(pc) =	sbr.abs _section_cstart, $3  }
0xbf: {  	[dreg:$0x1] =	wrdreg $0xFFFFFFFF  }
0xc0: {  	_ =	task.clear_ibuf [dreg:s6], $0x2FFFF;
	_ =	strace $0x9FFFFFFF  }
0xc1: {  	(tm) =	ssettm $0x7FFFFFFF  }
tec
execute0_lowered:
.L_overlay_start_1:
0x0: {  	(tag) =	ssettag $0x1  }
0x1: {  	s0 =	rddreg [dreg:$0x0];
	s1 =	simm.s32 $0x0  }
0x2: {  	s2 =	srdreg.scid;
	s5 =	stileid.u32;
	s19 =	simm.s32 $0x9  }
0x3: {  	s28 =	simm.s32 $0x14200;
	s29 =	simm.s32 $0x14280;
	s30 =	simm.s32 $0xA180  }
0x4: {  	s18 =	simm.s32 $0x4;
	s20 =	simm.s32 $0x5;
	s13 =	simm.s32 $0x7  }
0x5: {  	[smem:$0x7FF] =	sst s1;
	s3 =	sadd.s32 $0x3F600, s0;
	s4 =	sadd.s32 $0x67600, s0  }
0x6: {  	s2 =	sand.u32 $0x1, s2;
	s7 =	sshll.u32 s5, $0x1;
	s5 =	sadd.s32 $0x93600, s0  }
0x7: {  	s6 =	sadd.s32 $0x6600, s0;
	s9 =	sadd.s32 $0xD600, s0;
	s8 =	sor.u32 s2, s7  }
0x8: {  	s10 =	sadd.s32 $0x12600, s0;
	s11 =	sadd.s32 $0xE6000, s0;
	s12 =	smul.u32 $0x1400, s8  }
0x9: {  	_ =	strace $0x8000004A;
	s7 =	sadd.s32 $0x8600, s0;
	s2 =	ssub.s32 $0x2, s2  }
0xa: {  	s21 =	sshrl.u32 s2, $0x1;
	s26 =	sor.u32 $0x50, s12;
	[dreg:$0x2] =	wrdreg s12  }
0xb: {  	s22 =	ssub.s32 s2, s21;
	s31 =	sor.u32 $0xA0, s12;
	[dreg:$0x6] =	wrdreg s26  }
0xc: {  	s23 =	sshrl.u32 s12, $0x3;
	s0 =	smax.u32 s22, $0x1;
	[dreg:$0x7] =	wrdreg s31  }
0xd: {  	s14 =	simm.s32 $0x8;
	s24 =	sadd.s32 s7, s23;
	[dreg:$0x8] =	wrdreg s0  }
0xe: {  	s22 =	simm.s32 $0x50;
	s25 =	sadd.s32 s9, s23;
	[dreg:$0x3] =	wrdreg s24  }
0xf: {  	s12 =	simm.s32 $0x6;
	s2 =	sadd.s32 s10, s23;
	[dreg:$0x4] =	wrdreg s25  }
0x10: {  	s26 =	simm.s32 $0x14180;
	s23 =	simm.s32 $0x1;
	[dreg:$0x5] =	wrdreg s2  }
0x11: {  	s24 =	simm.s32 $0x2;
	s25 =	simm.s32 $0x3;
	s2 =	simm.s32 $0x0  }
.LBB2_1:
0x12: {  	[dreg:$0x9] =	wrdreg s2  }
0x13: {  	s0 =	rddreg [dreg:$0x3];
	s31 =	simm.s32 $0xA000  }
0x14: {  	[tilespmem:s31], [sflag:$0x9] =	stream.linear.gather [hbm4b:s0+s1], $0x50, $0x38;
	[tilespmem:$0x14300] =	vst v63  }
0x15: {  	_ =	swait.ge [sflag:s19], $0x50  }
0x16: {  	[sflag:s19] =	ssyncset.done $0x0  }
0x17: {  	s8 =	simm.s32 $0xA080;
	s15 =	rddreg [dreg:$0x4];
	[sflag:s19] =	ssyncadd.s32 $0xFFFFFFB0  }
0x18: {  	[tilespmem:s8], [sflag:$0x9] =	stream.linear.gather [hbm4b:s15+s1], $0x50, $0x38;
	[tilespmem:$0x14300] =	vst v63  }
0x19: {  	_ =	swait.ge [sflag:s19], $0x50  }
0x1a: {  	[sflag:s19] =	ssyncset.done $0x0  }
0x1b: {  	s15 =	simm.s32 $0xA100;
	s16 =	rddreg [dreg:$0x5];
	[sflag:s19] =	ssyncadd.s32 $0xFFFFFFB0  }
0x1c: {  	[tilespmem:s15], [sflag:$0x9] =	stream.linear.gather [hbm4b:s16+s1], $0x50, $0x38;
	[tilespmem:$0x14300] =	vst v63  }
0x1d: {  	_ =	swait.ge [sflag:s19], $0x50  }
0x1e: {  	[sflag:s19] =	ssyncset.done $0x0  }
0x1f: {  	[sflag:s19] =	ssyncadd.s32 $0xFFFFFFB0  }
0x20: {  	[tilespmem:s1], [sflag:$0x1] =	stream.indirect.gather [hbm4b:s3+s22], $0x80, s31, s22, $0xb8;
	[tilespmem:$0x14300] =	vst v63  }
0x21: {  	s17 =	simm.s32 $0x2800  }
0x22: {  	[tilespmem:s17], [sflag:$0x2] =	stream.indirect.gather [hbm4b:s4+s22], $0x80, s8, s22, $0xb8;
	[tilespmem:$0x14300] =	vst v63  }
0x23: {  	s21 =	simm.s32 $0x5000  }
0x24: {  	[tilespmem:s21], [sflag:$0x3] =	stream.indirect.gather [hbm4b:s5+s22], $0x80, s15, s22, $0xb8;
	[tilespmem:$0x14300] =	vst v63  }
0x25: {  	s31 =	simm.s32 $0x7800;
	s21 =	simm.s32 $0x0  }
0x26: {  	[tilespmem:s31], [sflag:$0x4] =	stream.indirect.gather [hbm4b:s6+s22], $0x80, s15, s22, $0xb8;
	[tilespmem:$0x14300] =	vst v63  }
.LBB2_2:
0x27: {  	s31 =	smul.u32 $0xA0, s21  }
0x28: {  	s0 =	rddreg [dreg:$0x6]  }
0x29: {  	s17 =	sadd.s32 s31, s0  }
0x2a: {  	s0 =	sshrl.u32 s17, $0x3  }
0x2b: {  	s8 =	simm.s32 $0x0;
	s2 =	sadd.s32 s7, s0  }
0x2c: {  	[tilespmem:s26], [sflag:$0x9] =	stream.linear.gather [hbm4b:s2+s8], $0x50, $0x38;
	[tilespmem:$0x14300] =	vst v63  }
0x2d: {  	_ =	swait.ge [sflag:s19], $0x50  }
0x2e: {  	[sflag:s19] =	ssyncset.done $0x0  }
0x2f: {  	s16 =	sadd.s32 s9, s0;
	[sflag:s19] =	ssyncadd.s32 $0xFFFFFFB0  }
0x30: {  	[tilespmem:s28], [sflag:$0x9] =	stream.linear.gather [hbm4b:s16+s8], $0x50, $0x38;
	[tilespmem:$0x14300] =	vst v63  }
0x31: {  	_ =	swait.ge [sflag:s19], $0x50  }
0x32: {  	[sflag:s19] =	ssyncset.done $0x0  }
0x33: {  	s0 =	sadd.s32 s10, s0;
	[sflag:s19] =	ssyncadd.s32 $0xFFFFFFB0  }
0x34: {  	[tilespmem:s29], [sflag:$0x9] =	stream.linear.gather [hbm4b:s0+s8], $0x50, $0x38;
	[tilespmem:$0x14300] =	vst v63  }
0x35: {  	_ =	swait.ge [sflag:s19], $0x50  }
0x36: {  	[sflag:s19] =	ssyncset.done $0x0  }
0x37: {  	[sflag:s19] =	ssyncadd.s32 $0xFFFFFFB0  }
0x38: {  	[tilespmem:s30], [sflag:$0x5] =	stream.indirect.gather [hbm4b:s3+s22], $0x80, s26, s22, $0xb8;
	[tilespmem:$0x14300] =	vst v63  }
0x39: {  	s8 =	simm.s32 $0xC980  }
0x3a: {  	[tilespmem:s8], [sflag:$0x6] =	stream.indirect.gather [hbm4b:s4+s22], $0x80, s28, s22, $0xb8;
	[tilespmem:$0x14300] =	vst v63  }
0x3b: {  	s15 =	simm.s32 $0xF180  }
0x3c: {  	[tilespmem:s15], [sflag:$0x7] =	stream.indirect.gather [hbm4b:s5+s22], $0x80, s29, s22, $0xb8;
	[tilespmem:$0x14300] =	vst v63  }
0x3d: {  	s16 =	simm.s32 $0x11980  }
0x3e: {  	[tilespmem:s16], [sflag:$0x8] =	stream.indirect.gather [hbm4b:s6+s22], $0x80, s29, s22, $0xb8;
	[tilespmem:$0x14300] =	vst v63  }
0x3f: {  	_ =	swait.ge [sflag:s23], $0x2800  }
0x40: {  	[sflag:s23] =	ssyncset.done $0x0  }
0x41: {  	[sflag:s23] =	ssyncadd.s32 $0xFFFFD800  }
0x42: {  	_ =	swait.ge [sflag:s24], $0x2800  }
0x43: {  	[sflag:s24] =	ssyncset.done $0x0  }
0x44: {  	[sflag:s24] =	ssyncadd.s32 $0xFFFFD800  }
0x45: {  	_ =	swait.ge [sflag:s25], $0x2800  }
0x46: {  	[sflag:s25] =	ssyncset.done $0x0  }
0x47: {  	[sflag:s25] =	ssyncadd.s32 $0xFFFFD800  }
0x48: {  	_ =	swait.ge [sflag:s18], $0x2800  }
0x49: {  	[sflag:s18] =	ssyncset.done $0x0  }
0x4a: {  	s0 =	simm.s32 $0x0;
	[sflag:s18] =	ssyncadd.s32 $0xFFFFD800  }
0x4b: {  	v3 =	vld [tilespmem:s0+$0x7800]  }
0x4c: {  	v0 =	vld [tilespmem:s0+$0x7810]  }
0x4d: {  	v2 =	vld [tilespmem:s0+$0x7820]  }
0x4e: {  	v1 =	vld [tilespmem:s0+$0x7830]  }
0x4f: {  	v6 =	vld [tilespmem:s0+$0x5000]  }
0x50: {  	v7 =	vld [tilespmem:s0+$0x5010]  }
0x51: {  	v8 =	vld [tilespmem:s0+$0x5020]  }
0x52: {  	v12 =	vld [tilespmem:s0+$0x5030]  }
0x53: {  	v4 =	vld [tilespmem:s0+$0x2800]  }
0x54: {  	v9 =	vld [tilespmem:s0+$0x2810]  }
0x55: {  	v10 =	vld [tilespmem:s0+$0x0]  }
0x56: {  	v11 =	vld [tilespmem:s0+$0x2820]  }
0x57: {  	v13 =	vld [tilespmem:s0+$0x10]  }
0x58: {  	v14 =	vld [tilespmem:s0+$0x20]  }
0x59: {  	v5 =	vld [tilespmem:s0+$0x5040]  }
0x5a: {  	v15 =	vld [tilespmem:s0+$0x2830]  }
0x5b: {  	v16 =	vld [tilespmem:s0+$0x30];
	v10 =	vadd.f32 v4, v10  }
0x5c: {  	v4 =	vld [tilespmem:s0+$0x5050];
	v13 =	vadd.f32 v9, v13  }
0x5d: {  	v11 =	vadd.f32 v11, v14;
	v9 =	vld [tilespmem:s0+$0x2840];
	v10 =	vadd.f32 v6, v10  }
0x5e: {  	v6 =	vld [tilespmem:s0+$0x2850]  }
0x5f: {  	v13 =	vadd.f32 v7, v13;
	v18 =	vadd.f32 v8, v11;
	v7 =	vld [tilespmem:s0+$0x2860];
	v14 =	vmin.f32 v10, $0.0e+00  }
0x60: {  	v20 =	vadd.f32 v15, v16;
	v11 =	vld [tilespmem:s0+$0x40];
	v14 =	vmul.f32 $9.999999770e-03, v14  }
0x61: {  	v8 =	vld [tilespmem:s0+$0x2870];
	v10 =	vmax.f32 v10, $0.0e+00;
	v17 =	vmin.f32 v13, $0.0e+00;
	v19 =	vmin.f32 v18, $0.0e+00  }
0x62: {  	v15 =	vmul.f32 $9.999999770e-03, v17;
	v16 =	vmul.f32 $9.999999770e-03, v19;
	v14 =	vadd.f32 v14, v10;
	v10 =	vld [tilespmem:s0+$0x50]  }
0x63: {  	s2 =	simm.s32 $0x200;
	v18 =	vmax.f32 v18, $0.0e+00;
	v17 =	vmax.f32 v13, $0.0e+00;
	v13 =	vadd.f32 v12, v20;
	v12 =	vld [tilespmem:s0+$0x60]  }
.LBB2_3:
0x64: {  	p0 =	sne.s32 s2, $0x9E00;
	v15 =	vadd.f32 v15, v17;
	v16 =	vadd.f32 v16, v18;
	v17 =	vld [tilespmem:s0+$0x70]  }
0x65: {  	v14 =	vadd.f32 v14, v3;
	v3 =	vmin.f32 v13, $0.0e+00;
	v9 =	vadd.f32 v9, v11;
	v11 =	vld [tilespmem:s0+$0x5060]  }
0x66: {  	s8 =	sshra.s32 s2, $0x2;
	v15 =	vadd.f32 v15, v0;
	v16 =	vadd.f32 v16, v2;
	v2 =	vmul.f32 $9.999999770e-03, v3;
	v18 =	vld [tilespmem:s0+$0x5070]  }
0x67: {  	v13 =	vmax.f32 v13, $0.0e+00;
	v3 =	vld [tilespmem:s8+$0x7800];
	v5 =	vadd.f32 v5, v9;
	v6 =	vadd.f32 v6, v10  }
0x68: {  	v0 =	vld [tilespmem:s8+$0x7810];
	v9 =	vadd.f32 v2, v13;
	v7 =	vadd.f32 v7, v12  }
0x69: {  	v2 =	vld [tilespmem:s8+$0x7820];
	v10 =	vmin.f32 v5, $0.0e+00;
	v4 =	vadd.f32 v4, v6;
	v6 =	vadd.f32 v8, v17  }
0x6a: {  	v8 =	vadd.f32 v9, v1;
	v1 =	vmul.f32 $9.999999770e-03, v10;
	v9 =	vld [tilespmem:s0+$0x7840];
	v7 =	vadd.f32 v11, v7  }
0x6b: {  	v5 =	vmax.f32 v5, $0.0e+00;
	v10 =	vmin.f32 v4, $0.0e+00;
	v11 =	vld [tilespmem:s0+$0x7850];
	v6 =	vadd.f32 v18, v6  }
0x6c: {  	v5 =	vadd.f32 v1, v5;
	v10 =	vmul.f32 $9.999999770e-03, v10;
	v1 =	vmin.f32 v7, $0.0e+00;
	v12 =	vld [tilespmem:s0+$0x7860]  }
0x6d: {  	v4 =	vmax.f32 v4, $0.0e+00;
	[tilespmem:s0+$0x0] =	vst v14;
	v13 =	vmul.f32 $9.999999770e-03, v1;
	v14 =	vmin.f32 v6, $0.0e+00;
	v17 =	vld [tilespmem:s0+$0x7870]  }
0x6e: {  	v7 =	vmax.f32 v7, $0.0e+00;
	v1 =	vld [tilespmem:s8+$0x7830];
	[tilespmem:s0+$0x10] =	vst v15;
	v4 =	vadd.f32 v10, v4;
	v10 =	vmul.f32 $9.999999770e-03, v14  }
0x6f: {  	v6 =	vmax.f32 v6, $0.0e+00;
	v14 =	vld [tilespmem:s8+$0x5000];
	[tilespmem:s0+$0x20] =	vst v16;
	v5 =	vadd.f32 v5, v9;
	v7 =	vadd.f32 v13, v7  }
0x70: {  	v13 =	vld [tilespmem:s8+$0x5010];
	[tilespmem:s0+$0x30] =	vst v8;
	v4 =	vadd.f32 v4, v11;
	v6 =	vadd.f32 v10, v6  }
0x71: {  	v8 =	vld [tilespmem:s8+$0x5020];
	[tilespmem:s0+$0x40] =	vst v5;
	v5 =	vadd.f32 v7, v12  }
0x72: {  	v12 =	vld [tilespmem:s8+$0x5030];
	[tilespmem:s0+$0x50] =	vst v4;
	v4 =	vadd.f32 v6, v17  }
0x73: {  	v6 =	vld [tilespmem:s8+$0x2800];
	[tilespmem:s0+$0x60] =	vst v5  }
0x74: {  	v7 =	vld [tilespmem:s8+$0x2810];
	[tilespmem:s0+$0x70] =	vst v4;
	s0 =	smov.u32 s8  }
0x75: {  	v4 =	vld [tilespmem:s0+$0x0]  }
0x76: {  	v9 =	vld [tilespmem:s0+$0x2820]  }
0x77: {  	v10 =	vld [tilespmem:s0+$0x10]  }
0x78: {  	v11 =	vld [tilespmem:s0+$0x20]  }
0x79: {  	v5 =	vld [tilespmem:s0+$0x5040]  }
0x7a: {  	v6 =	vadd.f32 v6, v4;
	v4 =	vld [tilespmem:s0+$0x5050]  }
0x7b: {  	v15 =	vld [tilespmem:s0+$0x2830]  }
0x7c: {  	v14 =	vadd.f32 v14, v6;
	v16 =	vld [tilespmem:s0+$0x30]  }
0x7d: {  	v7 =	vadd.f32 v7, v10;
	v10 =	vadd.f32 v9, v11;
	v9 =	vld [tilespmem:s0+$0x2840]  }
0x7e: {  	v6 =	vld [tilespmem:s0+$0x2850]  }
.Ltmp0:
0x7f: {  	v11 =	vmin.f32 v14, $0.0e+00;
	v13 =	vadd.f32 v13, v7;
	v18 =	vadd.f32 v8, v10;
	v7 =	vld [tilespmem:s0+$0x2860];
	(pc) =	sbr.rel @p0 .LBB2_3-.Ltmp0, $4  }
0x80: {  	v10 =	vmax.f32 v14, $0.0e+00;
	v14 =	vmul.f32 $9.999999770e-03, v11;
	v11 =	vld [tilespmem:s0+$0x40]  }
0x81: {  	v17 =	vmin.f32 v13, $0.0e+00;
	v19 =	vmin.f32 v18, $0.0e+00;
	v20 =	vadd.f32 v15, v16;
	v8 =	vld [tilespmem:s0+$0x2870]  }
0x82: {  	v14 =	vadd.f32 v14, v10;
	v15 =	vmul.f32 $9.999999770e-03, v17;
	v16 =	vmul.f32 $9.999999770e-03, v19;
	v10 =	vld [tilespmem:s0+$0x50]  }
0x83: {  	s2 =	sadd.s32 $0x200, s2;
	v17 =	vmax.f32 v13, $0.0e+00;
	v18 =	vmax.f32 v18, $0.0e+00;
	v13 =	vadd.f32 v12, v20;
	v12 =	vld [tilespmem:s0+$0x60]  }
0x84: {  	v15 =	vadd.f32 v15, v17;
	v16 =	vadd.f32 v16, v18;
	v17 =	vld [tilespmem:s0+$0x70]  }
0x85: {  	v3 =	vadd.f32 v14, v3;
	v14 =	vmin.f32 v13, $0.0e+00;
	v9 =	vadd.f32 v9, v11;
	v11 =	vld [tilespmem:s0+$0x5060]  }
0x86: {  	v0 =	vadd.f32 v15, v0;
	v2 =	vadd.f32 v16, v2;
	v14 =	vmul.f32 $9.999999770e-03, v14;
	v15 =	vld [tilespmem:s0+$0x5070]  }
0x87: {  	v13 =	vmax.f32 v13, $0.0e+00;
	v5 =	vadd.f32 v5, v9;
	v6 =	vadd.f32 v6, v10  }
0x88: {  	v9 =	vadd.f32 v14, v13;
	v7 =	vadd.f32 v7, v12  }
0x89: {  	v10 =	vmin.f32 v5, $0.0e+00;
	v4 =	vadd.f32 v4, v6;
	v6 =	vadd.f32 v8, v17  }
0x8a: {  	v8 =	vld [tilespmem:s0+$0x7840];
	v1 =	vadd.f32 v9, v1;
	v9 =	vmul.f32 $9.999999770e-03, v10;
	v7 =	vadd.f32 v11, v7  }
0x8b: {  	v5 =	vmax.f32 v5, $0.0e+00;
	v10 =	vld [tilespmem:s0+$0x7850];
	v11 =	vmin.f32 v4, $0.0e+00;
	v6 =	vadd.f32 v15, v6  }
0x8c: {  	v12 =	vld [tilespmem:s0+$0x7860];
	v5 =	vadd.f32 v9, v5;
	v9 =	vmul.f32 $9.999999770e-03, v11;
	v11 =	vmin.f32 v7, $0.0e+00  }
0x8d: {  	[tilespmem:s0+$0x0] =	vst v3;
	v13 =	vld [tilespmem:s0+$0x7870];
	v3 =	vmax.f32 v4, $0.0e+00;
	v4 =	vmul.f32 $9.999999770e-03, v11;
	v11 =	vmin.f32 v6, $0.0e+00  }
0x8e: {  	[tilespmem:s0+$0x10] =	vst v0;
	v0 =	vadd.f32 v9, v3;
	v3 =	vmax.f32 v7, $0.0e+00;
	v7 =	vmul.f32 $9.999999770e-03, v11  }
0x8f: {  	[tilespmem:s0+$0x20] =	vst v2;
	v2 =	vadd.f32 v5, v8;
	v3 =	vadd.f32 v4, v3;
	v4 =	vmax.f32 v6, $0.0e+00  }
0x90: {  	[tilespmem:s0+$0x30] =	vst v1;
	v0 =	vadd.f32 v0, v10;
	v1 =	vadd.f32 v7, v4  }
0x91: {  	s2 =	rddreg [dreg:$0x2];
	[tilespmem:s0+$0x40] =	vst v2;
	v2 =	vadd.f32 v3, v12  }
0x92: {  	s2 =	sadd.s32 s2, s31;
	[tilespmem:s0+$0x50] =	vst v0;
	v0 =	vadd.f32 v1, v13  }
0x93: {  	s2 =	sshll.u32 s2, $0x4;
	[tilespmem:s0+$0x60] =	vst v2  }
0x94: {  	s16 =	sadd.s32 s11, s2;
	[tilespmem:s0+$0x70] =	vst v0  }
0x95: {  	[hbm4b:s16+s1] =	stream.linear.scatter [tilespmem:s1], [sflag:$0x9], $0x2800, $0x38;
	[tilespmem:$0x14300] =	vst v63  }
0x96: {  	_ =	swait.ge [sflag:s19], $0x2800  }
0x97: {  	p0 =	seq.s32 s21, $0x1F;
	s0 =	rddreg [dreg:$0x7]  }
0x98: {  	s0 =	sadd.s32 @!p0 s31, s0  }
0x99: {  	s8 =	simm.s32 @!p0 $0x0;
	[sflag:s19] =	ssyncset.done $0x0;
	s0 =	sshrl.u32 @!p0 s0, $0x3  }
0x9a: {  	[sflag:s19] =	ssyncadd.s32 $0xFFFFD800;
	s31 =	simm.s32 @!p0 $0xA000;
	s2 =	sadd.s32 @!p0 s7, s0  }
0x9b: {  	[tilespmem:s31], [sflag:$0x9] =	stream.linear.gather @!p0 [hbm4b:s2+s8], $0x50, $0x38;
	[tilespmem:$0x14300] =	vst v63  }
0x9c: {  	s2 =	simm.s32 @!p0 $0x9  }
0x9d: {  	_ =	swait.ge @!p0 [sflag:s2], $0x50  }
0x9e: {  	[sflag:s2] =	ssyncset.done @!p0 $0x0  }
0x9f: {  	s16 =	simm.s32 @!p0 $0xA080;
	s15 =	sadd.s32 @!p0 s9, s0;
	[sflag:s2] =	ssyncadd.s32 @!p0 $0xFFFFFFB0  }
0xa0: {  	[tilespmem:s16], [sflag:$0x9] =	stream.linear.gather @!p0 [hbm4b:s15+s8], $0x50, $0x38;
	[tilespmem:$0x14300] =	vst v63  }
0xa1: {  	_ =	swait.ge @!p0 [sflag:s2], $0x50  }
0xa2: {  	[sflag:s2] =	ssyncset.done @!p0 $0x0  }
0xa3: {  	s0 =	sadd.s32 @!p0 s10, s0;
	s15 =	simm.s32 @!p0 $0xA100;
	[sflag:s2] =	ssyncadd.s32 @!p0 $0xFFFFFFB0  }
0xa4: {  	[tilespmem:s15], [sflag:$0x9] =	stream.linear.gather @!p0 [hbm4b:s0+s8], $0x50, $0x38;
	[tilespmem:$0x14300] =	vst v63  }
0xa5: {  	_ =	swait.ge @!p0 [sflag:s2], $0x50  }
0xa6: {  	[sflag:s2] =	ssyncset.done @!p0 $0x0  }
0xa7: {  	s0 =	simm.s32 @!p0 $0x50;
	[sflag:s2] =	ssyncadd.s32 @!p0 $0xFFFFFFB0  }
0xa8: {  	[tilespmem:s8], [sflag:$0x1] =	stream.indirect.gather @!p0 [hbm4b:s3+s0], $0x80, s31, s0, $0xb8;
	[tilespmem:$0x14300] =	vst v63  }
0xa9: {  	s2 =	simm.s32 @!p0 $0x2800  }
0xaa: {  	[tilespmem:s2], [sflag:$0x2] =	stream.indirect.gather @!p0 [hbm4b:s4+s0], $0x80, s16, s0, $0xb8;
	[tilespmem:$0x14300] =	vst v63  }
0xab: {  	s2 =	simm.s32 @!p0 $0x5000  }
0xac: {  	[tilespmem:s2], [sflag:$0x3] =	stream.indirect.gather @!p0 [hbm4b:s5+s0], $0x80, s15, s0, $0xb8;
	[tilespmem:$0x14300] =	vst v63  }
0xad: {  	s2 =	simm.s32 @!p0 $0x7800  }
0xae: {  	[tilespmem:s2], [sflag:$0x4] =	stream.indirect.gather @!p0 [hbm4b:s6+s0], $0x80, s15, s0, $0xb8;
	[tilespmem:$0x14300] =	vst v63  }
0xaf: {  	_ =	swait.ge [sflag:s20], $0x2800  }
0xb0: {  	[sflag:s20] =	ssyncset.done $0x0  }
0xb1: {  	[sflag:s20] =	ssyncadd.s32 $0xFFFFD800  }
0xb2: {  	_ =	swait.ge [sflag:s12], $0x2800  }
0xb3: {  	[sflag:s12] =	ssyncset.done $0x0  }
0xb4: {  	[sflag:s12] =	ssyncadd.s32 $0xFFFFD800  }
0xb5: {  	_ =	swait.ge [sflag:s13], $0x2800  }
0xb6: {  	[sflag:s13] =	ssyncset.done $0x0  }
0xb7: {  	[sflag:s13] =	ssyncadd.s32 $0xFFFFD800  }
0xb8: {  	_ =	swait.ge [sflag:s14], $0x2800  }
0xb9: {  	[sflag:s14] =	ssyncset.done $0x0  }
0xba: {  	s0 =	simm.s32 $0x0;
	[sflag:s14] =	ssyncadd.s32 $0xFFFFD800  }
0xbb: {  	v3 =	vld [tilespmem:s0+$0x11980]  }
0xbc: {  	v0 =	vld [tilespmem:s0+$0x11990]  }
0xbd: {  	v2 =	vld [tilespmem:s0+$0x119A0]  }
0xbe: {  	v1 =	vld [tilespmem:s0+$0x119B0]  }
0xbf: {  	v6 =	vld [tilespmem:s0+$0xF180]  }
0xc0: {  	v7 =	vld [tilespmem:s0+$0xF190]  }
0xc1: {  	v8 =	vld [tilespmem:s0+$0xF1A0]  }
0xc2: {  	v12 =	vld [tilespmem:s0+$0xF1B0]  }
0xc3: {  	v4 =	vld [tilespmem:s0+$0xC980]  }
0xc4: {  	v9 =	vld [tilespmem:s0+$0xC990]  }
0xc5: {  	v10 =	vld [tilespmem:s0+$0xA180]  }
0xc6: {  	v11 =	vld [tilespmem:s0+$0xC9A0]  }
0xc7: {  	v13 =	vld [tilespmem:s0+$0xA190]  }
0xc8: {  	v14 =	vld [tilespmem:s0+$0xA1A0]  }
0xc9: {  	v5 =	vld [tilespmem:s0+$0xF1C0]  }
0xca: {  	v15 =	vld [tilespmem:s0+$0xC9B0]  }
0xcb: {  	v16 =	vld [tilespmem:s0+$0xA1B0];
	v10 =	vadd.f32 v4, v10  }
0xcc: {  	v4 =	vld [tilespmem:s0+$0xF1D0];
	v13 =	vadd.f32 v9, v13  }
0xcd: {  	v11 =	vadd.f32 v11, v14;
	v9 =	vld [tilespmem:s0+$0xC9C0];
	v10 =	vadd.f32 v6, v10  }
0xce: {  	v6 =	vld [tilespmem:s0+$0xC9D0]  }
0xcf: {  	v13 =	vadd.f32 v7, v13;
	v18 =	vadd.f32 v8, v11;
	v7 =	vld [tilespmem:s0+$0xC9E0];
	v14 =	vmin.f32 v10, $0.0e+00  }
0xd0: {  	v20 =	vadd.f32 v15, v16;
	v11 =	vld [tilespmem:s0+$0xA1C0];
	v14 =	vmul.f32 $9.999999770e-03, v14  }
0xd1: {  	v8 =	vld [tilespmem:s0+$0xC9F0];
	v10 =	vmax.f32 v10, $0.0e+00;
	v17 =	vmin.f32 v13, $0.0e+00;
	v19 =	vmin.f32 v18, $0.0e+00  }
0xd2: {  	v15 =	vmul.f32 $9.999999770e-03, v17;
	v16 =	vmul.f32 $9.999999770e-03, v19;
	v14 =	vadd.f32 v14, v10;
	v10 =	vld [tilespmem:s0+$0xA1D0]  }
0xd3: {  	s2 =	simm.s32 $0x200;
	v18 =	vmax.f32 v18, $0.0e+00;
	v17 =	vmax.f32 v13, $0.0e+00;
	v13 =	vadd.f32 v12, v20;
	v12 =	vld [tilespmem:s0+$0xA1E0]  }
.LBB2_5:
0xd4: {  	p0 =	sne.s32 s2, $0x9E00;
	v15 =	vadd.f32 v15, v17;
	v16 =	vadd.f32 v16, v18;
	v17 =	vld [tilespmem:s0+$0xA1F0]  }
0xd5: {  	v14 =	vadd.f32 v14, v3;
	v3 =	vmin.f32 v13, $0.0e+00;
	v9 =	vadd.f32 v9, v11;
	v11 =	vld [tilespmem:s0+$0xF1E0]  }
0xd6: {  	s8 =	sshra.s32 s2, $0x2;
	v15 =	vadd.f32 v15, v0;
	v16 =	vadd.f32 v16, v2;
	v2 =	vmul.f32 $9.999999770e-03, v3;
	v18 =	vld [tilespmem:s0+$0xF1F0]  }
0xd7: {  	v13 =	vmax.f32 v13, $0.0e+00;
	v3 =	vld [tilespmem:s8+$0x11980];
	v5 =	vadd.f32 v5, v9;
	v6 =	vadd.f32 v6, v10  }
0xd8: {  	v0 =	vld [tilespmem:s8+$0x11990];
	v9 =	vadd.f32 v2, v13;
	v7 =	vadd.f32 v7, v12  }
0xd9: {  	v2 =	vld [tilespmem:s8+$0x119A0];
	v10 =	vmin.f32 v5, $0.0e+00;
	v4 =	vadd.f32 v4, v6;
	v6 =	vadd.f32 v8, v17  }
0xda: {  	v8 =	vadd.f32 v9, v1;
	v1 =	vmul.f32 $9.999999770e-03, v10;
	v9 =	vld [tilespmem:s0+$0x119C0];
	v7 =	vadd.f32 v11, v7  }
0xdb: {  	v5 =	vmax.f32 v5, $0.0e+00;
	v10 =	vmin.f32 v4, $0.0e+00;
	v11 =	vld [tilespmem:s0+$0x119D0];
	v6 =	vadd.f32 v18, v6  }
0xdc: {  	v5 =	vadd.f32 v1, v5;
	v10 =	vmul.f32 $9.999999770e-03, v10;
	v1 =	vmin.f32 v7, $0.0e+00;
	v12 =	vld [tilespmem:s0+$0x119E0]  }
0xdd: {  	v4 =	vmax.f32 v4, $0.0e+00;
	[tilespmem:s0+$0xA180] =	vst v14;
	v13 =	vmul.f32 $9.999999770e-03, v1;
	v14 =	vmin.f32 v6, $0.0e+00;
	v17 =	vld [tilespmem:s0+$0x119F0]  }
0xde: {  	v7 =	vmax.f32 v7, $0.0e+00;
	v1 =	vld [tilespmem:s8+$0x119B0];
	[tilespmem:s0+$0xA190] =	vst v15;
	v4 =	vadd.f32 v10, v4;
	v10 =	vmul.f32 $9.999999770e-03, v14  }
0xdf: {  	v6 =	vmax.f32 v6, $0.0e+00;
	v14 =	vld [tilespmem:s8+$0xF180];
	[tilespmem:s0+$0xA1A0] =	vst v16;
	v5 =	vadd.f32 v5, v9;
	v7 =	vadd.f32 v13, v7  }
0xe0: {  	v13 =	vld [tilespmem:s8+$0xF190];
	[tilespmem:s0+$0xA1B0] =	vst v8;
	v4 =	vadd.f32 v4, v11;
	v6 =	vadd.f32 v10, v6  }
0xe1: {  	v8 =	vld [tilespmem:s8+$0xF1A0];
	[tilespmem:s0+$0xA1C0] =	vst v5;
	v5 =	vadd.f32 v7, v12  }
0xe2: {  	v12 =	vld [tilespmem:s8+$0xF1B0];
	[tilespmem:s0+$0xA1D0] =	vst v4;
	v4 =	vadd.f32 v6, v17  }
0xe3: {  	v6 =	vld [tilespmem:s8+$0xC980];
	[tilespmem:s0+$0xA1E0] =	vst v5  }
0xe4: {  	v7 =	vld [tilespmem:s8+$0xC990];
	[tilespmem:s0+$0xA1F0] =	vst v4;
	s0 =	smov.u32 s8  }
0xe5: {  	v4 =	vld [tilespmem:s0+$0xA180]  }
0xe6: {  	v9 =	vld [tilespmem:s0+$0xC9A0]  }
0xe7: {  	v10 =	vld [tilespmem:s0+$0xA190]  }
0xe8: {  	v11 =	vld [tilespmem:s0+$0xA1A0]  }
0xe9: {  	v5 =	vld [tilespmem:s0+$0xF1C0]  }
0xea: {  	v6 =	vadd.f32 v6, v4;
	v4 =	vld [tilespmem:s0+$0xF1D0]  }
0xeb: {  	v15 =	vld [tilespmem:s0+$0xC9B0]  }
0xec: {  	v14 =	vadd.f32 v14, v6;
	v16 =	vld [tilespmem:s0+$0xA1B0]  }
0xed: {  	v7 =	vadd.f32 v7, v10;
	v10 =	vadd.f32 v9, v11;
	v9 =	vld [tilespmem:s0+$0xC9C0]  }
0xee: {  	v6 =	vld [tilespmem:s0+$0xC9D0]  }
.Ltmp1:
0xef: {  	v11 =	vmin.f32 v14, $0.0e+00;
	v13 =	vadd.f32 v13, v7;
	v18 =	vadd.f32 v8, v10;
	v7 =	vld [tilespmem:s0+$0xC9E0];
	(pc) =	sbr.rel @p0 .LBB2_5-.Ltmp1, $4  }
0xf0: {  	v10 =	vmax.f32 v14, $0.0e+00;
	v14 =	vmul.f32 $9.999999770e-03, v11;
	v11 =	vld [tilespmem:s0+$0xA1C0]  }
0xf1: {  	v17 =	vmin.f32 v13, $0.0e+00;
	v19 =	vmin.f32 v18, $0.0e+00;
	v20 =	vadd.f32 v15, v16;
	v8 =	vld [tilespmem:s0+$0xC9F0]  }
0xf2: {  	v14 =	vadd.f32 v14, v10;
	v15 =	vmul.f32 $9.999999770e-03, v17;
	v16 =	vmul.f32 $9.999999770e-03, v19;
	v10 =	vld [tilespmem:s0+$0xA1D0]  }
0xf3: {  	s2 =	sadd.s32 $0x200, s2;
	v17 =	vmax.f32 v13, $0.0e+00;
	v18 =	vmax.f32 v18, $0.0e+00;
	v13 =	vadd.f32 v12, v20;
	v12 =	vld [tilespmem:s0+$0xA1E0]  }
0xf4: {  	v15 =	vadd.f32 v15, v17;
	v16 =	vadd.f32 v16, v18;
	v37 =	vld [tilespmem:s0+$0xA1F0]  }
0xf5: {  	v3 =	vadd.f32 v14, v3;
	v39 =	vld [tilespmem:s0+$0xF1E0];
	v38 =	vmin.f32 v13, $0.0e+00;
	v9 =	vadd.f32 v9, v11  }
0xf6: {  	v40 =	vld [tilespmem:s0+$0xF1F0];
	v0 =	vadd.f32 v15, v0;
	v2 =	vadd.f32 v16, v2;
	v14 =	vmul.f32 $9.999999770e-03, v38  }
0xf7: {  	v41 =	vmax.f32 v13, $0.0e+00;
	v5 =	vadd.f32 v5, v9;
	v6 =	vadd.f32 v6, v10  }
0xf8: {  	v42 =	vadd.f32 v14, v41;
	v7 =	vadd.f32 v7, v12  }
0xf9: {  	v43 =	vmin.f32 v5, $0.0e+00;
	v4 =	vadd.f32 v4, v6;
	v44 =	vadd.f32 v8, v37  }
0xfa: {  	v45 =	vld [tilespmem:s0+$0x119C0];
	v5 =	vmax.f32 v5, $0.0e+00;
	v1 =	vadd.f32 v42, v1;
	v7 =	vadd.f32 v39, v7  }
0xfb: {  	v47 =	vld [tilespmem:s0+$0x119D0];
	v46 =	vmul.f32 $9.999999770e-03, v43;
	v48 =	vmin.f32 v4, $0.0e+00;
	v6 =	vadd.f32 v40, v44  }
0xfc: {  	v49 =	vld [tilespmem:s0+$0x119E0];
	v52 =	vmax.f32 v4, $0.0e+00;
	v50 =	vmul.f32 $9.999999770e-03, v48;
	v51 =	vmin.f32 v7, $0.0e+00  }
0xfd: {  	v55 =	vld [tilespmem:s0+$0x119F0];
	[tilespmem:s0+$0xA180] =	vst v3;
	v5 =	vadd.f32 v46, v5;
	v53 =	vmul.f32 $9.999999770e-03, v51;
	v54 =	vmin.f32 v6, $0.0e+00  }
0xfe: {  	[tilespmem:s0+$0xA190] =	vst v0;
	v57 =	vmax.f32 v7, $0.0e+00;
	v56 =	vadd.f32 v50, v52;
	v58 =	vmul.f32 $9.999999770e-03, v54  }
0xff: {  	[tilespmem:s0+$0xA1A0] =	vst v2;
	v60 =	vmax.f32 v6, $0.0e+00;
	v59 =	vadd.f32 v5, v45;
	v3 =	vadd.f32 v53, v57  }
0x100: {  	[tilespmem:s0+$0xA1B0] =	vst v1;
	v0 =	vadd.f32 v56, v47;
	v61 =	vadd.f32 v58, v60  }
0x101: {  	[tilespmem:s0+$0xA1C0] =	vst v59;
	v62 =	vadd.f32 v3, v49  }
0x102: {  	s21 =	sadd.s32 $0x1, s21;
	[tilespmem:s0+$0xA1D0] =	vst v0;
	v63 =	vadd.f32 v61, v55  }
0x103: {  	s2 =	sshll.u32 s17, $0x4;
	p0 =	sne.s32 s21, $0x20;
	[tilespmem:s0+$0xA1E0] =	vst v62  }
.Ltmp2:
0x104: {  	s31 =	sadd.s32 s11, s2;
	[tilespmem:s0+$0xA1F0] =	vst v63;
	(pc) =	sbr.rel @p0 .LBB2_2-.Ltmp2, $4  }
0x105: {  	[hbm4b:s31+s1] =	stream.linear.scatter [tilespmem:s30], [sflag:$0x9], $0x2800, $0x38;
	[tilespmem:$0x14300] =	vst v63  }
0x106: {  	_ =	swait.ge [sflag:s19], $0x2800  }
0x107: {  	[sflag:s19] =	ssyncset.done $0x0  }
0x108: {  	[sflag:s19] =	ssyncadd.s32 $0xFFFFD800  }
0x109: {  	s2 =	rddreg [dreg:$0x9]  }
0x10a: {  	s0 =	rddreg [dreg:$0x8];
	s2 =	sadd.s32 $0x1, s2  }
0x10b: {  	p0 =	sne.s32 s2, s0  }
.Ltmp3:
0x10c: {  	_ = 	snop;
	(pc) =	sbr.rel @p0 .LBB2_1-.Ltmp3, $1  }
0x10d: {  	_ =	sdelay $0x3  }
0x10e: {  	_ =	sfence.sel $0x180000  }
0x10f: {  	[bflag:$0x0] =	sbarrier.arrive $0xFFFF  }
0x110: {  	_ =	strace $0x9000004A  }
0x111: {  	s0 =	stileid.u32;
	[bflag:$0x2] =	sbarrier.arrive $0xFFFF  }
0x112: {  	p0 =	sne.s32 s0, $0x0;
	s0 =	rddreg [dreg:$0x1]  }
0x113: {  	s0 =	sadd.s32 @!p0 $0x100000, s0  }
0x114: {  	[sflag:s0] =	ssyncadd.tile.s32 @!p0 $0x1;
	_ =	shalt  }
.Lfunc_end2:
_tile_overlayer_lowered:
.L_overlay_start_2:
0x115: {  	(tag) =	ssettag $0x2  }
0x116: {  	s0 =	rddreg [dreg:$0x0];
	s2 =	stileid.u32  }
0x117: {  	s1 =	rddreg [dreg:$0x1];
	p0 =	sne.s32 s2, $0x0  }
0x118: {  	s3 =	rddreg [dreg:$0x2];
	[bflag:$0x3] =	sbarrier.arrive $0xFFFF;
	s2 =	simm.s32 @!p0 $0x1C09  }
0x119: {  	[timem:s3], [sflag:s2] =	dma.local @!p0 [hbm:s0], s1  }
0x11a: {  	s0 =	simm.s32 @!p0 $0x9  }
0x11b: {  	_ =	swait.ge @!p0 [sflag:s0], s1  }
0x11c: {  	s1 =	ssub.s32 @!p0 $0x0, s1;
	[sflag:s0] =	ssyncset.done @!p0 $0x0  }
0x11d: {  	[sflag:s0] =	ssyncadd.s32 @!p0 s1  }
0x11e: {  	[bflag:$0x3] =	sbarrier.arrive $0xFFFF  }
0x11f: {  	_ =	shalt  }

// kernel: kernel.18.cloned.1.call-start
scs
__scs_entry_jumppad:
0x0: {  	(pc) =	sbr.rel $0x88, $3  }
0x1: {  	(tag) =	ssettag $0x0;
	lr =	simm.s32 $0x1  }
0x2: {  	[smem:$0x3F89] =	sst lr;
	_ =	strace $0xD0000000  }
0x3: {  	_ = 	snop  }
0x4: {  	_ = 	snop  }
0x5: {  	_ = 	snop  }
0x6: {  	_ = 	snop  }
0x7: {  	_ = 	snop  }
__scs_overlays_trampoline_lowered:
0x8: {  	[smem:$0x3F98] =	sst s0  }
0x9: {  	[smem:$0x3F99] =	sst s1  }
0xa: {  	[smem:$0x3F9A] =	sst s2  }
0xb: {  	[smem:$0x3F9B] =	sst s3  }
0xc: {  	[smem:$0x3F9C] =	sst s4  }
0xd: {  	[smem:$0x3F9D] =	sst s5  }
0xe: {  	[smem:$0x3F9E] =	sst s6  }
0xf: {  	[smem:$0x3F9F] =	sst s7  }
0x10: {  	[smem:$0x3FA0] =	sst s8  }
0x11: {  	[smem:$0x3FA1] =	sst s9;
	s0 =	simm.s32 @!p0 $0x0  }
0x12: {  	s1 =	sld [smem:$0x3F87];
	s0 =	simm.s32 @p0 $0x1  }
0x13: {  	[smem:$0x3FA2] =	sst s0;
	s0 =	simm.s32 @!p1 $0x0  }
0x14: {  	s2 =	sld [smem:$0x3F86];
	s0 =	simm.s32 @p1 $0x1  }
0x15: {  	[smem:$0x3FA3] =	sst s0;
	s0 =	simm.s32 @!p2 $0x0  }
0x16: {  	s3 =	sld [smem:$0x3FDB];
	s0 =	simm.s32 @p2 $0x1  }
0x17: {  	s4 =	simm.s32 $0x1BF5;
	[smem:$0x3FA5] =	sst s0  }
0x18: {  	s0 =	sld [smem:$0x3F88];
	_ =	swait.ge [sflag:s4], $0x0  }
0x19: {  	s7 =	sld [smem:$0x3F89]  }
0x1a: {  	s8 =	sadd.s32 $0xFFFFE003, lr  }
0x1b: {  	s9 =	sadd.s32 $0xFFFFFEF7, lr;
	s5 =	simm.s32 $0xFFFFFFFF;
	p2 =	slt.u32 s8, $0xFFFFF086  }
0x1c: {  	p1 =	slt.u32 s9, $0xF7A;
	s5 =	simm.s32 @!p2 $0x0  }
0x1d: {  	s5 =	simm.s32 @p1 $0x1;
	p0 =	seq.s32 s7, s2  }
0x1e: {  	s7 =	smul.u32 @!p0 $0xF7A, s2;
	p2 =	seq.s32 @!p0 s5, $0x0  }
0x1f: {  	s9 =	smul.u32 $0xF7A, s1;
	s8 =	simm.s32 @!p0 $0x1BF5;
	p2 =	por !p2, p0  }
0x20: {  	[sflag:s8] =	ssyncset.s32 @!p0 $0xFFFFF086;
	s6 =	sadd.s32 @!p0 s3, s7;
	s7 =	simm.s32 @!p0 $0x108  }
0x21: {  	s3 =	sadd.s32 s3, s9;
	s6 =	sadd.s32 @!p0 $0x88, s6;
	s7 =	simm.s32 @p2 $0x1082  }
0x22: {  	[simem:s7], [sflag:s8] =	dma.local @!p0 [hbm:s6], $0xF7A  }
0x23: {  	s9 =	sor.u32 $0xD0000000, s2;
	s6 =	simm.s32 $0x108;
	_ =	swait.ge @!p0 [sflag:s8], $0x0  }
0x24: {  	s3 =	sadd.s32 $0x88, s3;
	s6 =	simm.s32 @!p1 $0x1082;
	[sflag:s4] =	ssyncset.s32 $0xFFFFF086  }
0x25: {  	[simem:s6], [sflag:s4] =	dma.local [hbm:s3], $0xF7A  }
0x26: {  	[smem:$0x3F89] =	sst s1;
	(tag) =	ssettag s2;
	_ =	strace s9  }
0x27: {  	s1 =	sld [smem:$0x3F99]  }
0x28: {  	s2 =	sld [smem:$0x3F9A]  }
0x29: {  	s4 =	sld [smem:$0x3F9C]  }
0x2a: {  	p0 =	seq.s32 s5, $0x0;
	s5 =	sld [smem:$0x3F9D]  }
0x2b: {  	s6 =	sld [smem:$0x3F9E]  }
0x2c: {  	s7 =	sld [smem:$0x3F9F]  }
0x2d: {  	s3 =	simm.s32 $0x108;
	s8 =	sld [smem:$0x3FA0]  }
0x2e: {  	s3 =	simm.s32 @!p0 $0x1082;
	s9 =	sld [smem:$0x3FA1]  }
0x2f: {  	lr =	sadd.s32 s0, s3;
	s0 =	sld [smem:$0x3F98]  }
0x30: {  	s3 =	sld [smem:$0x3F9B]  }
0x31: {  	[smem:$0x3FA4] =	sst s10  }
0x32: {  	s10 =	sld [smem:$0x3FA2];
	_ =	sdelay $0x3  }
0x33: {  	p0 =	seq.s32 s10, $0x1;
	s10 =	sld [smem:$0x3FA4];
	_ =	sdelay $0x3  }
0x34: {  	[smem:$0x3FA4] =	sst s10  }
0x35: {  	s10 =	sld [smem:$0x3FA3];
	_ =	sdelay $0x3  }
0x36: {  	p1 =	seq.s32 s10, $0x1;
	s10 =	sld [smem:$0x3FA4];
	_ =	sdelay $0x3  }
0x37: {  	[smem:$0x3FA4] =	sst s10  }
0x38: {  	s10 =	sld [smem:$0x3FA5]  }
0x39: {  	_ = 	snop;
	(pc) =	sbr.ind lr, $3  }
0x3a: {  	_ = 	snop  }
0x3b: {  	_ = 	snop  }
0x3c: {  	p2 =	seq.s32 s10, $0x1;
	s10 =	sld [smem:$0x3FA4]  }
0x3d: {  	_ =	shalt  }
0x3e: {  	_ =	shalt  }
0x3f: {  	_ =	shalt  }
0x40: {  	_ =	shalt  }
0x41: {  	_ =	shalt  }
0x42: {  	_ =	shalt  }
0x43: {  	_ =	shalt  }
0x44: {  	_ =	shalt  }
0x45: {  	_ =	shalt  }
0x46: {  	_ =	shalt  }
0x47: {  	_ =	shalt  }
0x48: {  	_ =	shalt  }
0x49: {  	_ =	shalt  }
0x4a: {  	_ =	shalt  }
0x4b: {  	_ =	shalt  }
0x4c: {  	_ =	shalt  }
0x4d: {  	_ =	shalt  }
0x4e: {  	_ =	shalt  }
0x4f: {  	_ =	shalt  }
0x50: {  	_ =	shalt  }
0x51: {  	_ =	shalt  }
0x52: {  	_ =	shalt  }
0x53: {  	_ =	shalt  }
0x54: {  	_ =	shalt  }
0x55: {  	_ =	shalt  }
0x56: {  	_ =	shalt  }
0x57: {  	_ =	shalt  }
0x58: {  	_ =	shalt  }
0x59: {  	_ =	shalt  }
0x5a: {  	_ =	shalt  }
0x5b: {  	_ =	shalt  }
0x5c: {  	_ =	shalt  }
0x5d: {  	_ =	shalt  }
0x5e: {  	_ =	shalt  }
0x5f: {  	_ =	shalt  }
0x60: {  	_ =	shalt  }
0x61: {  	_ =	shalt  }
0x62: {  	_ =	shalt  }
0x63: {  	_ =	shalt  }
0x64: {  	_ =	shalt  }
0x65: {  	_ =	shalt  }
0x66: {  	_ =	shalt  }
0x67: {  	_ =	shalt  }
0x68: {  	_ =	shalt  }
0x69: {  	_ =	shalt  }
0x6a: {  	_ =	shalt  }
0x6b: {  	_ =	shalt  }
0x6c: {  	_ =	shalt  }
0x6d: {  	_ =	shalt  }
0x6e: {  	_ =	shalt  }
0x6f: {  	_ =	shalt  }
0x70: {  	_ =	shalt  }
0x71: {  	_ =	shalt  }
0x72: {  	_ =	shalt  }
0x73: {  	_ =	shalt  }
0x74: {  	_ =	shalt  }
0x75: {  	_ =	shalt  }
0x76: {  	_ =	shalt  }
0x77: {  	_ =	shalt  }
0x78: {  	_ =	shalt  }
0x79: {  	_ =	shalt  }
0x7a: {  	_ =	shalt  }
0x7b: {  	_ =	shalt  }
0x7c: {  	_ =	shalt  }
0x7d: {  	_ =	shalt  }
0x7e: {  	_ =	shalt  }
0x7f: {  	_ =	shalt  }
0x80: {  	_ =	shalt  }
0x81: {  	_ =	shalt  }
0x82: {  	_ =	shalt  }
0x83: {  	_ =	shalt  }
0x84: {  	_ =	shalt  }
0x85: {  	_ =	shalt  }
0x86: {  	_ =	shalt  }
0x87: {  	_ =	shalt  }
.Lfunc_end0:
.L_simem_size_0:
called_computation.2_lowered:
.L_overlay_start_0:
0x88: {  	s2 =	sld [smem:$0x3FD9]  }
0x89: {  	s3 =	sld [smem:$0x3FFE];
	_ =	sdelay $0x1  }
0x8a: {  	s1 =	srdreg.scid  }
0x8b: {  	s0 =	sand.u32 $0x1, s1  }
0x8c: {  	s17 =	sshll.u32 s0, $0xA;
	s2 =	sadd.s32 s3, s2  }
0x8d: {  	s2 =	sadd.s32 s2, s17  }
0x8e: {  	[smem:$0x3FB0] =	sst s2  }
0x8f: {  	_ = 	snop  }
0x90: {  	s2 =	sld [smem:$0x3FD0];
	(tm) =	ssettm $0x1  }
0x91: {  	s18 =	sld [smem:$0x3FFB];
	_ =	sdelay $0x3  }
0x92: {  	_ =	strace s18  }
0x93: {  	s3 =	sld [smem:$0x3FFC];
	_ =	sdelay $0x3  }
0x94: {  	_ =	strace s3  }
0x95: {  	s3 =	sld [smem:$0x3FFD];
	_ =	sdelay $0x3  }
0x96: {  	_ =	strace s3  }
0x97: {  	_ =	strace $0x8FFFFFFF  }
0x98: {  	s19 =	sld [smem:$0x3FDB];
	_ =	sdelay $0x1  }
0x99: {  	s4 =	simm.s32 $_scs_section_size  }
0x9a: {  	s5 =	simm.s32 $_size__tile_overlayer_lowered;
	s6 =	simm.s32 $_tile_overlayer_lowered  }
0x9b: {  	s22 =	simm.s32 $0x1BFF;
	s21 =	sshll.u32 s6, $0x1;
	s3 =	sadd.s32 s4, s19  }
0x9c: {  	s7 =	simm.s32 $0x0;
	s20 =	sshll.u32 s5, $0x1;
	s5 =	sadd.s32 s21, s3  }
0x9d: {  	[timem:s7], [sflag:s22] =	dma.local [hbm:s5], s20  }
0x9e: {  	_ =	swait.ge [sflag:s22], s20  }
0x9f: {  	s4 =	ssub.s32 $0x0, s20;
	[sflag:s22] =	ssyncset.done $0x0  }
0xa0: {  	[sflag:s22] =	ssyncadd.s32 s4;
	_ =	sdelay $0x1  }
0xa1: {  	s23 =	simm.s32 $0x1B8B  }
0xa2: {  	_ =	swait.ge [sflag:s23], $0x1  }
0xa3: {  	[sflag:s23] =	ssyncset.done $0x0  }
0xa4: {  	s25 =	simm.s32 $0x1B8E;
	s24 =	sld [smem:$0x3FFE];
	[sflag:s23] =	ssyncadd.s32 $0xFFFFFFFF  }
0xa5: {  	s26 =	simm.s32 $execute0_lowered;
	[smem:$0x3FD2] =	sst s25  }
0xa6: {  	s5 =	sshll.u32 s26, $0x1;
	_ =	strace $0x8000004C;
	[dreg:$0x1] =	wrdreg $0xFFFFFFFF  }
0xa7: {  	s28 =	simm.s32 $_size_execute0_lowered;
	s3 =	sadd.s32 s3, s5;
	[dreg:$0x0] =	wrdreg $0x0  }
0xa8: {  	s5 =	sshll.u32 s28, $0x1;
	[dreg:$0x2] =	wrdreg s3  }
0xa9: {  	[dreg:$0x3] =	wrdreg s5  }
0xaa: {  	[dreg:$0x4] =	wrdreg $0xC0  }
0xab: {  	_ =	task [dreg:s7], $0x5FFFF  }
0xac: {  	[dreg:$0x1] =	wrdreg $0xFFFFFFFF  }
0xad: {  	[dreg:$0x0] =	wrdreg $0x60  }
0xae: {  	[dreg:$0x2] =	wrdreg s24  }
0xaf: {  	[dreg:$0x3] =	wrdreg s2  }
0xb0: {  	[dreg:$0x4] =	wrdreg $0x82000  }
0xb1: {  	[dreg:$0x5] =	wrdreg $0x9  }
0xb2: {  	_ =	task.clear_ibuf [dreg:s7], $0x6FFFF;
	_ =	strace $0x9000004C  }
0xb3: {  	s29 =	simm.s32 $0x9;
	_ =	strace $0x8000004E  }
0xb4: {  	_ =	swait.ge [sflag:s29], $0x1  }
0xb5: {  	[sflag:s29] =	ssyncadd.s32 $0xFFFFFFFF  }
0xb6: {  	_ =	strace $0x9000004E  }
0xb7: {  	_ =	sfence  }
0xb8: {  	s30 =	sld [smem:$0x0];
	_ =	sdelay $0x2  }
0xb9: {  	s31 =	sshll.u32 s1, $0xD;
	s1 =	sshrl.u32 s1, $0x2  }
0xba: {  	s3 =	sand.u32 $0x4000, s31;
	s1 =	sadd.s32 s1, s30  }
0xbb: {  	s0 =	sor.u32 s3, s0;
	s1 =	sshll.u32 s1, $0x11  }
0xbc: {  	s0 =	sor.u32 s1, s0  }
0xbd: {  	s0 =	sadd.s32 $0x8F2B, s0  }
0xbe: {  	[sflag:s0] =	ssyncadd.remote.s32 $0x1  }
0xbf: {  	_ =	sfence.sel $0xFFFF  }
0xc0: {  	[dreg:$0x0] =	wrdreg $0xFFFFFFFF;
	(pc) =	sbr.abs _section_cstart, $3  }
0xc1: {  	[dreg:$0x1] =	wrdreg $0xFFFFFFFF  }
0xc2: {  	_ =	task.clear_ibuf [dreg:s7], $0x2FFFF;
	_ =	strace $0x9FFFFFFF  }
0xc3: {  	(tm) =	ssettm $0x7FFFFFFF  }
tec
execute0_lowered:
.L_overlay_start_1:
0x0: {  	(tag) =	ssettag $0x1  }
0x1: {  	s1 =	rddreg [dreg:$0x0]  }
0x2: {  	s2 =	rddreg [dreg:$0x2]  }
0x3: {  	s3 =	simm.s32 $0x0;
	s21 =	stileid.u32;
	s7 =	srdreg.scid  }
0x4: {  	s28 =	simm.s32 $0x4080;
	s29 =	simm.s32 $0x40;
	s30 =	simm.s32 $0x2000  }
0x5: {  	s31 =	simm.s32 $0x8100;
	[smem:$0x7FF] =	sst s3;
	s6 =	smul.u32 $0x28000, s21  }
0x6: {  	s0 =	sadd.s32 $0x17600, s1;
	s5 =	sadd.s32 $0x96000, s1;
	s8 =	smul.u32 $0x280, s21  }
0x7: {  	s4 =	sadd.s32 $0x366000, s1;
	s7 =	sand.u32 $0x1, s7;
	s19 =	smul.u32 $0x2800, s21  }
0x8: {  	s10 =	sshll.u32 s21, $0x1;
	s12 =	sadd.s32 $0x3F600, s1;
	s23 =	smul.u32 $0x50000, s21  }
0x9: {  	_ =	strace $0x8000004D;
	[dreg:$0x4] =	wrdreg s0;
	s11 =	smul.u32 $0x2800, s7  }
0xa: {  	s0 =	sadd.s32 $0xD600, s1;
	s9 =	ssub.s32 $0x2, s7;
	s20 =	smul.u32 $0x1400, s7  }
0xb: {  	s10 =	sor.u32 s7, s10;
	s7 =	smul.u32 $0x14000, s7;
	s13 =	sshrl.u32 s9, $0x1  }
0xc: {  	s26 =	smul.u32 $0x14000, s10;
	s15 =	sadd.s32 $0x80, s8;
	s16 =	sadd.s32 $0x100, s8  }
0xd: {  	s10 =	smul.u32 $0x1400, s10;
	s9 =	ssub.s32 s9, s13;
	s14 =	sadd.s32 s11, s8  }
0xe: {  	s17 =	sadd.s32 s11, s15;
	s18 =	sadd.s32 s11, s16;
	s14 =	sshll.u32 s14, $0x4  }
0xf: {  	s17 =	sshll.u32 s17, $0x4;
	s18 =	sshll.u32 s18, $0x4;
	s24 =	sadd.s32 s4, s26  }
0x10: {  	s4 =	sadd.s32 s6, s4;
	s6 =	sadd.s32 s6, s1;
	s1 =	sadd.s32 $0x8600, s1  }
0x11: {  	s26 =	sshll.u32 s21, $0x6;
	s14 =	sadd.s32 s12, s14;
	[dreg:$0xc] =	wrdreg s24  }
0x12: {  	s10 =	sshrl.u32 s10, $0x3;
	s17 =	sadd.s32 s12, s17;
	[dreg:$0x7] =	wrdreg s14  }
0x13: {  	s18 =	sadd.s32 s12, s18;
	s13 =	sor.u32 $0x1C05, s26;
	[dreg:$0x8] =	wrdreg s17  }
0x14: {  	s4 =	sadd.s32 s7, s4;
	s6 =	sadd.s32 s7, s6;
	[dreg:$0x9] =	wrdreg s18  }
0x15: {  	s14 =	sadd.s32 $0x180, s8;
	s8 =	sadd.s32 $0x200, s8;
	s18 =	sadd.s32 s20, s19  }
0x16: {  	s4 =	sadd.s32 $0x400, s4;
	s20 =	sadd.s32 s11, s14;
	s11 =	sadd.s32 s11, s8  }
0x17: {  	s19 =	sor.u32 $0x40, s18;
	s21 =	sshll.u32 s14, $0x7;
	s8 =	sshll.u32 s8, $0x7  }
0x18: {  	[dreg:$0x11] =	wrdreg s4;
	s4 =	simm.s32 $0x4100;
	s17 =	sshll.u32 s20, $0x4  }
0x19: {  	s11 =	sshll.u32 s11, $0x4;
	s19 =	sshrl.u32 s19, $0x3;
	s17 =	sadd.s32 s12, s17  }
0x1a: {  	s20 =	sshll.u32 s16, $0x7;
	s11 =	sadd.s32 s12, s11;
	[dreg:$0xa] =	wrdreg s17  }
0x1b: {  	s8 =	sadd.s32 s8, s2;
	s22 =	sadd.s32 s19, s0;
	[dreg:$0xb] =	wrdreg s11  }
0x1c: {  	s25 =	sadd.s32 s19, s1;
	s12 =	sadd.s32 s0, s10;
	[dreg:$0x5] =	wrdreg s22  }
0x1d: {  	s19 =	sshll.u32 s15, $0x7;
	s26 =	sshrl.u32 s8, $0x3;
	[dreg:$0x6] =	wrdreg s25  }
0x1e: {  	s8 =	simm.s32 $0x3;
	s11 =	sshrl.u32 s23, $0x2;
	[dreg:$0xf] =	wrdreg s12  }
0x1f: {  	s17 =	smax.u32 s9, $0x1;
	s7 =	sadd.s32 s19, s2;
	s9 =	sadd.s32 s20, s2  }
0x20: {  	s22 =	sshrl.u32 s18, $0x3;
	s18 =	sadd.s32 $0x5E6000, s6;
	[dreg:$0x15] =	wrdreg s26  }
0x21: {  	s6 =	simm.s32 $0x1;
	s11 =	sadd.s32 s11, s2;
	[dreg:$0x10] =	wrdreg s17  }
0x22: {  	s19 =	sadd.s32 s22, s0;
	s20 =	sadd.s32 s22, s1;
	s23 =	sshrl.u32 s7, $0x3  }
0x23: {  	s24 =	sshrl.u32 s9, $0x3;
	s0 =	simm.s32 $0x8180;
	[dreg:$0xd] =	wrdreg s11  }
0x24: {  	s7 =	simm.s32 $0x2;
	s9 =	simm.s32 $0x4;
	[dreg:$0x12] =	wrdreg s23  }
0x25: {  	s11 =	sadd.s32 s1, s10;
	s10 =	sadd.s32 s21, s2;
	[dreg:$0x13] =	wrdreg s24  }
0x26: {  	s21 =	simm.s32 $0x5;
	[dreg:$0xe] =	wrdreg s11;
	s25 =	sshrl.u32 s10, $0x3  }
0x27: {  	s1 =	simm.s32 $0x6100;
	s10 =	simm.s32 $0x0;
	[dreg:$0x14] =	wrdreg s25  }
.LBB2_1:
0x28: {  	s11 =	rddreg [dreg:$0xd]  }
0x29: {  	s12 =	rddreg [dreg:$0x1];
	s11 =	sshrl.u32 s11, $0x3  }
0x2a: {  	[spmem:s11], [sflag:s13] =	dma.local [hbm:s12], $0x2800  }
0x2b: {  	_ =	swait.ge [sflag:s21], $0x2800  }
0x2c: {  	[sflag:s21] =	ssyncset.done $0x0  }
0x2d: {  	[sflag:s21] =	ssyncadd.s32 $0xFFFFD800  }
0x2e: {  	[bflag:$0x0] =	sbarrier.arrive $0xFFFF  }
0x2f: {  	s14 =	simm.s32 $0x4000;
	s17 =	rddreg [dreg:$0xe]  }
0x30: {  	[tilespmem:s14], [sflag:$0x5] =	stream.linear.gather [hbm4b:s17+s3], $0x40, $0x38;
	[tilespmem:$0x1C200] =	vst v63  }
0x31: {  	_ =	swait.ge [sflag:s21], $0x40  }
0x32: {  	[sflag:s21] =	ssyncset.done $0x0  }
0x33: {  	s22 =	rddreg [dreg:$0xf];
	[sflag:s21] =	ssyncadd.s32 $0xFFFFFFC0  }
0x34: {  	[tilespmem:s28], [sflag:$0x5] =	stream.linear.gather [hbm4b:s22+s3], $0x40, $0x38;
	[tilespmem:$0x1C200] =	vst v63  }
0x35: {  	_ =	swait.ge [sflag:s21], $0x40  }
0x36: {  	[sflag:s21] =	ssyncset.done $0x0  }
0x37: {  	[sflag:s21] =	ssyncadd.s32 $0xFFFFFFC0  }
0x38: {  	[tilespmem:s3], [sflag:$0x1] =	stream.indirect.gather [hbm4b:s5+s29], $0x80, s14, s29, $0xb8;
	[tilespmem:$0x1C200] =	vst v63  }
0x39: {  	s23 =	rddreg [dreg:$0xc]  }
0x3a: {  	[tilespmem:s30], [sflag:$0x2] =	stream.linear.gather [hbm4b:s23+s3], $0x2000, $0x38;
	[tilespmem:$0x1C200] =	vst v63  }
0x3b: {  	s24 =	sadd.s32 $0x0, s20  }
0x3c: {  	[tilespmem:s31], [sflag:$0x5] =	stream.linear.gather [hbm4b:s24+s3], $0x40, $0x38;
	[tilespmem:$0x1C200] =	vst v63  }
0x3d: {  	_ =	swait.ge [sflag:s21], $0x40  }
0x3e: {  	[sflag:s21] =	ssyncset.done $0x0  }
0x3f: {  	s25 =	sadd.s32 $0x0, s19;
	[sflag:s21] =	ssyncadd.s32 $0xFFFFFFC0  }
0x40: {  	[tilespmem:s0], [sflag:$0x5] =	stream.linear.gather [hbm4b:s25+s3], $0x40, $0x38;
	[tilespmem:$0x1C200] =	vst v63  }
0x41: {  	_ =	swait.ge [sflag:s21], $0x40  }
0x42: {  	[sflag:s21] =	ssyncset.done $0x0  }
0x43: {  	s26 =	rddreg [dreg:$0x4];
	[sflag:s21] =	ssyncadd.s32 $0xFFFFFFC0  }
0x44: {  	[tilespmem:s4], [sflag:$0x3] =	stream.indirect.gather [hbm4b:s26+s29], $0x80, s0, s29, $0xb8;
	[tilespmem:$0x1C200] =	vst v63  }
0x45: {  	_ = 	snop  }
0x46: {  	[tilespmem:s1], [sflag:$0x4] =	stream.linear.gather [hbm4b:s18+s3], $0x2000, $0x38;
	[tilespmem:$0x1C200] =	vst v63  }
0x47: {  	_ =	swait.ge [sflag:s6], $0x2000  }
0x48: {  	[sflag:s6] =	ssyncset.done $0x0  }
0x49: {  	[sflag:s6] =	ssyncadd.s32 $0xFFFFE000  }
0x4a: {  	_ =	swait.ge [sflag:s7], $0x2000  }
0x4b: {  	[sflag:s7] =	ssyncset.done $0x0  }
0x4c: {  	[sflag:s7] =	ssyncadd.s32 $0xFFFFE000  }
0x4d: {  	[spmem:s2] =	stream.indirect.scatter.add.f32 [tilespmem:s3], [sflag:$0x5], $0x80, s28, s29, $0xb8;
	[tilespmem:$0x1C200] =	vst v63  }
0x4e: {  	_ =	swait.ge [sflag:s21], $0x2000  }
0x4f: {  	[sflag:s21] =	ssyncset.done $0x0  }
0x50: {  	p0 =	por $0x0, $0x0;
	[sflag:s21] =	ssyncadd.s32 $0xFFFFE000  }
0x51: {  	[spmem:s2] =	stream.indirect.scatter.add.f32 [tilespmem:s30], [sflag:$0x5], $0x80, s28, s29, $0xb8;
	[tilespmem:$0x1C200] =	vst v63  }
0x52: {  	s15 =	simm.s32 @!p0 $0x4000;
	_ =	swait.ge [sflag:s21], $0x2000  }
0x53: {  	s16 =	simm.s32 @!p0 $0x5;
	s12 =	rddreg [dreg:$0x6];
	[sflag:s21] =	ssyncset.done $0x0  }
0x54: {  	s14 =	simm.s32 @!p0 $0x0;
	[sflag:s21] =	ssyncadd.s32 $0xFFFFE000;
	s12 =	sadd.s32 @!p0 $0x0, s12  }
0x55: {  	[tilespmem:s15], [sflag:$0x5] =	stream.linear.gather @!p0 [hbm4b:s12+s14], $0x40, $0x38;
	[tilespmem:$0x1C200] =	vst v63  }
0x56: {  	_ =	swait.ge @!p0 [sflag:s16], $0x40  }
0x57: {  	s12 =	rddreg [dreg:$0x5];
	[sflag:s16] =	ssyncset.done @!p0 $0x0  }
0x58: {  	s26 =	simm.s32 @!p0 $0x4080;
	[sflag:s16] =	ssyncadd.s32 @!p0 $0xFFFFFFC0;
	s12 =	sadd.s32 @!p0 $0x0, s12  }
0x59: {  	[tilespmem:s26], [sflag:$0x5] =	stream.linear.gather @!p0 [hbm4b:s12+s14], $0x40, $0x38;
	[tilespmem:$0x1C200] =	vst v63  }
0x5a: {  	_ =	swait.ge @!p0 [sflag:s16], $0x40  }
0x5b: {  	[sflag:s16] =	ssyncset.done @!p0 $0x0  }
0x5c: {  	s12 =	simm.s32 @!p0 $0x40;
	[sflag:s16] =	ssyncadd.s32 @!p0 $0xFFFFFFC0  }
0x5d: {  	[tilespmem:s14], [sflag:$0x1] =	stream.indirect.gather @!p0 [hbm4b:s5+s12], $0x80, s15, s12, $0xb8;
	[tilespmem:$0x1C200] =	vst v63  }
0x5e: {  	s12 =	simm.s32 @!p0 $0x2000;
	s15 =	rddreg [dreg:$0x11]  }
0x5f: {  	[tilespmem:s12], [sflag:$0x2] =	stream.linear.gather @!p0 [hbm4b:s15+s14], $0x2000, $0x38;
	[tilespmem:$0x1C200] =	vst v63  }
0x60: {  	_ =	swait.ge [sflag:s8], $0x2000  }
0x61: {  	[sflag:s8] =	ssyncset.done $0x0  }
0x62: {  	[sflag:s8] =	ssyncadd.s32 $0xFFFFE000  }
0x63: {  	_ =	swait.ge [sflag:s9], $0x2000  }
0x64: {  	[sflag:s9] =	ssyncset.done $0x0  }
0x65: {  	[sflag:s9] =	ssyncadd.s32 $0xFFFFE000  }
0x66: {  	[spmem:s2] =	stream.indirect.scatter.add.f32 [tilespmem:s4], [sflag:$0x5], $0x80, s31, s29, $0xb8;
	[tilespmem:$0x1C200] =	vst v63  }
0x67: {  	_ =	swait.ge [sflag:s21], $0x2000  }
0x68: {  	[sflag:s21] =	ssyncset.done $0x0  }
0x69: {  	s16 =	simm.s32 $0x10;
	s14 =	simm.s32 $0x8;
	[sflag:s21] =	ssyncadd.s32 $0xFFFFE000  }
0x6a: {  	[spmem:s2] =	stream.indirect.scatter.add.f32 [tilespmem:s1], [sflag:$0x5], $0x80, s31, s29, $0xb8;
	[tilespmem:$0x1C200] =	vst v63  }
0x6b: {  	s12 =	sadd.s32 $0x400, s15;
	s15 =	sadd.s32 $0x400, s18;
	_ =	swait.ge [sflag:s21], $0x2000  }
.LBB2_2:
0x6c: {  	[sflag:s21] =	ssyncset.done $0x0  }
0x6d: {  	s22 =	sadd.s32 s14, s20;
	[sflag:s21] =	ssyncadd.s32 $0xFFFFE000  }
0x6e: {  	[tilespmem:s31], [sflag:$0x5] =	stream.linear.gather [hbm4b:s22+s3], $0x40, $0x38;
	[tilespmem:$0x1C200] =	vst v63  }
0x6f: {  	_ =	swait.ge [sflag:s21], $0x40  }
0x70: {  	[sflag:s21] =	ssyncset.done $0x0  }
0x71: {  	s24 =	sadd.s32 s14, s19;
	[sflag:s21] =	ssyncadd.s32 $0xFFFFFFC0  }
0x72: {  	[tilespmem:s0], [sflag:$0x5] =	stream.linear.gather [hbm4b:s24+s3], $0x40, $0x38;
	[tilespmem:$0x1C200] =	vst v63  }
0x73: {  	_ =	swait.ge [sflag:s21], $0x40  }
0x74: {  	[sflag:s21] =	ssyncset.done $0x0  }
0x75: {  	s25 =	rddreg [dreg:$0x4];
	[sflag:s21] =	ssyncadd.s32 $0xFFFFFFC0  }
0x76: {  	[tilespmem:s4], [sflag:$0x3] =	stream.indirect.gather [hbm4b:s25+s29], $0x80, s0, s29, $0xb8;
	[tilespmem:$0x1C200] =	vst v63  }
0x77: {  	_ = 	snop  }
0x78: {  	[tilespmem:s1], [sflag:$0x4] =	stream.linear.gather [hbm4b:s15+s3], $0x2000, $0x38;
	[tilespmem:$0x1C200] =	vst v63  }
0x79: {  	_ =	swait.ge [sflag:s6], $0x2000  }
0x7a: {  	[sflag:s6] =	ssyncset.done $0x0  }
0x7b: {  	[sflag:s6] =	ssyncadd.s32 $0xFFFFE000  }
0x7c: {  	_ =	swait.ge [sflag:s7], $0x2000  }
0x7d: {  	[sflag:s7] =	ssyncset.done $0x0  }
0x7e: {  	[sflag:s7] =	ssyncadd.s32 $0xFFFFE000  }
0x7f: {  	[spmem:s2] =	stream.indirect.scatter.add.f32 [tilespmem:s3], [sflag:$0x5], $0x80, s28, s29, $0xb8;
	[tilespmem:$0x1C200] =	vst v63  }
0x80: {  	_ =	swait.ge [sflag:s21], $0x2000  }
0x81: {  	[sflag:s21] =	ssyncset.done $0x0  }
0x82: {  	p1 =	seq.s32 s14, $0x278;
	[sflag:s21] =	ssyncadd.s32 $0xFFFFE000  }
0x83: {  	[spmem:s2] =	stream.indirect.scatter.add.f32 [tilespmem:s30], [sflag:$0x5], $0x80, s28, s29, $0xb8;
	[tilespmem:$0x1C200] =	vst v63  }
0x84: {  	s23 =	simm.s32 @!p1 $0x0;
	_ =	swait.ge [sflag:s21], $0x2000  }
0x85: {  	s24 =	simm.s32 @!p1 $0x4000;
	s22 =	rddreg [dreg:$0x6];
	[sflag:s21] =	ssyncset.done $0x0  }
0x86: {  	s25 =	simm.s32 @!p1 $0x5;
	[sflag:s21] =	ssyncadd.s32 $0xFFFFE000;
	s22 =	sadd.s32 @!p1 s14, s22  }
0x87: {  	[tilespmem:s24], [sflag:$0x5] =	stream.linear.gather @!p1 [hbm4b:s22+s23], $0x40, $0x38;
	[tilespmem:$0x1C200] =	vst v63  }
0x88: {  	_ =	swait.ge @!p1 [sflag:s25], $0x40  }
0x89: {  	[sflag:s25] =	ssyncset.done @!p1 $0x0;
	s22 =	rddreg [dreg:$0x5]  }
0x8a: {  	s17 =	simm.s32 @!p1 $0x4080;
	[sflag:s25] =	ssyncadd.s32 @!p1 $0xFFFFFFC0;
	s22 =	sadd.s32 @!p1 s14, s22  }
0x8b: {  	[tilespmem:s17], [sflag:$0x5] =	stream.linear.gather @!p1 [hbm4b:s22+s23], $0x40, $0x38;
	[tilespmem:$0x1C200] =	vst v63  }
0x8c: {  	_ =	swait.ge @!p1 [sflag:s25], $0x40  }
0x8d: {  	[sflag:s25] =	ssyncset.done @!p1 $0x0  }
0x8e: {  	s17 =	simm.s32 @!p1 $0x40;
	[sflag:s25] =	ssyncadd.s32 @!p1 $0xFFFFFFC0  }
0x8f: {  	[tilespmem:s23], [sflag:$0x1] =	stream.indirect.gather @!p1 [hbm4b:s5+s17], $0x80, s24, s17, $0xb8;
	[tilespmem:$0x1C200] =	vst v63  }
0x90: {  	s22 =	simm.s32 @!p1 $0x2000  }
0x91: {  	[tilespmem:s22], [sflag:$0x2] =	stream.linear.gather @!p1 [hbm4b:s12+s23], $0x2000, $0x38;
	[tilespmem:$0x1C200] =	vst v63  }
0x92: {  	_ =	swait.ge [sflag:s8], $0x2000  }
0x93: {  	[sflag:s8] =	ssyncset.done $0x0  }
0x94: {  	[sflag:s8] =	ssyncadd.s32 $0xFFFFE000  }
0x95: {  	_ =	swait.ge [sflag:s9], $0x2000  }
0x96: {  	s26 =	smov.u32 s16;
	s16 =	sadd.s32 $0x8, s16;
	[sflag:s9] =	ssyncset.done $0x0  }
0x97: {  	p0 =	sne.s32 s16, $0x280;
	[sflag:s9] =	ssyncadd.s32 $0xFFFFE000  }
0x98: {  	[spmem:s2] =	stream.indirect.scatter.add.f32 [tilespmem:s4], [sflag:$0x5], $0x80, s31, s29, $0xb8;
	[tilespmem:$0x1C200] =	vst v63  }
.Ltmp0:
0x99: {  	_ =	swait.ge [sflag:s21], $0x2000;
	(pc) =	sbr.rel @p0 .LBB2_2-.Ltmp0, $4  }
0x9a: {  	[sflag:s21] =	ssyncset.done $0x0  }
0x9b: {  	s15 =	sadd.s32 $0x400, s15;
	[sflag:s21] =	ssyncadd.s32 $0xFFFFE000  }
0x9c: {  	[spmem:s2] =	stream.indirect.scatter.add.f32 [tilespmem:s1], [sflag:$0x5], $0x80, s31, s29, $0xb8;
	[tilespmem:$0x1C200] =	vst v63  }
0x9d: {  	s14 =	smov.u32 s26;
	s12 =	sadd.s32 $0x400, s12;
	_ =	swait.ge [sflag:s21], $0x2000  }
0x9e: {  	[sflag:s21] =	ssyncset.done $0x0  }
0x9f: {  	s16 =	sadd.s32 s14, s20;
	[sflag:s21] =	ssyncadd.s32 $0xFFFFE000  }
0xa0: {  	[tilespmem:s31], [sflag:$0x5] =	stream.linear.gather [hbm4b:s16+s3], $0x40, $0x38;
	[tilespmem:$0x1C200] =	vst v63  }
0xa1: {  	_ =	swait.ge [sflag:s21], $0x40  }
0xa2: {  	[sflag:s21] =	ssyncset.done $0x0  }
0xa3: {  	s24 =	sadd.s32 s14, s19;
	[sflag:s21] =	ssyncadd.s32 $0xFFFFFFC0  }
0xa4: {  	[tilespmem:s0], [sflag:$0x5] =	stream.linear.gather [hbm4b:s24+s3], $0x40, $0x38;
	[tilespmem:$0x1C200] =	vst v63  }
0xa5: {  	_ =	swait.ge [sflag:s21], $0x40  }
0xa6: {  	[sflag:s21] =	ssyncset.done $0x0  }
0xa7: {  	s25 =	rddreg [dreg:$0x4];
	[sflag:s21] =	ssyncadd.s32 $0xFFFFFFC0  }
0xa8: {  	[tilespmem:s4], [sflag:$0x3] =	stream.indirect.gather [hbm4b:s25+s29], $0x80, s0, s29, $0xb8;
	[tilespmem:$0x1C200] =	vst v63  }
0xa9: {  	_ = 	snop  }
0xaa: {  	[tilespmem:s1], [sflag:$0x4] =	stream.linear.gather [hbm4b:s15+s3], $0x2000, $0x38;
	[tilespmem:$0x1C200] =	vst v63  }
0xab: {  	_ =	swait.ge [sflag:s6], $0x2000  }
0xac: {  	[sflag:s6] =	ssyncset.done $0x0  }
0xad: {  	[sflag:s6] =	ssyncadd.s32 $0xFFFFE000  }
0xae: {  	_ =	swait.ge [sflag:s7], $0x2000  }
0xaf: {  	[sflag:s7] =	ssyncset.done $0x0  }
0xb0: {  	[sflag:s7] =	ssyncadd.s32 $0xFFFFE000  }
0xb1: {  	[spmem:s2] =	stream.indirect.scatter.add.f32 [tilespmem:s3], [sflag:$0x5], $0x80, s28, s29, $0xb8;
	[tilespmem:$0x1C200] =	vst v63  }
0xb2: {  	_ =	swait.ge [sflag:s21], $0x2000  }
0xb3: {  	[sflag:s21] =	ssyncset.done $0x0  }
0xb4: {  	p0 =	seq.s32 s14, $0x278;
	[sflag:s21] =	ssyncadd.s32 $0xFFFFE000  }
0xb5: {  	[spmem:s2] =	stream.indirect.scatter.add.f32 [tilespmem:s30], [sflag:$0x5], $0x80, s28, s29, $0xb8;
	[tilespmem:$0x1C200] =	vst v63  }
0xb6: {  	s17 =	simm.s32 @!p0 $0x4000;
	_ =	swait.ge [sflag:s21], $0x2000  }
0xb7: {  	s22 =	simm.s32 @!p0 $0x5;
	s15 =	rddreg [dreg:$0x6];
	[sflag:s21] =	ssyncset.done $0x0  }
0xb8: {  	s16 =	simm.s32 @!p0 $0x0;
	[sflag:s21] =	ssyncadd.s32 $0xFFFFE000;
	s15 =	sadd.s32 @!p0 s14, s15  }
0xb9: {  	[tilespmem:s17], [sflag:$0x5] =	stream.linear.gather @!p0 [hbm4b:s15+s16], $0x40, $0x38;
	[tilespmem:$0x1C200] =	vst v63  }
0xba: {  	_ =	swait.ge @!p0 [sflag:s22], $0x40  }
0xbb: {  	s15 =	rddreg [dreg:$0x5];
	[sflag:s22] =	ssyncset.done @!p0 $0x0  }
0xbc: {  	[sflag:s22] =	ssyncadd.s32 @!p0 $0xFFFFFFC0;
	s14 =	sadd.s32 @!p0 s14, s15;
	s15 =	simm.s32 @!p0 $0x4080  }
0xbd: {  	[tilespmem:s15], [sflag:$0x5] =	stream.linear.gather @!p0 [hbm4b:s14+s16], $0x40, $0x38;
	[tilespmem:$0x1C200] =	vst v63  }
0xbe: {  	_ =	swait.ge @!p0 [sflag:s22], $0x40  }
0xbf: {  	[sflag:s22] =	ssyncset.done @!p0 $0x0  }
0xc0: {  	s14 =	simm.s32 @!p0 $0x40;
	[sflag:s22] =	ssyncadd.s32 @!p0 $0xFFFFFFC0  }
0xc1: {  	[tilespmem:s16], [sflag:$0x1] =	stream.indirect.gather @!p0 [hbm4b:s5+s14], $0x80, s17, s14, $0xb8;
	[tilespmem:$0x1C200] =	vst v63  }
0xc2: {  	s14 =	simm.s32 @!p0 $0x2000  }
0xc3: {  	[tilespmem:s14], [sflag:$0x2] =	stream.linear.gather @!p0 [hbm4b:s12+s16], $0x2000, $0x38;
	[tilespmem:$0x1C200] =	vst v63  }
0xc4: {  	_ =	swait.ge [sflag:s8], $0x2000  }
0xc5: {  	[sflag:s8] =	ssyncset.done $0x0  }
0xc6: {  	[sflag:s8] =	ssyncadd.s32 $0xFFFFE000  }
0xc7: {  	_ =	swait.ge [sflag:s9], $0x2000  }
0xc8: {  	[sflag:s9] =	ssyncset.done $0x0  }
0xc9: {  	[sflag:s9] =	ssyncadd.s32 $0xFFFFE000  }
0xca: {  	[spmem:s2] =	stream.indirect.scatter.add.f32 [tilespmem:s4], [sflag:$0x5], $0x80, s31, s29, $0xb8;
	[tilespmem:$0x1C200] =	vst v63  }
0xcb: {  	_ =	swait.ge [sflag:s21], $0x2000  }
0xcc: {  	[sflag:s21] =	ssyncset.done $0x0  }
0xcd: {  	[sflag:s21] =	ssyncadd.s32 $0xFFFFE000  }
0xce: {  	[spmem:s2] =	stream.indirect.scatter.add.f32 [tilespmem:s1], [sflag:$0x5], $0x80, s31, s29, $0xb8;
	[tilespmem:$0x1C200] =	vst v63  }
0xcf: {  	_ =	swait.ge [sflag:s21], $0x2000  }
0xd0: {  	[sflag:s21] =	ssyncset.done $0x0  }
0xd1: {  	[sflag:s21] =	ssyncadd.s32 $0xFFFFE000  }
0xd2: {  	[bflag:$0x0] =	sbarrier.arrive $0xFFFF  }
0xd3: {  	s26 =	rddreg [dreg:$0x7]  }
0xd4: {  	[hbm:s26], [sflag:s13] =	dma.local [spmem:s11], $0x800  }
0xd5: {  	_ =	swait.ge [sflag:s21], $0x800  }
0xd6: {  	[sflag:s21] =	ssyncset.done $0x0;
	s14 =	rddreg [dreg:$0x8]  }
0xd7: {  	s15 =	rddreg [dreg:$0x12];
	[sflag:s21] =	ssyncadd.s32 $0xFFFFF800  }
0xd8: {  	[hbm:s14], [sflag:s13] =	dma.local [spmem:s15], $0x800  }
0xd9: {  	_ =	swait.ge [sflag:s21], $0x800  }
0xda: {  	[sflag:s21] =	ssyncset.done $0x0;
	s16 =	rddreg [dreg:$0x9]  }
0xdb: {  	s17 =	rddreg [dreg:$0x13];
	[sflag:s21] =	ssyncadd.s32 $0xFFFFF800  }
0xdc: {  	[hbm:s16], [sflag:s13] =	dma.local [spmem:s17], $0x800  }
0xdd: {  	_ =	swait.ge [sflag:s21], $0x800  }
0xde: {  	[sflag:s21] =	ssyncset.done $0x0;
	s22 =	rddreg [dreg:$0xa]  }
0xdf: {  	s23 =	rddreg [dreg:$0x14];
	[sflag:s21] =	ssyncadd.s32 $0xFFFFF800  }
0xe0: {  	[hbm:s22], [sflag:s13] =	dma.local [spmem:s23], $0x800  }
0xe1: {  	_ =	swait.ge [sflag:s21], $0x800  }
0xe2: {  	[sflag:s21] =	ssyncset.done $0x0;
	s24 =	rddreg [dreg:$0xb]  }
0xe3: {  	s25 =	rddreg [dreg:$0x15];
	[sflag:s21] =	ssyncadd.s32 $0xFFFFF800  }
0xe4: {  	[hbm:s24], [sflag:s13] =	dma.local [spmem:s25], $0x800  }
0xe5: {  	_ =	swait.ge [sflag:s21], $0x800  }
0xe6: {  	s10 =	sadd.s32 $0x1, s10;
	s26 =	rddreg [dreg:$0x10]  }
0xe7: {  	p0 =	sne.s32 s10, s26  }
.Ltmp1:
0xe8: {  	_ = 	snop;
	(pc) =	sbr.rel @p0 .LBB2_1-.Ltmp1, $3  }
0xe9: {  	_ =	sdelay $0x1  }
0xea: {  	[sflag:s21] =	ssyncset.done $0x0  }
0xeb: {  	[sflag:s21] =	ssyncadd.s32 $0xFFFFF800  }
0xec: {  	_ =	sfence.sel $0x180000  }
0xed: {  	[bflag:$0x0] =	sbarrier.arrive $0xFFFF  }
0xee: {  	_ =	strace $0x9000004D  }
0xef: {  	s0 =	stileid.u32;
	[bflag:$0x2] =	sbarrier.arrive $0xFFFF  }
0xf0: {  	p0 =	sne.s32 s0, $0x0;
	s0 =	rddreg [dreg:$0x3]  }
0xf1: {  	s0 =	sadd.s32 @!p0 $0x100000, s0  }
0xf2: {  	[sflag:s0] =	ssyncadd.tile.s32 @!p0 $0x1;
	_ =	shalt  }
.Lfunc_end2:
_tile_overlayer_lowered:
.L_overlay_start_2:
0xf3: {  	(tag) =	ssettag $0x2  }
0xf4: {  	s0 =	rddreg [dreg:$0x0];
	s2 =	stileid.u32  }
0xf5: {  	s1 =	rddreg [dreg:$0x1];
	p0 =	sne.s32 s2, $0x0  }
0xf6: {  	s3 =	rddreg [dreg:$0x2];
	[bflag:$0x3] =	sbarrier.arrive $0xFFFF;
	s2 =	simm.s32 @!p0 $0x1C05  }
0xf7: {  	[timem:s3], [sflag:s2] =	dma.local @!p0 [hbm:s0], s1  }
0xf8: {  	s0 =	simm.s32 @!p0 $0x5  }
0xf9: {  	_ =	swait.ge @!p0 [sflag:s0], s1  }
0xfa: {  	s1 =	ssub.s32 @!p0 $0x0, s1;
	[sflag:s0] =	ssyncset.done @!p0 $0x0  }
0xfb: {  	[sflag:s0] =	ssyncadd.s32 @!p0 s1  }
0xfc: {  	[bflag:$0x3] =	sbarrier.arrive $0xFFFF  }
0xfd: {  	_ =	shalt  }

// kernel: kernel.21.cloned.1.call-start
scs
__scs_entry_jumppad:
0x0: {  	(pc) =	sbr.rel $0x88, $3  }
0x1: {  	(tag) =	ssettag $0x0;
	lr =	simm.s32 $0x1  }
0x2: {  	[smem:$0x3F89] =	sst lr;
	_ =	strace $0xD0000000  }
0x3: {  	_ = 	snop  }
0x4: {  	_ = 	snop  }
0x5: {  	_ = 	snop  }
0x6: {  	_ = 	snop  }
0x7: {  	_ = 	snop  }
__scs_overlays_trampoline_lowered:
0x8: {  	[smem:$0x3F98] =	sst s0  }
0x9: {  	[smem:$0x3F99] =	sst s1  }
0xa: {  	[smem:$0x3F9A] =	sst s2  }
0xb: {  	[smem:$0x3F9B] =	sst s3  }
0xc: {  	[smem:$0x3F9C] =	sst s4  }
0xd: {  	[smem:$0x3F9D] =	sst s5  }
0xe: {  	[smem:$0x3F9E] =	sst s6  }
0xf: {  	[smem:$0x3F9F] =	sst s7  }
0x10: {  	[smem:$0x3FA0] =	sst s8  }
0x11: {  	[smem:$0x3FA1] =	sst s9;
	s0 =	simm.s32 @!p0 $0x0  }
0x12: {  	s1 =	sld [smem:$0x3F87];
	s0 =	simm.s32 @p0 $0x1  }
0x13: {  	[smem:$0x3FA2] =	sst s0;
	s0 =	simm.s32 @!p1 $0x0  }
0x14: {  	s2 =	sld [smem:$0x3F86];
	s0 =	simm.s32 @p1 $0x1  }
0x15: {  	[smem:$0x3FA3] =	sst s0;
	s0 =	simm.s32 @!p2 $0x0  }
0x16: {  	s3 =	sld [smem:$0x3FDB];
	s0 =	simm.s32 @p2 $0x1  }
0x17: {  	s4 =	simm.s32 $0x1BF5;
	[smem:$0x3FA5] =	sst s0  }
0x18: {  	s0 =	sld [smem:$0x3F88];
	_ =	swait.ge [sflag:s4], $0x0  }
0x19: {  	s7 =	sld [smem:$0x3F89]  }
0x1a: {  	s8 =	sadd.s32 $0xFFFFE003, lr  }
0x1b: {  	s9 =	sadd.s32 $0xFFFFFEF7, lr;
	s5 =	simm.s32 $0xFFFFFFFF;
	p2 =	slt.u32 s8, $0xFFFFF086  }
0x1c: {  	p1 =	slt.u32 s9, $0xF7A;
	s5 =	simm.s32 @!p2 $0x0  }
0x1d: {  	s5 =	simm.s32 @p1 $0x1;
	p0 =	seq.s32 s7, s2  }
0x1e: {  	s7 =	smul.u32 @!p0 $0xF7A, s2;
	p2 =	seq.s32 @!p0 s5, $0x0  }
0x1f: {  	s9 =	smul.u32 $0xF7A, s1;
	s8 =	simm.s32 @!p0 $0x1BF5;
	p2 =	por !p2, p0  }
0x20: {  	[sflag:s8] =	ssyncset.s32 @!p0 $0xFFFFF086;
	s6 =	sadd.s32 @!p0 s3, s7;
	s7 =	simm.s32 @!p0 $0x108  }
0x21: {  	s3 =	sadd.s32 s3, s9;
	s6 =	sadd.s32 @!p0 $0x88, s6;
	s7 =	simm.s32 @p2 $0x1082  }
0x22: {  	[simem:s7], [sflag:s8] =	dma.local @!p0 [hbm:s6], $0xF7A  }
0x23: {  	s9 =	sor.u32 $0xD0000000, s2;
	s6 =	simm.s32 $0x108;
	_ =	swait.ge @!p0 [sflag:s8], $0x0  }
0x24: {  	s3 =	sadd.s32 $0x88, s3;
	s6 =	simm.s32 @!p1 $0x1082;
	[sflag:s4] =	ssyncset.s32 $0xFFFFF086  }
0x25: {  	[simem:s6], [sflag:s4] =	dma.local [hbm:s3], $0xF7A  }
0x26: {  	[smem:$0x3F89] =	sst s1;
	(tag) =	ssettag s2;
	_ =	strace s9  }
0x27: {  	s1 =	sld [smem:$0x3F99]  }
0x28: {  	s2 =	sld [smem:$0x3F9A]  }
0x29: {  	s4 =	sld [smem:$0x3F9C]  }
0x2a: {  	p0 =	seq.s32 s5, $0x0;
	s5 =	sld [smem:$0x3F9D]  }
0x2b: {  	s6 =	sld [smem:$0x3F9E]  }
0x2c: {  	s7 =	sld [smem:$0x3F9F]  }
0x2d: {  	s3 =	simm.s32 $0x108;
	s8 =	sld [smem:$0x3FA0]  }
0x2e: {  	s3 =	simm.s32 @!p0 $0x1082;
	s9 =	sld [smem:$0x3FA1]  }
0x2f: {  	lr =	sadd.s32 s0, s3;
	s0 =	sld [smem:$0x3F98]  }
0x30: {  	s3 =	sld [smem:$0x3F9B]  }
0x31: {  	[smem:$0x3FA4] =	sst s10  }
0x32: {  	s10 =	sld [smem:$0x3FA2];
	_ =	sdelay $0x3  }
0x33: {  	p0 =	seq.s32 s10, $0x1;
	s10 =	sld [smem:$0x3FA4];
	_ =	sdelay $0x3  }
0x34: {  	[smem:$0x3FA4] =	sst s10  }
0x35: {  	s10 =	sld [smem:$0x3FA3];
	_ =	sdelay $0x3  }
0x36: {  	p1 =	seq.s32 s10, $0x1;
	s10 =	sld [smem:$0x3FA4];
	_ =	sdelay $0x3  }
0x37: {  	[smem:$0x3FA4] =	sst s10  }
0x38: {  	s10 =	sld [smem:$0x3FA5]  }
0x39: {  	_ = 	snop;
	(pc) =	sbr.ind lr, $3  }
0x3a: {  	_ = 	snop  }
0x3b: {  	_ = 	snop  }
0x3c: {  	p2 =	seq.s32 s10, $0x1;
	s10 =	sld [smem:$0x3FA4]  }
0x3d: {  	_ =	shalt  }
0x3e: {  	_ =	shalt  }
0x3f: {  	_ =	shalt  }
0x40: {  	_ =	shalt  }
0x41: {  	_ =	shalt  }
0x42: {  	_ =	shalt  }
0x43: {  	_ =	shalt  }
0x44: {  	_ =	shalt  }
0x45: {  	_ =	shalt  }
0x46: {  	_ =	shalt  }
0x47: {  	_ =	shalt  }
0x48: {  	_ =	shalt  }
0x49: {  	_ =	shalt  }
0x4a: {  	_ =	shalt  }
0x4b: {  	_ =	shalt  }
0x4c: {  	_ =	shalt  }
0x4d: {  	_ =	shalt  }
0x4e: {  	_ =	shalt  }
0x4f: {  	_ =	shalt  }
0x50: {  	_ =	shalt  }
0x51: {  	_ =	shalt  }
0x52: {  	_ =	shalt  }
0x53: {  	_ =	shalt  }
0x54: {  	_ =	shalt  }
0x55: {  	_ =	shalt  }
0x56: {  	_ =	shalt  }
0x57: {  	_ =	shalt  }
0x58: {  	_ =	shalt  }
0x59: {  	_ =	shalt  }
0x5a: {  	_ =	shalt  }
0x5b: {  	_ =	shalt  }
0x5c: {  	_ =	shalt  }
0x5d: {  	_ =	shalt  }
0x5e: {  	_ =	shalt  }
0x5f: {  	_ =	shalt  }
0x60: {  	_ =	shalt  }
0x61: {  	_ =	shalt  }
0x62: {  	_ =	shalt  }
0x63: {  	_ =	shalt  }
0x64: {  	_ =	shalt  }
0x65: {  	_ =	shalt  }
0x66: {  	_ =	shalt  }
0x67: {  	_ =	shalt  }
0x68: {  	_ =	shalt  }
0x69: {  	_ =	shalt  }
0x6a: {  	_ =	shalt  }
0x6b: {  	_ =	shalt  }
0x6c: {  	_ =	shalt  }
0x6d: {  	_ =	shalt  }
0x6e: {  	_ =	shalt  }
0x6f: {  	_ =	shalt  }
0x70: {  	_ =	shalt  }
0x71: {  	_ =	shalt  }
0x72: {  	_ =	shalt  }
0x73: {  	_ =	shalt  }
0x74: {  	_ =	shalt  }
0x75: {  	_ =	shalt  }
0x76: {  	_ =	shalt  }
0x77: {  	_ =	shalt  }
0x78: {  	_ =	shalt  }
0x79: {  	_ =	shalt  }
0x7a: {  	_ =	shalt  }
0x7b: {  	_ =	shalt  }
0x7c: {  	_ =	shalt  }
0x7d: {  	_ =	shalt  }
0x7e: {  	_ =	shalt  }
0x7f: {  	_ =	shalt  }
0x80: {  	_ =	shalt  }
0x81: {  	_ =	shalt  }
0x82: {  	_ =	shalt  }
0x83: {  	_ =	shalt  }
0x84: {  	_ =	shalt  }
0x85: {  	_ =	shalt  }
0x86: {  	_ =	shalt  }
0x87: {  	_ =	shalt  }
.Lfunc_end0:
.L_simem_size_0:
called_computation.3_lowered:
.L_overlay_start_0:
0x88: {  	s2 =	sld [smem:$0x3FD9]  }
0x89: {  	s3 =	sld [smem:$0x3FFE];
	_ =	sdelay $0x1  }
0x8a: {  	s1 =	srdreg.scid  }
0x8b: {  	s0 =	sand.u32 $0x1, s1  }
0x8c: {  	s16 =	sshll.u32 s0, $0xA;
	s2 =	sadd.s32 s3, s2  }
0x8d: {  	s2 =	sadd.s32 s2, s16  }
0x8e: {  	[smem:$0x3FB0] =	sst s2  }
0x8f: {  	_ = 	snop  }
0x90: {  	(tm) =	ssettm $0x1  }
0x91: {  	s17 =	sld [smem:$0x3FFB];
	_ =	sdelay $0x3  }
0x92: {  	_ =	strace s17  }
0x93: {  	s2 =	sld [smem:$0x3FFC];
	_ =	sdelay $0x3  }
0x94: {  	_ =	strace s2  }
0x95: {  	s2 =	sld [smem:$0x3FFD];
	_ =	sdelay $0x3  }
0x96: {  	_ =	strace s2  }
0x97: {  	_ =	strace $0x8FFFFFFF  }
0x98: {  	s18 =	sld [smem:$0x3FDB];
	_ =	sdelay $0x1  }
0x99: {  	s19 =	simm.s32 $_scs_section_size  }
0x9a: {  	s4 =	simm.s32 $_size__tile_overlayer_lowered;
	s5 =	simm.s32 $_tile_overlayer_lowered  }
0x9b: {  	s22 =	simm.s32 $0x1BFF;
	s21 =	sshll.u32 s5, $0x1;
	s2 =	sadd.s32 s19, s18  }
0x9c: {  	s6 =	simm.s32 $0x0;
	s20 =	sshll.u32 s4, $0x1;
	s4 =	sadd.s32 s21, s2  }
0x9d: {  	[timem:s6], [sflag:s22] =	dma.local [hbm:s4], s20  }
0x9e: {  	_ =	swait.ge [sflag:s22], s20  }
0x9f: {  	s3 =	ssub.s32 $0x0, s20;
	[sflag:s22] =	ssyncset.done $0x0  }
0xa0: {  	[sflag:s22] =	ssyncadd.s32 s3;
	_ =	sdelay $0x1  }
0xa1: {  	s23 =	simm.s32 $0x1B8B  }
0xa2: {  	_ =	swait.ge [sflag:s23], $0x1  }
0xa3: {  	[sflag:s23] =	ssyncset.done $0x0  }
0xa4: {  	s25 =	simm.s32 $0x1B8E;
	s24 =	sld [smem:$0x3FFE];
	[sflag:s23] =	ssyncadd.s32 $0xFFFFFFFF  }
0xa5: {  	s26 =	simm.s32 $execute0_lowered;
	[smem:$0x3FD2] =	sst s25  }
0xa6: {  	s4 =	sshll.u32 s26, $0x1;
	_ =	strace $0x8000004F;
	[dreg:$0x1] =	wrdreg $0xFFFFFFFF  }
0xa7: {  	s28 =	simm.s32 $_size_execute0_lowered;
	s2 =	sadd.s32 s2, s4;
	[dreg:$0x0] =	wrdreg $0x0  }
0xa8: {  	s4 =	sshll.u32 s28, $0x1;
	[dreg:$0x2] =	wrdreg s2  }
0xa9: {  	[dreg:$0x3] =	wrdreg s4  }
0xaa: {  	[dreg:$0x4] =	wrdreg $0xC0  }
0xab: {  	_ =	task [dreg:s6], $0x5FFFF  }
0xac: {  	[dreg:$0x1] =	wrdreg $0xFFFFFFFF  }
0xad: {  	[dreg:$0x0] =	wrdreg $0x60  }
0xae: {  	[dreg:$0x2] =	wrdreg s24  }
0xaf: {  	[dreg:$0x3] =	wrdreg $0x9  }
0xb0: {  	_ =	task.clear_ibuf [dreg:s6], $0x4FFFF;
	_ =	strace $0x9000004F  }
0xb1: {  	s29 =	simm.s32 $0x9;
	_ =	strace $0x80000051  }
0xb2: {  	_ =	swait.ge [sflag:s29], $0x1  }
0xb3: {  	[sflag:s29] =	ssyncadd.s32 $0xFFFFFFFF  }
0xb4: {  	_ =	strace $0x90000051  }
0xb5: {  	_ =	sfence  }
0xb6: {  	s30 =	sld [smem:$0x0];
	_ =	sdelay $0x2  }
0xb7: {  	s31 =	sshll.u32 s1, $0xD;
	s1 =	sshrl.u32 s1, $0x2  }
0xb8: {  	s3 =	sand.u32 $0x4000, s31;
	s1 =	sadd.s32 s1, s30  }
0xb9: {  	s0 =	sor.u32 s3, s0;
	s1 =	sshll.u32 s1, $0x11  }
0xba: {  	s0 =	sor.u32 s1, s0  }
0xbb: {  	s0 =	sadd.s32 $0x8F2B, s0  }
0xbc: {  	[sflag:s0] =	ssyncadd.remote.s32 $0x1  }
0xbd: {  	_ =	sfence.sel $0xFFFF  }
0xbe: {  	[dreg:$0x0] =	wrdreg $0xFFFFFFFF;
	(pc) =	sbr.abs _section_cstart, $3  }
0xbf: {  	[dreg:$0x1] =	wrdreg $0xFFFFFFFF  }
0xc0: {  	_ =	task.clear_ibuf [dreg:s6], $0x2FFFF;
	_ =	strace $0x9FFFFFFF  }
0xc1: {  	(tm) =	ssettm $0x7FFFFFFF  }
tec
execute0_lowered:
.L_overlay_start_1:
0x0: {  	(tag) =	ssettag $0x1  }
0x1: {  	s0 =	rddreg [dreg:$0x0];
	s2 =	simm.s32 $0x0  }
0x2: {  	s1 =	srdreg.scid;
	s3 =	stileid.u32;
	s17 =	simm.s32 $0x7  }
0x3: {  	s20 =	simm.s32 $0x50;
	s23 =	simm.s32 $0xFB80;
	s24 =	simm.s32 $0xFC00  }
0x4: {  	s30 =	simm.s32 $0x1;
	s31 =	simm.s32 $0x2;
	s21 =	simm.s32 $0x4  }
0x5: {  	s22 =	simm.s32 $0x5;
	s16 =	simm.s32 $0x6;
	s18 =	simm.s32 $0xF680  }
0x6: {  	[smem:$0x7FF] =	sst s2;
	s1 =	sand.u32 $0x1, s1;
	s3 =	sshll.u32 s3, $0x1  }
0x7: {  	s4 =	sadd.s32 $0x6600, s0;
	s6 =	sadd.s32 $0x8600, s0;
	s7 =	sadd.s32 $0xD600, s0  }
0x8: {  	s8 =	sadd.s32 $0x12600, s0;
	s5 =	sor.u32 s1, s3;
	s1 =	ssub.s32 $0x2, s1  }
0x9: {  	s9 =	sadd.s32 $0x3F600, s0;
	s5 =	smul.u32 $0x1400, s5;
	s10 =	sshrl.u32 s1, $0x1  }
0xa: {  	_ =	strace $0x80000050;
	s3 =	sadd.s32 $0x17600, s0;
	s25 =	ssub.s32 s1, s10  }
0xb: {  	s1 =	simm.s32 $0x7800;
	s11 =	sshrl.u32 s5, $0x3;
	s0 =	smax.u32 s25, $0x1  }
0xc: {  	s13 =	sor.u32 $0x50, s5;
	s26 =	sadd.s32 s6, s11;
	[dreg:$0x5] =	wrdreg s0  }
0xd: {  	s14 =	sor.u32 $0xA0, s5;
	s28 =	sadd.s32 s7, s11;
	[dreg:$0x2] =	wrdreg s26  }
0xe: {  	s25 =	simm.s32 $0xFC80;
	s29 =	sadd.s32 s8, s11;
	[dreg:$0x3] =	wrdreg s28  }
0xf: {  	s0 =	simm.s32 $0x3;
	s11 =	simm.s32 $0x0;
	[dreg:$0x4] =	wrdreg s29  }
.LBB2_1:
0x10: {  	[dreg:$0x6] =	wrdreg s11  }
0x11: {  	s10 =	rddreg [dreg:$0x2];
	s29 =	simm.s32 $0x7D00  }
0x12: {  	[tilespmem:s29], [sflag:$0x7] =	stream.linear.gather [hbm4b:s10+s2], $0x50, $0x38;
	[tilespmem:$0xFD00] =	vst v63  }
0x13: {  	_ =	swait.ge [sflag:s17], $0x50  }
0x14: {  	[sflag:s17] =	ssyncset.done $0x0  }
0x15: {  	s12 =	simm.s32 $0x7D80;
	s19 =	rddreg [dreg:$0x3];
	[sflag:s17] =	ssyncadd.s32 $0xFFFFFFB0  }
0x16: {  	[tilespmem:s12], [sflag:$0x7] =	stream.linear.gather [hbm4b:s19+s2], $0x50, $0x38;
	[tilespmem:$0xFD00] =	vst v63  }
0x17: {  	_ =	swait.ge [sflag:s17], $0x50  }
0x18: {  	[sflag:s17] =	ssyncset.done $0x0  }
0x19: {  	s15 =	simm.s32 $0x7E00;
	s26 =	rddreg [dreg:$0x4];
	[sflag:s17] =	ssyncadd.s32 $0xFFFFFFB0  }
0x1a: {  	[tilespmem:s15], [sflag:$0x7] =	stream.linear.gather [hbm4b:s26+s2], $0x50, $0x38;
	[tilespmem:$0xFD00] =	vst v63  }
0x1b: {  	_ =	swait.ge [sflag:s17], $0x50  }
0x1c: {  	[sflag:s17] =	ssyncset.done $0x0  }
0x1d: {  	[sflag:s17] =	ssyncadd.s32 $0xFFFFFFB0  }
0x1e: {  	[tilespmem:s2], [sflag:$0x1] =	stream.indirect.gather [hbm4b:s3+s20], $0x80, s29, s20, $0xb8;
	[tilespmem:$0xFD00] =	vst v63  }
0x1f: {  	s28 =	simm.s32 $0x2800  }
0x20: {  	[tilespmem:s28], [sflag:$0x2] =	stream.indirect.gather [hbm4b:s3+s20], $0x80, s12, s20, $0xb8;
	[tilespmem:$0xFD00] =	vst v63  }
0x21: {  	s10 =	simm.s32 $0x0;
	s29 =	simm.s32 $0x5000  }
0x22: {  	[tilespmem:s29], [sflag:$0x3] =	stream.indirect.gather [hbm4b:s4+s20], $0x80, s15, s20, $0xb8;
	[tilespmem:$0xFD00] =	vst v63  }
.LBB2_2:
0x23: {  	s12 =	smul.u32 $0xA0, s10;
	_ =	sdelay $0x1  }
0x24: {  	s11 =	sadd.s32 s12, s13  }
0x25: {  	s15 =	sshrl.u32 s11, $0x3  }
0x26: {  	s26 =	simm.s32 $0x0;
	s19 =	sadd.s32 s6, s15  }
0x27: {  	[tilespmem:s23], [sflag:$0x7] =	stream.linear.gather [hbm4b:s19+s26], $0x50, $0x38;
	[tilespmem:$0xFD00] =	vst v63  }
0x28: {  	_ =	swait.ge [sflag:s17], $0x50  }
0x29: {  	[sflag:s17] =	ssyncset.done $0x0  }
0x2a: {  	s29 =	sadd.s32 s7, s15;
	[sflag:s17] =	ssyncadd.s32 $0xFFFFFFB0  }
0x2b: {  	[tilespmem:s24], [sflag:$0x7] =	stream.linear.gather [hbm4b:s29+s26], $0x50, $0x38;
	[tilespmem:$0xFD00] =	vst v63  }
0x2c: {  	_ =	swait.ge [sflag:s17], $0x50  }
0x2d: {  	[sflag:s17] =	ssyncset.done $0x0  }
0x2e: {  	s15 =	sadd.s32 s8, s15;
	[sflag:s17] =	ssyncadd.s32 $0xFFFFFFB0  }
0x2f: {  	[tilespmem:s25], [sflag:$0x7] =	stream.linear.gather [hbm4b:s15+s26], $0x50, $0x38;
	[tilespmem:$0xFD00] =	vst v63  }
0x30: {  	_ =	swait.ge [sflag:s17], $0x50  }
0x31: {  	[sflag:s17] =	ssyncset.done $0x0  }
0x32: {  	s19 =	simm.s32 $0x7E80;
	[sflag:s17] =	ssyncadd.s32 $0xFFFFFFB0  }
0x33: {  	[tilespmem:s19], [sflag:$0x4] =	stream.indirect.gather [hbm4b:s3+s20], $0x80, s23, s20, $0xb8;
	[tilespmem:$0xFD00] =	vst v63  }
0x34: {  	s26 =	simm.s32 $0xA680  }
0x35: {  	[tilespmem:s26], [sflag:$0x5] =	stream.indirect.gather [hbm4b:s3+s20], $0x80, s24, s20, $0xb8;
	[tilespmem:$0xFD00] =	vst v63  }
0x36: {  	s28 =	simm.s32 $0xCE80  }
0x37: {  	[tilespmem:s28], [sflag:$0x6] =	stream.indirect.gather [hbm4b:s4+s20], $0x80, s25, s20, $0xb8;
	[tilespmem:$0xFD00] =	vst v63  }
0x38: {  	_ =	swait.ge [sflag:s30], $0x2800  }
0x39: {  	[sflag:s30] =	ssyncset.done $0x0  }
0x3a: {  	[sflag:s30] =	ssyncadd.s32 $0xFFFFD800  }
0x3b: {  	_ =	swait.ge [sflag:s31], $0x2800  }
0x3c: {  	[sflag:s31] =	ssyncset.done $0x0  }
0x3d: {  	[sflag:s31] =	ssyncadd.s32 $0xFFFFD800  }
0x3e: {  	_ =	swait.ge [sflag:s0], $0x2800  }
0x3f: {  	[sflag:s0] =	ssyncset.done $0x0  }
0x40: {  	s29 =	simm.s32 $0x0;
	[sflag:s0] =	ssyncadd.s32 $0xFFFFD800  }
0x41: {  	v0 =	vld [tilespmem:s29+$0x70]  }
0x42: {  	v1 =	vld [tilespmem:s29+$0x60]  }
0x43: {  	v2 =	vld [tilespmem:s29+$0x50]  }
0x44: {  	v3 =	vld [tilespmem:s29+$0x40]  }
0x45: {  	v4 =	vld [tilespmem:s29+$0x30]  }
0x46: {  	v5 =	vld [tilespmem:s29+$0x2800]  }
0x47: {  	v6 =	vld [tilespmem:s29+$0x20]  }
0x48: {  	v7 =	vld [tilespmem:s29+$0x5000]  }
0x49: {  	v8 =	vld [tilespmem:s29+$0x0]  }
0x4a: {  	v9 =	vld [tilespmem:s29+$0x10]  }
0x4b: {  	v10 =	vld [tilespmem:s29+$0x5010]  }
0x4c: {  	v11 =	vld [tilespmem:s29+$0x5020]  }
0x4d: {  	v12 =	vld [tilespmem:s29+$0x2810]  }
0x4e: {  	v13 =	vld [tilespmem:s29+$0x5030]  }
0x4f: {  	v14 =	vld [tilespmem:s29+$0x2820]  }
0x50: {  	v7 =	vadd.f32 v7, v8;
	v8 =	vadd.f32 v10, v9;
	v9 =	vld [tilespmem:s29+$0x5040]  }
0x51: {  	v6 =	vadd.f32 v11, v6;
	v10 =	vld [tilespmem:s29+$0x2830]  }
0x52: {  	v5 =	vsub.f32 v7, v5;
	v7 =	vsub.f32 v8, v12;
	v8 =	vld [tilespmem:s29+$0x5050]  }
0x53: {  	v4 =	vadd.f32 v13, v4;
	v11 =	vld [tilespmem:s29+$0x2840]  }
0x54: {  	v63 =	vld [tilespmem:s29+$0x5060];
	v6 =	vsub.f32 v6, v14;
	v5 =	vmul.f32 v5, v5;
	v7 =	vmul.f32 v7, v7  }
0x55: {  	v3 =	vadd.f32 v9, v3;
	v9 =	vld [tilespmem:s29+$0x2850]  }
0x56: {  	v6 =	vmul.f32 v6, v6;
	v4 =	vsub.f32 v4, v10;
	v5 =	vadd.f32 v7, v5;
	v7 =	vld [tilespmem:s29+$0x5070]  }
0x57: {  	v2 =	vadd.f32 v8, v2;
	v8 =	vld [tilespmem:s29+$0x2860]  }
0x58: {  	v4 =	vmul.f32 v4, v4;
	v3 =	vsub.f32 v3, v11;
	v5 =	vadd.f32 v6, v5  }
0x59: {  	v1 =	vadd.f32 v63, v1;
	v6 =	vld [tilespmem:s29+$0x2870]  }
0x5a: {  	v3 =	vmul.f32 v3, v3;
	v4 =	vadd.f32 v4, v5;
	v2 =	vsub.f32 v2, v9  }
0x5b: {  	v0 =	vadd.f32 v7, v0  }
0x5c: {  	v3 =	vadd.f32 v3, v4;
	v2 =	vmul.f32 v2, v2;
	v1 =	vsub.f32 v1, v8;
	_ =	sdelay $0x1  }
0x5d: {  	v0 =	vsub.f32 v0, v6;
	v2 =	vadd.f32 v2, v3;
	v1 =	vmul.f32 v1, v1;
	_ =	sdelay $0x1  }
0x5e: {  	v0 =	vmul.f32 v0, v0;
	v1 =	vadd.f32 v1, v2;
	_ =	sdelay $0x1  }
0x5f: {  	v0 =	vadd.f32 v0, v1  }
0x60: {  	s15 =	simm.s32 $0x7800  }
0x61: {  	s19 =	simm.s32 $0x80;
	[tilespmem:s15+$0x0] =	vst v0  }
0x62: {  	v0 =	vld [tilespmem:s19+$0x70]  }
0x63: {  	v1 =	vld [tilespmem:s19+$0x60]  }
0x64: {  	v2 =	vld [tilespmem:s19+$0x50]  }
0x65: {  	v3 =	vld [tilespmem:s19+$0x40]  }
0x66: {  	v4 =	vld [tilespmem:s19+$0x30]  }
0x67: {  	v5 =	vld [tilespmem:s19+$0x2800]  }
0x68: {  	v6 =	vld [tilespmem:s19+$0x20]  }
0x69: {  	v7 =	vld [tilespmem:s19+$0x5000]  }
0x6a: {  	v8 =	vld [tilespmem:s19+$0x0]  }
0x6b: {  	s26 =	simm.s32 $0x400;
	v9 =	vld [tilespmem:s19+$0x10]  }
.LBB2_3:
0x6c: {  	p0 =	sne.s32 s26, $0x9E00;
	v10 =	vld [tilespmem:s19+$0x5010]  }
0x6d: {  	v11 =	vld [tilespmem:s19+$0x5020]  }
0x6e: {  	v12 =	vld [tilespmem:s19+$0x2810]  }
0x6f: {  	v13 =	vld [tilespmem:s19+$0x5030]  }
0x70: {  	v14 =	vld [tilespmem:s19+$0x2820]  }
0x71: {  	v7 =	vadd.f32 v7, v8;
	v8 =	vadd.f32 v10, v9;
	v9 =	vld [tilespmem:s19+$0x5040]  }
0x72: {  	v6 =	vadd.f32 v11, v6;
	v10 =	vld [tilespmem:s19+$0x2830]  }
0x73: {  	v5 =	vsub.f32 v7, v5;
	v7 =	vsub.f32 v8, v12;
	v8 =	vld [tilespmem:s19+$0x5050]  }
0x74: {  	v4 =	vadd.f32 v13, v4;
	v11 =	vld [tilespmem:s19+$0x2840]  }
0x75: {  	v5 =	vmul.f32 v5, v5;
	v7 =	vmul.f32 v7, v7;
	v6 =	vsub.f32 v6, v14;
	v12 =	vld [tilespmem:s19+$0x5060]  }
0x76: {  	v3 =	vadd.f32 v9, v3;
	v9 =	vld [tilespmem:s19+$0x2850]  }
0x77: {  	v5 =	vadd.f32 v7, v5;
	v6 =	vmul.f32 v6, v6;
	v4 =	vsub.f32 v4, v10;
	v7 =	vld [tilespmem:s19+$0x5070]  }
0x78: {  	v2 =	vadd.f32 v8, v2;
	v8 =	vld [tilespmem:s19+$0x2860]  }
0x79: {  	v5 =	vadd.f32 v6, v5;
	v4 =	vmul.f32 v4, v4;
	v3 =	vsub.f32 v3, v11  }
0x7a: {  	v1 =	vadd.f32 v12, v1;
	v6 =	vld [tilespmem:s19+$0x2870]  }
0x7b: {  	v4 =	vadd.f32 v4, v5;
	v3 =	vmul.f32 v3, v3;
	v2 =	vsub.f32 v2, v9  }
0x7c: {  	v0 =	vadd.f32 v7, v0  }
0x7d: {  	v3 =	vadd.f32 v3, v4;
	v2 =	vmul.f32 v2, v2;
	v1 =	vsub.f32 v1, v8;
	_ =	sdelay $0x1  }
0x7e: {  	v2 =	vadd.f32 v2, v3;
	v1 =	vmul.f32 v1, v1;
	v0 =	vsub.f32 v0, v6;
	_ =	sdelay $0x1  }
0x7f: {  	v1 =	vadd.f32 v1, v2;
	v0 =	vmul.f32 v0, v0;
	_ =	sdelay $0x1  }
0x80: {  	v0 =	vadd.f32 v0, v1  }
0x81: {  	s15 =	sadd.s32 $0x10, s15  }
0x82: {  	s19 =	sshra.s32 s26, $0x2;
	[tilespmem:s15+$0x0] =	vst v0  }
0x83: {  	v0 =	vld [tilespmem:s19+$0x70]  }
0x84: {  	v1 =	vld [tilespmem:s19+$0x60]  }
0x85: {  	v2 =	vld [tilespmem:s19+$0x50]  }
0x86: {  	v3 =	vld [tilespmem:s19+$0x40]  }
0x87: {  	v4 =	vld [tilespmem:s19+$0x30]  }
.Ltmp0:
0x88: {  	v5 =	vld [tilespmem:s19+$0x2800];
	(pc) =	sbr.rel @p0 .LBB2_3-.Ltmp0, $4  }
0x89: {  	v6 =	vld [tilespmem:s19+$0x20]  }
0x8a: {  	v7 =	vld [tilespmem:s19+$0x5000]  }
0x8b: {  	v8 =	vld [tilespmem:s19+$0x0]  }
0x8c: {  	s26 =	sadd.s32 $0x200, s26;
	v9 =	vld [tilespmem:s19+$0x10]  }
0x8d: {  	v10 =	vld [tilespmem:s19+$0x5010]  }
0x8e: {  	v11 =	vld [tilespmem:s19+$0x5020]  }
0x8f: {  	v12 =	vld [tilespmem:s19+$0x2810]  }
0x90: {  	v13 =	vld [tilespmem:s19+$0x5030]  }
0x91: {  	v14 =	vld [tilespmem:s19+$0x2820]  }
0x92: {  	v7 =	vadd.f32 v7, v8;
	v8 =	vadd.f32 v10, v9;
	v9 =	vld [tilespmem:s19+$0x5040]  }
0x93: {  	v6 =	vadd.f32 v11, v6;
	v10 =	vld [tilespmem:s19+$0x2830]  }
0x94: {  	v5 =	vsub.f32 v7, v5;
	v7 =	vsub.f32 v8, v12;
	v8 =	vld [tilespmem:s19+$0x5050]  }
0x95: {  	v4 =	vadd.f32 v13, v4;
	v11 =	vld [tilespmem:s19+$0x2840]  }
0x96: {  	v59 =	vld [tilespmem:s19+$0x5060];
	v5 =	vmul.f32 v5, v5;
	v6 =	vsub.f32 v6, v14;
	v7 =	vmul.f32 v7, v7  }
0x97: {  	v3 =	vadd.f32 v9, v3;
	v9 =	vld [tilespmem:s19+$0x2850]  }
0x98: {  	v6 =	vmul.f32 v6, v6;
	v4 =	vsub.f32 v4, v10;
	v5 =	vadd.f32 v7, v5;
	v7 =	vld [tilespmem:s19+$0x5070]  }
0x99: {  	v2 =	vadd.f32 v8, v2;
	v8 =	vld [tilespmem:s19+$0x2860]  }
0x9a: {  	v4 =	vmul.f32 v4, v4;
	v3 =	vsub.f32 v3, v11;
	v5 =	vadd.f32 v6, v5  }
0x9b: {  	v1 =	vadd.f32 v59, v1;
	v6 =	vld [tilespmem:s19+$0x2870]  }
0x9c: {  	v3 =	vmul.f32 v3, v3;
	v4 =	vadd.f32 v4, v5;
	v2 =	vsub.f32 v2, v9  }
0x9d: {  	v0 =	vadd.f32 v7, v0  }
0x9e: {  	v3 =	vadd.f32 v3, v4;
	v2 =	vmul.f32 v2, v2;
	v1 =	vsub.f32 v1, v8;
	_ =	sdelay $0x1  }
0x9f: {  	v0 =	vsub.f32 v0, v6;
	v2 =	vadd.f32 v2, v3;
	v1 =	vmul.f32 v1, v1;
	_ =	sdelay $0x1  }
0xa0: {  	v0 =	vmul.f32 v0, v0;
	v1 =	vadd.f32 v1, v2;
	_ =	sdelay $0x1  }
0xa1: {  	s26 =	sadd.s32 s5, s12;
	v0 =	vadd.f32 v0, v1  }
0xa2: {  	s15 =	sadd.s32 $0x10, s15;
	s19 =	sshll.u32 s26, $0x1  }
0xa3: {  	p0 =	seq.s32 s10, $0x1F;
	s28 =	sadd.s32 s9, s19;
	[tilespmem:s15+$0x0] =	vst v0  }
0xa4: {  	[hbm4b:s28+s2] =	stream.linear.scatter [tilespmem:s1], [sflag:$0x7], $0x500, $0x38;
	[tilespmem:$0xFD00] =	vst v63  }
0xa5: {  	s12 =	sadd.s32 @!p0 s12, s14;
	_ =	swait.ge [sflag:s17], $0x500  }
0xa6: {  	s12 =	sshrl.u32 @!p0 s12, $0x3;
	s26 =	simm.s32 @!p0 $0x7D00;
	[sflag:s17] =	ssyncset.done $0x0  }
0xa7: {  	s19 =	simm.s32 @!p0 $0x0;
	s15 =	sadd.s32 @!p0 s6, s12;
	[sflag:s17] =	ssyncadd.s32 $0xFFFFFB00  }
0xa8: {  	[tilespmem:s26], [sflag:$0x7] =	stream.linear.gather @!p0 [hbm4b:s15+s19], $0x50, $0x38;
	[tilespmem:$0xFD00] =	vst v63  }
0xa9: {  	s15 =	simm.s32 @!p0 $0x7  }
0xaa: {  	_ =	swait.ge @!p0 [sflag:s15], $0x50  }
0xab: {  	[sflag:s15] =	ssyncset.done @!p0 $0x0  }
0xac: {  	s29 =	simm.s32 @!p0 $0x7D80;
	s28 =	sadd.s32 @!p0 s7, s12;
	[sflag:s15] =	ssyncadd.s32 @!p0 $0xFFFFFFB0  }
0xad: {  	[tilespmem:s29], [sflag:$0x7] =	stream.linear.gather @!p0 [hbm4b:s28+s19], $0x50, $0x38;
	[tilespmem:$0xFD00] =	vst v63  }
0xae: {  	_ =	swait.ge @!p0 [sflag:s15], $0x50  }
0xaf: {  	[sflag:s15] =	ssyncset.done @!p0 $0x0  }
0xb0: {  	s12 =	sadd.s32 @!p0 s8, s12;
	s28 =	simm.s32 @!p0 $0x7E00;
	[sflag:s15] =	ssyncadd.s32 @!p0 $0xFFFFFFB0  }
0xb1: {  	[tilespmem:s28], [sflag:$0x7] =	stream.linear.gather @!p0 [hbm4b:s12+s19], $0x50, $0x38;
	[tilespmem:$0xFD00] =	vst v63  }
0xb2: {  	_ =	swait.ge @!p0 [sflag:s15], $0x50  }
0xb3: {  	[sflag:s15] =	ssyncset.done @!p0 $0x0  }
0xb4: {  	s12 =	simm.s32 @!p0 $0x50;
	[sflag:s15] =	ssyncadd.s32 @!p0 $0xFFFFFFB0  }
0xb5: {  	[tilespmem:s19], [sflag:$0x1] =	stream.indirect.gather @!p0 [hbm4b:s3+s12], $0x80, s26, s12, $0xb8;
	[tilespmem:$0xFD00] =	vst v63  }
0xb6: {  	s15 =	simm.s32 @!p0 $0x2800  }
0xb7: {  	[tilespmem:s15], [sflag:$0x2] =	stream.indirect.gather @!p0 [hbm4b:s3+s12], $0x80, s29, s12, $0xb8;
	[tilespmem:$0xFD00] =	vst v63  }
0xb8: {  	s15 =	simm.s32 @!p0 $0x5000  }
0xb9: {  	[tilespmem:s15], [sflag:$0x3] =	stream.indirect.gather @!p0 [hbm4b:s4+s12], $0x80, s28, s12, $0xb8;
	[tilespmem:$0xFD00] =	vst v63  }
0xba: {  	_ =	swait.ge [sflag:s21], $0x2800  }
0xbb: {  	[sflag:s21] =	ssyncset.done $0x0  }
0xbc: {  	[sflag:s21] =	ssyncadd.s32 $0xFFFFD800  }
0xbd: {  	_ =	swait.ge [sflag:s22], $0x2800  }
0xbe: {  	[sflag:s22] =	ssyncset.done $0x0  }
0xbf: {  	[sflag:s22] =	ssyncadd.s32 $0xFFFFD800  }
0xc0: {  	_ =	swait.ge [sflag:s16], $0x2800  }
0xc1: {  	[sflag:s16] =	ssyncset.done $0x0  }
0xc2: {  	s29 =	simm.s32 $0x0;
	[sflag:s16] =	ssyncadd.s32 $0xFFFFD800  }
0xc3: {  	v0 =	vld [tilespmem:s29+$0x7EF0]  }
0xc4: {  	v1 =	vld [tilespmem:s29+$0x7EE0]  }
0xc5: {  	v2 =	vld [tilespmem:s29+$0x7ED0]  }
0xc6: {  	v3 =	vld [tilespmem:s29+$0x7EC0]  }
0xc7: {  	v4 =	vld [tilespmem:s29+$0x7EB0]  }
0xc8: {  	v5 =	vld [tilespmem:s29+$0xA680]  }
0xc9: {  	v6 =	vld [tilespmem:s29+$0x7EA0]  }
0xca: {  	v7 =	vld [tilespmem:s29+$0xCE80]  }
0xcb: {  	v8 =	vld [tilespmem:s29+$0x7E80]  }
0xcc: {  	v9 =	vld [tilespmem:s29+$0x7E90]  }
0xcd: {  	v10 =	vld [tilespmem:s29+$0xCE90]  }
0xce: {  	v11 =	vld [tilespmem:s29+$0xCEA0]  }
0xcf: {  	v60 =	vld [tilespmem:s29+$0xA690]  }
0xd0: {  	v61 =	vld [tilespmem:s29+$0xCEB0]  }
0xd1: {  	v62 =	vld [tilespmem:s29+$0xA6A0]  }
0xd2: {  	v7 =	vadd.f32 v7, v8;
	v8 =	vadd.f32 v10, v9;
	v9 =	vld [tilespmem:s29+$0xCEC0]  }
0xd3: {  	v6 =	vadd.f32 v11, v6;
	v10 =	vld [tilespmem:s29+$0xA6B0]  }
0xd4: {  	v5 =	vsub.f32 v7, v5;
	v7 =	vsub.f32 v8, v60;
	v8 =	vld [tilespmem:s29+$0xCED0]  }
0xd5: {  	v4 =	vadd.f32 v61, v4;
	v11 =	vld [tilespmem:s29+$0xA6C0]  }
0xd6: {  	v63 =	vld [tilespmem:s29+$0xCEE0];
	v6 =	vsub.f32 v6, v62;
	v5 =	vmul.f32 v5, v5;
	v7 =	vmul.f32 v7, v7  }
0xd7: {  	v3 =	vadd.f32 v9, v3;
	v9 =	vld [tilespmem:s29+$0xA6D0]  }
0xd8: {  	v6 =	vmul.f32 v6, v6;
	v4 =	vsub.f32 v4, v10;
	v5 =	vadd.f32 v7, v5;
	v7 =	vld [tilespmem:s29+$0xCEF0]  }
0xd9: {  	v2 =	vadd.f32 v8, v2;
	v8 =	vld [tilespmem:s29+$0xA6E0]  }
0xda: {  	v4 =	vmul.f32 v4, v4;
	v3 =	vsub.f32 v3, v11;
	v5 =	vadd.f32 v6, v5  }
0xdb: {  	v1 =	vadd.f32 v63, v1;
	v6 =	vld [tilespmem:s29+$0xA6F0]  }
0xdc: {  	v3 =	vmul.f32 v3, v3;
	v4 =	vadd.f32 v4, v5;
	v2 =	vsub.f32 v2, v9  }
0xdd: {  	v0 =	vadd.f32 v7, v0  }
0xde: {  	v3 =	vadd.f32 v3, v4;
	v2 =	vmul.f32 v2, v2;
	v1 =	vsub.f32 v1, v8;
	_ =	sdelay $0x1  }
0xdf: {  	v0 =	vsub.f32 v0, v6;
	v2 =	vadd.f32 v2, v3;
	v1 =	vmul.f32 v1, v1;
	_ =	sdelay $0x1  }
0xe0: {  	v0 =	vmul.f32 v0, v0;
	v1 =	vadd.f32 v1, v2;
	_ =	sdelay $0x1  }
0xe1: {  	v0 =	vadd.f32 v0, v1  }
0xe2: {  	s12 =	simm.s32 $0xF680  }
0xe3: {  	s15 =	simm.s32 $0x80;
	[tilespmem:s12+$0x0] =	vst v0  }
0xe4: {  	v0 =	vld [tilespmem:s15+$0x7EF0]  }
0xe5: {  	v1 =	vld [tilespmem:s15+$0x7EE0]  }
0xe6: {  	v2 =	vld [tilespmem:s15+$0x7ED0]  }
0xe7: {  	v3 =	vld [tilespmem:s15+$0x7EC0]  }
0xe8: {  	v4 =	vld [tilespmem:s15+$0x7EB0]  }
0xe9: {  	v5 =	vld [tilespmem:s15+$0xA680]  }
0xea: {  	v6 =	vld [tilespmem:s15+$0x7EA0]  }
0xeb: {  	v7 =	vld [tilespmem:s15+$0xCE80]  }
0xec: {  	v8 =	vld [tilespmem:s15+$0x7E80]  }
0xed: {  	s19 =	simm.s32 $0x400;
	v9 =	vld [tilespmem:s15+$0x7E90]  }
.LBB2_5:
0xee: {  	p0 =	sne.s32 s19, $0x9E00;
	v10 =	vld [tilespmem:s15+$0xCE90]  }
0xef: {  	v11 =	vld [tilespmem:s15+$0xCEA0]  }
0xf0: {  	v12 =	vld [tilespmem:s15+$0xA690]  }
0xf1: {  	v13 =	vld [tilespmem:s15+$0xCEB0]  }
0xf2: {  	v14 =	vld [tilespmem:s15+$0xA6A0]  }
0xf3: {  	v7 =	vadd.f32 v7, v8;
	v8 =	vadd.f32 v10, v9;
	v9 =	vld [tilespmem:s15+$0xCEC0]  }
0xf4: {  	v6 =	vadd.f32 v11, v6;
	v10 =	vld [tilespmem:s15+$0xA6B0]  }
0xf5: {  	v5 =	vsub.f32 v7, v5;
	v7 =	vsub.f32 v8, v12;
	v8 =	vld [tilespmem:s15+$0xCED0]  }
0xf6: {  	v4 =	vadd.f32 v13, v4;
	v11 =	vld [tilespmem:s15+$0xA6C0]  }
0xf7: {  	v5 =	vmul.f32 v5, v5;
	v7 =	vmul.f32 v7, v7;
	v6 =	vsub.f32 v6, v14;
	v12 =	vld [tilespmem:s15+$0xCEE0]  }
0xf8: {  	v3 =	vadd.f32 v9, v3;
	v9 =	vld [tilespmem:s15+$0xA6D0]  }
0xf9: {  	v5 =	vadd.f32 v7, v5;
	v6 =	vmul.f32 v6, v6;
	v4 =	vsub.f32 v4, v10;
	v7 =	vld [tilespmem:s15+$0xCEF0]  }
0xfa: {  	v2 =	vadd.f32 v8, v2;
	v8 =	vld [tilespmem:s15+$0xA6E0]  }
0xfb: {  	v5 =	vadd.f32 v6, v5;
	v4 =	vmul.f32 v4, v4;
	v3 =	vsub.f32 v3, v11  }
0xfc: {  	v1 =	vadd.f32 v12, v1;
	v6 =	vld [tilespmem:s15+$0xA6F0]  }
0xfd: {  	v4 =	vadd.f32 v4, v5;
	v3 =	vmul.f32 v3, v3;
	v2 =	vsub.f32 v2, v9  }
0xfe: {  	v0 =	vadd.f32 v7, v0  }
0xff: {  	v3 =	vadd.f32 v3, v4;
	v2 =	vmul.f32 v2, v2;
	v1 =	vsub.f32 v1, v8;
	_ =	sdelay $0x1  }
0x100: {  	v2 =	vadd.f32 v2, v3;
	v1 =	vmul.f32 v1, v1;
	v0 =	vsub.f32 v0, v6;
	_ =	sdelay $0x1  }
0x101: {  	v1 =	vadd.f32 v1, v2;
	v0 =	vmul.f32 v0, v0;
	_ =	sdelay $0x1  }
0x102: {  	v0 =	vadd.f32 v0, v1  }
0x103: {  	s12 =	sadd.s32 $0x10, s12  }
0x104: {  	s15 =	sshra.s32 s19, $0x2;
	[tilespmem:s12+$0x0] =	vst v0  }
0x105: {  	v0 =	vld [tilespmem:s15+$0x7EF0]  }
0x106: {  	v1 =	vld [tilespmem:s15+$0x7EE0]  }
0x107: {  	v2 =	vld [tilespmem:s15+$0x7ED0]  }
0x108: {  	v3 =	vld [tilespmem:s15+$0x7EC0]  }
0x109: {  	v4 =	vld [tilespmem:s15+$0x7EB0]  }
.Ltmp1:
0x10a: {  	v5 =	vld [tilespmem:s15+$0xA680];
	(pc) =	sbr.rel @p0 .LBB2_5-.Ltmp1, $4  }
0x10b: {  	v6 =	vld [tilespmem:s15+$0x7EA0]  }
0x10c: {  	v7 =	vld [tilespmem:s15+$0xCE80]  }
0x10d: {  	v8 =	vld [tilespmem:s15+$0x7E80]  }
0x10e: {  	s19 =	sadd.s32 $0x200, s19;
	v9 =	vld [tilespmem:s15+$0x7E90]  }
0x10f: {  	v10 =	vld [tilespmem:s15+$0xCE90]  }
0x110: {  	v11 =	vld [tilespmem:s15+$0xCEA0]  }
0x111: {  	v12 =	vld [tilespmem:s15+$0xA690]  }
0x112: {  	v13 =	vld [tilespmem:s15+$0xCEB0]  }
0x113: {  	v14 =	vld [tilespmem:s15+$0xA6A0]  }
0x114: {  	v54 =	vld [tilespmem:s15+$0xCEC0];
	v7 =	vadd.f32 v7, v8;
	v53 =	vadd.f32 v10, v9  }
0x115: {  	v55 =	vld [tilespmem:s15+$0xA6B0];
	v6 =	vadd.f32 v11, v6  }
0x116: {  	v57 =	vld [tilespmem:s15+$0xCED0];
	v5 =	vsub.f32 v7, v5;
	v56 =	vsub.f32 v53, v12  }
0x117: {  	v58 =	vld [tilespmem:s15+$0xA6C0];
	v4 =	vadd.f32 v13, v4  }
0x118: {  	v59 =	vld [tilespmem:s15+$0xCEE0];
	v5 =	vmul.f32 v5, v5;
	v6 =	vsub.f32 v6, v14;
	v7 =	vmul.f32 v56, v56  }
0x119: {  	v60 =	vld [tilespmem:s15+$0xA6D0];
	v3 =	vadd.f32 v54, v3  }
0x11a: {  	v61 =	vld [tilespmem:s15+$0xCEF0];
	v4 =	vsub.f32 v4, v55;
	v6 =	vmul.f32 v6, v6;
	v5 =	vadd.f32 v7, v5  }
0x11b: {  	v62 =	vld [tilespmem:s15+$0xA6E0];
	v2 =	vadd.f32 v57, v2  }
0x11c: {  	v3 =	vsub.f32 v3, v58;
	v4 =	vmul.f32 v4, v4;
	v5 =	vadd.f32 v6, v5  }
0x11d: {  	v63 =	vld [tilespmem:s15+$0xA6F0];
	v1 =	vadd.f32 v59, v1  }
0x11e: {  	v2 =	vsub.f32 v2, v60;
	v3 =	vmul.f32 v3, v3;
	v4 =	vadd.f32 v4, v5  }
0x11f: {  	v0 =	vadd.f32 v61, v0  }
0x120: {  	v1 =	vsub.f32 v1, v62;
	v2 =	vmul.f32 v2, v2;
	v3 =	vadd.f32 v3, v4;
	_ =	sdelay $0x1  }
0x121: {  	v0 =	vsub.f32 v0, v63;
	v1 =	vmul.f32 v1, v1;
	v2 =	vadd.f32 v2, v3;
	_ =	sdelay $0x1  }
0x122: {  	v0 =	vmul.f32 v0, v0;
	v1 =	vadd.f32 v1, v2;
	_ =	sdelay $0x1  }
0x123: {  	s11 =	sshll.u32 s11, $0x1;
	s10 =	sadd.s32 $0x1, s10;
	v0 =	vadd.f32 v0, v1  }
0x124: {  	s12 =	sadd.s32 $0x10, s12;
	s11 =	sand.u32 $0x1FFFFFE0, s11;
	p0 =	sne.s32 s10, $0x20  }
.Ltmp2:
0x125: {  	s11 =	sadd.s32 s9, s11;
	[tilespmem:s12+$0x0] =	vst v0;
	(pc) =	sbr.rel @p0 .LBB2_2-.Ltmp2, $4  }
0x126: {  	[hbm4b:s11+s2] =	stream.linear.scatter [tilespmem:s18], [sflag:$0x7], $0x500, $0x38;
	[tilespmem:$0xFD00] =	vst v63  }
0x127: {  	_ =	swait.ge [sflag:s17], $0x500  }
0x128: {  	[sflag:s17] =	ssyncset.done $0x0  }
0x129: {  	[sflag:s17] =	ssyncadd.s32 $0xFFFFFB00  }
0x12a: {  	s11 =	rddreg [dreg:$0x6]  }
0x12b: {  	s10 =	rddreg [dreg:$0x5];
	s11 =	sadd.s32 $0x1, s11  }
0x12c: {  	p0 =	sne.s32 s11, s10  }
.Ltmp3:
0x12d: {  	_ = 	snop;
	(pc) =	sbr.rel @p0 .LBB2_1-.Ltmp3, $1  }
0x12e: {  	_ =	sdelay $0x3  }
0x12f: {  	_ =	sfence.sel $0x180000  }
0x130: {  	[bflag:$0x0] =	sbarrier.arrive $0xFFFF  }
0x131: {  	_ =	strace $0x90000050  }
0x132: {  	s0 =	stileid.u32;
	[bflag:$0x2] =	sbarrier.arrive $0xFFFF  }
0x133: {  	p0 =	sne.s32 s0, $0x0;
	s0 =	rddreg [dreg:$0x1]  }
0x134: {  	s0 =	sadd.s32 @!p0 $0x100000, s0  }
0x135: {  	[sflag:s0] =	ssyncadd.tile.s32 @!p0 $0x1;
	_ =	shalt  }
.Lfunc_end2:
_tile_overlayer_lowered:
.L_overlay_start_2:
0x136: {  	(tag) =	ssettag $0x2  }
0x137: {  	s0 =	rddreg [dreg:$0x0];
	s2 =	stileid.u32  }
0x138: {  	s1 =	rddreg [dreg:$0x1];
	p0 =	sne.s32 s2, $0x0  }
0x139: {  	s3 =	rddreg [dreg:$0x2];
	[bflag:$0x3] =	sbarrier.arrive $0xFFFF;
	s2 =	simm.s32 @!p0 $0x1C07  }
0x13a: {  	[timem:s3], [sflag:s2] =	dma.local @!p0 [hbm:s0], s1  }
0x13b: {  	s0 =	simm.s32 @!p0 $0x7  }
0x13c: {  	_ =	swait.ge @!p0 [sflag:s0], s1  }
0x13d: {  	s1 =	ssub.s32 @!p0 $0x0, s1;
	[sflag:s0] =	ssyncset.done @!p0 $0x0  }
0x13e: {  	[sflag:s0] =	ssyncadd.s32 @!p0 s1  }
0x13f: {  	[bflag:$0x3] =	sbarrier.arrive $0xFFFF  }
0x140: {  	_ =	shalt  }

</sc_bundles>
